<compile_context>
chip_gen: v7x
topology: tpu7x:2x2x1
jax: 0.10.2.dev20260603
libtpu: 0.0.44.dev20260713+nightly
codegen_flags: <defaults>
</compile_context>

<pallas_src>
import jax
import jax.numpy as jnp
from jax import lax
from jax.experimental import pallas as pl
from jax.experimental.pallas import tpu as pltpu
from jax.experimental.pallas import tpu_sc as plsc

N = 10000
E = 320000
D = 128
NC = 2
NS = 16
NW = NC * NS
EPW = E // NW
CH = 80
NIT = EPW // CH
RPT = N // NS
ZR = 125



def _mm_body(x_ref, wl_ref, wr_ref, hl_ref, hr_ref):
    xb = x_ref[...]
    hl_ref[...] = jnp.dot(xb, wl_ref[...], preferred_element_type=jnp.float32)
    hr_ref[...] = jnp.dot(xb, wr_ref[...], preferred_element_type=jnp.float32)


def _project(x, W_l, W_r):
    B = 2000
    grid = (N // B,)
    return pl.pallas_call(
        _mm_body,
        grid=grid,
        in_specs=[
            pl.BlockSpec((B, D), lambda i: (i, 0)),
            pl.BlockSpec((D, D), lambda i: (0, 0)),
            pl.BlockSpec((D, D), lambda i: (0, 0)),
        ],
        out_specs=[
            pl.BlockSpec((B, D), lambda i: (i, 0)),
            pl.BlockSpec((B, D), lambda i: (i, 0)),
        ],
        out_shape=[
            jax.ShapeDtypeStruct((N, D), jnp.float32),
            jax.ShapeDtypeStruct((N, D), jnp.float32),
        ],
    )(x, W_l, W_r)



def _sc_body(hl_hbm, hr_hbm, idx_hbm, att_hbm, out_hbm, den_hbm,
             att_v, ib0, ib1, ib2, ib3,
             a0, a1, bb0, bb1, pe0,
             acc_sh, den_sh,
             sem_a0, sem_a1, sem_b0, sem_b1,
             sem_i0, sem_i1, sem_i2, sem_i3):
    ibuf = [ib0, ib1, ib2, ib3]
    a_v = [a0, a1]
    b_v = [bb0, bb1]
    pe_buf = [pe0, pe0]
    sem_a = [sem_a0, sem_a1]
    sem_b = [sem_b0, sem_b1]
    sem_i = [sem_i0, sem_i1, sem_i2, sem_i3]
    cid = lax.axis_index("c")
    sid = lax.axis_index("s")
    wid = sid * NC + cid

    pltpu.sync_copy(att_hbm, att_v)
    att_vecs = [att_v[pl.ds(16 * k, 16)] for k in range(8)]
    lane0 = lax.broadcasted_iota(jnp.int32, (16,), 0) == 0
    last_lane = jnp.full((16,), 15, jnp.int32)

    zvec = jnp.zeros((16,), jnp.float32)

    def _zero_o(r, c):
        for k in range(D // 16):
            a0[r, pl.ds(16 * k, 16)] = zvec
        return c

    lax.fori_loop(0, CH, _zero_o, 0)
    for k in range(CH // 16):
        pe0[pl.ds(16 * k, 16)] = zvec

    for c in range(7):
        pltpu.sync_copy(a0, acc_sh.at[pl.ds(sid * RPT + c * CH, CH)])
    pltpu.sync_copy(a0.at[pl.ds(0, RPT - 7 * CH)],
                    acc_sh.at[pl.ds(sid * RPT + 7 * CH, RPT - 7 * CH)])
    for c in range(8):
        pltpu.sync_copy(pe0, den_sh.at[pl.ds(sid * 624 + c * CH, CH)])
    plsc.subcore_barrier()

    cbase = wid * NIT

    def _stage_idx(s, t):
        pltpu.async_copy(idx_hbm.at[cbase + t], ibuf[s], sem_i[s])

    def _wait_idx(s):
        pltpu.make_async_copy(idx_hbm.at[0], ibuf[s], sem_i[s]).wait()

    def _stage(b, s, t):
        pltpu.async_copy(hl_hbm.at[ibuf[s].at[0]], a_v[b], sem_a[b])
        pltpu.async_copy(hr_hbm.at[ibuf[s].at[1]], b_v[b], sem_b[b])

    def _compute(b):
        @plsc.parallel_loop(0, CH, 1, unroll=4)
        def _edge(j):
            avs = []
            ps = []
            for k in range(8):
                a = a_v[b][j, pl.ds(16 * k, 16)]
                avs.append(a)
                s = a + b_v[b][j, pl.ds(16 * k, 16)]
                t = jnp.maximum(s, 0.2 * s)
                ps.append(t * att_vecs[k])
            acc = ((ps[0] + ps[1]) + (ps[2] + ps[3])) + \
                  ((ps[4] + ps[5]) + (ps[6] + ps[7]))
            ecs = plsc.cumsum(acc)
            esplat = lax.gather(
                ecs, last_lane[:, None],
                dimension_numbers=lax.GatherDimensionNumbers(
                    offset_dims=(), collapsed_slice_dims=(0,),
                    start_index_map=(0,)),
                slice_sizes=(1,),
                mode=lax.GatherScatterMode.PROMISE_IN_BOUNDS)
            pe = jnp.exp(esplat)
            for k in range(8):
                b_v[b][j, pl.ds(16 * k, 16)] = avs[k] * pe
            plsc.store_scatter(pe_buf[b], [jnp.full((16,), j, jnp.int32)],
                               pe, mask=lane0)

    for s in range(4):
        _stage_idx(s, s)
    for b in range(2):
        _wait_idx(b)
        _stage(b, b, b)

    def _quad(q, c):
        for b in range(4):
            t = 4 * q + b
            g = b % 2
            s2 = (b + 2) % 4

            @pl.when(t < NIT)
            def _():
                pltpu.make_async_copy(hl_hbm.at[ibuf[b].at[0]], a_v[g],
                                      sem_a[g]).wait()
                pltpu.make_async_copy(hr_hbm.at[ibuf[b].at[1]], b_v[g],
                                      sem_b[g]).wait()

                _compute(g)
                pltpu.sync_copy(b_v[g], acc_sh.at[ibuf[b].at[1]], add=True)
                pltpu.sync_copy(pe_buf[g], den_sh.at[ibuf[b].at[1]], add=True)

                @pl.when(t + 2 < NIT)
                def _():
                    _wait_idx(s2)
                    _stage(g, s2, t + 2)

                @pl.when(t + 4 < NIT)
                def _():
                    _stage_idx(b, t + 4)
        return c

    lax.fori_loop(0, (NIT + 3) // 4, _quad, 0)
    plsc.subcore_barrier()

    for c in range(RPT // ZR):
        rb = sid * RPT + c * ZR
        pltpu.sync_copy(acc_sh.at[pl.ds(rb, ZR)], out_hbm.at[cid, pl.ds(rb, ZR)])
    pltpu.sync_copy(den_sh.at[pl.ds(sid * 624, 640)],
                    den_hbm.at[cid, pl.ds(sid * 624, 640)])


def _sc_edge(hl, hr, idx_il, att):
    mesh = plsc.VectorSubcoreMesh(core_axis_name="c", subcore_axis_name="s")
    f = pl.kernel(
        _sc_body,
        out_type=[
            jax.ShapeDtypeStruct((NC, N, D), jnp.float32),
            jax.ShapeDtypeStruct((NC, N), jnp.float32),
        ],
        mesh=mesh,
        compiler_params=pltpu.CompilerParams(use_tc_tiling_on_sc=False,
                                             needs_layout_passes=False),
        scratch_types=(
            [pltpu.VMEM((D,), jnp.float32)]
            + [pltpu.VMEM((2, CH), jnp.int32)] * 4
            + [pltpu.VMEM((CH, D), jnp.float32)] * 4
            + [pltpu.VMEM((CH,), jnp.float32)]
            + [pltpu.VMEM_SHARED((N, D), jnp.float32)]
            + [pltpu.VMEM_SHARED((N,), jnp.float32)]
            + [pltpu.SemaphoreType.DMA] * 8
        ),
    )
    return f(hl, hr, idx_il, att)



def _head_body(acc_ref, den_ref, wi_ref, bi_ref, wc_ref, bc_ref,
               imp_ref, ctx_ref):
    v = acc_ref[0] + acc_ref[1]
    den = den_ref[0] + den_ref[1]
    agg = v / (den[:, None] + 1e-16)
    emb = jnp.where(agg > 0, agg, jnp.exp(jnp.minimum(agg, 0.0)) - 1.0)
    imp = jnp.dot(emb, wi_ref[...], preferred_element_type=jnp.float32)
    imp_ref[...] = jax.nn.sigmoid(imp + bi_ref[...])
    ctx = jnp.dot(emb, wc_ref[...], preferred_element_type=jnp.float32)
    ctx_ref[...] = ctx + bc_ref[...]


def _heads(acc, denp, W_imp, b_imp, W_ctx, b_ctx):
    return pl.pallas_call(
        _head_body,
        out_shape=[
            jax.ShapeDtypeStruct((N, 1), jnp.float32),
            jax.ShapeDtypeStruct((N, D), jnp.float32),
        ],
    )(acc, denp, W_imp, b_imp, W_ctx, b_ctx)


def kernel(x, edge_index, W_l, W_r, att, W_imp, b_imp, W_ctx, b_ctx):
    hl, hr = _project(x, W_l, W_r)
    idx_il = edge_index.reshape(2, NW, NIT, CH).transpose(1, 2, 0, 3) \
        .reshape(NW * NIT, 2, CH)
    acc, denp = _sc_edge(hl, hr, idx_il, att)
    imp, ctx = _heads(acc, denp, W_imp, b_imp.reshape(1, 1), W_ctx,
                      b_ctx.reshape(1, D))
    return imp.reshape(-1), ctx

# --- scband reference (transcript-rebuilt; emitter-appended) ---
"""Pipeline reference for scband-gsnn-20469814132981 (READ-ONLY COPY).

The authoritative reference and input builder live on the scoring server;
editing this copy changes nothing except your own understanding.
"""

import jax, jax.numpy as jnp
import numpy as np

N_NODES = 10000
N_EDGES = 320000
D = 128


def setup_inputs(seed: int = 0) -> dict:
    key = jax.random.key(seed)
    ks = jax.random.split(key, 8)
    scale = 1.0 / np.sqrt(D)
    x = jax.random.normal(ks[0], (N_NODES, D), dtype=jnp.float32)
    edge_index = jax.random.randint(ks[1], (2, N_EDGES), 0, N_NODES, dtype=jnp.int32)
    W_l = jax.random.normal(ks[2], (D, D), dtype=jnp.float32) * scale
    W_r = jax.random.normal(ks[3], (D, D), dtype=jnp.float32) * scale
    att = jax.random.normal(ks[4], (D,), dtype=jnp.float32) * scale
    W_imp = jax.random.normal(ks[5], (D, 1), dtype=jnp.float32) * scale
    b_imp = jnp.zeros((1,), dtype=jnp.float32)
    W_ctx = jax.random.normal(ks[6], (D, D), dtype=jnp.float32) * scale
    b_ctx = jnp.zeros((D,), dtype=jnp.float32)
    return {"x": x, "edge_index": edge_index, "W_l": W_l, "W_r": W_r, "att": att,
            "W_imp": W_imp, "b_imp": b_imp, "W_ctx": W_ctx, "b_ctx": b_ctx}


def reference(x, edge_index, W_l, W_r, att, W_imp, b_imp, W_ctx, b_ctx):
    # GATv2-style active-node encoder (share_weights=False, dropout=0/eval mode)
    src = edge_index[0]
    dst = edge_index[1]
    h_l = x @ W_l
    h_r = x @ W_r
    # GATv2 attention: a^T LeakyReLU(W_l h_src + W_r h_dst)
    e = jax.nn.leaky_relu(h_l[src] + h_r[dst], negative_slope=0.2) @ att
    # segment softmax over incoming edges of each destination node
    m = jax.ops.segment_max(e, dst, num_segments=N_NODES)
    m = jnp.where(jnp.isfinite(m), m, 0.0)
    m = jax.lax.stop_gradient(m)
    w = jnp.exp(e - m[dst])
    denom = jax.ops.segment_sum(w, dst, num_segments=N_NODES)
    alpha = w / (denom[dst] + 1e-16)
    agg = jax.ops.segment_sum(alpha[:, None] * h_l[src], dst, num_segments=N_NODES)
    emb = jax.nn.elu(agg)
    # ImportanceNet head: per-node expansion importance score
    importance = jax.nn.sigmoid(emb @ W_imp + b_imp)[:, 0]
    # ContextNet head: per-node context representation
    context = emb @ W_ctx + b_ctx
    return importance, context

if __name__ == "__main__":
    import jax
    _d = setup_inputs()
    print(jax.jit(kernel)(*tuple(_d.values())))

</pallas_src>

<mosaic_0001>
#map = affine_map<(d0, d1) -> (0, 0)>
#map1 = affine_map<(d0, d1) -> (0, 0, 0)>
#map2 = affine_map<(d0, d1) -> (0)>
module attributes {stable_mosaic.version = 14 : i64} {
  func.func @_sc_body(%arg0: i32, %arg1: i32, %arg2: memref<10000x128xf32, #tpu.memory_space<hbm>>, %arg3: memref<10000x128xf32, #tpu.memory_space<hbm>>, %arg4: memref<4000x2x80xi32, #tpu.memory_space<hbm>>, %arg5: memref<128xf32, #tpu.memory_space<hbm>>, %arg6: memref<2x10000x128xf32, #tpu.memory_space<hbm>>, %arg7: memref<2x10000xf32, #tpu.memory_space<hbm>>, %arg8: memref<128xf32, #tpu.memory_space<vmem>>, %arg9: memref<2x80xi32, #tpu.memory_space<vmem>>, %arg10: memref<2x80xi32, #tpu.memory_space<vmem>>, %arg11: memref<2x80xi32, #tpu.memory_space<vmem>>, %arg12: memref<2x80xi32, #tpu.memory_space<vmem>>, %arg13: memref<80x128xf32, #tpu.memory_space<vmem>>, %arg14: memref<80x128xf32, #tpu.memory_space<vmem>>, %arg15: memref<80x128xf32, #tpu.memory_space<vmem>>, %arg16: memref<80x128xf32, #tpu.memory_space<vmem>>, %arg17: memref<80xf32, #tpu.memory_space<vmem>>, %arg18: memref<10000x128xf32, #tpu.memory_space<vmem_shared>>, %arg19: memref<10000xf32, #tpu.memory_space<vmem_shared>>, %arg20: memref<!tpu.dma_semaphore, #tpu.memory_space<semaphore_mem>>, %arg21: memref<!tpu.dma_semaphore, #tpu.memory_space<semaphore_mem>>, %arg22: memref<!tpu.dma_semaphore, #tpu.memory_space<semaphore_mem>>, %arg23: memref<!tpu.dma_semaphore, #tpu.memory_space<semaphore_mem>>, %arg24: memref<!tpu.dma_semaphore, #tpu.memory_space<semaphore_mem>>, %arg25: memref<!tpu.dma_semaphore, #tpu.memory_space<semaphore_mem>>, %arg26: memref<!tpu.dma_semaphore, #tpu.memory_space<semaphore_mem>>, %arg27: memref<!tpu.dma_semaphore, #tpu.memory_space<semaphore_mem>>) attributes {dimension_semantics = [#tpu.dimension_semantics<core_parallel>, #tpu.dimension_semantics<subcore_parallel>], iteration_bounds = array<i64: 2, 16>, scalar_prefetch = 0 : i64, scratch_operands = 20 : i64, tpu.core_type = #tpu.core_type<sc_vector_subcore>, window_params = [{transform_indices = #map}, {transform_indices = #map}, {transform_indices = #map1}, {transform_indices = #map2}, {transform_indices = #map1}, {transform_indices = #map}]} {
    %mul3A = arith.constant 2 : i32
    %mul3A_0 = arith.muli %arg1, %mul3A : i32
    %add3A = arith.addi %mul3A_0, %arg0 : i32
    "tpu.region"() ({
      %run_scoped3A = tpu.sem_alloc : memref<!tpu.dma_semaphore, #tpu.memory_space<semaphore_mem>>
      tpu.enqueue_dma source(%arg5 : memref<128xf32, #tpu.memory_space<hbm>>) target(%arg8 : memref<128xf32, #tpu.memory_space<vmem>>) target_semaphore(%run_scoped3A : memref<!tpu.dma_semaphore, #tpu.memory_space<semaphore_mem>>)
      tpu.wait_dma2 semaphore(%run_scoped3A : memref<!tpu.dma_semaphore, #tpu.memory_space<semaphore_mem>>) src(%arg5 : memref<128xf32, #tpu.memory_space<hbm>>) dst(%arg8 : memref<128xf32, #tpu.memory_space<vmem>>)
      tpu.yield
    }) : () -> ()
    %get3A = arith.constant 0 : index
    %get3A_1 = tpu.vector_load %arg8[%get3A] {strides = array<i32>} : memref<128xf32, #tpu.memory_space<vmem>>, vector<16xf32>,
    %get3A_2 = arith.constant 16 : index
    %get3A_3 = tpu.vector_load %arg8[%get3A_2] {strides = array<i32>} : memref<128xf32, #tpu.memory_space<vmem>>, vector<16xf32>,
    %get3A_4 = arith.constant 32 : index
    %get3A_5 = tpu.vector_load %arg8[%get3A_4] {strides = array<i32>} : memref<128xf32, #tpu.memory_space<vmem>>, vector<16xf32>,
    %get3A_6 = arith.constant 48 : index
    %get3A_7 = tpu.vector_load %arg8[%get3A_6] {strides = array<i32>} : memref<128xf32, #tpu.memory_space<vmem>>, vector<16xf32>,
    %get3A_8 = arith.constant 64 : index
    %get3A_9 = tpu.vector_load %arg8[%get3A_8] {strides = array<i32>} : memref<128xf32, #tpu.memory_space<vmem>>, vector<16xf32>,
    %get3A_10 = arith.constant 80 : index
    %get3A_11 = tpu.vector_load %arg8[%get3A_10] {strides = array<i32>} : memref<128xf32, #tpu.memory_space<vmem>>, vector<16xf32>,
    %get3A_12 = arith.constant 96 : index
    %get3A_13 = tpu.vector_load %arg8[%get3A_12] {strides = array<i32>} : memref<128xf32, #tpu.memory_space<vmem>>, vector<16xf32>,
    %get3A_14 = arith.constant 112 : index
    %get3A_15 = tpu.vector_load %arg8[%get3A_14] {strides = array<i32>} : memref<128xf32, #tpu.memory_space<vmem>>, vector<16xf32>,
    %iota3A = tpu.iota {dimensions = array<i32: 0>} : vector<16xi32>
    %eq3A = arith.constant 0 : i32
    %eq3A_16 = vector.broadcast %eq3A : i32 to vector<16xi32>
    %eq3A_17 = arith.cmpi eq, %iota3A, %eq3A_16 : vector<16xi32>
    %broadcast_in_dim3A = arith.constant 15 : i32
    %broadcast_in_dim3A_18 = vector.broadcast %broadcast_in_dim3A : i32 to vector<16xi32>
    %broadcast_in_dim3A_19 = arith.constant 0.000000e+00 : f32
    %broadcast_in_dim3A_20 = vector.broadcast %broadcast_in_dim3A_19 : f32 to vector<16xf32>
    %scan3A = arith.constant 0 : i32
    %scan3A_21 = arith.constant 0 : i32
    %scan3A_22 = arith.constant 80 : i32
    %scan3A_23 = arith.addi %scan3A_21, %scan3A_22 : i32
    %scan3A_24 = arith.constant 1 : i32
    scf.for %scan3A_216 = %scan3A_21 to %scan3A_23 step %scan3A_24  : i32 {
      %swap3A_217 = arith.index_cast %scan3A_216 : i32 to index
      %swap3A_218 = arith.constant 0 : index
      %swap3A_219 = tpu.vector_load %arg13[%swap3A_217, %swap3A_218] {strides = array<i32>} : memref<80x128xf32, #tpu.memory_space<vmem>>, vector<16xf32>,
      tpu.vector_store %arg13[%swap3A_217, %swap3A_218], %broadcast_in_dim3A_20 {strides = array<i32>} : memref<80x128xf32, #tpu.memory_space<vmem>>, vector<16xf32>,
      %swap3A_220 = arith.index_cast %scan3A_216 : i32 to index
      %swap3A_221 = arith.constant 16 : index
      %swap3A_222 = tpu.vector_load %arg13[%swap3A_220, %swap3A_221] {strides = array<i32>} : memref<80x128xf32, #tpu.memory_space<vmem>>, vector<16xf32>,
      tpu.vector_store %arg13[%swap3A_220, %swap3A_221], %broadcast_in_dim3A_20 {strides = array<i32>} : memref<80x128xf32, #tpu.memory_space<vmem>>, vector<16xf32>,
      %swap3A_223 = arith.index_cast %scan3A_216 : i32 to index
      %swap3A_224 = arith.constant 32 : index
      %swap3A_225 = tpu.vector_load %arg13[%swap3A_223, %swap3A_224] {strides = array<i32>} : memref<80x128xf32, #tpu.memory_space<vmem>>, vector<16xf32>,
      tpu.vector_store %arg13[%swap3A_223, %swap3A_224], %broadcast_in_dim3A_20 {strides = array<i32>} : memref<80x128xf32, #tpu.memory_space<vmem>>, vector<16xf32>,
      %swap3A_226 = arith.index_cast %scan3A_216 : i32 to index
      %swap3A_227 = arith.constant 48 : index
      %swap3A_228 = tpu.vector_load %arg13[%swap3A_226, %swap3A_227] {strides = array<i32>} : memref<80x128xf32, #tpu.memory_space<vmem>>, vector<16xf32>,
      tpu.vector_store %arg13[%swap3A_226, %swap3A_227], %broadcast_in_dim3A_20 {strides = array<i32>} : memref<80x128xf32, #tpu.memory_space<vmem>>, vector<16xf32>,
      %swap3A_229 = arith.index_cast %scan3A_216 : i32 to index
      %swap3A_230 = arith.constant 64 : index
      %swap3A_231 = tpu.vector_load %arg13[%swap3A_229, %swap3A_230] {strides = array<i32>} : memref<80x128xf32, #tpu.memory_space<vmem>>, vector<16xf32>,
      tpu.vector_store %arg13[%swap3A_229, %swap3A_230], %broadcast_in_dim3A_20 {strides = array<i32>} : memref<80x128xf32, #tpu.memory_space<vmem>>, vector<16xf32>,
      %swap3A_232 = arith.index_cast %scan3A_216 : i32 to index
      %swap3A_233 = arith.constant 80 : index
      %swap3A_234 = tpu.vector_load %arg13[%swap3A_232, %swap3A_233] {strides = array<i32>} : memref<80x128xf32, #tpu.memory_space<vmem>>, vector<16xf32>,
      tpu.vector_store %arg13[%swap3A_232, %swap3A_233], %broadcast_in_dim3A_20 {strides = array<i32>} : memref<80x128xf32, #tpu.memory_space<vmem>>, vector<16xf32>,
      %swap3A_235 = arith.index_cast %scan3A_216 : i32 to index
      %swap3A_236 = arith.constant 96 : index
      %swap3A_237 = tpu.vector_load %arg13[%swap3A_235, %swap3A_236] {strides = array<i32>} : memref<80x128xf32, #tpu.memory_space<vmem>>, vector<16xf32>,
      tpu.vector_store %arg13[%swap3A_235, %swap3A_236], %broadcast_in_dim3A_20 {strides = array<i32>} : memref<80x128xf32, #tpu.memory_space<vmem>>, vector<16xf32>,
      %swap3A_238 = arith.index_cast %scan3A_216 : i32 to index
      %swap3A_239 = arith.constant 112 : index
      %swap3A_240 = tpu.vector_load %arg13[%swap3A_238, %swap3A_239] {strides = array<i32>} : memref<80x128xf32, #tpu.memory_space<vmem>>, vector<16xf32>,
      tpu.vector_store %arg13[%swap3A_238, %swap3A_239], %broadcast_in_dim3A_20 {strides = array<i32>} : memref<80x128xf32, #tpu.memory_space<vmem>>, vector<16xf32>,
    }
    %scan3A_25 = arith.constant 80 : i32
    %swap3A = arith.constant 0 : index
    %swap3A_26 = tpu.vector_load %arg17[%swap3A] {strides = array<i32>} : memref<80xf32, #tpu.memory_space<vmem>>, vector<16xf32>,
    tpu.vector_store %arg17[%swap3A], %broadcast_in_dim3A_20 {strides = array<i32>} : memref<80xf32, #tpu.memory_space<vmem>>, vector<16xf32>,
    %swap3A_27 = arith.constant 16 : index
    %swap3A_28 = tpu.vector_load %arg17[%swap3A_27] {strides = array<i32>} : memref<80xf32, #tpu.memory_space<vmem>>, vector<16xf32>,
    tpu.vector_store %arg17[%swap3A_27], %broadcast_in_dim3A_20 {strides = array<i32>} : memref<80xf32, #tpu.memory_space<vmem>>, vector<16xf32>,
    %swap3A_29 = arith.constant 32 : index
    %swap3A_30 = tpu.vector_load %arg17[%swap3A_29] {strides = array<i32>} : memref<80xf32, #tpu.memory_space<vmem>>, vector<16xf32>,
    tpu.vector_store %arg17[%swap3A_29], %broadcast_in_dim3A_20 {strides = array<i32>} : memref<80xf32, #tpu.memory_space<vmem>>, vector<16xf32>,
    %swap3A_31 = arith.constant 48 : index
    %swap3A_32 = tpu.vector_load %arg17[%swap3A_31] {strides = array<i32>} : memref<80xf32, #tpu.memory_space<vmem>>, vector<16xf32>,
    tpu.vector_store %arg17[%swap3A_31], %broadcast_in_dim3A_20 {strides = array<i32>} : memref<80xf32, #tpu.memory_space<vmem>>, vector<16xf32>,
    %swap3A_33 = arith.constant 64 : index
    %swap3A_34 = tpu.vector_load %arg17[%swap3A_33] {strides = array<i32>} : memref<80xf32, #tpu.memory_space<vmem>>, vector<16xf32>,
    tpu.vector_store %arg17[%swap3A_33], %broadcast_in_dim3A_20 {strides = array<i32>} : memref<80xf32, #tpu.memory_space<vmem>>, vector<16xf32>,
    %mul3A_35 = arith.constant 625 : i32
    %mul3A_36 = arith.muli %arg1, %mul3A_35 : i32
    %add3A_37 = arith.constant 0 : i32
    %add3A_38 = arith.addi %mul3A_36, %add3A_37 : i32
    "tpu.region"() ({
      %run_scoped3A = tpu.sem_alloc : memref<!tpu.dma_semaphore, #tpu.memory_space<semaphore_mem>>
      %dma_start3A_216 = arith.constant 0 : i32
      %dma_start3A_217 = tpu.memref_slice %arg18[%add3A_38, %dma_start3A_216] : memref<10000x128xf32, #tpu.memory_space<vmem_shared>> -> memref<80x128xf32, #tpu.memory_space<vmem_shared>>
      %dma_start3A_218 = arith.constant 0 : i32
      %dma_start3A_219 = tpu.memref_slice %arg18[%add3A_38, %dma_start3A_218] : memref<10000x128xf32, #tpu.memory_space<vmem_shared>> -> memref<80x128xf32, #tpu.memory_space<vmem_shared>>
      tpu.enqueue_dma source(%arg13 : memref<80x128xf32, #tpu.memory_space<vmem>>) target(%dma_start3A_219 : memref<80x128xf32, #tpu.memory_space<vmem_shared>>) target_semaphore(%run_scoped3A : memref<!tpu.dma_semaphore, #tpu.memory_space<semaphore_mem>>)
      %dma_wait3A_220 = arith.constant 0 : i32
      %dma_wait3A_221 = tpu.memref_slice %arg18[%add3A_38, %dma_wait3A_220] : memref<10000x128xf32, #tpu.memory_space<vmem_shared>> -> memref<80x128xf32, #tpu.memory_space<vmem_shared>>
      %dma_wait3A_222 = arith.constant 0 : i32
      %dma_wait3A_223 = tpu.memref_slice %arg18[%add3A_38, %dma_wait3A_222] : memref<10000x128xf32, #tpu.memory_space<vmem_shared>> -> memref<80x128xf32, #tpu.memory_space<vmem_shared>>
      tpu.wait_dma2 semaphore(%run_scoped3A : memref<!tpu.dma_semaphore, #tpu.memory_space<semaphore_mem>>) src(%arg13 : memref<80x128xf32, #tpu.memory_space<vmem>>) dst(%dma_wait3A_223 : memref<80x128xf32, #tpu.memory_space<vmem_shared>>)
      tpu.yield
    }) : () -> ()
    %mul3A_39 = arith.constant 625 : i32
    %mul3A_40 = arith.muli %arg1, %mul3A_39 : i32
    %add3A_41 = arith.constant 80 : i32
    %add3A_42 = arith.addi %mul3A_40, %add3A_41 : i32
    "tpu.region"() ({
      %run_scoped3A = tpu.sem_alloc : memref<!tpu.dma_semaphore, #tpu.memory_space<semaphore_mem>>
      %dma_start3A_216 = arith.constant 0 : i32
      %dma_start3A_217 = tpu.memref_slice %arg18[%add3A_42, %dma_start3A_216] : memref<10000x128xf32, #tpu.memory_space<vmem_shared>> -> memref<80x128xf32, #tpu.memory_space<vmem_shared>>
      %dma_start3A_218 = arith.constant 0 : i32
      %dma_start3A_219 = tpu.memref_slice %arg18[%add3A_42, %dma_start3A_218] : memref<10000x128xf32, #tpu.memory_space<vmem_shared>> -> memref<80x128xf32, #tpu.memory_space<vmem_shared>>
      tpu.enqueue_dma source(%arg13 : memref<80x128xf32, #tpu.memory_space<vmem>>) target(%dma_start3A_219 : memref<80x128xf32, #tpu.memory_space<vmem_shared>>) target_semaphore(%run_scoped3A : memref<!tpu.dma_semaphore, #tpu.memory_space<semaphore_mem>>)
      %dma_wait3A_220 = arith.constant 0 : i32
      %dma_wait3A_221 = tpu.memref_slice %arg18[%add3A_42, %dma_wait3A_220] : memref<10000x128xf32, #tpu.memory_space<vmem_shared>> -> memref<80x128xf32, #tpu.memory_space<vmem_shared>>
      %dma_wait3A_222 = arith.constant 0 : i32
      %dma_wait3A_223 = tpu.memref_slice %arg18[%add3A_42, %dma_wait3A_222] : memref<10000x128xf32, #tpu.memory_space<vmem_shared>> -> memref<80x128xf32, #tpu.memory_space<vmem_shared>>
      tpu.wait_dma2 semaphore(%run_scoped3A : memref<!tpu.dma_semaphore, #tpu.memory_space<semaphore_mem>>) src(%arg13 : memref<80x128xf32, #tpu.memory_space<vmem>>) dst(%dma_wait3A_223 : memref<80x128xf32, #tpu.memory_space<vmem_shared>>)
      tpu.yield
    }) : () -> ()
    %mul3A_43 = arith.constant 625 : i32
    %mul3A_44 = arith.muli %arg1, %mul3A_43 : i32
    %add3A_45 = arith.constant 160 : i32
    %add3A_46 = arith.addi %mul3A_44, %add3A_45 : i32
    "tpu.region"() ({
      %run_scoped3A = tpu.sem_alloc : memref<!tpu.dma_semaphore, #tpu.memory_space<semaphore_mem>>
      %dma_start3A_216 = arith.constant 0 : i32
      %dma_start3A_217 = tpu.memref_slice %arg18[%add3A_46, %dma_start3A_216] : memref<10000x128xf32, #tpu.memory_space<vmem_shared>> -> memref<80x128xf32, #tpu.memory_space<vmem_shared>>
      %dma_start3A_218 = arith.constant 0 : i32
      %dma_start3A_219 = tpu.memref_slice %arg18[%add3A_46, %dma_start3A_218] : memref<10000x128xf32, #tpu.memory_space<vmem_shared>> -> memref<80x128xf32, #tpu.memory_space<vmem_shared>>
      tpu.enqueue_dma source(%arg13 : memref<80x128xf32, #tpu.memory_space<vmem>>) target(%dma_start3A_219 : memref<80x128xf32, #tpu.memory_space<vmem_shared>>) target_semaphore(%run_scoped3A : memref<!tpu.dma_semaphore, #tpu.memory_space<semaphore_mem>>)
      %dma_wait3A_220 = arith.constant 0 : i32
      %dma_wait3A_221 = tpu.memref_slice %arg18[%add3A_46, %dma_wait3A_220] : memref<10000x128xf32, #tpu.memory_space<vmem_shared>> -> memref<80x128xf32, #tpu.memory_space<vmem_shared>>
      %dma_wait3A_222 = arith.constant 0 : i32
      %dma_wait3A_223 = tpu.memref_slice %arg18[%add3A_46, %dma_wait3A_222] : memref<10000x128xf32, #tpu.memory_space<vmem_shared>> -> memref<80x128xf32, #tpu.memory_space<vmem_shared>>
      tpu.wait_dma2 semaphore(%run_scoped3A : memref<!tpu.dma_semaphore, #tpu.memory_space<semaphore_mem>>) src(%arg13 : memref<80x128xf32, #tpu.memory_space<vmem>>) dst(%dma_wait3A_223 : memref<80x128xf32, #tpu.memory_space<vmem_shared>>)
      tpu.yield
    }) : () -> ()
    %mul3A_47 = arith.constant 625 : i32
    %mul3A_48 = arith.muli %arg1, %mul3A_47 : i32
    %add3A_49 = arith.constant 240 : i32
    %add3A_50 = arith.addi %mul3A_48, %add3A_49 : i32
    "tpu.region"() ({
      %run_scoped3A = tpu.sem_alloc : memref<!tpu.dma_semaphore, #tpu.memory_space<semaphore_mem>>
      %dma_start3A_216 = arith.constant 0 : i32
      %dma_start3A_217 = tpu.memref_slice %arg18[%add3A_50, %dma_start3A_216] : memref<10000x128xf32, #tpu.memory_space<vmem_shared>> -> memref<80x128xf32, #tpu.memory_space<vmem_shared>>
      %dma_start3A_218 = arith.constant 0 : i32
      %dma_start3A_219 = tpu.memref_slice %arg18[%add3A_50, %dma_start3A_218] : memref<10000x128xf32, #tpu.memory_space<vmem_shared>> -> memref<80x128xf32, #tpu.memory_space<vmem_shared>>
      tpu.enqueue_dma source(%arg13 : memref<80x128xf32, #tpu.memory_space<vmem>>) target(%dma_start3A_219 : memref<80x128xf32, #tpu.memory_space<vmem_shared>>) target_semaphore(%run_scoped3A : memref<!tpu.dma_semaphore, #tpu.memory_space<semaphore_mem>>)
      %dma_wait3A_220 = arith.constant 0 : i32
      %dma_wait3A_221 = tpu.memref_slice %arg18[%add3A_50, %dma_wait3A_220] : memref<10000x128xf32, #tpu.memory_space<vmem_shared>> -> memref<80x128xf32, #tpu.memory_space<vmem_shared>>
      %dma_wait3A_222 = arith.constant 0 : i32
      %dma_wait3A_223 = tpu.memref_slice %arg18[%add3A_50, %dma_wait3A_222] : memref<10000x128xf32, #tpu.memory_space<vmem_shared>> -> memref<80x128xf32, #tpu.memory_space<vmem_shared>>
      tpu.wait_dma2 semaphore(%run_scoped3A : memref<!tpu.dma_semaphore, #tpu.memory_space<semaphore_mem>>) src(%arg13 : memref<80x128xf32, #tpu.memory_space<vmem>>) dst(%dma_wait3A_223 : memref<80x128xf32, #tpu.memory_space<vmem_shared>>)
      tpu.yield
    }) : () -> ()
    %mul3A_51 = arith.constant 625 : i32
    %mul3A_52 = arith.muli %arg1, %mul3A_51 : i32
    %add3A_53 = arith.constant 320 : i32
    %add3A_54 = arith.addi %mul3A_52, %add3A_53 : i32
    "tpu.region"() ({
      %run_scoped3A = tpu.sem_alloc : memref<!tpu.dma_semaphore, #tpu.memory_space<semaphore_mem>>
      %dma_start3A_216 = arith.constant 0 : i32
      %dma_start3A_217 = tpu.memref_slice %arg18[%add3A_54, %dma_start3A_216] : memref<10000x128xf32, #tpu.memory_space<vmem_shared>> -> memref<80x128xf32, #tpu.memory_space<vmem_shared>>
      %dma_start3A_218 = arith.constant 0 : i32
      %dma_start3A_219 = tpu.memref_slice %arg18[%add3A_54, %dma_start3A_218] : memref<10000x128xf32, #tpu.memory_space<vmem_shared>> -> memref<80x128xf32, #tpu.memory_space<vmem_shared>>
      tpu.enqueue_dma source(%arg13 : memref<80x128xf32, #tpu.memory_space<vmem>>) target(%dma_start3A_219 : memref<80x128xf32, #tpu.memory_space<vmem_shared>>) target_semaphore(%run_scoped3A : memref<!tpu.dma_semaphore, #tpu.memory_space<semaphore_mem>>)
      %dma_wait3A_220 = arith.constant 0 : i32
      %dma_wait3A_221 = tpu.memref_slice %arg18[%add3A_54, %dma_wait3A_220] : memref<10000x128xf32, #tpu.memory_space<vmem_shared>> -> memref<80x128xf32, #tpu.memory_space<vmem_shared>>
      %dma_wait3A_222 = arith.constant 0 : i32
      %dma_wait3A_223 = tpu.memref_slice %arg18[%add3A_54, %dma_wait3A_222] : memref<10000x128xf32, #tpu.memory_space<vmem_shared>> -> memref<80x128xf32, #tpu.memory_space<vmem_shared>>
      tpu.wait_dma2 semaphore(%run_scoped3A : memref<!tpu.dma_semaphore, #tpu.memory_space<semaphore_mem>>) src(%arg13 : memref<80x128xf32, #tpu.memory_space<vmem>>) dst(%dma_wait3A_223 : memref<80x128xf32, #tpu.memory_space<vmem_shared>>)
      tpu.yield
    }) : () -> ()
    %mul3A_55 = arith.constant 625 : i32
    %mul3A_56 = arith.muli %arg1, %mul3A_55 : i32
    %add3A_57 = arith.constant 400 : i32
    %add3A_58 = arith.addi %mul3A_56, %add3A_57 : i32
    "tpu.region"() ({
      %run_scoped3A = tpu.sem_alloc : memref<!tpu.dma_semaphore, #tpu.memory_space<semaphore_mem>>
      %dma_start3A_216 = arith.constant 0 : i32
      %dma_start3A_217 = tpu.memref_slice %arg18[%add3A_58, %dma_start3A_216] : memref<10000x128xf32, #tpu.memory_space<vmem_shared>> -> memref<80x128xf32, #tpu.memory_space<vmem_shared>>
      %dma_start3A_218 = arith.constant 0 : i32
      %dma_start3A_219 = tpu.memref_slice %arg18[%add3A_58, %dma_start3A_218] : memref<10000x128xf32, #tpu.memory_space<vmem_shared>> -> memref<80x128xf32, #tpu.memory_space<vmem_shared>>
      tpu.enqueue_dma source(%arg13 : memref<80x128xf32, #tpu.memory_space<vmem>>) target(%dma_start3A_219 : memref<80x128xf32, #tpu.memory_space<vmem_shared>>) target_semaphore(%run_scoped3A : memref<!tpu.dma_semaphore, #tpu.memory_space<semaphore_mem>>)
      %dma_wait3A_220 = arith.constant 0 : i32
      %dma_wait3A_221 = tpu.memref_slice %arg18[%add3A_58, %dma_wait3A_220] : memref<10000x128xf32, #tpu.memory_space<vmem_shared>> -> memref<80x128xf32, #tpu.memory_space<vmem_shared>>
      %dma_wait3A_222 = arith.constant 0 : i32
      %dma_wait3A_223 = tpu.memref_slice %arg18[%add3A_58, %dma_wait3A_222] : memref<10000x128xf32, #tpu.memory_space<vmem_shared>> -> memref<80x128xf32, #tpu.memory_space<vmem_shared>>
      tpu.wait_dma2 semaphore(%run_scoped3A : memref<!tpu.dma_semaphore, #tpu.memory_space<semaphore_mem>>) src(%arg13 : memref<80x128xf32, #tpu.memory_space<vmem>>) dst(%dma_wait3A_223 : memref<80x128xf32, #tpu.memory_space<vmem_shared>>)
      tpu.yield
    }) : () -> ()
    %mul3A_59 = arith.constant 625 : i32
    %mul3A_60 = arith.muli %arg1, %mul3A_59 : i32
    %add3A_61 = arith.constant 480 : i32
    %add3A_62 = arith.addi %mul3A_60, %add3A_61 : i32
    "tpu.region"() ({
      %run_scoped3A = tpu.sem_alloc : memref<!tpu.dma_semaphore, #tpu.memory_space<semaphore_mem>>
      %dma_start3A_216 = arith.constant 0 : i32
      %dma_start3A_217 = tpu.memref_slice %arg18[%add3A_62, %dma_start3A_216] : memref<10000x128xf32, #tpu.memory_space<vmem_shared>> -> memref<80x128xf32, #tpu.memory_space<vmem_shared>>
      %dma_start3A_218 = arith.constant 0 : i32
      %dma_start3A_219 = tpu.memref_slice %arg18[%add3A_62, %dma_start3A_218] : memref<10000x128xf32, #tpu.memory_space<vmem_shared>> -> memref<80x128xf32, #tpu.memory_space<vmem_shared>>
      tpu.enqueue_dma source(%arg13 : memref<80x128xf32, #tpu.memory_space<vmem>>) target(%dma_start3A_219 : memref<80x128xf32, #tpu.memory_space<vmem_shared>>) target_semaphore(%run_scoped3A : memref<!tpu.dma_semaphore, #tpu.memory_space<semaphore_mem>>)
      %dma_wait3A_220 = arith.constant 0 : i32
      %dma_wait3A_221 = tpu.memref_slice %arg18[%add3A_62, %dma_wait3A_220] : memref<10000x128xf32, #tpu.memory_space<vmem_shared>> -> memref<80x128xf32, #tpu.memory_space<vmem_shared>>
      %dma_wait3A_222 = arith.constant 0 : i32
      %dma_wait3A_223 = tpu.memref_slice %arg18[%add3A_62, %dma_wait3A_222] : memref<10000x128xf32, #tpu.memory_space<vmem_shared>> -> memref<80x128xf32, #tpu.memory_space<vmem_shared>>
      tpu.wait_dma2 semaphore(%run_scoped3A : memref<!tpu.dma_semaphore, #tpu.memory_space<semaphore_mem>>) src(%arg13 : memref<80x128xf32, #tpu.memory_space<vmem>>) dst(%dma_wait3A_223 : memref<80x128xf32, #tpu.memory_space<vmem_shared>>)
      tpu.yield
    }) : () -> ()
    %mul3A_63 = arith.constant 625 : i32
    %mul3A_64 = arith.muli %arg1, %mul3A_63 : i32
    %add3A_65 = arith.constant 560 : i32
    %add3A_66 = arith.addi %mul3A_64, %add3A_65 : i32
    "tpu.region"() ({
      %run_scoped3A = tpu.sem_alloc : memref<!tpu.dma_semaphore, #tpu.memory_space<semaphore_mem>>
      %dma_start3A_216 = arith.constant 0 : i32
      %dma_start3A_217 = arith.constant 0 : i32
      %dma_start3A_218 = tpu.memref_slice %arg13[%dma_start3A_216, %dma_start3A_217] : memref<80x128xf32, #tpu.memory_space<vmem>> -> memref<65x128xf32, #tpu.memory_space<vmem>>
      %dma_start3A_219 = arith.constant 0 : i32
      %dma_start3A_220 = tpu.memref_slice %arg18[%add3A_66, %dma_start3A_219] : memref<10000x128xf32, #tpu.memory_space<vmem_shared>> -> memref<65x128xf32, #tpu.memory_space<vmem_shared>>
      %dma_start3A_221 = arith.constant 0 : i32
      %dma_start3A_222 = tpu.memref_slice %arg18[%add3A_66, %dma_start3A_221] : memref<10000x128xf32, #tpu.memory_space<vmem_shared>> -> memref<65x128xf32, #tpu.memory_space<vmem_shared>>
      %dma_start3A_223 = arith.constant 0 : i32
      %dma_start3A_224 = arith.constant 0 : i32
      %dma_start3A_225 = tpu.memref_slice %arg13[%dma_start3A_223, %dma_start3A_224] : memref<80x128xf32, #tpu.memory_space<vmem>> -> memref<65x128xf32, #tpu.memory_space<vmem>>
      tpu.enqueue_dma source(%dma_start3A_225 : memref<65x128xf32, #tpu.memory_space<vmem>>) target(%dma_start3A_222 : memref<65x128xf32, #tpu.memory_space<vmem_shared>>) target_semaphore(%run_scoped3A : memref<!tpu.dma_semaphore, #tpu.memory_space<semaphore_mem>>)
      %dma_wait3A_226 = arith.constant 0 : i32
      %dma_wait3A_227 = arith.constant 0 : i32
      %dma_wait3A_228 = tpu.memref_slice %arg13[%dma_wait3A_226, %dma_wait3A_227] : memref<80x128xf32, #tpu.memory_space<vmem>> -> memref<65x128xf32, #tpu.memory_space<vmem>>
      %dma_wait3A_229 = arith.constant 0 : i32
      %dma_wait3A_230 = tpu.memref_slice %arg18[%add3A_66, %dma_wait3A_229] : memref<10000x128xf32, #tpu.memory_space<vmem_shared>> -> memref<65x128xf32, #tpu.memory_space<vmem_shared>>
      %dma_wait3A_231 = arith.constant 0 : i32
      %dma_wait3A_232 = tpu.memref_slice %arg18[%add3A_66, %dma_wait3A_231] : memref<10000x128xf32, #tpu.memory_space<vmem_shared>> -> memref<65x128xf32, #tpu.memory_space<vmem_shared>>
      %dma_wait3A_233 = arith.constant 0 : i32
      %dma_wait3A_234 = arith.constant 0 : i32
      %dma_wait3A_235 = tpu.memref_slice %arg13[%dma_wait3A_233, %dma_wait3A_234] : memref<80x128xf32, #tpu.memory_space<vmem>> -> memref<65x128xf32, #tpu.memory_space<vmem>>
      tpu.wait_dma2 semaphore(%run_scoped3A : memref<!tpu.dma_semaphore, #tpu.memory_space<semaphore_mem>>) src(%dma_wait3A_235 : memref<65x128xf32, #tpu.memory_space<vmem>>) dst(%dma_wait3A_232 : memref<65x128xf32, #tpu.memory_space<vmem_shared>>)
      tpu.yield
    }) : () -> ()
    %mul3A_67 = arith.constant 624 : i32
    %mul3A_68 = arith.muli %arg1, %mul3A_67 : i32
    %add3A_69 = arith.constant 0 : i32
    %add3A_70 = arith.addi %mul3A_68, %add3A_69 : i32
    "tpu.region"() ({
      %run_scoped3A = tpu.sem_alloc : memref<!tpu.dma_semaphore, #tpu.memory_space<semaphore_mem>>
      %dma_start3A_216 = tpu.memref_slice %arg19[%add3A_70] : memref<10000xf32, #tpu.memory_space<vmem_shared>> -> memref<80xf32, #tpu.memory_space<vmem_shared>>
      %dma_start3A_217 = tpu.memref_slice %arg19[%add3A_70] : memref<10000xf32, #tpu.memory_space<vmem_shared>> -> memref<80xf32, #tpu.memory_space<vmem_shared>>
      tpu.enqueue_dma source(%arg17 : memref<80xf32, #tpu.memory_space<vmem>>) target(%dma_start3A_217 : memref<80xf32, #tpu.memory_space<vmem_shared>>) target_semaphore(%run_scoped3A : memref<!tpu.dma_semaphore, #tpu.memory_space<semaphore_mem>>)
      %dma_wait3A_218 = tpu.memref_slice %arg19[%add3A_70] : memref<10000xf32, #tpu.memory_space<vmem_shared>> -> memref<80xf32, #tpu.memory_space<vmem_shared>>
      %dma_wait3A_219 = tpu.memref_slice %arg19[%add3A_70] : memref<10000xf32, #tpu.memory_space<vmem_shared>> -> memref<80xf32, #tpu.memory_space<vmem_shared>>
      tpu.wait_dma2 semaphore(%run_scoped3A : memref<!tpu.dma_semaphore, #tpu.memory_space<semaphore_mem>>) src(%arg17 : memref<80xf32, #tpu.memory_space<vmem>>) dst(%dma_wait3A_219 : memref<80xf32, #tpu.memory_space<vmem_shared>>)
      tpu.yield
    }) : () -> ()
    %mul3A_71 = arith.constant 624 : i32
    %mul3A_72 = arith.muli %arg1, %mul3A_71 : i32
    %add3A_73 = arith.constant 80 : i32
    %add3A_74 = arith.addi %mul3A_72, %add3A_73 : i32
    "tpu.region"() ({
      %run_scoped3A = tpu.sem_alloc : memref<!tpu.dma_semaphore, #tpu.memory_space<semaphore_mem>>
      %dma_start3A_216 = tpu.memref_slice %arg19[%add3A_74] : memref<10000xf32, #tpu.memory_space<vmem_shared>> -> memref<80xf32, #tpu.memory_space<vmem_shared>>
      %dma_start3A_217 = tpu.memref_slice %arg19[%add3A_74] : memref<10000xf32, #tpu.memory_space<vmem_shared>> -> memref<80xf32, #tpu.memory_space<vmem_shared>>
      tpu.enqueue_dma source(%arg17 : memref<80xf32, #tpu.memory_space<vmem>>) target(%dma_start3A_217 : memref<80xf32, #tpu.memory_space<vmem_shared>>) target_semaphore(%run_scoped3A : memref<!tpu.dma_semaphore, #tpu.memory_space<semaphore_mem>>)
      %dma_wait3A_218 = tpu.memref_slice %arg19[%add3A_74] : memref<10000xf32, #tpu.memory_space<vmem_shared>> -> memref<80xf32, #tpu.memory_space<vmem_shared>>
      %dma_wait3A_219 = tpu.memref_slice %arg19[%add3A_74] : memref<10000xf32, #tpu.memory_space<vmem_shared>> -> memref<80xf32, #tpu.memory_space<vmem_shared>>
      tpu.wait_dma2 semaphore(%run_scoped3A : memref<!tpu.dma_semaphore, #tpu.memory_space<semaphore_mem>>) src(%arg17 : memref<80xf32, #tpu.memory_space<vmem>>) dst(%dma_wait3A_219 : memref<80xf32, #tpu.memory_space<vmem_shared>>)
      tpu.yield
    }) : () -> ()
    %mul3A_75 = arith.constant 624 : i32
    %mul3A_76 = arith.muli %arg1, %mul3A_75 : i32
    %add3A_77 = arith.constant 160 : i32
    %add3A_78 = arith.addi %mul3A_76, %add3A_77 : i32
    "tpu.region"() ({
      %run_scoped3A = tpu.sem_alloc : memref<!tpu.dma_semaphore, #tpu.memory_space<semaphore_mem>>
      %dma_start3A_216 = tpu.memref_slice %arg19[%add3A_78] : memref<10000xf32, #tpu.memory_space<vmem_shared>> -> memref<80xf32, #tpu.memory_space<vmem_shared>>
      %dma_start3A_217 = tpu.memref_slice %arg19[%add3A_78] : memref<10000xf32, #tpu.memory_space<vmem_shared>> -> memref<80xf32, #tpu.memory_space<vmem_shared>>
      tpu.enqueue_dma source(%arg17 : memref<80xf32, #tpu.memory_space<vmem>>) target(%dma_start3A_217 : memref<80xf32, #tpu.memory_space<vmem_shared>>) target_semaphore(%run_scoped3A : memref<!tpu.dma_semaphore, #tpu.memory_space<semaphore_mem>>)
      %dma_wait3A_218 = tpu.memref_slice %arg19[%add3A_78] : memref<10000xf32, #tpu.memory_space<vmem_shared>> -> memref<80xf32, #tpu.memory_space<vmem_shared>>
      %dma_wait3A_219 = tpu.memref_slice %arg19[%add3A_78] : memref<10000xf32, #tpu.memory_space<vmem_shared>> -> memref<80xf32, #tpu.memory_space<vmem_shared>>
      tpu.wait_dma2 semaphore(%run_scoped3A : memref<!tpu.dma_semaphore, #tpu.memory_space<semaphore_mem>>) src(%arg17 : memref<80xf32, #tpu.memory_space<vmem>>) dst(%dma_wait3A_219 : memref<80xf32, #tpu.memory_space<vmem_shared>>)
      tpu.yield
    }) : () -> ()
    %mul3A_79 = arith.constant 624 : i32
    %mul3A_80 = arith.muli %arg1, %mul3A_79 : i32
    %add3A_81 = arith.constant 240 : i32
    %add3A_82 = arith.addi %mul3A_80, %add3A_81 : i32
    "tpu.region"() ({
      %run_scoped3A = tpu.sem_alloc : memref<!tpu.dma_semaphore, #tpu.memory_space<semaphore_mem>>
      %dma_start3A_216 = tpu.memref_slice %arg19[%add3A_82] : memref<10000xf32, #tpu.memory_space<vmem_shared>> -> memref<80xf32, #tpu.memory_space<vmem_shared>>
      %dma_start3A_217 = tpu.memref_slice %arg19[%add3A_82] : memref<10000xf32, #tpu.memory_space<vmem_shared>> -> memref<80xf32, #tpu.memory_space<vmem_shared>>
      tpu.enqueue_dma source(%arg17 : memref<80xf32, #tpu.memory_space<vmem>>) target(%dma_start3A_217 : memref<80xf32, #tpu.memory_space<vmem_shared>>) target_semaphore(%run_scoped3A : memref<!tpu.dma_semaphore, #tpu.memory_space<semaphore_mem>>)
      %dma_wait3A_218 = tpu.memref_slice %arg19[%add3A_82] : memref<10000xf32, #tpu.memory_space<vmem_shared>> -> memref<80xf32, #tpu.memory_space<vmem_shared>>
      %dma_wait3A_219 = tpu.memref_slice %arg19[%add3A_82] : memref<10000xf32, #tpu.memory_space<vmem_shared>> -> memref<80xf32, #tpu.memory_space<vmem_shared>>
      tpu.wait_dma2 semaphore(%run_scoped3A : memref<!tpu.dma_semaphore, #tpu.memory_space<semaphore_mem>>) src(%arg17 : memref<80xf32, #tpu.memory_space<vmem>>) dst(%dma_wait3A_219 : memref<80xf32, #tpu.memory_space<vmem_shared>>)
      tpu.yield
    }) : () -> ()
    %mul3A_83 = arith.constant 624 : i32
    %mul3A_84 = arith.muli %arg1, %mul3A_83 : i32
    %add3A_85 = arith.constant 320 : i32
    %add3A_86 = arith.addi %mul3A_84, %add3A_85 : i32
    "tpu.region"() ({
      %run_scoped3A = tpu.sem_alloc : memref<!tpu.dma_semaphore, #tpu.memory_space<semaphore_mem>>
      %dma_start3A_216 = tpu.memref_slice %arg19[%add3A_86] : memref<10000xf32, #tpu.memory_space<vmem_shared>> -> memref<80xf32, #tpu.memory_space<vmem_shared>>
      %dma_start3A_217 = tpu.memref_slice %arg19[%add3A_86] : memref<10000xf32, #tpu.memory_space<vmem_shared>> -> memref<80xf32, #tpu.memory_space<vmem_shared>>
      tpu.enqueue_dma source(%arg17 : memref<80xf32, #tpu.memory_space<vmem>>) target(%dma_start3A_217 : memref<80xf32, #tpu.memory_space<vmem_shared>>) target_semaphore(%run_scoped3A : memref<!tpu.dma_semaphore, #tpu.memory_space<semaphore_mem>>)
      %dma_wait3A_218 = tpu.memref_slice %arg19[%add3A_86] : memref<10000xf32, #tpu.memory_space<vmem_shared>> -> memref<80xf32, #tpu.memory_space<vmem_shared>>
      %dma_wait3A_219 = tpu.memref_slice %arg19[%add3A_86] : memref<10000xf32, #tpu.memory_space<vmem_shared>> -> memref<80xf32, #tpu.memory_space<vmem_shared>>
      tpu.wait_dma2 semaphore(%run_scoped3A : memref<!tpu.dma_semaphore, #tpu.memory_space<semaphore_mem>>) src(%arg17 : memref<80xf32, #tpu.memory_space<vmem>>) dst(%dma_wait3A_219 : memref<80xf32, #tpu.memory_space<vmem_shared>>)
      tpu.yield
    }) : () -> ()
    %mul3A_87 = arith.constant 624 : i32
    %mul3A_88 = arith.muli %arg1, %mul3A_87 : i32
    %add3A_89 = arith.constant 400 : i32
    %add3A_90 = arith.addi %mul3A_88, %add3A_89 : i32
    "tpu.region"() ({
      %run_scoped3A = tpu.sem_alloc : memref<!tpu.dma_semaphore, #tpu.memory_space<semaphore_mem>>
      %dma_start3A_216 = tpu.memref_slice %arg19[%add3A_90] : memref<10000xf32, #tpu.memory_space<vmem_shared>> -> memref<80xf32, #tpu.memory_space<vmem_shared>>
      %dma_start3A_217 = tpu.memref_slice %arg19[%add3A_90] : memref<10000xf32, #tpu.memory_space<vmem_shared>> -> memref<80xf32, #tpu.memory_space<vmem_shared>>
      tpu.enqueue_dma source(%arg17 : memref<80xf32, #tpu.memory_space<vmem>>) target(%dma_start3A_217 : memref<80xf32, #tpu.memory_space<vmem_shared>>) target_semaphore(%run_scoped3A : memref<!tpu.dma_semaphore, #tpu.memory_space<semaphore_mem>>)
      %dma_wait3A_218 = tpu.memref_slice %arg19[%add3A_90] : memref<10000xf32, #tpu.memory_space<vmem_shared>> -> memref<80xf32, #tpu.memory_space<vmem_shared>>
      %dma_wait3A_219 = tpu.memref_slice %arg19[%add3A_90] : memref<10000xf32, #tpu.memory_space<vmem_shared>> -> memref<80xf32, #tpu.memory_space<vmem_shared>>
      tpu.wait_dma2 semaphore(%run_scoped3A : memref<!tpu.dma_semaphore, #tpu.memory_space<semaphore_mem>>) src(%arg17 : memref<80xf32, #tpu.memory_space<vmem>>) dst(%dma_wait3A_219 : memref<80xf32, #tpu.memory_space<vmem_shared>>)
      tpu.yield
    }) : () -> ()
    %mul3A_91 = arith.constant 624 : i32
    %mul3A_92 = arith.muli %arg1, %mul3A_91 : i32
    %add3A_93 = arith.constant 480 : i32
    %add3A_94 = arith.addi %mul3A_92, %add3A_93 : i32
    "tpu.region"() ({
      %run_scoped3A = tpu.sem_alloc : memref<!tpu.dma_semaphore, #tpu.memory_space<semaphore_mem>>
      %dma_start3A_216 = tpu.memref_slice %arg19[%add3A_94] : memref<10000xf32, #tpu.memory_space<vmem_shared>> -> memref<80xf32, #tpu.memory_space<vmem_shared>>
      %dma_start3A_217 = tpu.memref_slice %arg19[%add3A_94] : memref<10000xf32, #tpu.memory_space<vmem_shared>> -> memref<80xf32, #tpu.memory_space<vmem_shared>>
      tpu.enqueue_dma source(%arg17 : memref<80xf32, #tpu.memory_space<vmem>>) target(%dma_start3A_217 : memref<80xf32, #tpu.memory_space<vmem_shared>>) target_semaphore(%run_scoped3A : memref<!tpu.dma_semaphore, #tpu.memory_space<semaphore_mem>>)
      %dma_wait3A_218 = tpu.memref_slice %arg19[%add3A_94] : memref<10000xf32, #tpu.memory_space<vmem_shared>> -> memref<80xf32, #tpu.memory_space<vmem_shared>>
      %dma_wait3A_219 = tpu.memref_slice %arg19[%add3A_94] : memref<10000xf32, #tpu.memory_space<vmem_shared>> -> memref<80xf32, #tpu.memory_space<vmem_shared>>
      tpu.wait_dma2 semaphore(%run_scoped3A : memref<!tpu.dma_semaphore, #tpu.memory_space<semaphore_mem>>) src(%arg17 : memref<80xf32, #tpu.memory_space<vmem>>) dst(%dma_wait3A_219 : memref<80xf32, #tpu.memory_space<vmem_shared>>)
      tpu.yield
    }) : () -> ()
    %mul3A_95 = arith.constant 624 : i32
    %mul3A_96 = arith.muli %arg1, %mul3A_95 : i32
    %add3A_97 = arith.constant 560 : i32
    %add3A_98 = arith.addi %mul3A_96, %add3A_97 : i32
    "tpu.region"() ({
      %run_scoped3A = tpu.sem_alloc : memref<!tpu.dma_semaphore, #tpu.memory_space<semaphore_mem>>
      %dma_start3A_216 = tpu.memref_slice %arg19[%add3A_98] : memref<10000xf32, #tpu.memory_space<vmem_shared>> -> memref<80xf32, #tpu.memory_space<vmem_shared>>
      %dma_start3A_217 = tpu.memref_slice %arg19[%add3A_98] : memref<10000xf32, #tpu.memory_space<vmem_shared>> -> memref<80xf32, #tpu.memory_space<vmem_shared>>
      tpu.enqueue_dma source(%arg17 : memref<80xf32, #tpu.memory_space<vmem>>) target(%dma_start3A_217 : memref<80xf32, #tpu.memory_space<vmem_shared>>) target_semaphore(%run_scoped3A : memref<!tpu.dma_semaphore, #tpu.memory_space<semaphore_mem>>)
      %dma_wait3A_218 = tpu.memref_slice %arg19[%add3A_98] : memref<10000xf32, #tpu.memory_space<vmem_shared>> -> memref<80xf32, #tpu.memory_space<vmem_shared>>
      %dma_wait3A_219 = tpu.memref_slice %arg19[%add3A_98] : memref<10000xf32, #tpu.memory_space<vmem_shared>> -> memref<80xf32, #tpu.memory_space<vmem_shared>>
      tpu.wait_dma2 semaphore(%run_scoped3A : memref<!tpu.dma_semaphore, #tpu.memory_space<semaphore_mem>>) src(%arg17 : memref<80xf32, #tpu.memory_space<vmem>>) dst(%dma_wait3A_219 : memref<80xf32, #tpu.memory_space<vmem_shared>>)
      tpu.yield
    }) : () -> ()
    %barrier3A = arith.constant 0 : index
    tpu.barrier barrier_id(%barrier3A)
    %mul3A_99 = arith.constant 125 : i32
    %mul3A_100 = arith.muli %add3A, %mul3A_99 : i32
    %add3A_101 = arith.constant 0 : i32
    %add3A_102 = arith.addi %mul3A_100, %add3A_101 : i32
    %dma_start3A = arith.constant 0 : i32
    %dma_start3A_103 = arith.constant 0 : i32
    %dma_start3A_104 = tpu.memref_slice %arg4[%add3A_102, %dma_start3A, %dma_start3A_103] : memref<4000x2x80xi32, #tpu.memory_space<hbm>> -> memref<1x2x80xi32, #tpu.memory_space<hbm>>
    %dma_start3A_105 = tpu.memref_squeeze %dma_start3A_104 : memref<1x2x80xi32, #tpu.memory_space<hbm>> -> memref<2x80xi32, #tpu.memory_space<hbm>>
    %dma_start3A_106 = arith.constant 0 : i32
    %dma_start3A_107 = arith.constant 0 : i32
    %dma_start3A_108 = tpu.memref_slice %arg4[%add3A_102, %dma_start3A_106, %dma_start3A_107] : memref<4000x2x80xi32, #tpu.memory_space<hbm>> -> memref<1x2x80xi32, #tpu.memory_space<hbm>>
    %dma_start3A_109 = tpu.memref_squeeze %dma_start3A_108 : memref<1x2x80xi32, #tpu.memory_space<hbm>> -> memref<2x80xi32, #tpu.memory_space<hbm>>
    tpu.enqueue_dma source(%dma_start3A_109 : memref<2x80xi32, #tpu.memory_space<hbm>>) target(%arg9 : memref<2x80xi32, #tpu.memory_space<vmem>>) target_semaphore(%arg24 : memref<!tpu.dma_semaphore, #tpu.memory_space<semaphore_mem>>)
    %add3A_110 = arith.constant 1 : i32
    %add3A_111 = arith.addi %mul3A_100, %add3A_110 : i32
    %dma_start3A_112 = arith.constant 0 : i32
    %dma_start3A_113 = arith.constant 0 : i32
    %dma_start3A_114 = tpu.memref_slice %arg4[%add3A_111, %dma_start3A_112, %dma_start3A_113] : memref<4000x2x80xi32, #tpu.memory_space<hbm>> -> memref<1x2x80xi32, #tpu.memory_space<hbm>>
    %dma_start3A_115 = tpu.memref_squeeze %dma_start3A_114 : memref<1x2x80xi32, #tpu.memory_space<hbm>> -> memref<2x80xi32, #tpu.memory_space<hbm>>
    %dma_start3A_116 = arith.constant 0 : i32
    %dma_start3A_117 = arith.constant 0 : i32
    %dma_start3A_118 = tpu.memref_slice %arg4[%add3A_111, %dma_start3A_116, %dma_start3A_117] : memref<4000x2x80xi32, #tpu.memory_space<hbm>> -> memref<1x2x80xi32, #tpu.memory_space<hbm>>
    %dma_start3A_119 = tpu.memref_squeeze %dma_start3A_118 : memref<1x2x80xi32, #tpu.memory_space<hbm>> -> memref<2x80xi32, #tpu.memory_space<hbm>>
    tpu.enqueue_dma source(%dma_start3A_119 : memref<2x80xi32, #tpu.memory_space<hbm>>) target(%arg10 : memref<2x80xi32, #tpu.memory_space<vmem>>) target_semaphore(%arg25 : memref<!tpu.dma_semaphore, #tpu.memory_space<semaphore_mem>>)
    %add3A_120 = arith.constant 2 : i32
    %add3A_121 = arith.addi %mul3A_100, %add3A_120 : i32
    %dma_start3A_122 = arith.constant 0 : i32
    %dma_start3A_123 = arith.constant 0 : i32
    %dma_start3A_124 = tpu.memref_slice %arg4[%add3A_121, %dma_start3A_122, %dma_start3A_123] : memref<4000x2x80xi32, #tpu.memory_space<hbm>> -> memref<1x2x80xi32, #tpu.memory_space<hbm>>
    %dma_start3A_125 = tpu.memref_squeeze %dma_start3A_124 : memref<1x2x80xi32, #tpu.memory_space<hbm>> -> memref<2x80xi32, #tpu.memory_space<hbm>>
    %dma_start3A_126 = arith.constant 0 : i32
    %dma_start3A_127 = arith.constant 0 : i32
    %dma_start3A_128 = tpu.memref_slice %arg4[%add3A_121, %dma_start3A_126, %dma_start3A_127] : memref<4000x2x80xi32, #tpu.memory_space<hbm>> -> memref<1x2x80xi32, #tpu.memory_space<hbm>>
    %dma_start3A_129 = tpu.memref_squeeze %dma_start3A_128 : memref<1x2x80xi32, #tpu.memory_space<hbm>> -> memref<2x80xi32, #tpu.memory_space<hbm>>
    tpu.enqueue_dma source(%dma_start3A_129 : memref<2x80xi32, #tpu.memory_space<hbm>>) target(%arg11 : memref<2x80xi32, #tpu.memory_space<vmem>>) target_semaphore(%arg26 : memref<!tpu.dma_semaphore, #tpu.memory_space<semaphore_mem>>)
    %add3A_130 = arith.constant 3 : i32
    %add3A_131 = arith.addi %mul3A_100, %add3A_130 : i32
    %dma_start3A_132 = arith.constant 0 : i32
    %dma_start3A_133 = arith.constant 0 : i32
    %dma_start3A_134 = tpu.memref_slice %arg4[%add3A_131, %dma_start3A_132, %dma_start3A_133] : memref<4000x2x80xi32, #tpu.memory_space<hbm>> -> memref<1x2x80xi32, #tpu.memory_space<hbm>>
    %dma_start3A_135 = tpu.memref_squeeze %dma_start3A_134 : memref<1x2x80xi32, #tpu.memory_space<hbm>> -> memref<2x80xi32, #tpu.memory_space<hbm>>
    %dma_start3A_136 = arith.constant 0 : i32
    %dma_start3A_137 = arith.constant 0 : i32
    %dma_start3A_138 = tpu.memref_slice %arg4[%add3A_131, %dma_start3A_136, %dma_start3A_137] : memref<4000x2x80xi32, #tpu.memory_space<hbm>> -> memref<1x2x80xi32, #tpu.memory_space<hbm>>
    %dma_start3A_139 = tpu.memref_squeeze %dma_start3A_138 : memref<1x2x80xi32, #tpu.memory_space<hbm>> -> memref<2x80xi32, #tpu.memory_space<hbm>>
    tpu.enqueue_dma source(%dma_start3A_139 : memref<2x80xi32, #tpu.memory_space<hbm>>) target(%arg12 : memref<2x80xi32, #tpu.memory_space<vmem>>) target_semaphore(%arg27 : memref<!tpu.dma_semaphore, #tpu.memory_space<semaphore_mem>>)
    %dma_wait3A = arith.constant 0 : i32
    %dma_wait3A_140 = arith.constant 0 : i32
    %dma_wait3A_141 = arith.constant 0 : i32
    %dma_wait3A_142 = tpu.memref_slice %arg4[%dma_wait3A, %dma_wait3A_140, %dma_wait3A_141] : memref<4000x2x80xi32, #tpu.memory_space<hbm>> -> memref<1x2x80xi32, #tpu.memory_space<hbm>>
    %dma_wait3A_143 = tpu.memref_squeeze %dma_wait3A_142 : memref<1x2x80xi32, #tpu.memory_space<hbm>> -> memref<2x80xi32, #tpu.memory_space<hbm>>
    %dma_wait3A_144 = arith.constant 0 : i32
    %dma_wait3A_145 = arith.constant 0 : i32
    %dma_wait3A_146 = tpu.memref_slice %arg4[%dma_wait3A, %dma_wait3A_144, %dma_wait3A_145] : memref<4000x2x80xi32, #tpu.memory_space<hbm>> -> memref<1x2x80xi32, #tpu.memory_space<hbm>>
    %dma_wait3A_147 = tpu.memref_squeeze %dma_wait3A_146 : memref<1x2x80xi32, #tpu.memory_space<hbm>> -> memref<2x80xi32, #tpu.memory_space<hbm>>
    tpu.wait_dma2 semaphore(%arg24 : memref<!tpu.dma_semaphore, #tpu.memory_space<semaphore_mem>>) src(%dma_wait3A_147 : memref<2x80xi32, #tpu.memory_space<hbm>>) dst(%arg9 : memref<2x80xi32, #tpu.memory_space<vmem>>)
    %dma_start3A_148 = arith.constant 0 : i32
    %dma_start3A_149 = arith.constant 0 : i32
    %dma_start3A_150 = tpu.memref_slice %arg9[%dma_start3A_148, %dma_start3A_149] : memref<2x80xi32, #tpu.memory_space<vmem>> -> memref<1x80xi32, #tpu.memory_space<vmem>>
    %dma_start3A_151 = tpu.memref_squeeze %dma_start3A_150 : memref<1x80xi32, #tpu.memory_space<vmem>> -> memref<80xi32, #tpu.memory_space<vmem>>
    %dma_start3A_152 = arith.constant 0 : i32
    %dma_start3A_153 = arith.constant 0 : i32
    %dma_start3A_154 = tpu.memref_slice %arg2[%dma_start3A_152, %dma_start3A_153] : memref<10000x128xf32, #tpu.memory_space<hbm>> -> memref<10000x128xf32, #tpu.memory_space<hbm>>
    tpu.enqueue_indirect_dma source(%dma_start3A_154 : memref<10000x128xf32, #tpu.memory_space<hbm>>) target(%arg13 : memref<80x128xf32, #tpu.memory_space<vmem>>) offsets(%dma_start3A_151 : memref<80xi32, #tpu.memory_space<vmem>>) semaphore(%arg20 : memref<!tpu.dma_semaphore, #tpu.memory_space<semaphore_mem>>)
    %dma_start3A_155 = arith.constant 1 : i32
    %dma_start3A_156 = arith.constant 0 : i32
    %dma_start3A_157 = tpu.memref_slice %arg9[%dma_start3A_155, %dma_start3A_156] : memref<2x80xi32, #tpu.memory_space<vmem>> -> memref<1x80xi32, #tpu.memory_space<vmem>>
    %dma_start3A_158 = tpu.memref_squeeze %dma_start3A_157 : memref<1x80xi32, #tpu.memory_space<vmem>> -> memref<80xi32, #tpu.memory_space<vmem>>
    %dma_start3A_159 = arith.constant 0 : i32
    %dma_start3A_160 = arith.constant 0 : i32
    %dma_start3A_161 = tpu.memref_slice %arg3[%dma_start3A_159, %dma_start3A_160] : memref<10000x128xf32, #tpu.memory_space<hbm>> -> memref<10000x128xf32, #tpu.memory_space<hbm>>
    tpu.enqueue_indirect_dma source(%dma_start3A_161 : memref<10000x128xf32, #tpu.memory_space<hbm>>) target(%arg15 : memref<80x128xf32, #tpu.memory_space<vmem>>) offsets(%dma_start3A_158 : memref<80xi32, #tpu.memory_space<vmem>>) semaphore(%arg22 : memref<!tpu.dma_semaphore, #tpu.memory_space<semaphore_mem>>)
    %dma_wait3A_162 = arith.constant 0 : i32
    %dma_wait3A_163 = arith.constant 0 : i32
    %dma_wait3A_164 = arith.constant 0 : i32
    %dma_wait3A_165 = tpu.memref_slice %arg4[%dma_wait3A_162, %dma_wait3A_163, %dma_wait3A_164] : memref<4000x2x80xi32, #tpu.memory_space<hbm>> -> memref<1x2x80xi32, #tpu.memory_space<hbm>>
    %dma_wait3A_166 = tpu.memref_squeeze %dma_wait3A_165 : memref<1x2x80xi32, #tpu.memory_space<hbm>> -> memref<2x80xi32, #tpu.memory_space<hbm>>
    %dma_wait3A_167 = arith.constant 0 : i32
    %dma_wait3A_168 = arith.constant 0 : i32
    %dma_wait3A_169 = tpu.memref_slice %arg4[%dma_wait3A_162, %dma_wait3A_167, %dma_wait3A_168] : memref<4000x2x80xi32, #tpu.memory_space<hbm>> -> memref<1x2x80xi32, #tpu.memory_space<hbm>>
    %dma_wait3A_170 = tpu.memref_squeeze %dma_wait3A_169 : memref<1x2x80xi32, #tpu.memory_space<hbm>> -> memref<2x80xi32, #tpu.memory_space<hbm>>
    tpu.wait_dma2 semaphore(%arg25 : memref<!tpu.dma_semaphore, #tpu.memory_space<semaphore_mem>>) src(%dma_wait3A_170 : memref<2x80xi32, #tpu.memory_space<hbm>>) dst(%arg10 : memref<2x80xi32, #tpu.memory_space<vmem>>)
    %dma_start3A_171 = arith.constant 0 : i32
    %dma_start3A_172 = arith.constant 0 : i32
    %dma_start3A_173 = tpu.memref_slice %arg10[%dma_start3A_171, %dma_start3A_172] : memref<2x80xi32, #tpu.memory_space<vmem>> -> memref<1x80xi32, #tpu.memory_space<vmem>>
    %dma_start3A_174 = tpu.memref_squeeze %dma_start3A_173 : memref<1x80xi32, #tpu.memory_space<vmem>> -> memref<80xi32, #tpu.memory_space<vmem>>
    %dma_start3A_175 = arith.constant 0 : i32
    %dma_start3A_176 = arith.constant 0 : i32
    %dma_start3A_177 = tpu.memref_slice %arg2[%dma_start3A_175, %dma_start3A_176] : memref<10000x128xf32, #tpu.memory_space<hbm>> -> memref<10000x128xf32, #tpu.memory_space<hbm>>
    tpu.enqueue_indirect_dma source(%dma_start3A_177 : memref<10000x128xf32, #tpu.memory_space<hbm>>) target(%arg14 : memref<80x128xf32, #tpu.memory_space<vmem>>) offsets(%dma_start3A_174 : memref<80xi32, #tpu.memory_space<vmem>>) semaphore(%arg21 : memref<!tpu.dma_semaphore, #tpu.memory_space<semaphore_mem>>)
    %dma_start3A_178 = arith.constant 1 : i32
    %dma_start3A_179 = arith.constant 0 : i32
    %dma_start3A_180 = tpu.memref_slice %arg10[%dma_start3A_178, %dma_start3A_179] : memref<2x80xi32, #tpu.memory_space<vmem>> -> memref<1x80xi32, #tpu.memory_space<vmem>>
    %dma_start3A_181 = tpu.memref_squeeze %dma_start3A_180 : memref<1x80xi32, #tpu.memory_space<vmem>> -> memref<80xi32, #tpu.memory_space<vmem>>
    %dma_start3A_182 = arith.constant 0 : i32
    %dma_start3A_183 = arith.constant 0 : i32
    %dma_start3A_184 = tpu.memref_slice %arg3[%dma_start3A_182, %dma_start3A_183] : memref<10000x128xf32, #tpu.memory_space<hbm>> -> memref<10000x128xf32, #tpu.memory_space<hbm>>
    tpu.enqueue_indirect_dma source(%dma_start3A_184 : memref<10000x128xf32, #tpu.memory_space<hbm>>) target(%arg16 : memref<80x128xf32, #tpu.memory_space<vmem>>) offsets(%dma_start3A_181 : memref<80xi32, #tpu.memory_space<vmem>>) semaphore(%arg23 : memref<!tpu.dma_semaphore, #tpu.memory_space<semaphore_mem>>)
    %scan3A_185 = arith.constant 0 : i32
    %scan3A_186 = arith.constant 0 : i32
    %scan3A_187 = arith.constant 32 : i32
    %scan3A_188 = arith.addi %scan3A_186, %scan3A_187 : i32
    %scan3A_189 = arith.constant 1 : i32
    scf.for %scan3A_216 = %scan3A_186 to %scan3A_188 step %scan3A_189  : i32 {
      %mul3A_217 = arith.constant 4 : i32
      %mul3A_218 = arith.muli %mul3A_217, %scan3A_216 : i32
      %add3A_219 = arith.constant 0 : i32
      %add3A_220 = arith.addi %mul3A_218, %add3A_219 : i32
      %lt3A = arith.constant 125 : i32
      %lt3A_221 = arith.cmpi slt, %add3A_220, %lt3A : i32
      %convert_element_type3A = arith.extui %lt3A_221 : i1 to i32
      %cond3A = arith.constant 0 : i32
      %cond3A_222 = arith.cmpi ne, %convert_element_type3A, %cond3A : i32
      scf.if %cond3A_222 {
        %dma_wait3A_250 = arith.constant 0 : i32
        %dma_wait3A_251 = arith.constant 0 : i32
        %dma_wait3A_252 = tpu.memref_slice %arg9[%dma_wait3A_250, %dma_wait3A_251] : memref<2x80xi32, #tpu.memory_space<vmem>> -> memref<1x80xi32, #tpu.memory_space<vmem>>
        %dma_wait3A_253 = tpu.memref_squeeze %dma_wait3A_252 : memref<1x80xi32, #tpu.memory_space<vmem>> -> memref<80xi32, #tpu.memory_space<vmem>>
        %dma_wait3A_254 = arith.constant 0 : i32
        %dma_wait3A_255 = arith.constant 0 : i32
        %dma_wait3A_256 = tpu.memref_slice %arg2[%dma_wait3A_254, %dma_wait3A_255] : memref<10000x128xf32, #tpu.memory_space<hbm>> -> memref<10000x128xf32, #tpu.memory_space<hbm>>
        tpu.wait_indirect_dma semaphore(%arg20 : memref<!tpu.dma_semaphore, #tpu.memory_space<semaphore_mem>>) src(%dma_wait3A_256 : memref<10000x128xf32, #tpu.memory_space<hbm>>) dst(%arg13 : memref<80x128xf32, #tpu.memory_space<vmem>>)
        %dma_wait3A_257 = arith.constant 1 : i32
        %dma_wait3A_258 = arith.constant 0 : i32
        %dma_wait3A_259 = tpu.memref_slice %arg9[%dma_wait3A_257, %dma_wait3A_258] : memref<2x80xi32, #tpu.memory_space<vmem>> -> memref<1x80xi32, #tpu.memory_space<vmem>>
        %dma_wait3A_260 = tpu.memref_squeeze %dma_wait3A_259 : memref<1x80xi32, #tpu.memory_space<vmem>> -> memref<80xi32, #tpu.memory_space<vmem>>
        %dma_wait3A_261 = arith.constant 0 : i32
        %dma_wait3A_262 = arith.constant 0 : i32
        %dma_wait3A_263 = tpu.memref_slice %arg3[%dma_wait3A_261, %dma_wait3A_262] : memref<10000x128xf32, #tpu.memory_space<hbm>> -> memref<10000x128xf32, #tpu.memory_space<hbm>>
        tpu.wait_indirect_dma semaphore(%arg22 : memref<!tpu.dma_semaphore, #tpu.memory_space<semaphore_mem>>) src(%dma_wait3A_263 : memref<10000x128xf32, #tpu.memory_space<hbm>>) dst(%arg15 : memref<80x128xf32, #tpu.memory_space<vmem>>)
        %parallel_loop3A = arith.constant 0 : i32
        %parallel_loop3A_264 = arith.constant 80 : i32
        %parallel_loop3A_265 = arith.constant 1 : i32
        scf.for %parallel_loop3A_281 = %parallel_loop3A to %parallel_loop3A_264 step %parallel_loop3A_265  : i32 {
          %parallel_loop3A_282 = arith.index_cast %parallel_loop3A_281 : i32 to index
          %parallel_loop3A_283 = arith.constant 0 : index
          %parallel_loop3A_284 = tpu.vector_load %arg13[%parallel_loop3A_282, %parallel_loop3A_283] {strides = array<i32>} : memref<80x128xf32, #tpu.memory_space<vmem>>, vector<16xf32>,
          %parallel_loop3A_285 = arith.index_cast %parallel_loop3A_281 : i32 to index
          %parallel_loop3A_286 = arith.constant 0 : index
          %parallel_loop3A_287 = tpu.vector_load %arg15[%parallel_loop3A_285, %parallel_loop3A_286] {strides = array<i32>} : memref<80x128xf32, #tpu.memory_space<vmem>>, vector<16xf32>,
          %parallel_loop3A_288 = arith.addf %parallel_loop3A_284, %parallel_loop3A_287 : vector<16xf32>
          %parallel_loop3A_289 = arith.constant 2.000000e-01 : f32
          %parallel_loop3A_290 = vector.broadcast %parallel_loop3A_289 : f32 to vector<16xf32>
          %parallel_loop3A_291 = arith.mulf %parallel_loop3A_290, %parallel_loop3A_288 : vector<16xf32>
          %parallel_loop3A_292 = arith.maximumf %parallel_loop3A_288, %parallel_loop3A_291 : vector<16xf32>
          %parallel_loop3A_293 = arith.mulf %parallel_loop3A_292, %get3A_1 : vector<16xf32>
          %parallel_loop3A_294 = arith.index_cast %parallel_loop3A_281 : i32 to index
          %parallel_loop3A_295 = arith.constant 16 : index
          %parallel_loop3A_296 = tpu.vector_load %arg13[%parallel_loop3A_294, %parallel_loop3A_295] {strides = array<i32>} : memref<80x128xf32, #tpu.memory_space<vmem>>, vector<16xf32>,
          %parallel_loop3A_297 = arith.index_cast %parallel_loop3A_281 : i32 to index
          %parallel_loop3A_298 = arith.constant 16 : index
          %parallel_loop3A_299 = tpu.vector_load %arg15[%parallel_loop3A_297, %parallel_loop3A_298] {strides = array<i32>} : memref<80x128xf32, #tpu.memory_space<vmem>>, vector<16xf32>,
          %parallel_loop3A_300 = arith.addf %parallel_loop3A_296, %parallel_loop3A_299 : vector<16xf32>
          %parallel_loop3A_301 = arith.constant 2.000000e-01 : f32
          %parallel_loop3A_302 = vector.broadcast %parallel_loop3A_301 : f32 to vector<16xf32>
          %parallel_loop3A_303 = arith.mulf %parallel_loop3A_302, %parallel_loop3A_300 : vector<16xf32>
          %parallel_loop3A_304 = arith.maximumf %parallel_loop3A_300, %parallel_loop3A_303 : vector<16xf32>
          %parallel_loop3A_305 = arith.mulf %parallel_loop3A_304, %get3A_3 : vector<16xf32>
          %parallel_loop3A_306 = arith.index_cast %parallel_loop3A_281 : i32 to index
          %parallel_loop3A_307 = arith.constant 32 : index
          %parallel_loop3A_308 = tpu.vector_load %arg13[%parallel_loop3A_306, %parallel_loop3A_307] {strides = array<i32>} : memref<80x128xf32, #tpu.memory_space<vmem>>, vector<16xf32>,
          %parallel_loop3A_309 = arith.index_cast %parallel_loop3A_281 : i32 to index
          %parallel_loop3A_310 = arith.constant 32 : index
          %parallel_loop3A_311 = tpu.vector_load %arg15[%parallel_loop3A_309, %parallel_loop3A_310] {strides = array<i32>} : memref<80x128xf32, #tpu.memory_space<vmem>>, vector<16xf32>,
          %parallel_loop3A_312 = arith.addf %parallel_loop3A_308, %parallel_loop3A_311 : vector<16xf32>
          %parallel_loop3A_313 = arith.constant 2.000000e-01 : f32
          %parallel_loop3A_314 = vector.broadcast %parallel_loop3A_313 : f32 to vector<16xf32>
          %parallel_loop3A_315 = arith.mulf %parallel_loop3A_314, %parallel_loop3A_312 : vector<16xf32>
          %parallel_loop3A_316 = arith.maximumf %parallel_loop3A_312, %parallel_loop3A_315 : vector<16xf32>
          %parallel_loop3A_317 = arith.mulf %parallel_loop3A_316, %get3A_5 : vector<16xf32>
          %parallel_loop3A_318 = arith.index_cast %parallel_loop3A_281 : i32 to index
          %parallel_loop3A_319 = arith.constant 48 : index
          %parallel_loop3A_320 = tpu.vector_load %arg13[%parallel_loop3A_318, %parallel_loop3A_319] {strides = array<i32>} : memref<80x128xf32, #tpu.memory_space<vmem>>, vector<16xf32>,
          %parallel_loop3A_321 = arith.index_cast %parallel_loop3A_281 : i32 to index
          %parallel_loop3A_322 = arith.constant 48 : index
          %parallel_loop3A_323 = tpu.vector_load %arg15[%parallel_loop3A_321, %parallel_loop3A_322] {strides = array<i32>} : memref<80x128xf32, #tpu.memory_space<vmem>>, vector<16xf32>,
          %parallel_loop3A_324 = arith.addf %parallel_loop3A_320, %parallel_loop3A_323 : vector<16xf32>
          %parallel_loop3A_325 = arith.constant 2.000000e-01 : f32
          %parallel_loop3A_326 = vector.broadcast %parallel_loop3A_325 : f32 to vector<16xf32>
          %parallel_loop3A_327 = arith.mulf %parallel_loop3A_326, %parallel_loop3A_324 : vector<16xf32>
          %parallel_loop3A_328 = arith.maximumf %parallel_loop3A_324, %parallel_loop3A_327 : vector<16xf32>
          %parallel_loop3A_329 = arith.mulf %parallel_loop3A_328, %get3A_7 : vector<16xf32>
          %parallel_loop3A_330 = arith.index_cast %parallel_loop3A_281 : i32 to index
          %parallel_loop3A_331 = arith.constant 64 : index
          %parallel_loop3A_332 = tpu.vector_load %arg13[%parallel_loop3A_330, %parallel_loop3A_331] {strides = array<i32>} : memref<80x128xf32, #tpu.memory_space<vmem>>, vector<16xf32>,
          %parallel_loop3A_333 = arith.index_cast %parallel_loop3A_281 : i32 to index
          %parallel_loop3A_334 = arith.constant 64 : index
          %parallel_loop3A_335 = tpu.vector_load %arg15[%parallel_loop3A_333, %parallel_loop3A_334] {strides = array<i32>} : memref<80x128xf32, #tpu.memory_space<vmem>>, vector<16xf32>,
          %parallel_loop3A_336 = arith.addf %parallel_loop3A_332, %parallel_loop3A_335 : vector<16xf32>
          %parallel_loop3A_337 = arith.constant 2.000000e-01 : f32
          %parallel_loop3A_338 = vector.broadcast %parallel_loop3A_337 : f32 to vector<16xf32>
          %parallel_loop3A_339 = arith.mulf %parallel_loop3A_338, %parallel_loop3A_336 : vector<16xf32>
          %parallel_loop3A_340 = arith.maximumf %parallel_loop3A_336, %parallel_loop3A_339 : vector<16xf32>
          %parallel_loop3A_341 = arith.mulf %parallel_loop3A_340, %get3A_9 : vector<16xf32>
          %parallel_loop3A_342 = arith.index_cast %parallel_loop3A_281 : i32 to index
          %parallel_loop3A_343 = arith.constant 80 : index
          %parallel_loop3A_344 = tpu.vector_load %arg13[%parallel_loop3A_342, %parallel_loop3A_343] {strides = array<i32>} : memref<80x128xf32, #tpu.memory_space<vmem>>, vector<16xf32>,
          %parallel_loop3A_345 = arith.index_cast %parallel_loop3A_281 : i32 to index
          %parallel_loop3A_346 = arith.constant 80 : index
          %parallel_loop3A_347 = tpu.vector_load %arg15[%parallel_loop3A_345, %parallel_loop3A_346] {strides = array<i32>} : memref<80x128xf32, #tpu.memory_space<vmem>>, vector<16xf32>,
          %parallel_loop3A_348 = arith.addf %parallel_loop3A_344, %parallel_loop3A_347 : vector<16xf32>
          %parallel_loop3A_349 = arith.constant 2.000000e-01 : f32
          %parallel_loop3A_350 = vector.broadcast %parallel_loop3A_349 : f32 to vector<16xf32>
          %parallel_loop3A_351 = arith.mulf %parallel_loop3A_350, %parallel_loop3A_348 : vector<16xf32>
          %parallel_loop3A_352 = arith.maximumf %parallel_loop3A_348, %parallel_loop3A_351 : vector<16xf32>
          %parallel_loop3A_353 = arith.mulf %parallel_loop3A_352, %get3A_11 : vector<16xf32>
          %parallel_loop3A_354 = arith.index_cast %parallel_loop3A_281 : i32 to index
          %parallel_loop3A_355 = arith.constant 96 : index
          %parallel_loop3A_356 = tpu.vector_load %arg13[%parallel_loop3A_354, %parallel_loop3A_355] {strides = array<i32>} : memref<80x128xf32, #tpu.memory_space<vmem>>, vector<16xf32>,
          %parallel_loop3A_357 = arith.index_cast %parallel_loop3A_281 : i32 to index
          %parallel_loop3A_358 = arith.constant 96 : index
          %parallel_loop3A_359 = tpu.vector_load %arg15[%parallel_loop3A_357, %parallel_loop3A_358] {strides = array<i32>} : memref<80x128xf32, #tpu.memory_space<vmem>>, vector<16xf32>,
          %parallel_loop3A_360 = arith.addf %parallel_loop3A_356, %parallel_loop3A_359 : vector<16xf32>
          %parallel_loop3A_361 = arith.constant 2.000000e-01 : f32
          %parallel_loop3A_362 = vector.broadcast %parallel_loop3A_361 : f32 to vector<16xf32>
          %parallel_loop3A_363 = arith.mulf %parallel_loop3A_362, %parallel_loop3A_360 : vector<16xf32>
          %parallel_loop3A_364 = arith.maximumf %parallel_loop3A_360, %parallel_loop3A_363 : vector<16xf32>
          %parallel_loop3A_365 = arith.mulf %parallel_loop3A_364, %get3A_13 : vector<16xf32>
          %parallel_loop3A_366 = arith.index_cast %parallel_loop3A_281 : i32 to index
          %parallel_loop3A_367 = arith.constant 112 : index
          %parallel_loop3A_368 = tpu.vector_load %arg13[%parallel_loop3A_366, %parallel_loop3A_367] {strides = array<i32>} : memref<80x128xf32, #tpu.memory_space<vmem>>, vector<16xf32>,
          %parallel_loop3A_369 = arith.index_cast %parallel_loop3A_281 : i32 to index
          %parallel_loop3A_370 = arith.constant 112 : index
          %parallel_loop3A_371 = tpu.vector_load %arg15[%parallel_loop3A_369, %parallel_loop3A_370] {strides = array<i32>} : memref<80x128xf32, #tpu.memory_space<vmem>>, vector<16xf32>,
          %parallel_loop3A_372 = arith.addf %parallel_loop3A_368, %parallel_loop3A_371 : vector<16xf32>
          %parallel_loop3A_373 = arith.constant 2.000000e-01 : f32
          %parallel_loop3A_374 = vector.broadcast %parallel_loop3A_373 : f32 to vector<16xf32>
          %parallel_loop3A_375 = arith.mulf %parallel_loop3A_374, %parallel_loop3A_372 : vector<16xf32>
          %parallel_loop3A_376 = arith.maximumf %parallel_loop3A_372, %parallel_loop3A_375 : vector<16xf32>
          %parallel_loop3A_377 = arith.mulf %parallel_loop3A_376, %get3A_15 : vector<16xf32>
          %parallel_loop3A_378 = arith.addf %parallel_loop3A_293, %parallel_loop3A_305 : vector<16xf32>
          %parallel_loop3A_379 = arith.addf %parallel_loop3A_317, %parallel_loop3A_329 : vector<16xf32>
          %parallel_loop3A_380 = arith.addf %parallel_loop3A_378, %parallel_loop3A_379 : vector<16xf32>
          %parallel_loop3A_381 = arith.addf %parallel_loop3A_341, %parallel_loop3A_353 : vector<16xf32>
          %parallel_loop3A_382 = arith.addf %parallel_loop3A_365, %parallel_loop3A_377 : vector<16xf32>
          %parallel_loop3A_383 = arith.addf %parallel_loop3A_381, %parallel_loop3A_382 : vector<16xf32>
          %parallel_loop3A_384 = arith.addf %parallel_loop3A_380, %parallel_loop3A_383 : vector<16xf32>
          %parallel_loop3A_385 = arith.constant true
          %parallel_loop3A_386 = vector.broadcast %parallel_loop3A_385 : i1 to vector<16xi1>
          %parallel_loop3A_387 = tpu.scan <sum>, %parallel_loop3A_384 masked %parallel_loop3A_386 : vector<16xf32>, vector<16xi1> -> vector<16xf32>
          %parallel_loop3A_388 = vector.shape_cast %broadcast_in_dim3A_18 : vector<16xi32> to vector<16x1xi32>
          %parallel_loop3A_389 = vector.shape_cast %parallel_loop3A_388 : vector<16x1xi32> to vector<16xi32>
          %parallel_loop3A_390 = tpu.dynamic_gather %parallel_loop3A_387[%parallel_loop3A_389] in [0] : vector<16xf32>, vector<16xi32> -> vector<16xf32>
          %parallel_loop3A_391 = math.exp %parallel_loop3A_390 : vector<16xf32>
          %parallel_loop3A_392 = arith.mulf %parallel_loop3A_284, %parallel_loop3A_391 : vector<16xf32>
          %parallel_loop3A_393 = arith.index_cast %parallel_loop3A_281 : i32 to index
          %parallel_loop3A_394 = arith.constant 0 : index
          %parallel_loop3A_395 = tpu.vector_load %arg15[%parallel_loop3A_393, %parallel_loop3A_394] {strides = array<i32>} : memref<80x128xf32, #tpu.memory_space<vmem>>, vector<16xf32>,
          tpu.vector_store %arg15[%parallel_loop3A_393, %parallel_loop3A_394], %parallel_loop3A_392 {strides = array<i32>} : memref<80x128xf32, #tpu.memory_space<vmem>>, vector<16xf32>,
          %parallel_loop3A_396 = arith.mulf %parallel_loop3A_296, %parallel_loop3A_391 : vector<16xf32>
          %parallel_loop3A_397 = arith.index_cast %parallel_loop3A_281 : i32 to index
          %parallel_loop3A_398 = arith.constant 16 : index
          %parallel_loop3A_399 = tpu.vector_load %arg15[%parallel_loop3A_397, %parallel_loop3A_398] {strides = array<i32>} : memref<80x128xf32, #tpu.memory_space<vmem>>, vector<16xf32>,
          tpu.vector_store %arg15[%parallel_loop3A_397, %parallel_loop3A_398], %parallel_loop3A_396 {strides = array<i32>} : memref<80x128xf32, #tpu.memory_space<vmem>>, vector<16xf32>,
          %parallel_loop3A_400 = arith.mulf %parallel_loop3A_308, %parallel_loop3A_391 : vector<16xf32>
          %parallel_loop3A_401 = arith.index_cast %parallel_loop3A_281 : i32 to index
          %parallel_loop3A_402 = arith.constant 32 : index
          %parallel_loop3A_403 = tpu.vector_load %arg15[%parallel_loop3A_401, %parallel_loop3A_402] {strides = array<i32>} : memref<80x128xf32, #tpu.memory_space<vmem>>, vector<16xf32>,
          tpu.vector_store %arg15[%parallel_loop3A_401, %parallel_loop3A_402], %parallel_loop3A_400 {strides = array<i32>} : memref<80x128xf32, #tpu.memory_space<vmem>>, vector<16xf32>,
          %parallel_loop3A_404 = arith.mulf %parallel_loop3A_320, %parallel_loop3A_391 : vector<16xf32>
          %parallel_loop3A_405 = arith.index_cast %parallel_loop3A_281 : i32 to index
          %parallel_loop3A_406 = arith.constant 48 : index
          %parallel_loop3A_407 = tpu.vector_load %arg15[%parallel_loop3A_405, %parallel_loop3A_406] {strides = array<i32>} : memref<80x128xf32, #tpu.memory_space<vmem>>, vector<16xf32>,
          tpu.vector_store %arg15[%parallel_loop3A_405, %parallel_loop3A_406], %parallel_loop3A_404 {strides = array<i32>} : memref<80x128xf32, #tpu.memory_space<vmem>>, vector<16xf32>,
          %parallel_loop3A_408 = arith.mulf %parallel_loop3A_332, %parallel_loop3A_391 : vector<16xf32>
          %parallel_loop3A_409 = arith.index_cast %parallel_loop3A_281 : i32 to index
          %parallel_loop3A_410 = arith.constant 64 : index
          %parallel_loop3A_411 = tpu.vector_load %arg15[%parallel_loop3A_409, %parallel_loop3A_410] {strides = array<i32>} : memref<80x128xf32, #tpu.memory_space<vmem>>, vector<16xf32>,
          tpu.vector_store %arg15[%parallel_loop3A_409, %parallel_loop3A_410], %parallel_loop3A_408 {strides = array<i32>} : memref<80x128xf32, #tpu.memory_space<vmem>>, vector<16xf32>,
          %parallel_loop3A_412 = arith.mulf %parallel_loop3A_344, %parallel_loop3A_391 : vector<16xf32>
          %parallel_loop3A_413 = arith.index_cast %parallel_loop3A_281 : i32 to index
          %parallel_loop3A_414 = arith.constant 80 : index
          %parallel_loop3A_415 = tpu.vector_load %arg15[%parallel_loop3A_413, %parallel_loop3A_414] {strides = array<i32>} : memref<80x128xf32, #tpu.memory_space<vmem>>, vector<16xf32>,
          tpu.vector_store %arg15[%parallel_loop3A_413, %parallel_loop3A_414], %parallel_loop3A_412 {strides = array<i32>} : memref<80x128xf32, #tpu.memory_space<vmem>>, vector<16xf32>,
          %parallel_loop3A_416 = arith.mulf %parallel_loop3A_356, %parallel_loop3A_391 : vector<16xf32>
          %parallel_loop3A_417 = arith.index_cast %parallel_loop3A_281 : i32 to index
          %parallel_loop3A_418 = arith.constant 96 : index
          %parallel_loop3A_419 = tpu.vector_load %arg15[%parallel_loop3A_417, %parallel_loop3A_418] {strides = array<i32>} : memref<80x128xf32, #tpu.memory_space<vmem>>, vector<16xf32>,
          tpu.vector_store %arg15[%parallel_loop3A_417, %parallel_loop3A_418], %parallel_loop3A_416 {strides = array<i32>} : memref<80x128xf32, #tpu.memory_space<vmem>>, vector<16xf32>,
          %parallel_loop3A_420 = arith.mulf %parallel_loop3A_368, %parallel_loop3A_391 : vector<16xf32>
          %parallel_loop3A_421 = arith.index_cast %parallel_loop3A_281 : i32 to index
          %parallel_loop3A_422 = arith.constant 112 : index
          %parallel_loop3A_423 = tpu.vector_load %arg15[%parallel_loop3A_421, %parallel_loop3A_422] {strides = array<i32>} : memref<80x128xf32, #tpu.memory_space<vmem>>, vector<16xf32>,
          tpu.vector_store %arg15[%parallel_loop3A_421, %parallel_loop3A_422], %parallel_loop3A_420 {strides = array<i32>} : memref<80x128xf32, #tpu.memory_space<vmem>>, vector<16xf32>,
          %parallel_loop3A_424 = vector.broadcast %parallel_loop3A_281 : i32 to vector<16xi32>
          tpu.vector_store_idx %arg17[%parallel_loop3A_424], %parallel_loop3A_391 masked %eq3A_17 : memref<80xf32, #tpu.memory_space<vmem>>[vector<16xi32>], vector<16xf32>, vector<16xi1>
        } {sc.loop_unroll_factor = 4 : i64, sc.parallel_access}
        %run_scoped3A = arith.constant 1 : i32
        "tpu.region"() ({
          %run_scoped3A_281 = tpu.sem_alloc : memref<!tpu.dma_semaphore, #tpu.memory_space<semaphore_mem>>
          %dma_start3A_282 = arith.constant 0 : i32
          %dma_start3A_283 = tpu.memref_slice %arg9[%run_scoped3A, %dma_start3A_282] : memref<2x80xi32, #tpu.memory_space<vmem>> -> memref<1x80xi32, #tpu.memory_space<vmem>>
          %dma_start3A_284 = tpu.memref_squeeze %dma_start3A_283 : memref<1x80xi32, #tpu.memory_space<vmem>> -> memref<80xi32, #tpu.memory_space<vmem>>
          %dma_start3A_285 = arith.constant 0 : i32
          %dma_start3A_286 = arith.constant 0 : i32
          %dma_start3A_287 = tpu.memref_slice %arg18[%dma_start3A_285, %dma_start3A_286] : memref<10000x128xf32, #tpu.memory_space<vmem_shared>> -> memref<10000x128xf32, #tpu.memory_space<vmem_shared>>
          tpu.enqueue_indirect_dma source(%arg15 : memref<80x128xf32, #tpu.memory_space<vmem>>) target(%dma_start3A_287 : memref<10000x128xf32, #tpu.memory_space<vmem_shared>>) offsets(%dma_start3A_284 : memref<80xi32, #tpu.memory_space<vmem>>) semaphore(%run_scoped3A_281 : memref<!tpu.dma_semaphore, #tpu.memory_space<semaphore_mem>>) {add = true}
          %dma_wait3A_288 = arith.constant 0 : i32
          %dma_wait3A_289 = tpu.memref_slice %arg9[%run_scoped3A, %dma_wait3A_288] : memref<2x80xi32, #tpu.memory_space<vmem>> -> memref<1x80xi32, #tpu.memory_space<vmem>>
          %dma_wait3A_290 = tpu.memref_squeeze %dma_wait3A_289 : memref<1x80xi32, #tpu.memory_space<vmem>> -> memref<80xi32, #tpu.memory_space<vmem>>
          %dma_wait3A_291 = arith.constant 0 : i32
          %dma_wait3A_292 = arith.constant 0 : i32
          %dma_wait3A_293 = tpu.memref_slice %arg18[%dma_wait3A_291, %dma_wait3A_292] : memref<10000x128xf32, #tpu.memory_space<vmem_shared>> -> memref<10000x128xf32, #tpu.memory_space<vmem_shared>>
          tpu.wait_indirect_dma semaphore(%run_scoped3A_281 : memref<!tpu.dma_semaphore, #tpu.memory_space<semaphore_mem>>) src(%arg15 : memref<80x128xf32, #tpu.memory_space<vmem>>) dst(%dma_wait3A_293 : memref<10000x128xf32, #tpu.memory_space<vmem_shared>>)
          tpu.yield
        }) : () -> ()
        %run_scoped3A_266 = arith.constant 1 : i32
        "tpu.region"() ({
          %run_scoped3A_281 = tpu.sem_alloc : memref<!tpu.dma_semaphore, #tpu.memory_space<semaphore_mem>>
          %dma_start3A_282 = arith.constant 0 : i32
          %dma_start3A_283 = tpu.memref_slice %arg9[%run_scoped3A_266, %dma_start3A_282] : memref<2x80xi32, #tpu.memory_space<vmem>> -> memref<1x80xi32, #tpu.memory_space<vmem>>
          %dma_start3A_284 = tpu.memref_squeeze %dma_start3A_283 : memref<1x80xi32, #tpu.memory_space<vmem>> -> memref<80xi32, #tpu.memory_space<vmem>>
          %dma_start3A_285 = arith.constant 0 : i32
          %dma_start3A_286 = tpu.memref_slice %arg19[%dma_start3A_285] : memref<10000xf32, #tpu.memory_space<vmem_shared>> -> memref<10000xf32, #tpu.memory_space<vmem_shared>>
          tpu.enqueue_indirect_dma source(%arg17 : memref<80xf32, #tpu.memory_space<vmem>>) target(%dma_start3A_286 : memref<10000xf32, #tpu.memory_space<vmem_shared>>) offsets(%dma_start3A_284 : memref<80xi32, #tpu.memory_space<vmem>>) semaphore(%run_scoped3A_281 : memref<!tpu.dma_semaphore, #tpu.memory_space<semaphore_mem>>) {add = true}
          %dma_wait3A_287 = arith.constant 0 : i32
          %dma_wait3A_288 = tpu.memref_slice %arg9[%run_scoped3A_266, %dma_wait3A_287] : memref<2x80xi32, #tpu.memory_space<vmem>> -> memref<1x80xi32, #tpu.memory_space<vmem>>
          %dma_wait3A_289 = tpu.memref_squeeze %dma_wait3A_288 : memref<1x80xi32, #tpu.memory_space<vmem>> -> memref<80xi32, #tpu.memory_space<vmem>>
          %dma_wait3A_290 = arith.constant 0 : i32
          %dma_wait3A_291 = tpu.memref_slice %arg19[%dma_wait3A_290] : memref<10000xf32, #tpu.memory_space<vmem_shared>> -> memref<10000xf32, #tpu.memory_space<vmem_shared>>
          tpu.wait_indirect_dma semaphore(%run_scoped3A_281 : memref<!tpu.dma_semaphore, #tpu.memory_space<semaphore_mem>>) src(%arg17 : memref<80xf32, #tpu.memory_space<vmem>>) dst(%dma_wait3A_291 : memref<10000xf32, #tpu.memory_space<vmem_shared>>)
          tpu.yield
        }) : () -> ()
        %add3A_267 = arith.constant 2 : i32
        %add3A_268 = arith.addi %add3A_220, %add3A_267 : i32
        %lt3A_269 = arith.constant 125 : i32
        %lt3A_270 = arith.cmpi slt, %add3A_268, %lt3A_269 : i32
        %convert_element_type3A_271 = arith.extui %lt3A_270 : i1 to i32
        %cond3A_272 = arith.constant 0 : i32
        %cond3A_273 = arith.cmpi ne, %convert_element_type3A_271, %cond3A_272 : i32
        scf.if %cond3A_273 {
          %dma_wait3A_281 = arith.constant 0 : i32
          %dma_wait3A_282 = arith.constant 0 : i32
          %dma_wait3A_283 = arith.constant 0 : i32
          %dma_wait3A_284 = tpu.memref_slice %arg4[%dma_wait3A_281, %dma_wait3A_282, %dma_wait3A_283] : memref<4000x2x80xi32, #tpu.memory_space<hbm>> -> memref<1x2x80xi32, #tpu.memory_space<hbm>>
          %dma_wait3A_285 = tpu.memref_squeeze %dma_wait3A_284 : memref<1x2x80xi32, #tpu.memory_space<hbm>> -> memref<2x80xi32, #tpu.memory_space<hbm>>
          %dma_wait3A_286 = arith.constant 0 : i32
          %dma_wait3A_287 = arith.constant 0 : i32
          %dma_wait3A_288 = tpu.memref_slice %arg4[%dma_wait3A_281, %dma_wait3A_286, %dma_wait3A_287] : memref<4000x2x80xi32, #tpu.memory_space<hbm>> -> memref<1x2x80xi32, #tpu.memory_space<hbm>>
          %dma_wait3A_289 = tpu.memref_squeeze %dma_wait3A_288 : memref<1x2x80xi32, #tpu.memory_space<hbm>> -> memref<2x80xi32, #tpu.memory_space<hbm>>
          tpu.wait_dma2 semaphore(%arg26 : memref<!tpu.dma_semaphore, #tpu.memory_space<semaphore_mem>>) src(%dma_wait3A_289 : memref<2x80xi32, #tpu.memory_space<hbm>>) dst(%arg11 : memref<2x80xi32, #tpu.memory_space<vmem>>)
          %add3A_290 = arith.constant 2 : i32
          %add3A_291 = arith.addi %add3A_220, %add3A_290 : i32
          %dma_start3A_292 = arith.constant 0 : i32
          %dma_start3A_293 = arith.constant 0 : i32
          %dma_start3A_294 = tpu.memref_slice %arg11[%dma_start3A_292, %dma_start3A_293] : memref<2x80xi32, #tpu.memory_space<vmem>> -> memref<1x80xi32, #tpu.memory_space<vmem>>
          %dma_start3A_295 = tpu.memref_squeeze %dma_start3A_294 : memref<1x80xi32, #tpu.memory_space<vmem>> -> memref<80xi32, #tpu.memory_space<vmem>>
          %dma_start3A_296 = arith.constant 0 : i32
          %dma_start3A_297 = arith.constant 0 : i32
          %dma_start3A_298 = tpu.memref_slice %arg2[%dma_start3A_296, %dma_start3A_297] : memref<10000x128xf32, #tpu.memory_space<hbm>> -> memref<10000x128xf32, #tpu.memory_space<hbm>>
          tpu.enqueue_indirect_dma source(%dma_start3A_298 : memref<10000x128xf32, #tpu.memory_space<hbm>>) target(%arg13 : memref<80x128xf32, #tpu.memory_space<vmem>>) offsets(%dma_start3A_295 : memref<80xi32, #tpu.memory_space<vmem>>) semaphore(%arg20 : memref<!tpu.dma_semaphore, #tpu.memory_space<semaphore_mem>>)
          %dma_start3A_299 = arith.constant 1 : i32
          %dma_start3A_300 = arith.constant 0 : i32
          %dma_start3A_301 = tpu.memref_slice %arg11[%dma_start3A_299, %dma_start3A_300] : memref<2x80xi32, #tpu.memory_space<vmem>> -> memref<1x80xi32, #tpu.memory_space<vmem>>
          %dma_start3A_302 = tpu.memref_squeeze %dma_start3A_301 : memref<1x80xi32, #tpu.memory_space<vmem>> -> memref<80xi32, #tpu.memory_space<vmem>>
          %dma_start3A_303 = arith.constant 0 : i32
          %dma_start3A_304 = arith.constant 0 : i32
          %dma_start3A_305 = tpu.memref_slice %arg3[%dma_start3A_303, %dma_start3A_304] : memref<10000x128xf32, #tpu.memory_space<hbm>> -> memref<10000x128xf32, #tpu.memory_space<hbm>>
          tpu.enqueue_indirect_dma source(%dma_start3A_305 : memref<10000x128xf32, #tpu.memory_space<hbm>>) target(%arg15 : memref<80x128xf32, #tpu.memory_space<vmem>>) offsets(%dma_start3A_302 : memref<80xi32, #tpu.memory_space<vmem>>) semaphore(%arg22 : memref<!tpu.dma_semaphore, #tpu.memory_space<semaphore_mem>>)
        } else {
        }
        %add3A_274 = arith.constant 4 : i32
        %add3A_275 = arith.addi %add3A_220, %add3A_274 : i32
        %lt3A_276 = arith.constant 125 : i32
        %lt3A_277 = arith.cmpi slt, %add3A_275, %lt3A_276 : i32
        %convert_element_type3A_278 = arith.extui %lt3A_277 : i1 to i32
        %cond3A_279 = arith.constant 0 : i32
        %cond3A_280 = arith.cmpi ne, %convert_element_type3A_278, %cond3A_279 : i32
        scf.if %cond3A_280 {
          %add3A_281 = arith.constant 4 : i32
          %add3A_282 = arith.addi %add3A_220, %add3A_281 : i32
          %add3A_283 = arith.addi %mul3A_100, %add3A_282 : i32
          %dma_start3A_284 = arith.constant 0 : i32
          %dma_start3A_285 = arith.constant 0 : i32
          %dma_start3A_286 = tpu.memref_slice %arg4[%add3A_283, %dma_start3A_284, %dma_start3A_285] : memref<4000x2x80xi32, #tpu.memory_space<hbm>> -> memref<1x2x80xi32, #tpu.memory_space<hbm>>
          %dma_start3A_287 = tpu.memref_squeeze %dma_start3A_286 : memref<1x2x80xi32, #tpu.memory_space<hbm>> -> memref<2x80xi32, #tpu.memory_space<hbm>>
          %dma_start3A_288 = arith.constant 0 : i32
          %dma_start3A_289 = arith.constant 0 : i32
          %dma_start3A_290 = tpu.memref_slice %arg4[%add3A_283, %dma_start3A_288, %dma_start3A_289] : memref<4000x2x80xi32, #tpu.memory_space<hbm>> -> memref<1x2x80xi32, #tpu.memory_space<hbm>>
          %dma_start3A_291 = tpu.memref_squeeze %dma_start3A_290 : memref<1x2x80xi32, #tpu.memory_space<hbm>> -> memref<2x80xi32, #tpu.memory_space<hbm>>
          tpu.enqueue_dma source(%dma_start3A_291 : memref<2x80xi32, #tpu.memory_space<hbm>>) target(%arg9 : memref<2x80xi32, #tpu.memory_space<vmem>>) target_semaphore(%arg24 : memref<!tpu.dma_semaphore, #tpu.memory_space<semaphore_mem>>)
        } else {
        }
      } else {
      }
      %mul3A_223 = arith.constant 4 : i32
      %mul3A_224 = arith.muli %mul3A_223, %scan3A_216 : i32
      %add3A_225 = arith.constant 1 : i32
      %add3A_226 = arith.addi %mul3A_224, %add3A_225 : i32
      %lt3A_227 = arith.constant 125 : i32
      %lt3A_228 = arith.cmpi slt, %add3A_226, %lt3A_227 : i32
      %convert_element_type3A_229 = arith.extui %lt3A_228 : i1 to i32
      %cond3A_230 = arith.constant 0 : i32
      %cond3A_231 = arith.cmpi ne, %convert_element_type3A_229, %cond3A_230 : i32
      scf.if %cond3A_231 {
        %dma_wait3A_250 = arith.constant 0 : i32
        %dma_wait3A_251 = arith.constant 0 : i32
        %dma_wait3A_252 = tpu.memref_slice %arg10[%dma_wait3A_250, %dma_wait3A_251] : memref<2x80xi32, #tpu.memory_space<vmem>> -> memref<1x80xi32, #tpu.memory_space<vmem>>
        %dma_wait3A_253 = tpu.memref_squeeze %dma_wait3A_252 : memref<1x80xi32, #tpu.memory_space<vmem>> -> memref<80xi32, #tpu.memory_space<vmem>>
        %dma_wait3A_254 = arith.constant 0 : i32
        %dma_wait3A_255 = arith.constant 0 : i32
        %dma_wait3A_256 = tpu.memref_slice %arg2[%dma_wait3A_254, %dma_wait3A_255] : memref<10000x128xf32, #tpu.memory_space<hbm>> -> memref<10000x128xf32, #tpu.memory_space<hbm>>
        tpu.wait_indirect_dma semaphore(%arg21 : memref<!tpu.dma_semaphore, #tpu.memory_space<semaphore_mem>>) src(%dma_wait3A_256 : memref<10000x128xf32, #tpu.memory_space<hbm>>) dst(%arg14 : memref<80x128xf32, #tpu.memory_space<vmem>>)
        %dma_wait3A_257 = arith.constant 1 : i32
        %dma_wait3A_258 = arith.constant 0 : i32
        %dma_wait3A_259 = tpu.memref_slice %arg10[%dma_wait3A_257, %dma_wait3A_258] : memref<2x80xi32, #tpu.memory_space<vmem>> -> memref<1x80xi32, #tpu.memory_space<vmem>>
        %dma_wait3A_260 = tpu.memref_squeeze %dma_wait3A_259 : memref<1x80xi32, #tpu.memory_space<vmem>> -> memref<80xi32, #tpu.memory_space<vmem>>
        %dma_wait3A_261 = arith.constant 0 : i32
        %dma_wait3A_262 = arith.constant 0 : i32
        %dma_wait3A_263 = tpu.memref_slice %arg3[%dma_wait3A_261, %dma_wait3A_262] : memref<10000x128xf32, #tpu.memory_space<hbm>> -> memref<10000x128xf32, #tpu.memory_space<hbm>>
        tpu.wait_indirect_dma semaphore(%arg23 : memref<!tpu.dma_semaphore, #tpu.memory_space<semaphore_mem>>) src(%dma_wait3A_263 : memref<10000x128xf32, #tpu.memory_space<hbm>>) dst(%arg16 : memref<80x128xf32, #tpu.memory_space<vmem>>)
        %parallel_loop3A = arith.constant 0 : i32
        %parallel_loop3A_264 = arith.constant 80 : i32
        %parallel_loop3A_265 = arith.constant 1 : i32
        scf.for %parallel_loop3A_281 = %parallel_loop3A to %parallel_loop3A_264 step %parallel_loop3A_265  : i32 {
          %parallel_loop3A_282 = arith.index_cast %parallel_loop3A_281 : i32 to index
          %parallel_loop3A_283 = arith.constant 0 : index
          %parallel_loop3A_284 = tpu.vector_load %arg14[%parallel_loop3A_282, %parallel_loop3A_283] {strides = array<i32>} : memref<80x128xf32, #tpu.memory_space<vmem>>, vector<16xf32>,
          %parallel_loop3A_285 = arith.index_cast %parallel_loop3A_281 : i32 to index
          %parallel_loop3A_286 = arith.constant 0 : index
          %parallel_loop3A_287 = tpu.vector_load %arg16[%parallel_loop3A_285, %parallel_loop3A_286] {strides = array<i32>} : memref<80x128xf32, #tpu.memory_space<vmem>>, vector<16xf32>,
          %parallel_loop3A_288 = arith.addf %parallel_loop3A_284, %parallel_loop3A_287 : vector<16xf32>
          %parallel_loop3A_289 = arith.constant 2.000000e-01 : f32
          %parallel_loop3A_290 = vector.broadcast %parallel_loop3A_289 : f32 to vector<16xf32>
          %parallel_loop3A_291 = arith.mulf %parallel_loop3A_290, %parallel_loop3A_288 : vector<16xf32>
          %parallel_loop3A_292 = arith.maximumf %parallel_loop3A_288, %parallel_loop3A_291 : vector<16xf32>
          %parallel_loop3A_293 = arith.mulf %parallel_loop3A_292, %get3A_1 : vector<16xf32>
          %parallel_loop3A_294 = arith.index_cast %parallel_loop3A_281 : i32 to index
          %parallel_loop3A_295 = arith.constant 16 : index
          %parallel_loop3A_296 = tpu.vector_load %arg14[%parallel_loop3A_294, %parallel_loop3A_295] {strides = array<i32>} : memref<80x128xf32, #tpu.memory_space<vmem>>, vector<16xf32>,
          %parallel_loop3A_297 = arith.index_cast %parallel_loop3A_281 : i32 to index
          %parallel_loop3A_298 = arith.constant 16 : index
          %parallel_loop3A_299 = tpu.vector_load %arg16[%parallel_loop3A_297, %parallel_loop3A_298] {strides = array<i32>} : memref<80x128xf32, #tpu.memory_space<vmem>>, vector<16xf32>,
          %parallel_loop3A_300 = arith.addf %parallel_loop3A_296, %parallel_loop3A_299 : vector<16xf32>
          %parallel_loop3A_301 = arith.constant 2.000000e-01 : f32
          %parallel_loop3A_302 = vector.broadcast %parallel_loop3A_301 : f32 to vector<16xf32>
          %parallel_loop3A_303 = arith.mulf %parallel_loop3A_302, %parallel_loop3A_300 : vector<16xf32>
          %parallel_loop3A_304 = arith.maximumf %parallel_loop3A_300, %parallel_loop3A_303 : vector<16xf32>
          %parallel_loop3A_305 = arith.mulf %parallel_loop3A_304, %get3A_3 : vector<16xf32>
          %parallel_loop3A_306 = arith.index_cast %parallel_loop3A_281 : i32 to index
          %parallel_loop3A_307 = arith.constant 32 : index
          %parallel_loop3A_308 = tpu.vector_load %arg14[%parallel_loop3A_306, %parallel_loop3A_307] {strides = array<i32>} : memref<80x128xf32, #tpu.memory_space<vmem>>, vector<16xf32>,
          %parallel_loop3A_309 = arith.index_cast %parallel_loop3A_281 : i32 to index
          %parallel_loop3A_310 = arith.constant 32 : index
          %parallel_loop3A_311 = tpu.vector_load %arg16[%parallel_loop3A_309, %parallel_loop3A_310] {strides = array<i32>} : memref<80x128xf32, #tpu.memory_space<vmem>>, vector<16xf32>,
          %parallel_loop3A_312 = arith.addf %parallel_loop3A_308, %parallel_loop3A_311 : vector<16xf32>
          %parallel_loop3A_313 = arith.constant 2.000000e-01 : f32
          %parallel_loop3A_314 = vector.broadcast %parallel_loop3A_313 : f32 to vector<16xf32>
          %parallel_loop3A_315 = arith.mulf %parallel_loop3A_314, %parallel_loop3A_312 : vector<16xf32>
          %parallel_loop3A_316 = arith.maximumf %parallel_loop3A_312, %parallel_loop3A_315 : vector<16xf32>
          %parallel_loop3A_317 = arith.mulf %parallel_loop3A_316, %get3A_5 : vector<16xf32>
          %parallel_loop3A_318 = arith.index_cast %parallel_loop3A_281 : i32 to index
          %parallel_loop3A_319 = arith.constant 48 : index
          %parallel_loop3A_320 = tpu.vector_load %arg14[%parallel_loop3A_318, %parallel_loop3A_319] {strides = array<i32>} : memref<80x128xf32, #tpu.memory_space<vmem>>, vector<16xf32>,
          %parallel_loop3A_321 = arith.index_cast %parallel_loop3A_281 : i32 to index
          %parallel_loop3A_322 = arith.constant 48 : index
          %parallel_loop3A_323 = tpu.vector_load %arg16[%parallel_loop3A_321, %parallel_loop3A_322] {strides = array<i32>} : memref<80x128xf32, #tpu.memory_space<vmem>>, vector<16xf32>,
          %parallel_loop3A_324 = arith.addf %parallel_loop3A_320, %parallel_loop3A_323 : vector<16xf32>
          %parallel_loop3A_325 = arith.constant 2.000000e-01 : f32
          %parallel_loop3A_326 = vector.broadcast %parallel_loop3A_325 : f32 to vector<16xf32>
          %parallel_loop3A_327 = arith.mulf %parallel_loop3A_326, %parallel_loop3A_324 : vector<16xf32>
          %parallel_loop3A_328 = arith.maximumf %parallel_loop3A_324, %parallel_loop3A_327 : vector<16xf32>
          %parallel_loop3A_329 = arith.mulf %parallel_loop3A_328, %get3A_7 : vector<16xf32>
          %parallel_loop3A_330 = arith.index_cast %parallel_loop3A_281 : i32 to index
          %parallel_loop3A_331 = arith.constant 64 : index
          %parallel_loop3A_332 = tpu.vector_load %arg14[%parallel_loop3A_330, %parallel_loop3A_331] {strides = array<i32>} : memref<80x128xf32, #tpu.memory_space<vmem>>, vector<16xf32>,
          %parallel_loop3A_333 = arith.index_cast %parallel_loop3A_281 : i32 to index
          %parallel_loop3A_334 = arith.constant 64 : index
          %parallel_loop3A_335 = tpu.vector_load %arg16[%parallel_loop3A_333, %parallel_loop3A_334] {strides = array<i32>} : memref<80x128xf32, #tpu.memory_space<vmem>>, vector<16xf32>,
          %parallel_loop3A_336 = arith.addf %parallel_loop3A_332, %parallel_loop3A_335 : vector<16xf32>
          %parallel_loop3A_337 = arith.constant 2.000000e-01 : f32
          %parallel_loop3A_338 = vector.broadcast %parallel_loop3A_337 : f32 to vector<16xf32>
          %parallel_loop3A_339 = arith.mulf %parallel_loop3A_338, %parallel_loop3A_336 : vector<16xf32>
          %parallel_loop3A_340 = arith.maximumf %parallel_loop3A_336, %parallel_loop3A_339 : vector<16xf32>
          %parallel_loop3A_341 = arith.mulf %parallel_loop3A_340, %get3A_9 : vector<16xf32>
          %parallel_loop3A_342 = arith.index_cast %parallel_loop3A_281 : i32 to index
          %parallel_loop3A_343 = arith.constant 80 : index
          %parallel_loop3A_344 = tpu.vector_load %arg14[%parallel_loop3A_342, %parallel_loop3A_343] {strides = array<i32>} : memref<80x128xf32, #tpu.memory_space<vmem>>, vector<16xf32>,
          %parallel_loop3A_345 = arith.index_cast %parallel_loop3A_281 : i32 to index
          %parallel_loop3A_346 = arith.constant 80 : index
          %parallel_loop3A_347 = tpu.vector_load %arg16[%parallel_loop3A_345, %parallel_loop3A_346] {strides = array<i32>} : memref<80x128xf32, #tpu.memory_space<vmem>>, vector<16xf32>,
          %parallel_loop3A_348 = arith.addf %parallel_loop3A_344, %parallel_loop3A_347 : vector<16xf32>
          %parallel_loop3A_349 = arith.constant 2.000000e-01 : f32
          %parallel_loop3A_350 = vector.broadcast %parallel_loop3A_349 : f32 to vector<16xf32>
          %parallel_loop3A_351 = arith.mulf %parallel_loop3A_350, %parallel_loop3A_348 : vector<16xf32>
          %parallel_loop3A_352 = arith.maximumf %parallel_loop3A_348, %parallel_loop3A_351 : vector<16xf32>
          %parallel_loop3A_353 = arith.mulf %parallel_loop3A_352, %get3A_11 : vector<16xf32>
          %parallel_loop3A_354 = arith.index_cast %parallel_loop3A_281 : i32 to index
          %parallel_loop3A_355 = arith.constant 96 : index
          %parallel_loop3A_356 = tpu.vector_load %arg14[%parallel_loop3A_354, %parallel_loop3A_355] {strides = array<i32>} : memref<80x128xf32, #tpu.memory_space<vmem>>, vector<16xf32>,
          %parallel_loop3A_357 = arith.index_cast %parallel_loop3A_281 : i32 to index
          %parallel_loop3A_358 = arith.constant 96 : index
          %parallel_loop3A_359 = tpu.vector_load %arg16[%parallel_loop3A_357, %parallel_loop3A_358] {strides = array<i32>} : memref<80x128xf32, #tpu.memory_space<vmem>>, vector<16xf32>,
          %parallel_loop3A_360 = arith.addf %parallel_loop3A_356, %parallel_loop3A_359 : vector<16xf32>
          %parallel_loop3A_361 = arith.constant 2.000000e-01 : f32
          %parallel_loop3A_362 = vector.broadcast %parallel_loop3A_361 : f32 to vector<16xf32>
          %parallel_loop3A_363 = arith.mulf %parallel_loop3A_362, %parallel_loop3A_360 : vector<16xf32>
          %parallel_loop3A_364 = arith.maximumf %parallel_loop3A_360, %parallel_loop3A_363 : vector<16xf32>
          %parallel_loop3A_365 = arith.mulf %parallel_loop3A_364, %get3A_13 : vector<16xf32>
          %parallel_loop3A_366 = arith.index_cast %parallel_loop3A_281 : i32 to index
          %parallel_loop3A_367 = arith.constant 112 : index
          %parallel_loop3A_368 = tpu.vector_load %arg14[%parallel_loop3A_366, %parallel_loop3A_367] {strides = array<i32>} : memref<80x128xf32, #tpu.memory_space<vmem>>, vector<16xf32>,
          %parallel_loop3A_369 = arith.index_cast %parallel_loop3A_281 : i32 to index
          %parallel_loop3A_370 = arith.constant 112 : index
          %parallel_loop3A_371 = tpu.vector_load %arg16[%parallel_loop3A_369, %parallel_loop3A_370] {strides = array<i32>} : memref<80x128xf32, #tpu.memory_space<vmem>>, vector<16xf32>,
          %parallel_loop3A_372 = arith.addf %parallel_loop3A_368, %parallel_loop3A_371 : vector<16xf32>
          %parallel_loop3A_373 = arith.constant 2.000000e-01 : f32
          %parallel_loop3A_374 = vector.broadcast %parallel_loop3A_373 : f32 to vector<16xf32>
          %parallel_loop3A_375 = arith.mulf %parallel_loop3A_374, %parallel_loop3A_372 : vector<16xf32>
          %parallel_loop3A_376 = arith.maximumf %parallel_loop3A_372, %parallel_loop3A_375 : vector<16xf32>
          %parallel_loop3A_377 = arith.mulf %parallel_loop3A_376, %get3A_15 : vector<16xf32>
          %parallel_loop3A_378 = arith.addf %parallel_loop3A_293, %parallel_loop3A_305 : vector<16xf32>
          %parallel_loop3A_379 = arith.addf %parallel_loop3A_317, %parallel_loop3A_329 : vector<16xf32>
          %parallel_loop3A_380 = arith.addf %parallel_loop3A_378, %parallel_loop3A_379 : vector<16xf32>
          %parallel_loop3A_381 = arith.addf %parallel_loop3A_341, %parallel_loop3A_353 : vector<16xf32>
          %parallel_loop3A_382 = arith.addf %parallel_loop3A_365, %parallel_loop3A_377 : vector<16xf32>
          %parallel_loop3A_383 = arith.addf %parallel_loop3A_381, %parallel_loop3A_382 : vector<16xf32>
          %parallel_loop3A_384 = arith.addf %parallel_loop3A_380, %parallel_loop3A_383 : vector<16xf32>
          %parallel_loop3A_385 = arith.constant true
          %parallel_loop3A_386 = vector.broadcast %parallel_loop3A_385 : i1 to vector<16xi1>
          %parallel_loop3A_387 = tpu.scan <sum>, %parallel_loop3A_384 masked %parallel_loop3A_386 : vector<16xf32>, vector<16xi1> -> vector<16xf32>
          %parallel_loop3A_388 = vector.shape_cast %broadcast_in_dim3A_18 : vector<16xi32> to vector<16x1xi32>
          %parallel_loop3A_389 = vector.shape_cast %parallel_loop3A_388 : vector<16x1xi32> to vector<16xi32>
          %parallel_loop3A_390 = tpu.dynamic_gather %parallel_loop3A_387[%parallel_loop3A_389] in [0] : vector<16xf32>, vector<16xi32> -> vector<16xf32>
          %parallel_loop3A_391 = math.exp %parallel_loop3A_390 : vector<16xf32>
          %parallel_loop3A_392 = arith.mulf %parallel_loop3A_284, %parallel_loop3A_391 : vector<16xf32>
          %parallel_loop3A_393 = arith.index_cast %parallel_loop3A_281 : i32 to index
          %parallel_loop3A_394 = arith.constant 0 : index
          %parallel_loop3A_395 = tpu.vector_load %arg16[%parallel_loop3A_393, %parallel_loop3A_394] {strides = array<i32>} : memref<80x128xf32, #tpu.memory_space<vmem>>, vector<16xf32>,
          tpu.vector_store %arg16[%parallel_loop3A_393, %parallel_loop3A_394], %parallel_loop3A_392 {strides = array<i32>} : memref<80x128xf32, #tpu.memory_space<vmem>>, vector<16xf32>,
          %parallel_loop3A_396 = arith.mulf %parallel_loop3A_296, %parallel_loop3A_391 : vector<16xf32>
          %parallel_loop3A_397 = arith.index_cast %parallel_loop3A_281 : i32 to index
          %parallel_loop3A_398 = arith.constant 16 : index
          %parallel_loop3A_399 = tpu.vector_load %arg16[%parallel_loop3A_397, %parallel_loop3A_398] {strides = array<i32>} : memref<80x128xf32, #tpu.memory_space<vmem>>, vector<16xf32>,
          tpu.vector_store %arg16[%parallel_loop3A_397, %parallel_loop3A_398], %parallel_loop3A_396 {strides = array<i32>} : memref<80x128xf32, #tpu.memory_space<vmem>>, vector<16xf32>,
          %parallel_loop3A_400 = arith.mulf %parallel_loop3A_308, %parallel_loop3A_391 : vector<16xf32>
          %parallel_loop3A_401 = arith.index_cast %parallel_loop3A_281 : i32 to index
          %parallel_loop3A_402 = arith.constant 32 : index
          %parallel_loop3A_403 = tpu.vector_load %arg16[%parallel_loop3A_401, %parallel_loop3A_402] {strides = array<i32>} : memref<80x128xf32, #tpu.memory_space<vmem>>, vector<16xf32>,
          tpu.vector_store %arg16[%parallel_loop3A_401, %parallel_loop3A_402], %parallel_loop3A_400 {strides = array<i32>} : memref<80x128xf32, #tpu.memory_space<vmem>>, vector<16xf32>,
          %parallel_loop3A_404 = arith.mulf %parallel_loop3A_320, %parallel_loop3A_391 : vector<16xf32>
          %parallel_loop3A_405 = arith.index_cast %parallel_loop3A_281 : i32 to index
          %parallel_loop3A_406 = arith.constant 48 : index
          %parallel_loop3A_407 = tpu.vector_load %arg16[%parallel_loop3A_405, %parallel_loop3A_406] {strides = array<i32>} : memref<80x128xf32, #tpu.memory_space<vmem>>, vector<16xf32>,
          tpu.vector_store %arg16[%parallel_loop3A_405, %parallel_loop3A_406], %parallel_loop3A_404 {strides = array<i32>} : memref<80x128xf32, #tpu.memory_space<vmem>>, vector<16xf32>,
          %parallel_loop3A_408 = arith.mulf %parallel_loop3A_332, %parallel_loop3A_391 : vector<16xf32>
          %parallel_loop3A_409 = arith.index_cast %parallel_loop3A_281 : i32 to index
          %parallel_loop3A_410 = arith.constant 64 : index
          %parallel_loop3A_411 = tpu.vector_load %arg16[%parallel_loop3A_409, %parallel_loop3A_410] {strides = array<i32>} : memref<80x128xf32, #tpu.memory_space<vmem>>, vector<16xf32>,
          tpu.vector_store %arg16[%parallel_loop3A_409, %parallel_loop3A_410], %parallel_loop3A_408 {strides = array<i32>} : memref<80x128xf32, #tpu.memory_space<vmem>>, vector<16xf32>,
          %parallel_loop3A_412 = arith.mulf %parallel_loop3A_344, %parallel_loop3A_391 : vector<16xf32>
          %parallel_loop3A_413 = arith.index_cast %parallel_loop3A_281 : i32 to index
          %parallel_loop3A_414 = arith.constant 80 : index
          %parallel_loop3A_415 = tpu.vector_load %arg16[%parallel_loop3A_413, %parallel_loop3A_414] {strides = array<i32>} : memref<80x128xf32, #tpu.memory_space<vmem>>, vector<16xf32>,
          tpu.vector_store %arg16[%parallel_loop3A_413, %parallel_loop3A_414], %parallel_loop3A_412 {strides = array<i32>} : memref<80x128xf32, #tpu.memory_space<vmem>>, vector<16xf32>,
          %parallel_loop3A_416 = arith.mulf %parallel_loop3A_356, %parallel_loop3A_391 : vector<16xf32>
          %parallel_loop3A_417 = arith.index_cast %parallel_loop3A_281 : i32 to index
          %parallel_loop3A_418 = arith.constant 96 : index
          %parallel_loop3A_419 = tpu.vector_load %arg16[%parallel_loop3A_417, %parallel_loop3A_418] {strides = array<i32>} : memref<80x128xf32, #tpu.memory_space<vmem>>, vector<16xf32>,
          tpu.vector_store %arg16[%parallel_loop3A_417, %parallel_loop3A_418], %parallel_loop3A_416 {strides = array<i32>} : memref<80x128xf32, #tpu.memory_space<vmem>>, vector<16xf32>,
          %parallel_loop3A_420 = arith.mulf %parallel_loop3A_368, %parallel_loop3A_391 : vector<16xf32>
          %parallel_loop3A_421 = arith.index_cast %parallel_loop3A_281 : i32 to index
          %parallel_loop3A_422 = arith.constant 112 : index
          %parallel_loop3A_423 = tpu.vector_load %arg16[%parallel_loop3A_421, %parallel_loop3A_422] {strides = array<i32>} : memref<80x128xf32, #tpu.memory_space<vmem>>, vector<16xf32>,
          tpu.vector_store %arg16[%parallel_loop3A_421, %parallel_loop3A_422], %parallel_loop3A_420 {strides = array<i32>} : memref<80x128xf32, #tpu.memory_space<vmem>>, vector<16xf32>,
          %parallel_loop3A_424 = vector.broadcast %parallel_loop3A_281 : i32 to vector<16xi32>
          tpu.vector_store_idx %arg17[%parallel_loop3A_424], %parallel_loop3A_391 masked %eq3A_17 : memref<80xf32, #tpu.memory_space<vmem>>[vector<16xi32>], vector<16xf32>, vector<16xi1>
        } {sc.loop_unroll_factor = 4 : i64, sc.parallel_access}
        %run_scoped3A = arith.constant 1 : i32
        "tpu.region"() ({
          %run_scoped3A_281 = tpu.sem_alloc : memref<!tpu.dma_semaphore, #tpu.memory_space<semaphore_mem>>
          %dma_start3A_282 = arith.constant 0 : i32
          %dma_start3A_283 = tpu.memref_slice %arg10[%run_scoped3A, %dma_start3A_282] : memref<2x80xi32, #tpu.memory_space<vmem>> -> memref<1x80xi32, #tpu.memory_space<vmem>>
          %dma_start3A_284 = tpu.memref_squeeze %dma_start3A_283 : memref<1x80xi32, #tpu.memory_space<vmem>> -> memref<80xi32, #tpu.memory_space<vmem>>
          %dma_start3A_285 = arith.constant 0 : i32
          %dma_start3A_286 = arith.constant 0 : i32
          %dma_start3A_287 = tpu.memref_slice %arg18[%dma_start3A_285, %dma_start3A_286] : memref<10000x128xf32, #tpu.memory_space<vmem_shared>> -> memref<10000x128xf32, #tpu.memory_space<vmem_shared>>
          tpu.enqueue_indirect_dma source(%arg16 : memref<80x128xf32, #tpu.memory_space<vmem>>) target(%dma_start3A_287 : memref<10000x128xf32, #tpu.memory_space<vmem_shared>>) offsets(%dma_start3A_284 : memref<80xi32, #tpu.memory_space<vmem>>) semaphore(%run_scoped3A_281 : memref<!tpu.dma_semaphore, #tpu.memory_space<semaphore_mem>>) {add = true}
          %dma_wait3A_288 = arith.constant 0 : i32
          %dma_wait3A_289 = tpu.memref_slice %arg10[%run_scoped3A, %dma_wait3A_288] : memref<2x80xi32, #tpu.memory_space<vmem>> -> memref<1x80xi32, #tpu.memory_space<vmem>>
          %dma_wait3A_290 = tpu.memref_squeeze %dma_wait3A_289 : memref<1x80xi32, #tpu.memory_space<vmem>> -> memref<80xi32, #tpu.memory_space<vmem>>
          %dma_wait3A_291 = arith.constant 0 : i32
          %dma_wait3A_292 = arith.constant 0 : i32
          %dma_wait3A_293 = tpu.memref_slice %arg18[%dma_wait3A_291, %dma_wait3A_292] : memref<10000x128xf32, #tpu.memory_space<vmem_shared>> -> memref<10000x128xf32, #tpu.memory_space<vmem_shared>>
          tpu.wait_indirect_dma semaphore(%run_scoped3A_281 : memref<!tpu.dma_semaphore, #tpu.memory_space<semaphore_mem>>) src(%arg16 : memref<80x128xf32, #tpu.memory_space<vmem>>) dst(%dma_wait3A_293 : memref<10000x128xf32, #tpu.memory_space<vmem_shared>>)
          tpu.yield
        }) : () -> ()
        %run_scoped3A_266 = arith.constant 1 : i32
        "tpu.region"() ({
          %run_scoped3A_281 = tpu.sem_alloc : memref<!tpu.dma_semaphore, #tpu.memory_space<semaphore_mem>>
          %dma_start3A_282 = arith.constant 0 : i32
          %dma_start3A_283 = tpu.memref_slice %arg10[%run_scoped3A_266, %dma_start3A_282] : memref<2x80xi32, #tpu.memory_space<vmem>> -> memref<1x80xi32, #tpu.memory_space<vmem>>
          %dma_start3A_284 = tpu.memref_squeeze %dma_start3A_283 : memref<1x80xi32, #tpu.memory_space<vmem>> -> memref<80xi32, #tpu.memory_space<vmem>>
          %dma_start3A_285 = arith.constant 0 : i32
          %dma_start3A_286 = tpu.memref_slice %arg19[%dma_start3A_285] : memref<10000xf32, #tpu.memory_space<vmem_shared>> -> memref<10000xf32, #tpu.memory_space<vmem_shared>>
          tpu.enqueue_indirect_dma source(%arg17 : memref<80xf32, #tpu.memory_space<vmem>>) target(%dma_start3A_286 : memref<10000xf32, #tpu.memory_space<vmem_shared>>) offsets(%dma_start3A_284 : memref<80xi32, #tpu.memory_space<vmem>>) semaphore(%run_scoped3A_281 : memref<!tpu.dma_semaphore, #tpu.memory_space<semaphore_mem>>) {add = true}
          %dma_wait3A_287 = arith.constant 0 : i32
          %dma_wait3A_288 = tpu.memref_slice %arg10[%run_scoped3A_266, %dma_wait3A_287] : memref<2x80xi32, #tpu.memory_space<vmem>> -> memref<1x80xi32, #tpu.memory_space<vmem>>
          %dma_wait3A_289 = tpu.memref_squeeze %dma_wait3A_288 : memref<1x80xi32, #tpu.memory_space<vmem>> -> memref<80xi32, #tpu.memory_space<vmem>>
          %dma_wait3A_290 = arith.constant 0 : i32
          %dma_wait3A_291 = tpu.memref_slice %arg19[%dma_wait3A_290] : memref<10000xf32, #tpu.memory_space<vmem_shared>> -> memref<10000xf32, #tpu.memory_space<vmem_shared>>
          tpu.wait_indirect_dma semaphore(%run_scoped3A_281 : memref<!tpu.dma_semaphore, #tpu.memory_space<semaphore_mem>>) src(%arg17 : memref<80xf32, #tpu.memory_space<vmem>>) dst(%dma_wait3A_291 : memref<10000xf32, #tpu.memory_space<vmem_shared>>)
          tpu.yield
        }) : () -> ()
        %add3A_267 = arith.constant 2 : i32
        %add3A_268 = arith.addi %add3A_226, %add3A_267 : i32
        %lt3A_269 = arith.constant 125 : i32
        %lt3A_270 = arith.cmpi slt, %add3A_268, %lt3A_269 : i32
        %convert_element_type3A_271 = arith.extui %lt3A_270 : i1 to i32
        %cond3A_272 = arith.constant 0 : i32
        %cond3A_273 = arith.cmpi ne, %convert_element_type3A_271, %cond3A_272 : i32
        scf.if %cond3A_273 {
          %dma_wait3A_281 = arith.constant 0 : i32
          %dma_wait3A_282 = arith.constant 0 : i32
          %dma_wait3A_283 = arith.constant 0 : i32
          %dma_wait3A_284 = tpu.memref_slice %arg4[%dma_wait3A_281, %dma_wait3A_282, %dma_wait3A_283] : memref<4000x2x80xi32, #tpu.memory_space<hbm>> -> memref<1x2x80xi32, #tpu.memory_space<hbm>>
          %dma_wait3A_285 = tpu.memref_squeeze %dma_wait3A_284 : memref<1x2x80xi32, #tpu.memory_space<hbm>> -> memref<2x80xi32, #tpu.memory_space<hbm>>
          %dma_wait3A_286 = arith.constant 0 : i32
          %dma_wait3A_287 = arith.constant 0 : i32
          %dma_wait3A_288 = tpu.memref_slice %arg4[%dma_wait3A_281, %dma_wait3A_286, %dma_wait3A_287] : memref<4000x2x80xi32, #tpu.memory_space<hbm>> -> memref<1x2x80xi32, #tpu.memory_space<hbm>>
          %dma_wait3A_289 = tpu.memref_squeeze %dma_wait3A_288 : memref<1x2x80xi32, #tpu.memory_space<hbm>> -> memref<2x80xi32, #tpu.memory_space<hbm>>
          tpu.wait_dma2 semaphore(%arg27 : memref<!tpu.dma_semaphore, #tpu.memory_space<semaphore_mem>>) src(%dma_wait3A_289 : memref<2x80xi32, #tpu.memory_space<hbm>>) dst(%arg12 : memref<2x80xi32, #tpu.memory_space<vmem>>)
          %add3A_290 = arith.constant 2 : i32
          %add3A_291 = arith.addi %add3A_226, %add3A_290 : i32
          %dma_start3A_292 = arith.constant 0 : i32
          %dma_start3A_293 = arith.constant 0 : i32
          %dma_start3A_294 = tpu.memref_slice %arg12[%dma_start3A_292, %dma_start3A_293] : memref<2x80xi32, #tpu.memory_space<vmem>> -> memref<1x80xi32, #tpu.memory_space<vmem>>
          %dma_start3A_295 = tpu.memref_squeeze %dma_start3A_294 : memref<1x80xi32, #tpu.memory_space<vmem>> -> memref<80xi32, #tpu.memory_space<vmem>>
          %dma_start3A_296 = arith.constant 0 : i32
          %dma_start3A_297 = arith.constant 0 : i32
          %dma_start3A_298 = tpu.memref_slice %arg2[%dma_start3A_296, %dma_start3A_297] : memref<10000x128xf32, #tpu.memory_space<hbm>> -> memref<10000x128xf32, #tpu.memory_space<hbm>>
          tpu.enqueue_indirect_dma source(%dma_start3A_298 : memref<10000x128xf32, #tpu.memory_space<hbm>>) target(%arg14 : memref<80x128xf32, #tpu.memory_space<vmem>>) offsets(%dma_start3A_295 : memref<80xi32, #tpu.memory_space<vmem>>) semaphore(%arg21 : memref<!tpu.dma_semaphore, #tpu.memory_space<semaphore_mem>>)
          %dma_start3A_299 = arith.constant 1 : i32
          %dma_start3A_300 = arith.constant 0 : i32
          %dma_start3A_301 = tpu.memref_slice %arg12[%dma_start3A_299, %dma_start3A_300] : memref<2x80xi32, #tpu.memory_space<vmem>> -> memref<1x80xi32, #tpu.memory_space<vmem>>
          %dma_start3A_302 = tpu.memref_squeeze %dma_start3A_301 : memref<1x80xi32, #tpu.memory_space<vmem>> -> memref<80xi32, #tpu.memory_space<vmem>>
          %dma_start3A_303 = arith.constant 0 : i32
          %dma_start3A_304 = arith.constant 0 : i32
          %dma_start3A_305 = tpu.memref_slice %arg3[%dma_start3A_303, %dma_start3A_304] : memref<10000x128xf32, #tpu.memory_space<hbm>> -> memref<10000x128xf32, #tpu.memory_space<hbm>>
          tpu.enqueue_indirect_dma source(%dma_start3A_305 : memref<10000x128xf32, #tpu.memory_space<hbm>>) target(%arg16 : memref<80x128xf32, #tpu.memory_space<vmem>>) offsets(%dma_start3A_302 : memref<80xi32, #tpu.memory_space<vmem>>) semaphore(%arg23 : memref<!tpu.dma_semaphore, #tpu.memory_space<semaphore_mem>>)
        } else {
        }
        %add3A_274 = arith.constant 4 : i32
        %add3A_275 = arith.addi %add3A_226, %add3A_274 : i32
        %lt3A_276 = arith.constant 125 : i32
        %lt3A_277 = arith.cmpi slt, %add3A_275, %lt3A_276 : i32
        %convert_element_type3A_278 = arith.extui %lt3A_277 : i1 to i32
        %cond3A_279 = arith.constant 0 : i32
        %cond3A_280 = arith.cmpi ne, %convert_element_type3A_278, %cond3A_279 : i32
        scf.if %cond3A_280 {
          %add3A_281 = arith.constant 4 : i32
          %add3A_282 = arith.addi %add3A_226, %add3A_281 : i32
          %add3A_283 = arith.addi %mul3A_100, %add3A_282 : i32
          %dma_start3A_284 = arith.constant 0 : i32
          %dma_start3A_285 = arith.constant 0 : i32
          %dma_start3A_286 = tpu.memref_slice %arg4[%add3A_283, %dma_start3A_284, %dma_start3A_285] : memref<4000x2x80xi32, #tpu.memory_space<hbm>> -> memref<1x2x80xi32, #tpu.memory_space<hbm>>
          %dma_start3A_287 = tpu.memref_squeeze %dma_start3A_286 : memref<1x2x80xi32, #tpu.memory_space<hbm>> -> memref<2x80xi32, #tpu.memory_space<hbm>>
          %dma_start3A_288 = arith.constant 0 : i32
          %dma_start3A_289 = arith.constant 0 : i32
          %dma_start3A_290 = tpu.memref_slice %arg4[%add3A_283, %dma_start3A_288, %dma_start3A_289] : memref<4000x2x80xi32, #tpu.memory_space<hbm>> -> memref<1x2x80xi32, #tpu.memory_space<hbm>>
          %dma_start3A_291 = tpu.memref_squeeze %dma_start3A_290 : memref<1x2x80xi32, #tpu.memory_space<hbm>> -> memref<2x80xi32, #tpu.memory_space<hbm>>
          tpu.enqueue_dma source(%dma_start3A_291 : memref<2x80xi32, #tpu.memory_space<hbm>>) target(%arg10 : memref<2x80xi32, #tpu.memory_space<vmem>>) target_semaphore(%arg25 : memref<!tpu.dma_semaphore, #tpu.memory_space<semaphore_mem>>)
        } else {
        }
      } else {
      }
      %mul3A_232 = arith.constant 4 : i32
      %mul3A_233 = arith.muli %mul3A_232, %scan3A_216 : i32
      %add3A_234 = arith.constant 2 : i32
      %add3A_235 = arith.addi %mul3A_233, %add3A_234 : i32
      %lt3A_236 = arith.constant 125 : i32
      %lt3A_237 = arith.cmpi slt, %add3A_235, %lt3A_236 : i32
      %convert_element_type3A_238 = arith.extui %lt3A_237 : i1 to i32
      %cond3A_239 = arith.constant 0 : i32
      %cond3A_240 = arith.cmpi ne, %convert_element_type3A_238, %cond3A_239 : i32
      scf.if %cond3A_240 {
        %dma_wait3A_250 = arith.constant 0 : i32
        %dma_wait3A_251 = arith.constant 0 : i32
        %dma_wait3A_252 = tpu.memref_slice %arg11[%dma_wait3A_250, %dma_wait3A_251] : memref<2x80xi32, #tpu.memory_space<vmem>> -> memref<1x80xi32, #tpu.memory_space<vmem>>
        %dma_wait3A_253 = tpu.memref_squeeze %dma_wait3A_252 : memref<1x80xi32, #tpu.memory_space<vmem>> -> memref<80xi32, #tpu.memory_space<vmem>>
        %dma_wait3A_254 = arith.constant 0 : i32
        %dma_wait3A_255 = arith.constant 0 : i32
        %dma_wait3A_256 = tpu.memref_slice %arg2[%dma_wait3A_254, %dma_wait3A_255] : memref<10000x128xf32, #tpu.memory_space<hbm>> -> memref<10000x128xf32, #tpu.memory_space<hbm>>
        tpu.wait_indirect_dma semaphore(%arg20 : memref<!tpu.dma_semaphore, #tpu.memory_space<semaphore_mem>>) src(%dma_wait3A_256 : memref<10000x128xf32, #tpu.memory_space<hbm>>) dst(%arg13 : memref<80x128xf32, #tpu.memory_space<vmem>>)
        %dma_wait3A_257 = arith.constant 1 : i32
        %dma_wait3A_258 = arith.constant 0 : i32
        %dma_wait3A_259 = tpu.memref_slice %arg11[%dma_wait3A_257, %dma_wait3A_258] : memref<2x80xi32, #tpu.memory_space<vmem>> -> memref<1x80xi32, #tpu.memory_space<vmem>>
        %dma_wait3A_260 = tpu.memref_squeeze %dma_wait3A_259 : memref<1x80xi32, #tpu.memory_space<vmem>> -> memref<80xi32, #tpu.memory_space<vmem>>
        %dma_wait3A_261 = arith.constant 0 : i32
        %dma_wait3A_262 = arith.constant 0 : i32
        %dma_wait3A_263 = tpu.memref_slice %arg3[%dma_wait3A_261, %dma_wait3A_262] : memref<10000x128xf32, #tpu.memory_space<hbm>> -> memref<10000x128xf32, #tpu.memory_space<hbm>>
        tpu.wait_indirect_dma semaphore(%arg22 : memref<!tpu.dma_semaphore, #tpu.memory_space<semaphore_mem>>) src(%dma_wait3A_263 : memref<10000x128xf32, #tpu.memory_space<hbm>>) dst(%arg15 : memref<80x128xf32, #tpu.memory_space<vmem>>)
        %parallel_loop3A = arith.constant 0 : i32
        %parallel_loop3A_264 = arith.constant 80 : i32
        %parallel_loop3A_265 = arith.constant 1 : i32
        scf.for %parallel_loop3A_281 = %parallel_loop3A to %parallel_loop3A_264 step %parallel_loop3A_265  : i32 {
          %parallel_loop3A_282 = arith.index_cast %parallel_loop3A_281 : i32 to index
          %parallel_loop3A_283 = arith.constant 0 : index
          %parallel_loop3A_284 = tpu.vector_load %arg13[%parallel_loop3A_282, %parallel_loop3A_283] {strides = array<i32>} : memref<80x128xf32, #tpu.memory_space<vmem>>, vector<16xf32>,
          %parallel_loop3A_285 = arith.index_cast %parallel_loop3A_281 : i32 to index
          %parallel_loop3A_286 = arith.constant 0 : index
          %parallel_loop3A_287 = tpu.vector_load %arg15[%parallel_loop3A_285, %parallel_loop3A_286] {strides = array<i32>} : memref<80x128xf32, #tpu.memory_space<vmem>>, vector<16xf32>,
          %parallel_loop3A_288 = arith.addf %parallel_loop3A_284, %parallel_loop3A_287 : vector<16xf32>
          %parallel_loop3A_289 = arith.constant 2.000000e-01 : f32
          %parallel_loop3A_290 = vector.broadcast %parallel_loop3A_289 : f32 to vector<16xf32>
          %parallel_loop3A_291 = arith.mulf %parallel_loop3A_290, %parallel_loop3A_288 : vector<16xf32>
          %parallel_loop3A_292 = arith.maximumf %parallel_loop3A_288, %parallel_loop3A_291 : vector<16xf32>
          %parallel_loop3A_293 = arith.mulf %parallel_loop3A_292, %get3A_1 : vector<16xf32>
          %parallel_loop3A_294 = arith.index_cast %parallel_loop3A_281 : i32 to index
          %parallel_loop3A_295 = arith.constant 16 : index
          %parallel_loop3A_296 = tpu.vector_load %arg13[%parallel_loop3A_294, %parallel_loop3A_295] {strides = array<i32>} : memref<80x128xf32, #tpu.memory_space<vmem>>, vector<16xf32>,
          %parallel_loop3A_297 = arith.index_cast %parallel_loop3A_281 : i32 to index
          %parallel_loop3A_298 = arith.constant 16 : index
          %parallel_loop3A_299 = tpu.vector_load %arg15[%parallel_loop3A_297, %parallel_loop3A_298] {strides = array<i32>} : memref<80x128xf32, #tpu.memory_space<vmem>>, vector<16xf32>,
          %parallel_loop3A_300 = arith.addf %parallel_loop3A_296, %parallel_loop3A_299 : vector<16xf32>
          %parallel_loop3A_301 = arith.constant 2.000000e-01 : f32
          %parallel_loop3A_302 = vector.broadcast %parallel_loop3A_301 : f32 to vector<16xf32>
          %parallel_loop3A_303 = arith.mulf %parallel_loop3A_302, %parallel_loop3A_300 : vector<16xf32>
          %parallel_loop3A_304 = arith.maximumf %parallel_loop3A_300, %parallel_loop3A_303 : vector<16xf32>
          %parallel_loop3A_305 = arith.mulf %parallel_loop3A_304, %get3A_3 : vector<16xf32>
          %parallel_loop3A_306 = arith.index_cast %parallel_loop3A_281 : i32 to index
          %parallel_loop3A_307 = arith.constant 32 : index
          %parallel_loop3A_308 = tpu.vector_load %arg13[%parallel_loop3A_306, %parallel_loop3A_307] {strides = array<i32>} : memref<80x128xf32, #tpu.memory_space<vmem>>, vector<16xf32>,
          %parallel_loop3A_309 = arith.index_cast %parallel_loop3A_281 : i32 to index
          %parallel_loop3A_310 = arith.constant 32 : index
          %parallel_loop3A_311 = tpu.vector_load %arg15[%parallel_loop3A_309, %parallel_loop3A_310] {strides = array<i32>} : memref<80x128xf32, #tpu.memory_space<vmem>>, vector<16xf32>,
          %parallel_loop3A_312 = arith.addf %parallel_loop3A_308, %parallel_loop3A_311 : vector<16xf32>
          %parallel_loop3A_313 = arith.constant 2.000000e-01 : f32
          %parallel_loop3A_314 = vector.broadcast %parallel_loop3A_313 : f32 to vector<16xf32>
          %parallel_loop3A_315 = arith.mulf %parallel_loop3A_314, %parallel_loop3A_312 : vector<16xf32>
          %parallel_loop3A_316 = arith.maximumf %parallel_loop3A_312, %parallel_loop3A_315 : vector<16xf32>
          %parallel_loop3A_317 = arith.mulf %parallel_loop3A_316, %get3A_5 : vector<16xf32>
          %parallel_loop3A_318 = arith.index_cast %parallel_loop3A_281 : i32 to index
          %parallel_loop3A_319 = arith.constant 48 : index
          %parallel_loop3A_320 = tpu.vector_load %arg13[%parallel_loop3A_318, %parallel_loop3A_319] {strides = array<i32>} : memref<80x128xf32, #tpu.memory_space<vmem>>, vector<16xf32>,
          %parallel_loop3A_321 = arith.index_cast %parallel_loop3A_281 : i32 to index
          %parallel_loop3A_322 = arith.constant 48 : index
          %parallel_loop3A_323 = tpu.vector_load %arg15[%parallel_loop3A_321, %parallel_loop3A_322] {strides = array<i32>} : memref<80x128xf32, #tpu.memory_space<vmem>>, vector<16xf32>,
          %parallel_loop3A_324 = arith.addf %parallel_loop3A_320, %parallel_loop3A_323 : vector<16xf32>
          %parallel_loop3A_325 = arith.constant 2.000000e-01 : f32
          %parallel_loop3A_326 = vector.broadcast %parallel_loop3A_325 : f32 to vector<16xf32>
          %parallel_loop3A_327 = arith.mulf %parallel_loop3A_326, %parallel_loop3A_324 : vector<16xf32>
          %parallel_loop3A_328 = arith.maximumf %parallel_loop3A_324, %parallel_loop3A_327 : vector<16xf32>
          %parallel_loop3A_329 = arith.mulf %parallel_loop3A_328, %get3A_7 : vector<16xf32>
          %parallel_loop3A_330 = arith.index_cast %parallel_loop3A_281 : i32 to index
          %parallel_loop3A_331 = arith.constant 64 : index
          %parallel_loop3A_332 = tpu.vector_load %arg13[%parallel_loop3A_330, %parallel_loop3A_331] {strides = array<i32>} : memref<80x128xf32, #tpu.memory_space<vmem>>, vector<16xf32>,
          %parallel_loop3A_333 = arith.index_cast %parallel_loop3A_281 : i32 to index
          %parallel_loop3A_334 = arith.constant 64 : index
          %parallel_loop3A_335 = tpu.vector_load %arg15[%parallel_loop3A_333, %parallel_loop3A_334] {strides = array<i32>} : memref<80x128xf32, #tpu.memory_space<vmem>>, vector<16xf32>,
          %parallel_loop3A_336 = arith.addf %parallel_loop3A_332, %parallel_loop3A_335 : vector<16xf32>
          %parallel_loop3A_337 = arith.constant 2.000000e-01 : f32
          %parallel_loop3A_338 = vector.broadcast %parallel_loop3A_337 : f32 to vector<16xf32>
          %parallel_loop3A_339 = arith.mulf %parallel_loop3A_338, %parallel_loop3A_336 : vector<16xf32>
          %parallel_loop3A_340 = arith.maximumf %parallel_loop3A_336, %parallel_loop3A_339 : vector<16xf32>
          %parallel_loop3A_341 = arith.mulf %parallel_loop3A_340, %get3A_9 : vector<16xf32>
          %parallel_loop3A_342 = arith.index_cast %parallel_loop3A_281 : i32 to index
          %parallel_loop3A_343 = arith.constant 80 : index
          %parallel_loop3A_344 = tpu.vector_load %arg13[%parallel_loop3A_342, %parallel_loop3A_343] {strides = array<i32>} : memref<80x128xf32, #tpu.memory_space<vmem>>, vector<16xf32>,
          %parallel_loop3A_345 = arith.index_cast %parallel_loop3A_281 : i32 to index
          %parallel_loop3A_346 = arith.constant 80 : index
          %parallel_loop3A_347 = tpu.vector_load %arg15[%parallel_loop3A_345, %parallel_loop3A_346] {strides = array<i32>} : memref<80x128xf32, #tpu.memory_space<vmem>>, vector<16xf32>,
          %parallel_loop3A_348 = arith.addf %parallel_loop3A_344, %parallel_loop3A_347 : vector<16xf32>
          %parallel_loop3A_349 = arith.constant 2.000000e-01 : f32
          %parallel_loop3A_350 = vector.broadcast %parallel_loop3A_349 : f32 to vector<16xf32>
          %parallel_loop3A_351 = arith.mulf %parallel_loop3A_350, %parallel_loop3A_348 : vector<16xf32>
          %parallel_loop3A_352 = arith.maximumf %parallel_loop3A_348, %parallel_loop3A_351 : vector<16xf32>
          %parallel_loop3A_353 = arith.mulf %parallel_loop3A_352, %get3A_11 : vector<16xf32>
          %parallel_loop3A_354 = arith.index_cast %parallel_loop3A_281 : i32 to index
          %parallel_loop3A_355 = arith.constant 96 : index
          %parallel_loop3A_356 = tpu.vector_load %arg13[%parallel_loop3A_354, %parallel_loop3A_355] {strides = array<i32>} : memref<80x128xf32, #tpu.memory_space<vmem>>, vector<16xf32>,
          %parallel_loop3A_357 = arith.index_cast %parallel_loop3A_281 : i32 to index
          %parallel_loop3A_358 = arith.constant 96 : index
          %parallel_loop3A_359 = tpu.vector_load %arg15[%parallel_loop3A_357, %parallel_loop3A_358] {strides = array<i32>} : memref<80x128xf32, #tpu.memory_space<vmem>>, vector<16xf32>,
          %parallel_loop3A_360 = arith.addf %parallel_loop3A_356, %parallel_loop3A_359 : vector<16xf32>
          %parallel_loop3A_361 = arith.constant 2.000000e-01 : f32
          %parallel_loop3A_362 = vector.broadcast %parallel_loop3A_361 : f32 to vector<16xf32>
          %parallel_loop3A_363 = arith.mulf %parallel_loop3A_362, %parallel_loop3A_360 : vector<16xf32>
          %parallel_loop3A_364 = arith.maximumf %parallel_loop3A_360, %parallel_loop3A_363 : vector<16xf32>
          %parallel_loop3A_365 = arith.mulf %parallel_loop3A_364, %get3A_13 : vector<16xf32>
          %parallel_loop3A_366 = arith.index_cast %parallel_loop3A_281 : i32 to index
          %parallel_loop3A_367 = arith.constant 112 : index
          %parallel_loop3A_368 = tpu.vector_load %arg13[%parallel_loop3A_366, %parallel_loop3A_367] {strides = array<i32>} : memref<80x128xf32, #tpu.memory_space<vmem>>, vector<16xf32>,
          %parallel_loop3A_369 = arith.index_cast %parallel_loop3A_281 : i32 to index
          %parallel_loop3A_370 = arith.constant 112 : index
          %parallel_loop3A_371 = tpu.vector_load %arg15[%parallel_loop3A_369, %parallel_loop3A_370] {strides = array<i32>} : memref<80x128xf32, #tpu.memory_space<vmem>>, vector<16xf32>,
          %parallel_loop3A_372 = arith.addf %parallel_loop3A_368, %parallel_loop3A_371 : vector<16xf32>
          %parallel_loop3A_373 = arith.constant 2.000000e-01 : f32
          %parallel_loop3A_374 = vector.broadcast %parallel_loop3A_373 : f32 to vector<16xf32>
          %parallel_loop3A_375 = arith.mulf %parallel_loop3A_374, %parallel_loop3A_372 : vector<16xf32>
          %parallel_loop3A_376 = arith.maximumf %parallel_loop3A_372, %parallel_loop3A_375 : vector<16xf32>
          %parallel_loop3A_377 = arith.mulf %parallel_loop3A_376, %get3A_15 : vector<16xf32>
          %parallel_loop3A_378 = arith.addf %parallel_loop3A_293, %parallel_loop3A_305 : vector<16xf32>
          %parallel_loop3A_379 = arith.addf %parallel_loop3A_317, %parallel_loop3A_329 : vector<16xf32>
          %parallel_loop3A_380 = arith.addf %parallel_loop3A_378, %parallel_loop3A_379 : vector<16xf32>
          %parallel_loop3A_381 = arith.addf %parallel_loop3A_341, %parallel_loop3A_353 : vector<16xf32>
          %parallel_loop3A_382 = arith.addf %parallel_loop3A_365, %parallel_loop3A_377 : vector<16xf32>
          %parallel_loop3A_383 = arith.addf %parallel_loop3A_381, %parallel_loop3A_382 : vector<16xf32>
          %parallel_loop3A_384 = arith.addf %parallel_loop3A_380, %parallel_loop3A_383 : vector<16xf32>
          %parallel_loop3A_385 = arith.constant true
          %parallel_loop3A_386 = vector.broadcast %parallel_loop3A_385 : i1 to vector<16xi1>
          %parallel_loop3A_387 = tpu.scan <sum>, %parallel_loop3A_384 masked %parallel_loop3A_386 : vector<16xf32>, vector<16xi1> -> vector<16xf32>
          %parallel_loop3A_388 = vector.shape_cast %broadcast_in_dim3A_18 : vector<16xi32> to vector<16x1xi32>
          %parallel_loop3A_389 = vector.shape_cast %parallel_loop3A_388 : vector<16x1xi32> to vector<16xi32>
          %parallel_loop3A_390 = tpu.dynamic_gather %parallel_loop3A_387[%parallel_loop3A_389] in [0] : vector<16xf32>, vector<16xi32> -> vector<16xf32>
          %parallel_loop3A_391 = math.exp %parallel_loop3A_390 : vector<16xf32>
          %parallel_loop3A_392 = arith.mulf %parallel_loop3A_284, %parallel_loop3A_391 : vector<16xf32>
          %parallel_loop3A_393 = arith.index_cast %parallel_loop3A_281 : i32 to index
          %parallel_loop3A_394 = arith.constant 0 : index
          %parallel_loop3A_395 = tpu.vector_load %arg15[%parallel_loop3A_393, %parallel_loop3A_394] {strides = array<i32>} : memref<80x128xf32, #tpu.memory_space<vmem>>, vector<16xf32>,
          tpu.vector_store %arg15[%parallel_loop3A_393, %parallel_loop3A_394], %parallel_loop3A_392 {strides = array<i32>} : memref<80x128xf32, #tpu.memory_space<vmem>>, vector<16xf32>,
          %parallel_loop3A_396 = arith.mulf %parallel_loop3A_296, %parallel_loop3A_391 : vector<16xf32>
          %parallel_loop3A_397 = arith.index_cast %parallel_loop3A_281 : i32 to index
          %parallel_loop3A_398 = arith.constant 16 : index
          %parallel_loop3A_399 = tpu.vector_load %arg15[%parallel_loop3A_397, %parallel_loop3A_398] {strides = array<i32>} : memref<80x128xf32, #tpu.memory_space<vmem>>, vector<16xf32>,
          tpu.vector_store %arg15[%parallel_loop3A_397, %parallel_loop3A_398], %parallel_loop3A_396 {strides = array<i32>} : memref<80x128xf32, #tpu.memory_space<vmem>>, vector<16xf32>,
          %parallel_loop3A_400 = arith.mulf %parallel_loop3A_308, %parallel_loop3A_391 : vector<16xf32>
          %parallel_loop3A_401 = arith.index_cast %parallel_loop3A_281 : i32 to index
          %parallel_loop3A_402 = arith.constant 32 : index
          %parallel_loop3A_403 = tpu.vector_load %arg15[%parallel_loop3A_401, %parallel_loop3A_402] {strides = array<i32>} : memref<80x128xf32, #tpu.memory_space<vmem>>, vector<16xf32>,
          tpu.vector_store %arg15[%parallel_loop3A_401, %parallel_loop3A_402], %parallel_loop3A_400 {strides = array<i32>} : memref<80x128xf32, #tpu.memory_space<vmem>>, vector<16xf32>,
          %parallel_loop3A_404 = arith.mulf %parallel_loop3A_320, %parallel_loop3A_391 : vector<16xf32>
          %parallel_loop3A_405 = arith.index_cast %parallel_loop3A_281 : i32 to index
          %parallel_loop3A_406 = arith.constant 48 : index
          %parallel_loop3A_407 = tpu.vector_load %arg15[%parallel_loop3A_405, %parallel_loop3A_406] {strides = array<i32>} : memref<80x128xf32, #tpu.memory_space<vmem>>, vector<16xf32>,
          tpu.vector_store %arg15[%parallel_loop3A_405, %parallel_loop3A_406], %parallel_loop3A_404 {strides = array<i32>} : memref<80x128xf32, #tpu.memory_space<vmem>>, vector<16xf32>,
          %parallel_loop3A_408 = arith.mulf %parallel_loop3A_332, %parallel_loop3A_391 : vector<16xf32>
          %parallel_loop3A_409 = arith.index_cast %parallel_loop3A_281 : i32 to index
          %parallel_loop3A_410 = arith.constant 64 : index
          %parallel_loop3A_411 = tpu.vector_load %arg15[%parallel_loop3A_409, %parallel_loop3A_410] {strides = array<i32>} : memref<80x128xf32, #tpu.memory_space<vmem>>, vector<16xf32>,
          tpu.vector_store %arg15[%parallel_loop3A_409, %parallel_loop3A_410], %parallel_loop3A_408 {strides = array<i32>} : memref<80x128xf32, #tpu.memory_space<vmem>>, vector<16xf32>,
          %parallel_loop3A_412 = arith.mulf %parallel_loop3A_344, %parallel_loop3A_391 : vector<16xf32>
          %parallel_loop3A_413 = arith.index_cast %parallel_loop3A_281 : i32 to index
          %parallel_loop3A_414 = arith.constant 80 : index
          %parallel_loop3A_415 = tpu.vector_load %arg15[%parallel_loop3A_413, %parallel_loop3A_414] {strides = array<i32>} : memref<80x128xf32, #tpu.memory_space<vmem>>, vector<16xf32>,
          tpu.vector_store %arg15[%parallel_loop3A_413, %parallel_loop3A_414], %parallel_loop3A_412 {strides = array<i32>} : memref<80x128xf32, #tpu.memory_space<vmem>>, vector<16xf32>,
          %parallel_loop3A_416 = arith.mulf %parallel_loop3A_356, %parallel_loop3A_391 : vector<16xf32>
          %parallel_loop3A_417 = arith.index_cast %parallel_loop3A_281 : i32 to index
          %parallel_loop3A_418 = arith.constant 96 : index
          %parallel_loop3A_419 = tpu.vector_load %arg15[%parallel_loop3A_417, %parallel_loop3A_418] {strides = array<i32>} : memref<80x128xf32, #tpu.memory_space<vmem>>, vector<16xf32>,
          tpu.vector_store %arg15[%parallel_loop3A_417, %parallel_loop3A_418], %parallel_loop3A_416 {strides = array<i32>} : memref<80x128xf32, #tpu.memory_space<vmem>>, vector<16xf32>,
          %parallel_loop3A_420 = arith.mulf %parallel_loop3A_368, %parallel_loop3A_391 : vector<16xf32>
          %parallel_loop3A_421 = arith.index_cast %parallel_loop3A_281 : i32 to index
          %parallel_loop3A_422 = arith.constant 112 : index
          %parallel_loop3A_423 = tpu.vector_load %arg15[%parallel_loop3A_421, %parallel_loop3A_422] {strides = array<i32>} : memref<80x128xf32, #tpu.memory_space<vmem>>, vector<16xf32>,
          tpu.vector_store %arg15[%parallel_loop3A_421, %parallel_loop3A_422], %parallel_loop3A_420 {strides = array<i32>} : memref<80x128xf32, #tpu.memory_space<vmem>>, vector<16xf32>,
          %parallel_loop3A_424 = vector.broadcast %parallel_loop3A_281 : i32 to vector<16xi32>
          tpu.vector_store_idx %arg17[%parallel_loop3A_424], %parallel_loop3A_391 masked %eq3A_17 : memref<80xf32, #tpu.memory_space<vmem>>[vector<16xi32>], vector<16xf32>, vector<16xi1>
        } {sc.loop_unroll_factor = 4 : i64, sc.parallel_access}
        %run_scoped3A = arith.constant 1 : i32
        "tpu.region"() ({
          %run_scoped3A_281 = tpu.sem_alloc : memref<!tpu.dma_semaphore, #tpu.memory_space<semaphore_mem>>
          %dma_start3A_282 = arith.constant 0 : i32
          %dma_start3A_283 = tpu.memref_slice %arg11[%run_scoped3A, %dma_start3A_282] : memref<2x80xi32, #tpu.memory_space<vmem>> -> memref<1x80xi32, #tpu.memory_space<vmem>>
          %dma_start3A_284 = tpu.memref_squeeze %dma_start3A_283 : memref<1x80xi32, #tpu.memory_space<vmem>> -> memref<80xi32, #tpu.memory_space<vmem>>
          %dma_start3A_285 = arith.constant 0 : i32
          %dma_start3A_286 = arith.constant 0 : i32
          %dma_start3A_287 = tpu.memref_slice %arg18[%dma_start3A_285, %dma_start3A_286] : memref<10000x128xf32, #tpu.memory_space<vmem_shared>> -> memref<10000x128xf32, #tpu.memory_space<vmem_shared>>
          tpu.enqueue_indirect_dma source(%arg15 : memref<80x128xf32, #tpu.memory_space<vmem>>) target(%dma_start3A_287 : memref<10000x128xf32, #tpu.memory_space<vmem_shared>>) offsets(%dma_start3A_284 : memref<80xi32, #tpu.memory_space<vmem>>) semaphore(%run_scoped3A_281 : memref<!tpu.dma_semaphore, #tpu.memory_space<semaphore_mem>>) {add = true}
          %dma_wait3A_288 = arith.constant 0 : i32
          %dma_wait3A_289 = tpu.memref_slice %arg11[%run_scoped3A, %dma_wait3A_288] : memref<2x80xi32, #tpu.memory_space<vmem>> -> memref<1x80xi32, #tpu.memory_space<vmem>>
          %dma_wait3A_290 = tpu.memref_squeeze %dma_wait3A_289 : memref<1x80xi32, #tpu.memory_space<vmem>> -> memref<80xi32, #tpu.memory_space<vmem>>
          %dma_wait3A_291 = arith.constant 0 : i32
          %dma_wait3A_292 = arith.constant 0 : i32
          %dma_wait3A_293 = tpu.memref_slice %arg18[%dma_wait3A_291, %dma_wait3A_292] : memref<10000x128xf32, #tpu.memory_space<vmem_shared>> -> memref<10000x128xf32, #tpu.memory_space<vmem_shared>>
          tpu.wait_indirect_dma semaphore(%run_scoped3A_281 : memref<!tpu.dma_semaphore, #tpu.memory_space<semaphore_mem>>) src(%arg15 : memref<80x128xf32, #tpu.memory_space<vmem>>) dst(%dma_wait3A_293 : memref<10000x128xf32, #tpu.memory_space<vmem_shared>>)
          tpu.yield
        }) : () -> ()
        %run_scoped3A_266 = arith.constant 1 : i32
        "tpu.region"() ({
          %run_scoped3A_281 = tpu.sem_alloc : memref<!tpu.dma_semaphore, #tpu.memory_space<semaphore_mem>>
          %dma_start3A_282 = arith.constant 0 : i32
          %dma_start3A_283 = tpu.memref_slice %arg11[%run_scoped3A_266, %dma_start3A_282] : memref<2x80xi32, #tpu.memory_space<vmem>> -> memref<1x80xi32, #tpu.memory_space<vmem>>
          %dma_start3A_284 = tpu.memref_squeeze %dma_start3A_283 : memref<1x80xi32, #tpu.memory_space<vmem>> -> memref<80xi32, #tpu.memory_space<vmem>>
          %dma_start3A_285 = arith.constant 0 : i32
          %dma_start3A_286 = tpu.memref_slice %arg19[%dma_start3A_285] : memref<10000xf32, #tpu.memory_space<vmem_shared>> -> memref<10000xf32, #tpu.memory_space<vmem_shared>>
          tpu.enqueue_indirect_dma source(%arg17 : memref<80xf32, #tpu.memory_space<vmem>>) target(%dma_start3A_286 : memref<10000xf32, #tpu.memory_space<vmem_shared>>) offsets(%dma_start3A_284 : memref<80xi32, #tpu.memory_space<vmem>>) semaphore(%run_scoped3A_281 : memref<!tpu.dma_semaphore, #tpu.memory_space<semaphore_mem>>) {add = true}
          %dma_wait3A_287 = arith.constant 0 : i32
          %dma_wait3A_288 = tpu.memref_slice %arg11[%run_scoped3A_266, %dma_wait3A_287] : memref<2x80xi32, #tpu.memory_space<vmem>> -> memref<1x80xi32, #tpu.memory_space<vmem>>
          %dma_wait3A_289 = tpu.memref_squeeze %dma_wait3A_288 : memref<1x80xi32, #tpu.memory_space<vmem>> -> memref<80xi32, #tpu.memory_space<vmem>>
          %dma_wait3A_290 = arith.constant 0 : i32
          %dma_wait3A_291 = tpu.memref_slice %arg19[%dma_wait3A_290] : memref<10000xf32, #tpu.memory_space<vmem_shared>> -> memref<10000xf32, #tpu.memory_space<vmem_shared>>
          tpu.wait_indirect_dma semaphore(%run_scoped3A_281 : memref<!tpu.dma_semaphore, #tpu.memory_space<semaphore_mem>>) src(%arg17 : memref<80xf32, #tpu.memory_space<vmem>>) dst(%dma_wait3A_291 : memref<10000xf32, #tpu.memory_space<vmem_shared>>)
          tpu.yield
        }) : () -> ()
        %add3A_267 = arith.constant 2 : i32
        %add3A_268 = arith.addi %add3A_235, %add3A_267 : i32
        %lt3A_269 = arith.constant 125 : i32
        %lt3A_270 = arith.cmpi slt, %add3A_268, %lt3A_269 : i32
        %convert_element_type3A_271 = arith.extui %lt3A_270 : i1 to i32
        %cond3A_272 = arith.constant 0 : i32
        %cond3A_273 = arith.cmpi ne, %convert_element_type3A_271, %cond3A_272 : i32
        scf.if %cond3A_273 {
          %dma_wait3A_281 = arith.constant 0 : i32
          %dma_wait3A_282 = arith.constant 0 : i32
          %dma_wait3A_283 = arith.constant 0 : i32
          %dma_wait3A_284 = tpu.memref_slice %arg4[%dma_wait3A_281, %dma_wait3A_282, %dma_wait3A_283] : memref<4000x2x80xi32, #tpu.memory_space<hbm>> -> memref<1x2x80xi32, #tpu.memory_space<hbm>>
          %dma_wait3A_285 = tpu.memref_squeeze %dma_wait3A_284 : memref<1x2x80xi32, #tpu.memory_space<hbm>> -> memref<2x80xi32, #tpu.memory_space<hbm>>
          %dma_wait3A_286 = arith.constant 0 : i32
          %dma_wait3A_287 = arith.constant 0 : i32
          %dma_wait3A_288 = tpu.memref_slice %arg4[%dma_wait3A_281, %dma_wait3A_286, %dma_wait3A_287] : memref<4000x2x80xi32, #tpu.memory_space<hbm>> -> memref<1x2x80xi32, #tpu.memory_space<hbm>>
          %dma_wait3A_289 = tpu.memref_squeeze %dma_wait3A_288 : memref<1x2x80xi32, #tpu.memory_space<hbm>> -> memref<2x80xi32, #tpu.memory_space<hbm>>
          tpu.wait_dma2 semaphore(%arg24 : memref<!tpu.dma_semaphore, #tpu.memory_space<semaphore_mem>>) src(%dma_wait3A_289 : memref<2x80xi32, #tpu.memory_space<hbm>>) dst(%arg9 : memref<2x80xi32, #tpu.memory_space<vmem>>)
          %add3A_290 = arith.constant 2 : i32
          %add3A_291 = arith.addi %add3A_235, %add3A_290 : i32
          %dma_start3A_292 = arith.constant 0 : i32
          %dma_start3A_293 = arith.constant 0 : i32
          %dma_start3A_294 = tpu.memref_slice %arg9[%dma_start3A_292, %dma_start3A_293] : memref<2x80xi32, #tpu.memory_space<vmem>> -> memref<1x80xi32, #tpu.memory_space<vmem>>
          %dma_start3A_295 = tpu.memref_squeeze %dma_start3A_294 : memref<1x80xi32, #tpu.memory_space<vmem>> -> memref<80xi32, #tpu.memory_space<vmem>>
          %dma_start3A_296 = arith.constant 0 : i32
          %dma_start3A_297 = arith.constant 0 : i32
          %dma_start3A_298 = tpu.memref_slice %arg2[%dma_start3A_296, %dma_start3A_297] : memref<10000x128xf32, #tpu.memory_space<hbm>> -> memref<10000x128xf32, #tpu.memory_space<hbm>>
          tpu.enqueue_indirect_dma source(%dma_start3A_298 : memref<10000x128xf32, #tpu.memory_space<hbm>>) target(%arg13 : memref<80x128xf32, #tpu.memory_space<vmem>>) offsets(%dma_start3A_295 : memref<80xi32, #tpu.memory_space<vmem>>) semaphore(%arg20 : memref<!tpu.dma_semaphore, #tpu.memory_space<semaphore_mem>>)
          %dma_start3A_299 = arith.constant 1 : i32
          %dma_start3A_300 = arith.constant 0 : i32
          %dma_start3A_301 = tpu.memref_slice %arg9[%dma_start3A_299, %dma_start3A_300] : memref<2x80xi32, #tpu.memory_space<vmem>> -> memref<1x80xi32, #tpu.memory_space<vmem>>
          %dma_start3A_302 = tpu.memref_squeeze %dma_start3A_301 : memref<1x80xi32, #tpu.memory_space<vmem>> -> memref<80xi32, #tpu.memory_space<vmem>>
          %dma_start3A_303 = arith.constant 0 : i32
          %dma_start3A_304 = arith.constant 0 : i32
          %dma_start3A_305 = tpu.memref_slice %arg3[%dma_start3A_303, %dma_start3A_304] : memref<10000x128xf32, #tpu.memory_space<hbm>> -> memref<10000x128xf32, #tpu.memory_space<hbm>>
          tpu.enqueue_indirect_dma source(%dma_start3A_305 : memref<10000x128xf32, #tpu.memory_space<hbm>>) target(%arg15 : memref<80x128xf32, #tpu.memory_space<vmem>>) offsets(%dma_start3A_302 : memref<80xi32, #tpu.memory_space<vmem>>) semaphore(%arg22 : memref<!tpu.dma_semaphore, #tpu.memory_space<semaphore_mem>>)
        } else {
        }
        %add3A_274 = arith.constant 4 : i32
        %add3A_275 = arith.addi %add3A_235, %add3A_274 : i32
        %lt3A_276 = arith.constant 125 : i32
        %lt3A_277 = arith.cmpi slt, %add3A_275, %lt3A_276 : i32
        %convert_element_type3A_278 = arith.extui %lt3A_277 : i1 to i32
        %cond3A_279 = arith.constant 0 : i32
        %cond3A_280 = arith.cmpi ne, %convert_element_type3A_278, %cond3A_279 : i32
        scf.if %cond3A_280 {
          %add3A_281 = arith.constant 4 : i32
          %add3A_282 = arith.addi %add3A_235, %add3A_281 : i32
          %add3A_283 = arith.addi %mul3A_100, %add3A_282 : i32
          %dma_start3A_284 = arith.constant 0 : i32
          %dma_start3A_285 = arith.constant 0 : i32
          %dma_start3A_286 = tpu.memref_slice %arg4[%add3A_283, %dma_start3A_284, %dma_start3A_285] : memref<4000x2x80xi32, #tpu.memory_space<hbm>> -> memref<1x2x80xi32, #tpu.memory_space<hbm>>
          %dma_start3A_287 = tpu.memref_squeeze %dma_start3A_286 : memref<1x2x80xi32, #tpu.memory_space<hbm>> -> memref<2x80xi32, #tpu.memory_space<hbm>>
          %dma_start3A_288 = arith.constant 0 : i32
          %dma_start3A_289 = arith.constant 0 : i32
          %dma_start3A_290 = tpu.memref_slice %arg4[%add3A_283, %dma_start3A_288, %dma_start3A_289] : memref<4000x2x80xi32, #tpu.memory_space<hbm>> -> memref<1x2x80xi32, #tpu.memory_space<hbm>>
          %dma_start3A_291 = tpu.memref_squeeze %dma_start3A_290 : memref<1x2x80xi32, #tpu.memory_space<hbm>> -> memref<2x80xi32, #tpu.memory_space<hbm>>
          tpu.enqueue_dma source(%dma_start3A_291 : memref<2x80xi32, #tpu.memory_space<hbm>>) target(%arg11 : memref<2x80xi32, #tpu.memory_space<vmem>>) target_semaphore(%arg26 : memref<!tpu.dma_semaphore, #tpu.memory_space<semaphore_mem>>)
        } else {
        }
      } else {
      }
      %mul3A_241 = arith.constant 4 : i32
      %mul3A_242 = arith.muli %mul3A_241, %scan3A_216 : i32
      %add3A_243 = arith.constant 3 : i32
      %add3A_244 = arith.addi %mul3A_242, %add3A_243 : i32
      %lt3A_245 = arith.constant 125 : i32
      %lt3A_246 = arith.cmpi slt, %add3A_244, %lt3A_245 : i32
      %convert_element_type3A_247 = arith.extui %lt3A_246 : i1 to i32
      %cond3A_248 = arith.constant 0 : i32
      %cond3A_249 = arith.cmpi ne, %convert_element_type3A_247, %cond3A_248 : i32
      scf.if %cond3A_249 {
        %dma_wait3A_250 = arith.constant 0 : i32
        %dma_wait3A_251 = arith.constant 0 : i32
        %dma_wait3A_252 = tpu.memref_slice %arg12[%dma_wait3A_250, %dma_wait3A_251] : memref<2x80xi32, #tpu.memory_space<vmem>> -> memref<1x80xi32, #tpu.memory_space<vmem>>
        %dma_wait3A_253 = tpu.memref_squeeze %dma_wait3A_252 : memref<1x80xi32, #tpu.memory_space<vmem>> -> memref<80xi32, #tpu.memory_space<vmem>>
        %dma_wait3A_254 = arith.constant 0 : i32
        %dma_wait3A_255 = arith.constant 0 : i32
        %dma_wait3A_256 = tpu.memref_slice %arg2[%dma_wait3A_254, %dma_wait3A_255] : memref<10000x128xf32, #tpu.memory_space<hbm>> -> memref<10000x128xf32, #tpu.memory_space<hbm>>
        tpu.wait_indirect_dma semaphore(%arg21 : memref<!tpu.dma_semaphore, #tpu.memory_space<semaphore_mem>>) src(%dma_wait3A_256 : memref<10000x128xf32, #tpu.memory_space<hbm>>) dst(%arg14 : memref<80x128xf32, #tpu.memory_space<vmem>>)
        %dma_wait3A_257 = arith.constant 1 : i32
        %dma_wait3A_258 = arith.constant 0 : i32
        %dma_wait3A_259 = tpu.memref_slice %arg12[%dma_wait3A_257, %dma_wait3A_258] : memref<2x80xi32, #tpu.memory_space<vmem>> -> memref<1x80xi32, #tpu.memory_space<vmem>>
        %dma_wait3A_260 = tpu.memref_squeeze %dma_wait3A_259 : memref<1x80xi32, #tpu.memory_space<vmem>> -> memref<80xi32, #tpu.memory_space<vmem>>
        %dma_wait3A_261 = arith.constant 0 : i32
        %dma_wait3A_262 = arith.constant 0 : i32
        %dma_wait3A_263 = tpu.memref_slice %arg3[%dma_wait3A_261, %dma_wait3A_262] : memref<10000x128xf32, #tpu.memory_space<hbm>> -> memref<10000x128xf32, #tpu.memory_space<hbm>>
        tpu.wait_indirect_dma semaphore(%arg23 : memref<!tpu.dma_semaphore, #tpu.memory_space<semaphore_mem>>) src(%dma_wait3A_263 : memref<10000x128xf32, #tpu.memory_space<hbm>>) dst(%arg16 : memref<80x128xf32, #tpu.memory_space<vmem>>)
        %parallel_loop3A = arith.constant 0 : i32
        %parallel_loop3A_264 = arith.constant 80 : i32
        %parallel_loop3A_265 = arith.constant 1 : i32
        scf.for %parallel_loop3A_281 = %parallel_loop3A to %parallel_loop3A_264 step %parallel_loop3A_265  : i32 {
          %parallel_loop3A_282 = arith.index_cast %parallel_loop3A_281 : i32 to index
          %parallel_loop3A_283 = arith.constant 0 : index
          %parallel_loop3A_284 = tpu.vector_load %arg14[%parallel_loop3A_282, %parallel_loop3A_283] {strides = array<i32>} : memref<80x128xf32, #tpu.memory_space<vmem>>, vector<16xf32>,
          %parallel_loop3A_285 = arith.index_cast %parallel_loop3A_281 : i32 to index
          %parallel_loop3A_286 = arith.constant 0 : index
          %parallel_loop3A_287 = tpu.vector_load %arg16[%parallel_loop3A_285, %parallel_loop3A_286] {strides = array<i32>} : memref<80x128xf32, #tpu.memory_space<vmem>>, vector<16xf32>,
          %parallel_loop3A_288 = arith.addf %parallel_loop3A_284, %parallel_loop3A_287 : vector<16xf32>
          %parallel_loop3A_289 = arith.constant 2.000000e-01 : f32
          %parallel_loop3A_290 = vector.broadcast %parallel_loop3A_289 : f32 to vector<16xf32>
          %parallel_loop3A_291 = arith.mulf %parallel_loop3A_290, %parallel_loop3A_288 : vector<16xf32>
          %parallel_loop3A_292 = arith.maximumf %parallel_loop3A_288, %parallel_loop3A_291 : vector<16xf32>
          %parallel_loop3A_293 = arith.mulf %parallel_loop3A_292, %get3A_1 : vector<16xf32>
          %parallel_loop3A_294 = arith.index_cast %parallel_loop3A_281 : i32 to index
          %parallel_loop3A_295 = arith.constant 16 : index
          %parallel_loop3A_296 = tpu.vector_load %arg14[%parallel_loop3A_294, %parallel_loop3A_295] {strides = array<i32>} : memref<80x128xf32, #tpu.memory_space<vmem>>, vector<16xf32>,
          %parallel_loop3A_297 = arith.index_cast %parallel_loop3A_281 : i32 to index
          %parallel_loop3A_298 = arith.constant 16 : index
          %parallel_loop3A_299 = tpu.vector_load %arg16[%parallel_loop3A_297, %parallel_loop3A_298] {strides = array<i32>} : memref<80x128xf32, #tpu.memory_space<vmem>>, vector<16xf32>,
          %parallel_loop3A_300 = arith.addf %parallel_loop3A_296, %parallel_loop3A_299 : vector<16xf32>
          %parallel_loop3A_301 = arith.constant 2.000000e-01 : f32
          %parallel_loop3A_302 = vector.broadcast %parallel_loop3A_301 : f32 to vector<16xf32>
          %parallel_loop3A_303 = arith.mulf %parallel_loop3A_302, %parallel_loop3A_300 : vector<16xf32>
          %parallel_loop3A_304 = arith.maximumf %parallel_loop3A_300, %parallel_loop3A_303 : vector<16xf32>
          %parallel_loop3A_305 = arith.mulf %parallel_loop3A_304, %get3A_3 : vector<16xf32>
          %parallel_loop3A_306 = arith.index_cast %parallel_loop3A_281 : i32 to index
          %parallel_loop3A_307 = arith.constant 32 : index
          %parallel_loop3A_308 = tpu.vector_load %arg14[%parallel_loop3A_306, %parallel_loop3A_307] {strides = array<i32>} : memref<80x128xf32, #tpu.memory_space<vmem>>, vector<16xf32>,
          %parallel_loop3A_309 = arith.index_cast %parallel_loop3A_281 : i32 to index
          %parallel_loop3A_310 = arith.constant 32 : index
          %parallel_loop3A_311 = tpu.vector_load %arg16[%parallel_loop3A_309, %parallel_loop3A_310] {strides = array<i32>} : memref<80x128xf32, #tpu.memory_space<vmem>>, vector<16xf32>,
          %parallel_loop3A_312 = arith.addf %parallel_loop3A_308, %parallel_loop3A_311 : vector<16xf32>
          %parallel_loop3A_313 = arith.constant 2.000000e-01 : f32
          %parallel_loop3A_314 = vector.broadcast %parallel_loop3A_313 : f32 to vector<16xf32>
          %parallel_loop3A_315 = arith.mulf %parallel_loop3A_314, %parallel_loop3A_312 : vector<16xf32>
          %parallel_loop3A_316 = arith.maximumf %parallel_loop3A_312, %parallel_loop3A_315 : vector<16xf32>
          %parallel_loop3A_317 = arith.mulf %parallel_loop3A_316, %get3A_5 : vector<16xf32>
          %parallel_loop3A_318 = arith.index_cast %parallel_loop3A_281 : i32 to index
          %parallel_loop3A_319 = arith.constant 48 : index
          %parallel_loop3A_320 = tpu.vector_load %arg14[%parallel_loop3A_318, %parallel_loop3A_319] {strides = array<i32>} : memref<80x128xf32, #tpu.memory_space<vmem>>, vector<16xf32>,
          %parallel_loop3A_321 = arith.index_cast %parallel_loop3A_281 : i32 to index
          %parallel_loop3A_322 = arith.constant 48 : index
          %parallel_loop3A_323 = tpu.vector_load %arg16[%parallel_loop3A_321, %parallel_loop3A_322] {strides = array<i32>} : memref<80x128xf32, #tpu.memory_space<vmem>>, vector<16xf32>,
          %parallel_loop3A_324 = arith.addf %parallel_loop3A_320, %parallel_loop3A_323 : vector<16xf32>
          %parallel_loop3A_325 = arith.constant 2.000000e-01 : f32
          %parallel_loop3A_326 = vector.broadcast %parallel_loop3A_325 : f32 to vector<16xf32>
          %parallel_loop3A_327 = arith.mulf %parallel_loop3A_326, %parallel_loop3A_324 : vector<16xf32>
          %parallel_loop3A_328 = arith.maximumf %parallel_loop3A_324, %parallel_loop3A_327 : vector<16xf32>
          %parallel_loop3A_329 = arith.mulf %parallel_loop3A_328, %get3A_7 : vector<16xf32>
          %parallel_loop3A_330 = arith.index_cast %parallel_loop3A_281 : i32 to index
          %parallel_loop3A_331 = arith.constant 64 : index
          %parallel_loop3A_332 = tpu.vector_load %arg14[%parallel_loop3A_330, %parallel_loop3A_331] {strides = array<i32>} : memref<80x128xf32, #tpu.memory_space<vmem>>, vector<16xf32>,
          %parallel_loop3A_333 = arith.index_cast %parallel_loop3A_281 : i32 to index
          %parallel_loop3A_334 = arith.constant 64 : index
          %parallel_loop3A_335 = tpu.vector_load %arg16[%parallel_loop3A_333, %parallel_loop3A_334] {strides = array<i32>} : memref<80x128xf32, #tpu.memory_space<vmem>>, vector<16xf32>,
          %parallel_loop3A_336 = arith.addf %parallel_loop3A_332, %parallel_loop3A_335 : vector<16xf32>
          %parallel_loop3A_337 = arith.constant 2.000000e-01 : f32
          %parallel_loop3A_338 = vector.broadcast %parallel_loop3A_337 : f32 to vector<16xf32>
          %parallel_loop3A_339 = arith.mulf %parallel_loop3A_338, %parallel_loop3A_336 : vector<16xf32>
          %parallel_loop3A_340 = arith.maximumf %parallel_loop3A_336, %parallel_loop3A_339 : vector<16xf32>
          %parallel_loop3A_341 = arith.mulf %parallel_loop3A_340, %get3A_9 : vector<16xf32>
          %parallel_loop3A_342 = arith.index_cast %parallel_loop3A_281 : i32 to index
          %parallel_loop3A_343 = arith.constant 80 : index
          %parallel_loop3A_344 = tpu.vector_load %arg14[%parallel_loop3A_342, %parallel_loop3A_343] {strides = array<i32>} : memref<80x128xf32, #tpu.memory_space<vmem>>, vector<16xf32>,
          %parallel_loop3A_345 = arith.index_cast %parallel_loop3A_281 : i32 to index
          %parallel_loop3A_346 = arith.constant 80 : index
          %parallel_loop3A_347 = tpu.vector_load %arg16[%parallel_loop3A_345, %parallel_loop3A_346] {strides = array<i32>} : memref<80x128xf32, #tpu.memory_space<vmem>>, vector<16xf32>,
          %parallel_loop3A_348 = arith.addf %parallel_loop3A_344, %parallel_loop3A_347 : vector<16xf32>
          %parallel_loop3A_349 = arith.constant 2.000000e-01 : f32
          %parallel_loop3A_350 = vector.broadcast %parallel_loop3A_349 : f32 to vector<16xf32>
          %parallel_loop3A_351 = arith.mulf %parallel_loop3A_350, %parallel_loop3A_348 : vector<16xf32>
          %parallel_loop3A_352 = arith.maximumf %parallel_loop3A_348, %parallel_loop3A_351 : vector<16xf32>
          %parallel_loop3A_353 = arith.mulf %parallel_loop3A_352, %get3A_11 : vector<16xf32>
          %parallel_loop3A_354 = arith.index_cast %parallel_loop3A_281 : i32 to index
          %parallel_loop3A_355 = arith.constant 96 : index
          %parallel_loop3A_356 = tpu.vector_load %arg14[%parallel_loop3A_354, %parallel_loop3A_355] {strides = array<i32>} : memref<80x128xf32, #tpu.memory_space<vmem>>, vector<16xf32>,
          %parallel_loop3A_357 = arith.index_cast %parallel_loop3A_281 : i32 to index
          %parallel_loop3A_358 = arith.constant 96 : index
          %parallel_loop3A_359 = tpu.vector_load %arg16[%parallel_loop3A_357, %parallel_loop3A_358] {strides = array<i32>} : memref<80x128xf32, #tpu.memory_space<vmem>>, vector<16xf32>,
          %parallel_loop3A_360 = arith.addf %parallel_loop3A_356, %parallel_loop3A_359 : vector<16xf32>
          %parallel_loop3A_361 = arith.constant 2.000000e-01 : f32
          %parallel_loop3A_362 = vector.broadcast %parallel_loop3A_361 : f32 to vector<16xf32>
          %parallel_loop3A_363 = arith.mulf %parallel_loop3A_362, %parallel_loop3A_360 : vector<16xf32>
          %parallel_loop3A_364 = arith.maximumf %parallel_loop3A_360, %parallel_loop3A_363 : vector<16xf32>
          %parallel_loop3A_365 = arith.mulf %parallel_loop3A_364, %get3A_13 : vector<16xf32>
          %parallel_loop3A_366 = arith.index_cast %parallel_loop3A_281 : i32 to index
          %parallel_loop3A_367 = arith.constant 112 : index
          %parallel_loop3A_368 = tpu.vector_load %arg14[%parallel_loop3A_366, %parallel_loop3A_367] {strides = array<i32>} : memref<80x128xf32, #tpu.memory_space<vmem>>, vector<16xf32>,
          %parallel_loop3A_369 = arith.index_cast %parallel_loop3A_281 : i32 to index
          %parallel_loop3A_370 = arith.constant 112 : index
          %parallel_loop3A_371 = tpu.vector_load %arg16[%parallel_loop3A_369, %parallel_loop3A_370] {strides = array<i32>} : memref<80x128xf32, #tpu.memory_space<vmem>>, vector<16xf32>,
          %parallel_loop3A_372 = arith.addf %parallel_loop3A_368, %parallel_loop3A_371 : vector<16xf32>
          %parallel_loop3A_373 = arith.constant 2.000000e-01 : f32
          %parallel_loop3A_374 = vector.broadcast %parallel_loop3A_373 : f32 to vector<16xf32>
          %parallel_loop3A_375 = arith.mulf %parallel_loop3A_374, %parallel_loop3A_372 : vector<16xf32>
          %parallel_loop3A_376 = arith.maximumf %parallel_loop3A_372, %parallel_loop3A_375 : vector<16xf32>
          %parallel_loop3A_377 = arith.mulf %parallel_loop3A_376, %get3A_15 : vector<16xf32>
          %parallel_loop3A_378 = arith.addf %parallel_loop3A_293, %parallel_loop3A_305 : vector<16xf32>
          %parallel_loop3A_379 = arith.addf %parallel_loop3A_317, %parallel_loop3A_329 : vector<16xf32>
          %parallel_loop3A_380 = arith.addf %parallel_loop3A_378, %parallel_loop3A_379 : vector<16xf32>
          %parallel_loop3A_381 = arith.addf %parallel_loop3A_341, %parallel_loop3A_353 : vector<16xf32>
          %parallel_loop3A_382 = arith.addf %parallel_loop3A_365, %parallel_loop3A_377 : vector<16xf32>
          %parallel_loop3A_383 = arith.addf %parallel_loop3A_381, %parallel_loop3A_382 : vector<16xf32>
          %parallel_loop3A_384 = arith.addf %parallel_loop3A_380, %parallel_loop3A_383 : vector<16xf32>
          %parallel_loop3A_385 = arith.constant true
          %parallel_loop3A_386 = vector.broadcast %parallel_loop3A_385 : i1 to vector<16xi1>
          %parallel_loop3A_387 = tpu.scan <sum>, %parallel_loop3A_384 masked %parallel_loop3A_386 : vector<16xf32>, vector<16xi1> -> vector<16xf32>
          %parallel_loop3A_388 = vector.shape_cast %broadcast_in_dim3A_18 : vector<16xi32> to vector<16x1xi32>
          %parallel_loop3A_389 = vector.shape_cast %parallel_loop3A_388 : vector<16x1xi32> to vector<16xi32>
          %parallel_loop3A_390 = tpu.dynamic_gather %parallel_loop3A_387[%parallel_loop3A_389] in [0] : vector<16xf32>, vector<16xi32> -> vector<16xf32>
          %parallel_loop3A_391 = math.exp %parallel_loop3A_390 : vector<16xf32>
          %parallel_loop3A_392 = arith.mulf %parallel_loop3A_284, %parallel_loop3A_391 : vector<16xf32>
          %parallel_loop3A_393 = arith.index_cast %parallel_loop3A_281 : i32 to index
          %parallel_loop3A_394 = arith.constant 0 : index
          %parallel_loop3A_395 = tpu.vector_load %arg16[%parallel_loop3A_393, %parallel_loop3A_394] {strides = array<i32>} : memref<80x128xf32, #tpu.memory_space<vmem>>, vector<16xf32>,
          tpu.vector_store %arg16[%parallel_loop3A_393, %parallel_loop3A_394], %parallel_loop3A_392 {strides = array<i32>} : memref<80x128xf32, #tpu.memory_space<vmem>>, vector<16xf32>,
          %parallel_loop3A_396 = arith.mulf %parallel_loop3A_296, %parallel_loop3A_391 : vector<16xf32>
          %parallel_loop3A_397 = arith.index_cast %parallel_loop3A_281 : i32 to index
          %parallel_loop3A_398 = arith.constant 16 : index
          %parallel_loop3A_399 = tpu.vector_load %arg16[%parallel_loop3A_397, %parallel_loop3A_398] {strides = array<i32>} : memref<80x128xf32, #tpu.memory_space<vmem>>, vector<16xf32>,
          tpu.vector_store %arg16[%parallel_loop3A_397, %parallel_loop3A_398], %parallel_loop3A_396 {strides = array<i32>} : memref<80x128xf32, #tpu.memory_space<vmem>>, vector<16xf32>,
          %parallel_loop3A_400 = arith.mulf %parallel_loop3A_308, %parallel_loop3A_391 : vector<16xf32>
          %parallel_loop3A_401 = arith.index_cast %parallel_loop3A_281 : i32 to index
          %parallel_loop3A_402 = arith.constant 32 : index
          %parallel_loop3A_403 = tpu.vector_load %arg16[%parallel_loop3A_401, %parallel_loop3A_402] {strides = array<i32>} : memref<80x128xf32, #tpu.memory_space<vmem>>, vector<16xf32>,
          tpu.vector_store %arg16[%parallel_loop3A_401, %parallel_loop3A_402], %parallel_loop3A_400 {strides = array<i32>} : memref<80x128xf32, #tpu.memory_space<vmem>>, vector<16xf32>,
          %parallel_loop3A_404 = arith.mulf %parallel_loop3A_320, %parallel_loop3A_391 : vector<16xf32>
          %parallel_loop3A_405 = arith.index_cast %parallel_loop3A_281 : i32 to index
          %parallel_loop3A_406 = arith.constant 48 : index
          %parallel_loop3A_407 = tpu.vector_load %arg16[%parallel_loop3A_405, %parallel_loop3A_406] {strides = array<i32>} : memref<80x128xf32, #tpu.memory_space<vmem>>, vector<16xf32>,
          tpu.vector_store %arg16[%parallel_loop3A_405, %parallel_loop3A_406], %parallel_loop3A_404 {strides = array<i32>} : memref<80x128xf32, #tpu.memory_space<vmem>>, vector<16xf32>,
          %parallel_loop3A_408 = arith.mulf %parallel_loop3A_332, %parallel_loop3A_391 : vector<16xf32>
          %parallel_loop3A_409 = arith.index_cast %parallel_loop3A_281 : i32 to index
          %parallel_loop3A_410 = arith.constant 64 : index
          %parallel_loop3A_411 = tpu.vector_load %arg16[%parallel_loop3A_409, %parallel_loop3A_410] {strides = array<i32>} : memref<80x128xf32, #tpu.memory_space<vmem>>, vector<16xf32>,
          tpu.vector_store %arg16[%parallel_loop3A_409, %parallel_loop3A_410], %parallel_loop3A_408 {strides = array<i32>} : memref<80x128xf32, #tpu.memory_space<vmem>>, vector<16xf32>,
          %parallel_loop3A_412 = arith.mulf %parallel_loop3A_344, %parallel_loop3A_391 : vector<16xf32>
          %parallel_loop3A_413 = arith.index_cast %parallel_loop3A_281 : i32 to index
          %parallel_loop3A_414 = arith.constant 80 : index
          %parallel_loop3A_415 = tpu.vector_load %arg16[%parallel_loop3A_413, %parallel_loop3A_414] {strides = array<i32>} : memref<80x128xf32, #tpu.memory_space<vmem>>, vector<16xf32>,
          tpu.vector_store %arg16[%parallel_loop3A_413, %parallel_loop3A_414], %parallel_loop3A_412 {strides = array<i32>} : memref<80x128xf32, #tpu.memory_space<vmem>>, vector<16xf32>,
          %parallel_loop3A_416 = arith.mulf %parallel_loop3A_356, %parallel_loop3A_391 : vector<16xf32>
          %parallel_loop3A_417 = arith.index_cast %parallel_loop3A_281 : i32 to index
          %parallel_loop3A_418 = arith.constant 96 : index
          %parallel_loop3A_419 = tpu.vector_load %arg16[%parallel_loop3A_417, %parallel_loop3A_418] {strides = array<i32>} : memref<80x128xf32, #tpu.memory_space<vmem>>, vector<16xf32>,
          tpu.vector_store %arg16[%parallel_loop3A_417, %parallel_loop3A_418], %parallel_loop3A_416 {strides = array<i32>} : memref<80x128xf32, #tpu.memory_space<vmem>>, vector<16xf32>,
          %parallel_loop3A_420 = arith.mulf %parallel_loop3A_368, %parallel_loop3A_391 : vector<16xf32>
          %parallel_loop3A_421 = arith.index_cast %parallel_loop3A_281 : i32 to index
          %parallel_loop3A_422 = arith.constant 112 : index
          %parallel_loop3A_423 = tpu.vector_load %arg16[%parallel_loop3A_421, %parallel_loop3A_422] {strides = array<i32>} : memref<80x128xf32, #tpu.memory_space<vmem>>, vector<16xf32>,
          tpu.vector_store %arg16[%parallel_loop3A_421, %parallel_loop3A_422], %parallel_loop3A_420 {strides = array<i32>} : memref<80x128xf32, #tpu.memory_space<vmem>>, vector<16xf32>,
          %parallel_loop3A_424 = vector.broadcast %parallel_loop3A_281 : i32 to vector<16xi32>
          tpu.vector_store_idx %arg17[%parallel_loop3A_424], %parallel_loop3A_391 masked %eq3A_17 : memref<80xf32, #tpu.memory_space<vmem>>[vector<16xi32>], vector<16xf32>, vector<16xi1>
        } {sc.loop_unroll_factor = 4 : i64, sc.parallel_access}
        %run_scoped3A = arith.constant 1 : i32
        "tpu.region"() ({
          %run_scoped3A_281 = tpu.sem_alloc : memref<!tpu.dma_semaphore, #tpu.memory_space<semaphore_mem>>
          %dma_start3A_282 = arith.constant 0 : i32
          %dma_start3A_283 = tpu.memref_slice %arg12[%run_scoped3A, %dma_start3A_282] : memref<2x80xi32, #tpu.memory_space<vmem>> -> memref<1x80xi32, #tpu.memory_space<vmem>>
          %dma_start3A_284 = tpu.memref_squeeze %dma_start3A_283 : memref<1x80xi32, #tpu.memory_space<vmem>> -> memref<80xi32, #tpu.memory_space<vmem>>
          %dma_start3A_285 = arith.constant 0 : i32
          %dma_start3A_286 = arith.constant 0 : i32
          %dma_start3A_287 = tpu.memref_slice %arg18[%dma_start3A_285, %dma_start3A_286] : memref<10000x128xf32, #tpu.memory_space<vmem_shared>> -> memref<10000x128xf32, #tpu.memory_space<vmem_shared>>
          tpu.enqueue_indirect_dma source(%arg16 : memref<80x128xf32, #tpu.memory_space<vmem>>) target(%dma_start3A_287 : memref<10000x128xf32, #tpu.memory_space<vmem_shared>>) offsets(%dma_start3A_284 : memref<80xi32, #tpu.memory_space<vmem>>) semaphore(%run_scoped3A_281 : memref<!tpu.dma_semaphore, #tpu.memory_space<semaphore_mem>>) {add = true}
          %dma_wait3A_288 = arith.constant 0 : i32
          %dma_wait3A_289 = tpu.memref_slice %arg12[%run_scoped3A, %dma_wait3A_288] : memref<2x80xi32, #tpu.memory_space<vmem>> -> memref<1x80xi32, #tpu.memory_space<vmem>>
          %dma_wait3A_290 = tpu.memref_squeeze %dma_wait3A_289 : memref<1x80xi32, #tpu.memory_space<vmem>> -> memref<80xi32, #tpu.memory_space<vmem>>
          %dma_wait3A_291 = arith.constant 0 : i32
          %dma_wait3A_292 = arith.constant 0 : i32
          %dma_wait3A_293 = tpu.memref_slice %arg18[%dma_wait3A_291, %dma_wait3A_292] : memref<10000x128xf32, #tpu.memory_space<vmem_shared>> -> memref<10000x128xf32, #tpu.memory_space<vmem_shared>>
          tpu.wait_indirect_dma semaphore(%run_scoped3A_281 : memref<!tpu.dma_semaphore, #tpu.memory_space<semaphore_mem>>) src(%arg16 : memref<80x128xf32, #tpu.memory_space<vmem>>) dst(%dma_wait3A_293 : memref<10000x128xf32, #tpu.memory_space<vmem_shared>>)
          tpu.yield
        }) : () -> ()
        %run_scoped3A_266 = arith.constant 1 : i32
        "tpu.region"() ({
          %run_scoped3A_281 = tpu.sem_alloc : memref<!tpu.dma_semaphore, #tpu.memory_space<semaphore_mem>>
          %dma_start3A_282 = arith.constant 0 : i32
          %dma_start3A_283 = tpu.memref_slice %arg12[%run_scoped3A_266, %dma_start3A_282] : memref<2x80xi32, #tpu.memory_space<vmem>> -> memref<1x80xi32, #tpu.memory_space<vmem>>
          %dma_start3A_284 = tpu.memref_squeeze %dma_start3A_283 : memref<1x80xi32, #tpu.memory_space<vmem>> -> memref<80xi32, #tpu.memory_space<vmem>>
          %dma_start3A_285 = arith.constant 0 : i32
          %dma_start3A_286 = tpu.memref_slice %arg19[%dma_start3A_285] : memref<10000xf32, #tpu.memory_space<vmem_shared>> -> memref<10000xf32, #tpu.memory_space<vmem_shared>>
          tpu.enqueue_indirect_dma source(%arg17 : memref<80xf32, #tpu.memory_space<vmem>>) target(%dma_start3A_286 : memref<10000xf32, #tpu.memory_space<vmem_shared>>) offsets(%dma_start3A_284 : memref<80xi32, #tpu.memory_space<vmem>>) semaphore(%run_scoped3A_281 : memref<!tpu.dma_semaphore, #tpu.memory_space<semaphore_mem>>) {add = true}
          %dma_wait3A_287 = arith.constant 0 : i32
          %dma_wait3A_288 = tpu.memref_slice %arg12[%run_scoped3A_266, %dma_wait3A_287] : memref<2x80xi32, #tpu.memory_space<vmem>> -> memref<1x80xi32, #tpu.memory_space<vmem>>
          %dma_wait3A_289 = tpu.memref_squeeze %dma_wait3A_288 : memref<1x80xi32, #tpu.memory_space<vmem>> -> memref<80xi32, #tpu.memory_space<vmem>>
          %dma_wait3A_290 = arith.constant 0 : i32
          %dma_wait3A_291 = tpu.memref_slice %arg19[%dma_wait3A_290] : memref<10000xf32, #tpu.memory_space<vmem_shared>> -> memref<10000xf32, #tpu.memory_space<vmem_shared>>
          tpu.wait_indirect_dma semaphore(%run_scoped3A_281 : memref<!tpu.dma_semaphore, #tpu.memory_space<semaphore_mem>>) src(%arg17 : memref<80xf32, #tpu.memory_space<vmem>>) dst(%dma_wait3A_291 : memref<10000xf32, #tpu.memory_space<vmem_shared>>)
          tpu.yield
        }) : () -> ()
        %add3A_267 = arith.constant 2 : i32
        %add3A_268 = arith.addi %add3A_244, %add3A_267 : i32
        %lt3A_269 = arith.constant 125 : i32
        %lt3A_270 = arith.cmpi slt, %add3A_268, %lt3A_269 : i32
        %convert_element_type3A_271 = arith.extui %lt3A_270 : i1 to i32
        %cond3A_272 = arith.constant 0 : i32
        %cond3A_273 = arith.cmpi ne, %convert_element_type3A_271, %cond3A_272 : i32
        scf.if %cond3A_273 {
          %dma_wait3A_281 = arith.constant 0 : i32
          %dma_wait3A_282 = arith.constant 0 : i32
          %dma_wait3A_283 = arith.constant 0 : i32
          %dma_wait3A_284 = tpu.memref_slice %arg4[%dma_wait3A_281, %dma_wait3A_282, %dma_wait3A_283] : memref<4000x2x80xi32, #tpu.memory_space<hbm>> -> memref<1x2x80xi32, #tpu.memory_space<hbm>>
          %dma_wait3A_285 = tpu.memref_squeeze %dma_wait3A_284 : memref<1x2x80xi32, #tpu.memory_space<hbm>> -> memref<2x80xi32, #tpu.memory_space<hbm>>
          %dma_wait3A_286 = arith.constant 0 : i32
          %dma_wait3A_287 = arith.constant 0 : i32
          %dma_wait3A_288 = tpu.memref_slice %arg4[%dma_wait3A_281, %dma_wait3A_286, %dma_wait3A_287] : memref<4000x2x80xi32, #tpu.memory_space<hbm>> -> memref<1x2x80xi32, #tpu.memory_space<hbm>>
          %dma_wait3A_289 = tpu.memref_squeeze %dma_wait3A_288 : memref<1x2x80xi32, #tpu.memory_space<hbm>> -> memref<2x80xi32, #tpu.memory_space<hbm>>
          tpu.wait_dma2 semaphore(%arg25 : memref<!tpu.dma_semaphore, #tpu.memory_space<semaphore_mem>>) src(%dma_wait3A_289 : memref<2x80xi32, #tpu.memory_space<hbm>>) dst(%arg10 : memref<2x80xi32, #tpu.memory_space<vmem>>)
          %add3A_290 = arith.constant 2 : i32
          %add3A_291 = arith.addi %add3A_244, %add3A_290 : i32
          %dma_start3A_292 = arith.constant 0 : i32
          %dma_start3A_293 = arith.constant 0 : i32
          %dma_start3A_294 = tpu.memref_slice %arg10[%dma_start3A_292, %dma_start3A_293] : memref<2x80xi32, #tpu.memory_space<vmem>> -> memref<1x80xi32, #tpu.memory_space<vmem>>
          %dma_start3A_295 = tpu.memref_squeeze %dma_start3A_294 : memref<1x80xi32, #tpu.memory_space<vmem>> -> memref<80xi32, #tpu.memory_space<vmem>>
          %dma_start3A_296 = arith.constant 0 : i32
          %dma_start3A_297 = arith.constant 0 : i32
          %dma_start3A_298 = tpu.memref_slice %arg2[%dma_start3A_296, %dma_start3A_297] : memref<10000x128xf32, #tpu.memory_space<hbm>> -> memref<10000x128xf32, #tpu.memory_space<hbm>>
          tpu.enqueue_indirect_dma source(%dma_start3A_298 : memref<10000x128xf32, #tpu.memory_space<hbm>>) target(%arg14 : memref<80x128xf32, #tpu.memory_space<vmem>>) offsets(%dma_start3A_295 : memref<80xi32, #tpu.memory_space<vmem>>) semaphore(%arg21 : memref<!tpu.dma_semaphore, #tpu.memory_space<semaphore_mem>>)
          %dma_start3A_299 = arith.constant 1 : i32
          %dma_start3A_300 = arith.constant 0 : i32
          %dma_start3A_301 = tpu.memref_slice %arg10[%dma_start3A_299, %dma_start3A_300] : memref<2x80xi32, #tpu.memory_space<vmem>> -> memref<1x80xi32, #tpu.memory_space<vmem>>
          %dma_start3A_302 = tpu.memref_squeeze %dma_start3A_301 : memref<1x80xi32, #tpu.memory_space<vmem>> -> memref<80xi32, #tpu.memory_space<vmem>>
          %dma_start3A_303 = arith.constant 0 : i32
          %dma_start3A_304 = arith.constant 0 : i32
          %dma_start3A_305 = tpu.memref_slice %arg3[%dma_start3A_303, %dma_start3A_304] : memref<10000x128xf32, #tpu.memory_space<hbm>> -> memref<10000x128xf32, #tpu.memory_space<hbm>>
          tpu.enqueue_indirect_dma source(%dma_start3A_305 : memref<10000x128xf32, #tpu.memory_space<hbm>>) target(%arg16 : memref<80x128xf32, #tpu.memory_space<vmem>>) offsets(%dma_start3A_302 : memref<80xi32, #tpu.memory_space<vmem>>) semaphore(%arg23 : memref<!tpu.dma_semaphore, #tpu.memory_space<semaphore_mem>>)
        } else {
        }
        %add3A_274 = arith.constant 4 : i32
        %add3A_275 = arith.addi %add3A_244, %add3A_274 : i32
        %lt3A_276 = arith.constant 125 : i32
        %lt3A_277 = arith.cmpi slt, %add3A_275, %lt3A_276 : i32
        %convert_element_type3A_278 = arith.extui %lt3A_277 : i1 to i32
        %cond3A_279 = arith.constant 0 : i32
        %cond3A_280 = arith.cmpi ne, %convert_element_type3A_278, %cond3A_279 : i32
        scf.if %cond3A_280 {
          %add3A_281 = arith.constant 4 : i32
          %add3A_282 = arith.addi %add3A_244, %add3A_281 : i32
          %add3A_283 = arith.addi %mul3A_100, %add3A_282 : i32
          %dma_start3A_284 = arith.constant 0 : i32
          %dma_start3A_285 = arith.constant 0 : i32
          %dma_start3A_286 = tpu.memref_slice %arg4[%add3A_283, %dma_start3A_284, %dma_start3A_285] : memref<4000x2x80xi32, #tpu.memory_space<hbm>> -> memref<1x2x80xi32, #tpu.memory_space<hbm>>
          %dma_start3A_287 = tpu.memref_squeeze %dma_start3A_286 : memref<1x2x80xi32, #tpu.memory_space<hbm>> -> memref<2x80xi32, #tpu.memory_space<hbm>>
          %dma_start3A_288 = arith.constant 0 : i32
          %dma_start3A_289 = arith.constant 0 : i32
          %dma_start3A_290 = tpu.memref_slice %arg4[%add3A_283, %dma_start3A_288, %dma_start3A_289] : memref<4000x2x80xi32, #tpu.memory_space<hbm>> -> memref<1x2x80xi32, #tpu.memory_space<hbm>>
          %dma_start3A_291 = tpu.memref_squeeze %dma_start3A_290 : memref<1x2x80xi32, #tpu.memory_space<hbm>> -> memref<2x80xi32, #tpu.memory_space<hbm>>
          tpu.enqueue_dma source(%dma_start3A_291 : memref<2x80xi32, #tpu.memory_space<hbm>>) target(%arg12 : memref<2x80xi32, #tpu.memory_space<vmem>>) target_semaphore(%arg27 : memref<!tpu.dma_semaphore, #tpu.memory_space<semaphore_mem>>)
        } else {
        }
      } else {
      }
    }
    %scan3A_190 = arith.constant 32 : i32
    %barrier3A_191 = arith.constant 0 : index
    tpu.barrier barrier_id(%barrier3A_191)
    %mul3A_192 = arith.constant 625 : i32
    %mul3A_193 = arith.muli %arg1, %mul3A_192 : i32
    %add3A_194 = arith.constant 0 : i32
    %add3A_195 = arith.addi %mul3A_193, %add3A_194 : i32
    "tpu.region"() ({
      %run_scoped3A = tpu.sem_alloc : memref<!tpu.dma_semaphore, #tpu.memory_space<semaphore_mem>>
      %dma_start3A_216 = arith.constant 0 : i32
      %dma_start3A_217 = tpu.memref_slice %arg6[%arg0, %add3A_195, %dma_start3A_216] : memref<2x10000x128xf32, #tpu.memory_space<hbm>> -> memref<1x125x128xf32, #tpu.memory_space<hbm>>
      %dma_start3A_218 = tpu.memref_squeeze %dma_start3A_217 : memref<1x125x128xf32, #tpu.memory_space<hbm>> -> memref<125x128xf32, #tpu.memory_space<hbm>>
      %dma_start3A_219 = arith.constant 0 : i32
      %dma_start3A_220 = tpu.memref_slice %arg18[%add3A_195, %dma_start3A_219] : memref<10000x128xf32, #tpu.memory_space<vmem_shared>> -> memref<125x128xf32, #tpu.memory_space<vmem_shared>>
      tpu.enqueue_dma source(%dma_start3A_220 : memref<125x128xf32, #tpu.memory_space<vmem_shared>>) target(%dma_start3A_218 : memref<125x128xf32, #tpu.memory_space<hbm>>) target_semaphore(%run_scoped3A : memref<!tpu.dma_semaphore, #tpu.memory_space<semaphore_mem>>)
      %dma_wait3A_221 = arith.constant 0 : i32
      %dma_wait3A_222 = tpu.memref_slice %arg6[%arg0, %add3A_195, %dma_wait3A_221] : memref<2x10000x128xf32, #tpu.memory_space<hbm>> -> memref<1x125x128xf32, #tpu.memory_space<hbm>>
      %dma_wait3A_223 = tpu.memref_squeeze %dma_wait3A_222 : memref<1x125x128xf32, #tpu.memory_space<hbm>> -> memref<125x128xf32, #tpu.memory_space<hbm>>
      %dma_wait3A_224 = arith.constant 0 : i32
      %dma_wait3A_225 = tpu.memref_slice %arg18[%add3A_195, %dma_wait3A_224] : memref<10000x128xf32, #tpu.memory_space<vmem_shared>> -> memref<125x128xf32, #tpu.memory_space<vmem_shared>>
      tpu.wait_dma2 semaphore(%run_scoped3A : memref<!tpu.dma_semaphore, #tpu.memory_space<semaphore_mem>>) src(%dma_wait3A_225 : memref<125x128xf32, #tpu.memory_space<vmem_shared>>) dst(%dma_wait3A_223 : memref<125x128xf32, #tpu.memory_space<hbm>>)
      tpu.yield
    }) : () -> ()
    %mul3A_196 = arith.constant 625 : i32
    %mul3A_197 = arith.muli %arg1, %mul3A_196 : i32
    %add3A_198 = arith.constant 125 : i32
    %add3A_199 = arith.addi %mul3A_197, %add3A_198 : i32
    "tpu.region"() ({
      %run_scoped3A = tpu.sem_alloc : memref<!tpu.dma_semaphore, #tpu.memory_space<semaphore_mem>>
      %dma_start3A_216 = arith.constant 0 : i32
      %dma_start3A_217 = tpu.memref_slice %arg6[%arg0, %add3A_199, %dma_start3A_216] : memref<2x10000x128xf32, #tpu.memory_space<hbm>> -> memref<1x125x128xf32, #tpu.memory_space<hbm>>
      %dma_start3A_218 = tpu.memref_squeeze %dma_start3A_217 : memref<1x125x128xf32, #tpu.memory_space<hbm>> -> memref<125x128xf32, #tpu.memory_space<hbm>>
      %dma_start3A_219 = arith.constant 0 : i32
      %dma_start3A_220 = tpu.memref_slice %arg18[%add3A_199, %dma_start3A_219] : memref<10000x128xf32, #tpu.memory_space<vmem_shared>> -> memref<125x128xf32, #tpu.memory_space<vmem_shared>>
      tpu.enqueue_dma source(%dma_start3A_220 : memref<125x128xf32, #tpu.memory_space<vmem_shared>>) target(%dma_start3A_218 : memref<125x128xf32, #tpu.memory_space<hbm>>) target_semaphore(%run_scoped3A : memref<!tpu.dma_semaphore, #tpu.memory_space<semaphore_mem>>)
      %dma_wait3A_221 = arith.constant 0 : i32
      %dma_wait3A_222 = tpu.memref_slice %arg6[%arg0, %add3A_199, %dma_wait3A_221] : memref<2x10000x128xf32, #tpu.memory_space<hbm>> -> memref<1x125x128xf32, #tpu.memory_space<hbm>>
      %dma_wait3A_223 = tpu.memref_squeeze %dma_wait3A_222 : memref<1x125x128xf32, #tpu.memory_space<hbm>> -> memref<125x128xf32, #tpu.memory_space<hbm>>
      %dma_wait3A_224 = arith.constant 0 : i32
      %dma_wait3A_225 = tpu.memref_slice %arg18[%add3A_199, %dma_wait3A_224] : memref<10000x128xf32, #tpu.memory_space<vmem_shared>> -> memref<125x128xf32, #tpu.memory_space<vmem_shared>>
      tpu.wait_dma2 semaphore(%run_scoped3A : memref<!tpu.dma_semaphore, #tpu.memory_space<semaphore_mem>>) src(%dma_wait3A_225 : memref<125x128xf32, #tpu.memory_space<vmem_shared>>) dst(%dma_wait3A_223 : memref<125x128xf32, #tpu.memory_space<hbm>>)
      tpu.yield
    }) : () -> ()
    %mul3A_200 = arith.constant 625 : i32
    %mul3A_201 = arith.muli %arg1, %mul3A_200 : i32
    %add3A_202 = arith.constant 250 : i32
    %add3A_203 = arith.addi %mul3A_201, %add3A_202 : i32
    "tpu.region"() ({
      %run_scoped3A = tpu.sem_alloc : memref<!tpu.dma_semaphore, #tpu.memory_space<semaphore_mem>>
      %dma_start3A_216 = arith.constant 0 : i32
      %dma_start3A_217 = tpu.memref_slice %arg6[%arg0, %add3A_203, %dma_start3A_216] : memref<2x10000x128xf32, #tpu.memory_space<hbm>> -> memref<1x125x128xf32, #tpu.memory_space<hbm>>
      %dma_start3A_218 = tpu.memref_squeeze %dma_start3A_217 : memref<1x125x128xf32, #tpu.memory_space<hbm>> -> memref<125x128xf32, #tpu.memory_space<hbm>>
      %dma_start3A_219 = arith.constant 0 : i32
      %dma_start3A_220 = tpu.memref_slice %arg18[%add3A_203, %dma_start3A_219] : memref<10000x128xf32, #tpu.memory_space<vmem_shared>> -> memref<125x128xf32, #tpu.memory_space<vmem_shared>>
      tpu.enqueue_dma source(%dma_start3A_220 : memref<125x128xf32, #tpu.memory_space<vmem_shared>>) target(%dma_start3A_218 : memref<125x128xf32, #tpu.memory_space<hbm>>) target_semaphore(%run_scoped3A : memref<!tpu.dma_semaphore, #tpu.memory_space<semaphore_mem>>)
      %dma_wait3A_221 = arith.constant 0 : i32
      %dma_wait3A_222 = tpu.memref_slice %arg6[%arg0, %add3A_203, %dma_wait3A_221] : memref<2x10000x128xf32, #tpu.memory_space<hbm>> -> memref<1x125x128xf32, #tpu.memory_space<hbm>>
      %dma_wait3A_223 = tpu.memref_squeeze %dma_wait3A_222 : memref<1x125x128xf32, #tpu.memory_space<hbm>> -> memref<125x128xf32, #tpu.memory_space<hbm>>
      %dma_wait3A_224 = arith.constant 0 : i32
      %dma_wait3A_225 = tpu.memref_slice %arg18[%add3A_203, %dma_wait3A_224] : memref<10000x128xf32, #tpu.memory_space<vmem_shared>> -> memref<125x128xf32, #tpu.memory_space<vmem_shared>>
      tpu.wait_dma2 semaphore(%run_scoped3A : memref<!tpu.dma_semaphore, #tpu.memory_space<semaphore_mem>>) src(%dma_wait3A_225 : memref<125x128xf32, #tpu.memory_space<vmem_shared>>) dst(%dma_wait3A_223 : memref<125x128xf32, #tpu.memory_space<hbm>>)
      tpu.yield
    }) : () -> ()
    %mul3A_204 = arith.constant 625 : i32
    %mul3A_205 = arith.muli %arg1, %mul3A_204 : i32
    %add3A_206 = arith.constant 375 : i32
    %add3A_207 = arith.addi %mul3A_205, %add3A_206 : i32
    "tpu.region"() ({
      %run_scoped3A = tpu.sem_alloc : memref<!tpu.dma_semaphore, #tpu.memory_space<semaphore_mem>>
      %dma_start3A_216 = arith.constant 0 : i32
      %dma_start3A_217 = tpu.memref_slice %arg6[%arg0, %add3A_207, %dma_start3A_216] : memref<2x10000x128xf32, #tpu.memory_space<hbm>> -> memref<1x125x128xf32, #tpu.memory_space<hbm>>
      %dma_start3A_218 = tpu.memref_squeeze %dma_start3A_217 : memref<1x125x128xf32, #tpu.memory_space<hbm>> -> memref<125x128xf32, #tpu.memory_space<hbm>>
      %dma_start3A_219 = arith.constant 0 : i32
      %dma_start3A_220 = tpu.memref_slice %arg18[%add3A_207, %dma_start3A_219] : memref<10000x128xf32, #tpu.memory_space<vmem_shared>> -> memref<125x128xf32, #tpu.memory_space<vmem_shared>>
      tpu.enqueue_dma source(%dma_start3A_220 : memref<125x128xf32, #tpu.memory_space<vmem_shared>>) target(%dma_start3A_218 : memref<125x128xf32, #tpu.memory_space<hbm>>) target_semaphore(%run_scoped3A : memref<!tpu.dma_semaphore, #tpu.memory_space<semaphore_mem>>)
      %dma_wait3A_221 = arith.constant 0 : i32
      %dma_wait3A_222 = tpu.memref_slice %arg6[%arg0, %add3A_207, %dma_wait3A_221] : memref<2x10000x128xf32, #tpu.memory_space<hbm>> -> memref<1x125x128xf32, #tpu.memory_space<hbm>>
      %dma_wait3A_223 = tpu.memref_squeeze %dma_wait3A_222 : memref<1x125x128xf32, #tpu.memory_space<hbm>> -> memref<125x128xf32, #tpu.memory_space<hbm>>
      %dma_wait3A_224 = arith.constant 0 : i32
      %dma_wait3A_225 = tpu.memref_slice %arg18[%add3A_207, %dma_wait3A_224] : memref<10000x128xf32, #tpu.memory_space<vmem_shared>> -> memref<125x128xf32, #tpu.memory_space<vmem_shared>>
      tpu.wait_dma2 semaphore(%run_scoped3A : memref<!tpu.dma_semaphore, #tpu.memory_space<semaphore_mem>>) src(%dma_wait3A_225 : memref<125x128xf32, #tpu.memory_space<vmem_shared>>) dst(%dma_wait3A_223 : memref<125x128xf32, #tpu.memory_space<hbm>>)
      tpu.yield
    }) : () -> ()
    %mul3A_208 = arith.constant 625 : i32
    %mul3A_209 = arith.muli %arg1, %mul3A_208 : i32
    %add3A_210 = arith.constant 500 : i32
    %add3A_211 = arith.addi %mul3A_209, %add3A_210 : i32
    "tpu.region"() ({
      %run_scoped3A = tpu.sem_alloc : memref<!tpu.dma_semaphore, #tpu.memory_space<semaphore_mem>>
      %dma_start3A_216 = arith.constant 0 : i32
      %dma_start3A_217 = tpu.memref_slice %arg6[%arg0, %add3A_211, %dma_start3A_216] : memref<2x10000x128xf32, #tpu.memory_space<hbm>> -> memref<1x125x128xf32, #tpu.memory_space<hbm>>
      %dma_start3A_218 = tpu.memref_squeeze %dma_start3A_217 : memref<1x125x128xf32, #tpu.memory_space<hbm>> -> memref<125x128xf32, #tpu.memory_space<hbm>>
      %dma_start3A_219 = arith.constant 0 : i32
      %dma_start3A_220 = tpu.memref_slice %arg18[%add3A_211, %dma_start3A_219] : memref<10000x128xf32, #tpu.memory_space<vmem_shared>> -> memref<125x128xf32, #tpu.memory_space<vmem_shared>>
      tpu.enqueue_dma source(%dma_start3A_220 : memref<125x128xf32, #tpu.memory_space<vmem_shared>>) target(%dma_start3A_218 : memref<125x128xf32, #tpu.memory_space<hbm>>) target_semaphore(%run_scoped3A : memref<!tpu.dma_semaphore, #tpu.memory_space<semaphore_mem>>)
      %dma_wait3A_221 = arith.constant 0 : i32
      %dma_wait3A_222 = tpu.memref_slice %arg6[%arg0, %add3A_211, %dma_wait3A_221] : memref<2x10000x128xf32, #tpu.memory_space<hbm>> -> memref<1x125x128xf32, #tpu.memory_space<hbm>>
      %dma_wait3A_223 = tpu.memref_squeeze %dma_wait3A_222 : memref<1x125x128xf32, #tpu.memory_space<hbm>> -> memref<125x128xf32, #tpu.memory_space<hbm>>
      %dma_wait3A_224 = arith.constant 0 : i32
      %dma_wait3A_225 = tpu.memref_slice %arg18[%add3A_211, %dma_wait3A_224] : memref<10000x128xf32, #tpu.memory_space<vmem_shared>> -> memref<125x128xf32, #tpu.memory_space<vmem_shared>>
      tpu.wait_dma2 semaphore(%run_scoped3A : memref<!tpu.dma_semaphore, #tpu.memory_space<semaphore_mem>>) src(%dma_wait3A_225 : memref<125x128xf32, #tpu.memory_space<vmem_shared>>) dst(%dma_wait3A_223 : memref<125x128xf32, #tpu.memory_space<hbm>>)
      tpu.yield
    }) : () -> ()
    %mul3A_212 = arith.constant 624 : i32
    %mul3A_213 = arith.muli %arg1, %mul3A_212 : i32
    %mul3A_214 = arith.constant 624 : i32
    %mul3A_215 = arith.muli %arg1, %mul3A_214 : i32
    "tpu.region"() ({
      %run_scoped3A = tpu.sem_alloc : memref<!tpu.dma_semaphore, #tpu.memory_space<semaphore_mem>>
      %dma_start3A_216 = tpu.memref_slice %arg7[%arg0, %mul3A_215] : memref<2x10000xf32, #tpu.memory_space<hbm>> -> memref<1x640xf32, #tpu.memory_space<hbm>>
      %dma_start3A_217 = tpu.memref_squeeze %dma_start3A_216 : memref<1x640xf32, #tpu.memory_space<hbm>> -> memref<640xf32, #tpu.memory_space<hbm>>
      %dma_start3A_218 = tpu.memref_slice %arg19[%mul3A_213] : memref<10000xf32, #tpu.memory_space<vmem_shared>> -> memref<640xf32, #tpu.memory_space<vmem_shared>>
      tpu.enqueue_dma source(%dma_start3A_218 : memref<640xf32, #tpu.memory_space<vmem_shared>>) target(%dma_start3A_217 : memref<640xf32, #tpu.memory_space<hbm>>) target_semaphore(%run_scoped3A : memref<!tpu.dma_semaphore, #tpu.memory_space<semaphore_mem>>)
      %dma_wait3A_219 = tpu.memref_slice %arg7[%arg0, %mul3A_215] : memref<2x10000xf32, #tpu.memory_space<hbm>> -> memref<1x640xf32, #tpu.memory_space<hbm>>
      %dma_wait3A_220 = tpu.memref_squeeze %dma_wait3A_219 : memref<1x640xf32, #tpu.memory_space<hbm>> -> memref<640xf32, #tpu.memory_space<hbm>>
      %dma_wait3A_221 = tpu.memref_slice %arg19[%mul3A_213] : memref<10000xf32, #tpu.memory_space<vmem_shared>> -> memref<640xf32, #tpu.memory_space<vmem_shared>>
      tpu.wait_dma2 semaphore(%run_scoped3A : memref<!tpu.dma_semaphore, #tpu.memory_space<semaphore_mem>>) src(%dma_wait3A_221 : memref<640xf32, #tpu.memory_space<vmem_shared>>) dst(%dma_wait3A_220 : memref<640xf32, #tpu.memory_space<hbm>>)
      tpu.yield
    }) : () -> ()
    return
  }
}

module attributes {stable_mosaic.version = 14 : i64} {
  func.func @_mm_body(%arg0: i32, %arg1: memref<2000x128xf32, #tpu.memory_space<vmem>>, %arg2: memref<128x128xf32, #tpu.memory_space<vmem>>, %arg3: memref<128x128xf32, #tpu.memory_space<vmem>>, %arg4: memref<2000x128xf32, #tpu.memory_space<vmem>>, %arg5: memref<2000x128xf32, #tpu.memory_space<vmem>>) attributes {dimension_semantics = [#tpu.dimension_semantics<arbitrary>], iteration_bounds = array<i64: 5>, scalar_prefetch = 0 : i64, scratch_operands = 0 : i64, tpu.core_type = #tpu.core_type<tc>, window_params = [{transform_indices = @transform_0, window_bounds = array<i64: 2000, 128>}, {pipeline_mode = #tpu.pipeline_mode<synchronous>, transform_indices = @transform_1, window_bounds = array<i64: 128, 128>}, {pipeline_mode = #tpu.pipeline_mode<synchronous>, transform_indices = @transform_2, window_bounds = array<i64: 128, 128>}, {transform_indices = @transform_3, window_bounds = array<i64: 2000, 128>}, {transform_indices = @transform_4, window_bounds = array<i64: 2000, 128>}]} {
    %get3A = arith.constant 0 : index
    %get3A_0 = arith.constant 0 : index
    %get3A_1 = vector.load %arg1[%get3A, %get3A_0] : memref<2000x128xf32, #tpu.memory_space<vmem>>, vector<2000x128xf32>
    %get3A_2 = arith.constant 0 : index
    %get3A_3 = arith.constant 0 : index
    %get3A_4 = vector.load %arg2[%get3A_2, %get3A_3] : memref<128x128xf32, #tpu.memory_space<vmem>>, vector<128x128xf32>
    %dot_general3A = arith.constant dense<0.000000e+00> : vector<2000x128xf32>
    %dot_general3A_5 = tpu.matmul %get3A_1, %get3A_4, %dot_general3A {dimension_numbers = #tpu.dot_dimension_numbers<[1], [0], [0], [1], [0, 0, 1, 1], [], []>, transpose_lhs_hint = false} : vector<2000x128xf32>, vector<128x128xf32>, vector<2000x128xf32> -> vector<2000x128xf32>
    %swap3A = arith.constant 0 : index
    %swap3A_6 = arith.constant 0 : index
    %swap3A_7 = vector.load %arg4[%swap3A, %swap3A_6] : memref<2000x128xf32, #tpu.memory_space<vmem>>, vector<2000x128xf32>
    tpu.vector_store %arg4[%swap3A, %swap3A_6], %dot_general3A_5 {strides = array<i32>} : memref<2000x128xf32, #tpu.memory_space<vmem>>, vector<2000x128xf32>,
    %get3A_8 = arith.constant 0 : index
    %get3A_9 = arith.constant 0 : index
    %get3A_10 = vector.load %arg3[%get3A_8, %get3A_9] : memref<128x128xf32, #tpu.memory_space<vmem>>, vector<128x128xf32>
    %dot_general3A_11 = arith.constant dense<0.000000e+00> : vector<2000x128xf32>
    %dot_general3A_12 = tpu.matmul %get3A_1, %get3A_10, %dot_general3A_11 {dimension_numbers = #tpu.dot_dimension_numbers<[1], [0], [0], [1], [0, 0, 1, 1], [], []>, transpose_lhs_hint = false} : vector<2000x128xf32>, vector<128x128xf32>, vector<2000x128xf32> -> vector<2000x128xf32>
    %swap3A_13 = arith.constant 0 : index
    %swap3A_14 = arith.constant 0 : index
    %swap3A_15 = vector.load %arg5[%swap3A_13, %swap3A_14] : memref<2000x128xf32, #tpu.memory_space<vmem>>, vector<2000x128xf32>
    tpu.vector_store %arg5[%swap3A_13, %swap3A_14], %dot_general3A_12 {strides = array<i32>} : memref<2000x128xf32, #tpu.memory_space<vmem>>, vector<2000x128xf32>,
    return
  }
  func.func @transform_0(%arg0: i32) -> (i32, i32) {
    %c0_i32 = arith.constant 0 : i32
    %c0_i32_0 = arith.constant 0 : i32
    return %arg0, %c0_i32 : i32, i32
  }
  func.func @transform_1(%arg0: i32) -> (i32, i32) {
    %c0_i32 = arith.constant 0 : i32
    %c0_i32_0 = arith.constant 0 : i32
    %c0_i32_1 = arith.constant 0 : i32
    return %c0_i32, %c0_i32_0 : i32, i32
  }
  func.func @transform_2(%arg0: i32) -> (i32, i32) {
    %c0_i32 = arith.constant 0 : i32
    %c0_i32_0 = arith.constant 0 : i32
    %c0_i32_1 = arith.constant 0 : i32
    return %c0_i32, %c0_i32_0 : i32, i32
  }
  func.func @transform_3(%arg0: i32) -> (i32, i32) {
    %c0_i32 = arith.constant 0 : i32
    %c0_i32_0 = arith.constant 0 : i32
    return %arg0, %c0_i32 : i32, i32
  }
  func.func @transform_4(%arg0: i32) -> (i32, i32) {
    %c0_i32 = arith.constant 0 : i32
    %c0_i32_0 = arith.constant 0 : i32
    return %arg0, %c0_i32 : i32, i32
  }
}

module attributes {stable_mosaic.version = 14 : i64} {
  func.func @_head_body(%arg0: memref<2x10000x128xf32, #tpu.memory_space<vmem>>, %arg1: memref<2x10000xf32, #tpu.memory_space<vmem>>, %arg2: memref<128x1xf32, #tpu.memory_space<vmem>>, %arg3: memref<1x1xf32, #tpu.memory_space<vmem>>, %arg4: memref<128x128xf32, #tpu.memory_space<vmem>>, %arg5: memref<1x128xf32, #tpu.memory_space<vmem>>, %arg6: memref<10000x1xf32, #tpu.memory_space<vmem>>, %arg7: memref<10000x128xf32, #tpu.memory_space<vmem>>) attributes {dimension_semantics = [], scalar_prefetch = 0 : i64, scratch_operands = 0 : i64, tpu.core_type = #tpu.core_type<tc>} {
    %get3A = arith.constant 0 : index
    %get3A_0 = arith.constant 0 : index
    %get3A_1 = arith.constant 0 : index
    %get3A_2 = vector.load %arg0[%get3A, %get3A_0, %get3A_1] : memref<2x10000x128xf32, #tpu.memory_space<vmem>>, vector<1x10000x128xf32>
    %get3A_3 = vector.shape_cast %get3A_2 : vector<1x10000x128xf32> to vector<10000x128xf32>
    %get3A_4 = arith.constant 1 : index
    %get3A_5 = arith.constant 0 : index
    %get3A_6 = arith.constant 0 : index
    %get3A_7 = vector.load %arg0[%get3A_4, %get3A_5, %get3A_6] : memref<2x10000x128xf32, #tpu.memory_space<vmem>>, vector<1x10000x128xf32>
    %get3A_8 = vector.shape_cast %get3A_7 : vector<1x10000x128xf32> to vector<10000x128xf32>
    %add3A = arith.addf %get3A_3, %get3A_8 : vector<10000x128xf32>
    %get3A_9 = arith.constant 0 : index
    %get3A_10 = arith.constant 0 : index
    %get3A_11 = vector.load %arg1[%get3A_9, %get3A_10] : memref<2x10000xf32, #tpu.memory_space<vmem>>, vector<1x10000xf32>
    %get3A_12 = vector.shape_cast %get3A_11 : vector<1x10000xf32> to vector<10000xf32>
    %get3A_13 = arith.constant 1 : index
    %get3A_14 = arith.constant 0 : index
    %get3A_15 = vector.load %arg1[%get3A_13, %get3A_14] : memref<2x10000xf32, #tpu.memory_space<vmem>>, vector<1x10000xf32>
    %get3A_16 = vector.shape_cast %get3A_15 : vector<1x10000xf32> to vector<10000xf32>
    %add3A_17 = arith.addf %get3A_12, %get3A_16 : vector<10000xf32>
    %broadcast_in_dim3A = vector.shape_cast %add3A_17 : vector<10000xf32> to vector<10000x1xf32>
    %add3A_18 = arith.constant 1.000000e-16 : f32
    %add3A_19 = vector.broadcast %add3A_18 : f32 to vector<10000x1xf32>
    %add3A_20 = arith.addf %broadcast_in_dim3A, %add3A_19 : vector<10000x1xf32>
    %div3A = vector.broadcast %add3A_20 : vector<10000x1xf32> to vector<10000x128xf32>
    %div3A_21 = arith.divf %add3A, %div3A : vector<10000x128xf32>
    %gt3A = arith.constant 0.000000e+00 : f32
    %gt3A_22 = vector.broadcast %gt3A : f32 to vector<10000x128xf32>
    %gt3A_23 = arith.cmpf ogt, %div3A_21, %gt3A_22 : vector<10000x128xf32>
    %min3A = arith.constant 0.000000e+00 : f32
    %min3A_24 = vector.broadcast %min3A : f32 to vector<10000x128xf32>
    %min3A_25 = arith.minimumf %div3A_21, %min3A_24 : vector<10000x128xf32>
    %exp3A = math.exp %min3A_25 : vector<10000x128xf32>
    %sub3A = arith.constant 1.000000e+00 : f32
    %sub3A_26 = vector.broadcast %sub3A : f32 to vector<10000x128xf32>
    %sub3A_27 = arith.subf %exp3A, %sub3A_26 : vector<10000x128xf32>
    %select_n3A = arith.select %gt3A_23, %div3A_21, %sub3A_27 : vector<10000x128xi1>, vector<10000x128xf32>
    %get3A_28 = arith.constant 0 : index
    %get3A_29 = arith.constant 0 : index
    %get3A_30 = vector.load %arg2[%get3A_28, %get3A_29] : memref<128x1xf32, #tpu.memory_space<vmem>>, vector<128x1xf32>
    %dot_general3A = arith.constant dense<0.000000e+00> : vector<10000x1xf32>
    %dot_general3A_31 = tpu.matmul %select_n3A, %get3A_30, %dot_general3A {dimension_numbers = #tpu.dot_dimension_numbers<[1], [0], [0], [1], [0, 0, 1, 1], [], []>, transpose_lhs_hint = false} : vector<10000x128xf32>, vector<128x1xf32>, vector<10000x1xf32> -> vector<10000x1xf32>
    %get3A_32 = arith.constant 0 : index
    %get3A_33 = arith.constant 0 : index
    %get3A_34 = vector.load %arg3[%get3A_32, %get3A_33] : memref<1x1xf32, #tpu.memory_space<vmem>>, vector<1x1xf32>
    %add3A_35 = vector.broadcast %get3A_34 : vector<1x1xf32> to vector<10000x1xf32>
    %add3A_36 = arith.addf %dot_general3A_31, %add3A_35 : vector<10000x1xf32>
    %logistic3A = arith.negf %add3A_36 : vector<10000x1xf32>
    %logistic3A_37 = math.exp %logistic3A : vector<10000x1xf32>
    %logistic3A_38 = arith.constant 1.000000e+00 : f32
    %logistic3A_39 = vector.broadcast %logistic3A_38 : f32 to vector<10000x1xf32>
    %logistic3A_40 = arith.addf %logistic3A_39, %logistic3A_37 : vector<10000x1xf32>
    %logistic3A_41 = arith.divf %logistic3A_39, %logistic3A_40 : vector<10000x1xf32>
    %swap3A = arith.constant 0 : index
    %swap3A_42 = arith.constant 0 : index
    %swap3A_43 = vector.load %arg6[%swap3A, %swap3A_42] : memref<10000x1xf32, #tpu.memory_space<vmem>>, vector<10000x1xf32>
    tpu.vector_store %arg6[%swap3A, %swap3A_42], %logistic3A_41 {strides = array<i32>} : memref<10000x1xf32, #tpu.memory_space<vmem>>, vector<10000x1xf32>,
    %get3A_44 = arith.constant 0 : index
    %get3A_45 = arith.constant 0 : index
    %get3A_46 = vector.load %arg4[%get3A_44, %get3A_45] : memref<128x128xf32, #tpu.memory_space<vmem>>, vector<128x128xf32>
    %dot_general3A_47 = arith.constant dense<0.000000e+00> : vector<10000x128xf32>
    %dot_general3A_48 = tpu.matmul %select_n3A, %get3A_46, %dot_general3A_47 {dimension_numbers = #tpu.dot_dimension_numbers<[1], [0], [0], [1], [0, 0, 1, 1], [], []>, transpose_lhs_hint = false} : vector<10000x128xf32>, vector<128x128xf32>, vector<10000x128xf32> -> vector<10000x128xf32>
    %get3A_49 = arith.constant 0 : index
    %get3A_50 = arith.constant 0 : index
    %get3A_51 = vector.load %arg5[%get3A_49, %get3A_50] : memref<1x128xf32, #tpu.memory_space<vmem>>, vector<1x128xf32>
    %add3A_52 = vector.broadcast %get3A_51 : vector<1x128xf32> to vector<10000x128xf32>
    %add3A_53 = arith.addf %dot_general3A_48, %add3A_52 : vector<10000x128xf32>
    %swap3A_54 = arith.constant 0 : index
    %swap3A_55 = arith.constant 0 : index
    %swap3A_56 = vector.load %arg7[%swap3A_54, %swap3A_55] : memref<10000x128xf32, #tpu.memory_space<vmem>>, vector<10000x128xf32>
    tpu.vector_store %arg7[%swap3A_54, %swap3A_55], %add3A_53 {strides = array<i32>} : memref<10000x128xf32, #tpu.memory_space<vmem>>, vector<10000x128xf32>,
    return
  }
}

</mosaic_0001>

<sc_bundles>
// kernel: kernel.5.cloned.1.call-start
scs
__scs_entry_jumppad:
0x0: {  	(pc) =	sbr.rel $0x88, $3  }
0x1: {  	(tag) =	ssettag $0x0;
	lr =	simm.s32 $0x1  }
0x2: {  	[smem:$0x3F98] =	sst lr;
	_ =	strace $0xD0000000  }
0x3: {  	_ = 	snop  }
0x4: {  	_ = 	snop  }
0x5: {  	_ = 	snop  }
0x6: {  	_ = 	snop  }
0x7: {  	_ = 	snop  }
__scs_overlays_trampoline_lowered:
0x8: {  	[smem:$0x3FA7] =	sst s0  }
0x9: {  	[smem:$0x3FA8] =	sst s1  }
0xa: {  	[smem:$0x3FA9] =	sst s2  }
0xb: {  	[smem:$0x3FAA] =	sst s3  }
0xc: {  	[smem:$0x3FAB] =	sst s4  }
0xd: {  	[smem:$0x3FAC] =	sst s5  }
0xe: {  	[smem:$0x3FAD] =	sst s6  }
0xf: {  	[smem:$0x3FAE] =	sst s7  }
0x10: {  	[smem:$0x3FAF] =	sst s8  }
0x11: {  	[smem:$0x3FB0] =	sst s9;
	s0 =	simm.s32 @!p0 $0x0  }
0x12: {  	s1 =	sld [smem:$0x3F96];
	s0 =	simm.s32 @p0 $0x1  }
0x13: {  	[smem:$0x3FB1] =	sst s0;
	s0 =	simm.s32 @!p1 $0x0  }
0x14: {  	s2 =	sld [smem:$0x3F95];
	s0 =	simm.s32 @p1 $0x1  }
0x15: {  	[smem:$0x3FB2] =	sst s0;
	s0 =	simm.s32 @!p2 $0x0  }
0x16: {  	s3 =	sld [smem:$0x3FDB];
	s0 =	simm.s32 @p2 $0x1  }
0x17: {  	s4 =	simm.s32 $0x1BF5;
	[smem:$0x3FB4] =	sst s0  }
0x18: {  	s0 =	sld [smem:$0x3F97];
	_ =	swait.ge [sflag:s4], $0x0  }
0x19: {  	s7 =	sld [smem:$0x3F98]  }
0x1a: {  	s8 =	sadd.s32 $0xFFFFE003, lr  }
0x1b: {  	s9 =	sadd.s32 $0xFFFFFEF7, lr;
	s5 =	simm.s32 $0xFFFFFFFF;
	p2 =	slt.u32 s8, $0xFFFFF086  }
0x1c: {  	p1 =	slt.u32 s9, $0xF7A;
	s5 =	simm.s32 @!p2 $0x0  }
0x1d: {  	s5 =	simm.s32 @p1 $0x1;
	p0 =	seq.s32 s7, s2  }
0x1e: {  	s7 =	smul.u32 @!p0 $0xF7A, s2;
	p2 =	seq.s32 @!p0 s5, $0x0  }
0x1f: {  	s9 =	smul.u32 $0xF7A, s1;
	s8 =	simm.s32 @!p0 $0x1BF5;
	p2 =	por !p2, p0  }
0x20: {  	[sflag:s8] =	ssyncset.s32 @!p0 $0xFFFFF086;
	s6 =	sadd.s32 @!p0 s3, s7;
	s7 =	simm.s32 @!p0 $0x108  }
0x21: {  	s3 =	sadd.s32 s3, s9;
	s6 =	sadd.s32 @!p0 $0x88, s6;
	s7 =	simm.s32 @p2 $0x1082  }
0x22: {  	[simem:s7], [sflag:s8] =	dma.local @!p0 [hbm:s6], $0xF7A  }
0x23: {  	s9 =	sor.u32 $0xD0000000, s2;
	s6 =	simm.s32 $0x108;
	_ =	swait.ge @!p0 [sflag:s8], $0x0  }
0x24: {  	s3 =	sadd.s32 $0x88, s3;
	s6 =	simm.s32 @!p1 $0x1082;
	[sflag:s4] =	ssyncset.s32 $0xFFFFF086  }
0x25: {  	[simem:s6], [sflag:s4] =	dma.local [hbm:s3], $0xF7A  }
0x26: {  	[smem:$0x3F98] =	sst s1;
	(tag) =	ssettag s2;
	_ =	strace s9  }
0x27: {  	s1 =	sld [smem:$0x3FA8]  }
0x28: {  	s2 =	sld [smem:$0x3FA9]  }
0x29: {  	s4 =	sld [smem:$0x3FAB]  }
0x2a: {  	p0 =	seq.s32 s5, $0x0;
	s5 =	sld [smem:$0x3FAC]  }
0x2b: {  	s6 =	sld [smem:$0x3FAD]  }
0x2c: {  	s7 =	sld [smem:$0x3FAE]  }
0x2d: {  	s3 =	simm.s32 $0x108;
	s8 =	sld [smem:$0x3FAF]  }
0x2e: {  	s3 =	simm.s32 @!p0 $0x1082;
	s9 =	sld [smem:$0x3FB0]  }
0x2f: {  	lr =	sadd.s32 s0, s3;
	s0 =	sld [smem:$0x3FA7]  }
0x30: {  	s3 =	sld [smem:$0x3FAA]  }
0x31: {  	[smem:$0x3FB3] =	sst s10  }
0x32: {  	s10 =	sld [smem:$0x3FB1];
	_ =	sdelay $0x3  }
0x33: {  	p0 =	seq.s32 s10, $0x1;
	s10 =	sld [smem:$0x3FB3];
	_ =	sdelay $0x3  }
0x34: {  	[smem:$0x3FB3] =	sst s10  }
0x35: {  	s10 =	sld [smem:$0x3FB2];
	_ =	sdelay $0x3  }
0x36: {  	p1 =	seq.s32 s10, $0x1;
	s10 =	sld [smem:$0x3FB3];
	_ =	sdelay $0x3  }
0x37: {  	[smem:$0x3FB3] =	sst s10  }
0x38: {  	s10 =	sld [smem:$0x3FB4]  }
0x39: {  	_ = 	snop;
	(pc) =	sbr.ind lr, $3  }
0x3a: {  	_ = 	snop  }
0x3b: {  	_ = 	snop  }
0x3c: {  	p2 =	seq.s32 s10, $0x1;
	s10 =	sld [smem:$0x3FB3]  }
0x3d: {  	_ =	shalt  }
0x3e: {  	_ =	shalt  }
0x3f: {  	_ =	shalt  }
0x40: {  	_ =	shalt  }
0x41: {  	_ =	shalt  }
0x42: {  	_ =	shalt  }
0x43: {  	_ =	shalt  }
0x44: {  	_ =	shalt  }
0x45: {  	_ =	shalt  }
0x46: {  	_ =	shalt  }
0x47: {  	_ =	shalt  }
0x48: {  	_ =	shalt  }
0x49: {  	_ =	shalt  }
0x4a: {  	_ =	shalt  }
0x4b: {  	_ =	shalt  }
0x4c: {  	_ =	shalt  }
0x4d: {  	_ =	shalt  }
0x4e: {  	_ =	shalt  }
0x4f: {  	_ =	shalt  }
0x50: {  	_ =	shalt  }
0x51: {  	_ =	shalt  }
0x52: {  	_ =	shalt  }
0x53: {  	_ =	shalt  }
0x54: {  	_ =	shalt  }
0x55: {  	_ =	shalt  }
0x56: {  	_ =	shalt  }
0x57: {  	_ =	shalt  }
0x58: {  	_ =	shalt  }
0x59: {  	_ =	shalt  }
0x5a: {  	_ =	shalt  }
0x5b: {  	_ =	shalt  }
0x5c: {  	_ =	shalt  }
0x5d: {  	_ =	shalt  }
0x5e: {  	_ =	shalt  }
0x5f: {  	_ =	shalt  }
0x60: {  	_ =	shalt  }
0x61: {  	_ =	shalt  }
0x62: {  	_ =	shalt  }
0x63: {  	_ =	shalt  }
0x64: {  	_ =	shalt  }
0x65: {  	_ =	shalt  }
0x66: {  	_ =	shalt  }
0x67: {  	_ =	shalt  }
0x68: {  	_ =	shalt  }
0x69: {  	_ =	shalt  }
0x6a: {  	_ =	shalt  }
0x6b: {  	_ =	shalt  }
0x6c: {  	_ =	shalt  }
0x6d: {  	_ =	shalt  }
0x6e: {  	_ =	shalt  }
0x6f: {  	_ =	shalt  }
0x70: {  	_ =	shalt  }
0x71: {  	_ =	shalt  }
0x72: {  	_ =	shalt  }
0x73: {  	_ =	shalt  }
0x74: {  	_ =	shalt  }
0x75: {  	_ =	shalt  }
0x76: {  	_ =	shalt  }
0x77: {  	_ =	shalt  }
0x78: {  	_ =	shalt  }
0x79: {  	_ =	shalt  }
0x7a: {  	_ =	shalt  }
0x7b: {  	_ =	shalt  }
0x7c: {  	_ =	shalt  }
0x7d: {  	_ =	shalt  }
0x7e: {  	_ =	shalt  }
0x7f: {  	_ =	shalt  }
0x80: {  	_ =	shalt  }
0x81: {  	_ =	shalt  }
0x82: {  	_ =	shalt  }
0x83: {  	_ =	shalt  }
0x84: {  	_ =	shalt  }
0x85: {  	_ =	shalt  }
0x86: {  	_ =	shalt  }
0x87: {  	_ =	shalt  }
.Lfunc_end0:
.L_simem_size_0:
called_computation_lowered:
.L_overlay_start_0:
0x88: {  	s2 =	sld [smem:$0x3FD9]  }
0x89: {  	s3 =	sld [smem:$0x3FFE];
	_ =	sdelay $0x1  }
0x8a: {  	s1 =	srdreg.scid  }
0x8b: {  	s0 =	sand.u32 $0x1, s1  }
0x8c: {  	s14 =	sshll.u32 s0, $0xA;
	s2 =	sadd.s32 s3, s2  }
0x8d: {  	s2 =	sadd.s32 s2, s14  }
0x8e: {  	[smem:$0x3FBF] =	sst s2  }
0x8f: {  	_ = 	snop  }
0x90: {  	s2 =	sld [smem:$0x3FD0];
	_ =	sdelay $0x2  }
0x91: {  	s4 =	simm.s32 $0xA;
	s5 =	simm.s32 $0x10;
	s15 =	sld [smem:$0x3FC5]  }
0x92: {  	[smem:s5], [sflag:s4] =	dma.local [hbm:s2], $0x1  }
0x93: {  	_ =	swait.eq [sflag:s4], $0x1  }
0x94: {  	[sflag:s4] =	ssyncset.done $0x0  }
0x95: {  	[sflag:s4] =	ssyncadd.s32 $0xFFFFFFFF  }
0x96: {  	s16 =	sld [smem:$0x11];
	(tm) =	ssettm $0x1  }
0x97: {  	s17 =	sld [smem:$0x3FFB];
	_ =	sdelay $0x3  }
0x98: {  	_ =	strace s17  }
0x99: {  	s4 =	sld [smem:$0x3FFC];
	_ =	sdelay $0x3  }
0x9a: {  	_ =	strace s4  }
0x9b: {  	s4 =	sld [smem:$0x3FFD];
	_ =	sdelay $0x3  }
0x9c: {  	_ =	strace s4  }
0x9d: {  	_ =	strace $0x8FFFFFFF  }
0x9e: {  	s18 =	sld [smem:$0x3FDB];
	_ =	sdelay $0x1  }
0x9f: {  	s19 =	simm.s32 $_scs_section_size  }
0xa0: {  	s6 =	simm.s32 $_size__tile_overlayer_lowered;
	s7 =	simm.s32 $_tile_overlayer_lowered  }
0xa1: {  	s22 =	simm.s32 $0x1BFF;
	s21 =	sshll.u32 s7, $0x1;
	s4 =	sadd.s32 s19, s18  }
0xa2: {  	s8 =	simm.s32 $0x0;
	s20 =	sshll.u32 s6, $0x1;
	s6 =	sadd.s32 s21, s4  }
0xa3: {  	[timem:s8], [sflag:s22] =	dma.local [hbm:s6], s20  }
0xa4: {  	_ =	swait.ge [sflag:s22], s20  }
0xa5: {  	s5 =	ssub.s32 $0x0, s20;
	[sflag:s22] =	ssyncset.done $0x0  }
0xa6: {  	[sflag:s22] =	ssyncadd.s32 s5;
	_ =	sdelay $0x1  }
0xa7: {  	s23 =	simm.s32 $0x1B8B  }
0xa8: {  	_ =	swait.ge [sflag:s23], $0x1  }
0xa9: {  	[sflag:s23] =	ssyncset.done $0x0  }
0xaa: {  	s25 =	simm.s32 $0x1B8E;
	s24 =	sld [smem:$0x3FFE];
	[sflag:s23] =	ssyncadd.s32 $0xFFFFFFFF  }
0xab: {  	s26 =	simm.s32 $execute0_lowered;
	[smem:$0x3FD2] =	sst s25  }
0xac: {  	s6 =	sshll.u32 s26, $0x1;
	_ =	strace $0x80000046;
	[dreg:$0x1] =	wrdreg $0xFFFFFFFF  }
0xad: {  	s28 =	simm.s32 $_size_execute0_lowered;
	s4 =	sadd.s32 s4, s6;
	[dreg:$0x0] =	wrdreg $0x0  }
0xae: {  	s6 =	sshll.u32 s28, $0x1;
	[dreg:$0x2] =	wrdreg s4  }
0xaf: {  	[dreg:$0x3] =	wrdreg s6  }
0xb0: {  	[dreg:$0x4] =	wrdreg $0xC0  }
0xb1: {  	_ =	task [dreg:s8], $0x5FFFF  }
0xb2: {  	[dreg:$0x1] =	wrdreg $0xFFFFFFFF  }
0xb3: {  	[dreg:$0x0] =	wrdreg $0x60  }
0xb4: {  	[dreg:$0x2] =	wrdreg s16  }
0xb5: {  	[dreg:$0x3] =	wrdreg s24  }
0xb6: {  	[dreg:$0x4] =	wrdreg s15  }
0xb7: {  	[dreg:$0x5] =	wrdreg $0xA3500  }
0xb8: {  	[dreg:$0x6] =	wrdreg $0x1DBD00  }
0xb9: {  	[dreg:$0x7] =	wrdreg $0x9  }
0xba: {  	_ =	task.clear_ibuf [dreg:s8], $0x8FFFF;
	_ =	strace $0x90000046  }
0xbb: {  	s29 =	simm.s32 $0x9;
	_ =	strace $0x80000048  }
0xbc: {  	_ =	swait.ge [sflag:s29], $0x1  }
0xbd: {  	[sflag:s29] =	ssyncadd.s32 $0xFFFFFFFF  }
0xbe: {  	_ =	strace $0x90000048  }
0xbf: {  	_ =	sfence  }
0xc0: {  	s30 =	sld [smem:$0x0];
	_ =	sdelay $0x2  }
0xc1: {  	s31 =	sshll.u32 s1, $0xD;
	s1 =	sshrl.u32 s1, $0x2  }
0xc2: {  	s3 =	sand.u32 $0x4000, s31;
	s1 =	sadd.s32 s1, s30  }
0xc3: {  	s0 =	sor.u32 s3, s0;
	s1 =	sshll.u32 s1, $0x11  }
0xc4: {  	s0 =	sor.u32 s1, s0  }
0xc5: {  	s0 =	sadd.s32 $0x8F2B, s0  }
0xc6: {  	[sflag:s0] =	ssyncadd.remote.s32 $0x1  }
0xc7: {  	_ =	sfence.sel $0xFFFF  }
0xc8: {  	[dreg:$0x0] =	wrdreg $0xFFFFFFFF;
	(pc) =	sbr.abs _section_cstart, $3  }
0xc9: {  	[dreg:$0x1] =	wrdreg $0xFFFFFFFF  }
0xca: {  	_ =	task.clear_ibuf [dreg:s8], $0x2FFFF;
	_ =	strace $0x9FFFFFFF  }
0xcb: {  	(tm) =	ssettm $0x7FFFFFFF  }
tec
execute0_lowered:
.L_overlay_start_1:
0x0: {  	(tag) =	ssettag $0x1  }
0x1: {  	s0 =	rddreg [dreg:$0x0]  }
0x2: {  	s1 =	rddreg [dreg:$0x1]  }
0x3: {  	s4 =	rddreg [dreg:$0x3]  }
0x4: {  	s2 =	srdreg.scid;
	s13 =	stileid.u32  }
0x5: {  	s5 =	rddreg [dreg:$0x4];
	s7 =	simm.s32 $0x0;
	s3 =	smul.u32 $0x270, s13  }
0x6: {  	s2 =	sand.u32 $0x1, s2;
	[smem:$0x7FF] =	sst s7;
	s10 =	smul.u32 $0x13880, s13  }
0x7: {  	s7 =	sadd.s32 $0x15A00, s1;
	s12 =	sshll.u32 s13, $0x1;
	s13 =	smul.u32 $0x4E200, s13  }
0x8: {  	s8 =	sadd.s32 $0x2000, s1;
	s6 =	smul.u32 $0x2710, s2;
	s26 =	ssub.s32 $0x2, s2  }
0x9: {  	s9 =	sadd.s32 $0x3D600, s1;
	_ =	strace $0x80000047;
	s11 =	sshrl.u32 s26, $0x1  }
0xa: {  	s22 =	sadd.s32 s10, s4;
	s28 =	sshrl.u32 s13, $0x2;
	s6 =	sadd.s32 s3, s6  }
0xb: {  	s13 =	sadd.s32 $0x3E80, s10;
	s23 =	sadd.s32 s3, s5;
	s6 =	sshrl.u32 s6, $0x3  }
0xc: {  	s3 =	simm.s32 $0x50;
	[dreg:$0x6] =	wrdreg s22;
	s1 =	sadd.s32 s6, s1  }
0xd: {  	s6 =	ssub.s32 s26, s11;
	s11 =	sor.u32 s2, s12;
	s12 =	sadd.s32 s28, s4  }
0xe: {  	[dreg:$0x13] =	wrdreg s23;
	s2 =	smul.u32 $0x138800, s2;
	s16 =	sadd.s32 $0x2800, s12  }
0xf: {  	s18 =	sadd.s32 $0x5000, s12;
	s19 =	sadd.s32 $0x7800, s12;
	[dreg:$0x7] =	wrdreg s16  }
0x10: {  	s20 =	sadd.s32 $0xA000, s12;
	s21 =	smul.u32 $0x4E20, s11;
	[dreg:$0xd] =	wrdreg s18  }
0x11: {  	s24 =	sadd.s32 $0xC800, s12;
	s25 =	sadd.s32 $0xF000, s12;
	[dreg:$0xe] =	wrdreg s19  }
0x12: {  	s26 =	smul.u32 $0x9C4, s11;
	s12 =	sadd.s32 $0x11800, s12;
	[dreg:$0xf] =	wrdreg s20  }
0x13: {  	s28 =	smul.u32 $0x7D, s11;
	s1 =	sadd.s32 $0x3CC00, s1;
	[dreg:$0x10] =	wrdreg s24  }
0x14: {  	s14 =	sadd.s32 s10, s2;
	s15 =	sadd.s32 s2, s13;
	[dreg:$0x11] =	wrdreg s25  }
0x15: {  	s16 =	sadd.s32 $0xBB80, s10;
	[dreg:$0x12] =	wrdreg s12;
	s13 =	sadd.s32 s13, s4  }
0x16: {  	[dreg:$0x1b] =	wrdreg s1;
	s24 =	sadd.s32 $0xA0, s23;
	s25 =	sadd.s32 $0xF0, s23  }
0x17: {  	s1 =	simm.s32 $0x8;
	s14 =	sshrl.u32 s14, $0x3;
	[smem:$0x7F8] =	sst s24  }
0x18: {  	s15 =	sshrl.u32 s15, $0x3;
	s11 =	sadd.s32 $0x6, s28;
	[smem:$0x7F9] =	sst s25  }
0x19: {  	s17 =	sadd.s32 s2, s16;
	s12 =	sadd.s32 $0x7, s28;
	[dreg:$0x19] =	wrdreg s11  }
0x1a: {  	s29 =	sadd.s32 $0x5, s28;
	s14 =	sadd.s32 s9, s14;
	[dreg:$0x1a] =	wrdreg s12  }
0x1b: {  	s30 =	sadd.s32 s9, s15;
	s17 =	sshrl.u32 s17, $0x3;
	[dreg:$0x8] =	wrdreg s14  }
0x1c: {  	s11 =	simm.s32 $0x170;
	[dreg:$0x9] =	wrdreg s30;
	s14 =	sadd.s32 $0x7D00, s10  }
0x1d: {  	s10 =	sadd.s32 $0xFA00, s10;
	s31 =	sadd.s32 s2, s14;
	s14 =	sadd.s32 s14, s4  }
0x1e: {  	s2 =	sadd.s32 s2, s10;
	s10 =	sadd.s32 s10, s4;
	s18 =	sshrl.u32 s14, $0x3  }
0x1f: {  	s15 =	sshrl.u32 s31, $0x3;
	s20 =	sshrl.u32 s10, $0x3;
	[dreg:$0x1e] =	wrdreg s18  }
0x20: {  	s2 =	sshrl.u32 s2, $0x3;
	s15 =	sadd.s32 s9, s15;
	[smem:$0x7F6] =	sst s20  }
0x21: {  	s12 =	simm.s32 $0x7B00;
	s2 =	sadd.s32 s9, s2;
	[dreg:$0xa] =	wrdreg s15  }
0x22: {  	s14 =	simm.s32 $0x3;
	s15 =	sadd.s32 s9, s17;
	[dreg:$0xc] =	wrdreg s2  }
0x23: {  	s18 =	simm.s32 $0x4;
	s9 =	sadd.s32 s8, s26;
	[dreg:$0xb] =	wrdreg s15  }
0x24: {  	s20 =	simm.s32 $0x0;
	s17 =	sshrl.u32 s13, $0x3;
	[dreg:$0x14] =	wrdreg s9  }
0x25: {  	s2 =	sshrl.u32 s21, $0x3;
	s21 =	sadd.s32 $0x50, s23;
	[dreg:$0x1d] =	wrdreg s17  }
0x26: {  	s26 =	sadd.s32 $0x140, s23;
	s13 =	simm.s32 $0x1;
	[smem:$0x7F7] =	sst s21  }
0x27: {  	s2 =	sadd.s32 s8, s2;
	s9 =	sadd.s32 $0x4, s28;
	[smem:$0x7FA] =	sst s26  }
0x28: {  	s15 =	sadd.s32 s16, s4;
	s16 =	smax.u32 s6, $0x1;
	[dreg:$0x18] =	wrdreg s9  }
0x29: {  	s28 =	sadd.s32 $0x190, s23;
	s21 =	simm.s32 $0xA300;
	[dreg:$0x1c] =	wrdreg s16  }
0x2a: {  	s6 =	simm.s32 $0x5300;
	s30 =	sadd.s32 $0x14, s2;
	[smem:$0x7FB] =	sst s28  }
0x2b: {  	s17 =	simm.s32 $0x2;
	s31 =	sadd.s32 $0x28, s2;
	[dreg:$0x15] =	wrdreg s30  }
.Ltmp0:
0x2c: {  	s2 =	sadd.s32 $0x3C, s2;
	[dreg:$0x16] =	wrdreg s31;
	(pc) =	sbr.rel .LBB2_1-.Ltmp0, $4  }
0x2d: {  	s19 =	sshrl.u32 s15, $0x3;
	s15 =	simm.s32 $0x7;
	[dreg:$0x17] =	wrdreg s2  }
0x2e: {  	s16 =	simm.s32 $0x210;
	[dreg:$0x1f] =	wrdreg s19;
	s30 =	sadd.s32 $0x1E0, s23  }
0x2f: {  	s9 =	simm.s32 $0x2B0;
	s31 =	sadd.s32 $0x230, s23;
	[smem:$0x7FC] =	sst s30  }
0x30: {  	v0 =	vimm.f32 $0.0e+00;
	v52 =	vimm.s32 $0xF;
	s19 =	simm.s32 $0x9;
	s2 =	simm.s32 $0xD0;
	[smem:$0x7FD] =	sst s31  }
.LBB2_16:
0x31: {  	s10 =	stileid.u32;
	[bflag:$0x0] =	sbarrier.arrive $0xFFFF  }
0x32: {  	s10 =	sshll.u32 s10, $0x6;
	s22 =	rddreg [dreg:$0x6]  }
0x33: {  	s23 =	rddreg [dreg:$0x8];
	s10 =	sor.u32 $0x1C09, s10;
	s20 =	sshrl.u32 s22, $0x3  }
0x34: {  	[hbm:s23], [sflag:s10] =	dma.local [spmem:s20], $0x7D0  }
0x35: {  	_ =	swait.ge [sflag:s19], $0x7D0  }
0x36: {  	[sflag:s19] =	ssyncset.done $0x0;
	s26 =	rddreg [dreg:$0x9]  }
0x37: {  	s28 =	rddreg [dreg:$0x1d];
	[sflag:s19] =	ssyncadd.s32 $0xFFFFF830  }
0x38: {  	[hbm:s26], [sflag:s10] =	dma.local [spmem:s28], $0x7D0  }
0x39: {  	_ =	swait.ge [sflag:s19], $0x7D0  }
0x3a: {  	[sflag:s19] =	ssyncset.done $0x0;
	s30 =	rddreg [dreg:$0xa]  }
0x3b: {  	s31 =	rddreg [dreg:$0x1e];
	[sflag:s19] =	ssyncadd.s32 $0xFFFFF830  }
0x3c: {  	[hbm:s30], [sflag:s10] =	dma.local [spmem:s31], $0x7D0  }
0x3d: {  	_ =	swait.ge [sflag:s19], $0x7D0  }
0x3e: {  	[sflag:s19] =	ssyncset.done $0x0;
	s23 =	rddreg [dreg:$0xb]  }
0x3f: {  	s24 =	rddreg [dreg:$0x1f];
	[sflag:s19] =	ssyncadd.s32 $0xFFFFF830  }
0x40: {  	[hbm:s23], [sflag:s10] =	dma.local [spmem:s24], $0x7D0  }
0x41: {  	_ =	swait.ge [sflag:s19], $0x7D0  }
0x42: {  	s26 =	sld [smem:$0x7F6]  }
0x43: {  	[sflag:s19] =	ssyncset.done $0x0  }
0x44: {  	s25 =	rddreg [dreg:$0xc];
	[sflag:s19] =	ssyncadd.s32 $0xFFFFF830  }
0x45: {  	[hbm:s25], [sflag:s10] =	dma.local [spmem:s26], $0x7D0  }
0x46: {  	_ =	swait.ge [sflag:s19], $0x7D0  }
0x47: {  	[sflag:s19] =	ssyncset.done $0x0;
	s23 =	rddreg [dreg:$0x13]  }
0x48: {  	s24 =	rddreg [dreg:$0x1b];
	[sflag:s19] =	ssyncadd.s32 $0xFFFFF830;
	s28 =	sshrl.u32 s23, $0x3  }
0x49: {  	[hbm:s24], [sflag:s10] =	dma.local [spmem:s28], $0x50  }
0x4a: {  	_ =	swait.ge [sflag:s19], $0x50  }
0x4b: {  	s30 =	sld [smem:$0x7F5];
	_ =	sdelay $0x2  }
0x4c: {  	s31 =	rddreg [dreg:$0x1c];
	s20 =	sadd.s32 $0x1, s30  }
0x4d: {  	p0 =	sne.s32 s20, s31  }
.Ltmp1:
0x4e: {  	_ = 	snop;
	(pc) =	sbr.rel @!p0 .LBB2_17-.Ltmp1, $3  }
0x4f: {  	_ =	sdelay $0x1  }
0x50: {  	[sflag:s19] =	ssyncset.done $0x0  }
0x51: {  	v0 =	vimm.f32 $0.0e+00;
	[sflag:s19] =	ssyncadd.s32 $0xFFFFFFB0  }
.LBB2_1:
0x52: {  	[smem:$0x7F5] =	sst s20  }
0x53: {  	s10 =	rddreg [dreg:$0x2];
	s31 =	simm.s32 $0x0  }
0x54: {  	[tilespmem:s31], [sflag:$0x9] =	stream.linear.gather [hbm4b:s10+s31], $0x80, $0x38;
	[tilespmem:$0x1DE48] =	vst v63  }
0x55: {  	_ =	swait.ge [sflag:s19], $0x80  }
0x56: {  	[sflag:s19] =	ssyncset.done $0x0  }
0x57: {  	[sflag:s19] =	ssyncadd.s32 $0xFFFFFF80  }
0x58: {  	v26 =	vld [tilespmem:$0x0]  }
0x59: {  	v27 =	vld [tilespmem:$0x10]  }
0x5a: {  	v28 =	vld [tilespmem:$0x20]  }
0x5b: {  	v34 =	vld [tilespmem:$0x30]  }
0x5c: {  	v29 =	vld [tilespmem:$0x40]  }
0x5d: {  	v35 =	vld [tilespmem:$0x50]  }
0x5e: {  	v36 =	vld [tilespmem:$0x60]  }
0x5f: {  	s20 =	simm.s32 $0x200;
	s10 =	simm.s32 $0x0;
	v37 =	vld [tilespmem:$0x70]  }
.LBB2_2:
0x60: {  	p0 =	sne.s32 s20, $0x9E00;
	[tilespmem:s10+$0x370] =	vst v0  }
0x61: {  	[tilespmem:s10+$0x300] =	vst v0  }
0x62: {  	[tilespmem:s10+$0x310] =	vst v0  }
.Ltmp2:
0x63: {  	[tilespmem:s10+$0x320] =	vst v0;
	(pc) =	sbr.rel @p0 .LBB2_2-.Ltmp2, $4  }
0x64: {  	[tilespmem:s10+$0x330] =	vst v0  }
0x65: {  	[tilespmem:s10+$0x340] =	vst v0  }
0x66: {  	[tilespmem:s10+$0x350] =	vst v0  }
0x67: {  	[tilespmem:s10+$0x360] =	vst v0;
	s10 =	sshra.s32 s20, $0x2;
	s20 =	sadd.s32 $0x200, s20  }
0x68: {  	[tilespmem:s10+$0x370] =	vst v0  }
0x69: {  	[tilespmem:s10+$0x300] =	vst v0  }
0x6a: {  	[tilespmem:s10+$0x310] =	vst v0  }
0x6b: {  	[tilespmem:s10+$0x320] =	vst v0  }
0x6c: {  	[tilespmem:s10+$0x330] =	vst v0  }
0x6d: {  	[tilespmem:s10+$0x340] =	vst v0  }
0x6e: {  	[tilespmem:s10+$0x350] =	vst v0  }
0x6f: {  	[tilespmem:s10+$0x360] =	vst v0  }
0x70: {  	[tilespmem:$0xA300] =	vst v0  }
0x71: {  	[tilespmem:$0xA310] =	vst v0  }
0x72: {  	[tilespmem:$0xA320] =	vst v0  }
0x73: {  	[tilespmem:$0xA330] =	vst v0  }
0x74: {  	s20 =	simm.s32 $0x300;
	[tilespmem:$0xA340] =	vst v0  }
0x75: {  	[spmem:s22] =	stream.linear.scatter [tilespmem:s20], [sflag:$0x9], $0x2800, $0x38;
	[tilespmem:$0x1DE48] =	vst v63  }
0x76: {  	_ =	swait.ge [sflag:s19], $0x2800  }
0x77: {  	[sflag:s19] =	ssyncset.done $0x0  }
0x78: {  	s22 =	rddreg [dreg:$0x7];
	[sflag:s19] =	ssyncadd.s32 $0xFFFFD800  }
0x79: {  	[spmem:s22] =	stream.linear.scatter [tilespmem:s20], [sflag:$0x9], $0x2800, $0x38;
	[tilespmem:$0x1DE48] =	vst v63  }
0x7a: {  	_ =	swait.ge [sflag:s19], $0x2800  }
0x7b: {  	[sflag:s19] =	ssyncset.done $0x0  }
0x7c: {  	s24 =	rddreg [dreg:$0xd];
	[sflag:s19] =	ssyncadd.s32 $0xFFFFD800  }
0x7d: {  	[spmem:s24] =	stream.linear.scatter [tilespmem:s20], [sflag:$0x9], $0x2800, $0x38;
	[tilespmem:$0x1DE48] =	vst v63  }
0x7e: {  	_ =	swait.ge [sflag:s19], $0x2800  }
0x7f: {  	[sflag:s19] =	ssyncset.done $0x0  }
0x80: {  	s25 =	rddreg [dreg:$0xe];
	[sflag:s19] =	ssyncadd.s32 $0xFFFFD800  }
0x81: {  	[spmem:s25] =	stream.linear.scatter [tilespmem:s20], [sflag:$0x9], $0x2800, $0x38;
	[tilespmem:$0x1DE48] =	vst v63  }
0x82: {  	_ =	swait.ge [sflag:s19], $0x2800  }
0x83: {  	[sflag:s19] =	ssyncset.done $0x0  }
0x84: {  	s26 =	rddreg [dreg:$0xf];
	[sflag:s19] =	ssyncadd.s32 $0xFFFFD800  }
0x85: {  	[spmem:s26] =	stream.linear.scatter [tilespmem:s20], [sflag:$0x9], $0x2800, $0x38;
	[tilespmem:$0x1DE48] =	vst v63  }
0x86: {  	_ =	swait.ge [sflag:s19], $0x2800  }
0x87: {  	[sflag:s19] =	ssyncset.done $0x0  }
0x88: {  	s28 =	rddreg [dreg:$0x10];
	[sflag:s19] =	ssyncadd.s32 $0xFFFFD800  }
0x89: {  	[spmem:s28] =	stream.linear.scatter [tilespmem:s20], [sflag:$0x9], $0x2800, $0x38;
	[tilespmem:$0x1DE48] =	vst v63  }
0x8a: {  	_ =	swait.ge [sflag:s19], $0x2800  }
0x8b: {  	[sflag:s19] =	ssyncset.done $0x0  }
0x8c: {  	s31 =	rddreg [dreg:$0x11];
	[sflag:s19] =	ssyncadd.s32 $0xFFFFD800  }
0x8d: {  	[spmem:s31] =	stream.linear.scatter [tilespmem:s20], [sflag:$0x9], $0x2800, $0x38;
	[tilespmem:$0x1DE48] =	vst v63  }
0x8e: {  	_ =	swait.ge [sflag:s19], $0x2800  }
0x8f: {  	[sflag:s19] =	ssyncset.done $0x0  }
0x90: {  	s22 =	rddreg [dreg:$0x12];
	[sflag:s19] =	ssyncadd.s32 $0xFFFFD800  }
0x91: {  	[spmem:s22] =	stream.linear.scatter [tilespmem:s20], [sflag:$0x9], $0x2080, $0x38;
	[tilespmem:$0x1DE48] =	vst v63  }
0x92: {  	_ =	swait.ge [sflag:s19], $0x2080  }
0x93: {  	[sflag:s19] =	ssyncset.done $0x0  }
0x94: {  	[sflag:s19] =	ssyncadd.s32 $0xFFFFDF80  }
0x95: {  	[spmem:s23] =	stream.linear.scatter [tilespmem:s21], [sflag:$0x9], $0x50, $0x38;
	[tilespmem:$0x1DE48] =	vst v63  }
0x96: {  	_ =	swait.ge [sflag:s19], $0x50  }
0x97: {  	s23 =	sld [smem:$0x7F7]  }
0x98: {  	[sflag:s19] =	ssyncset.done $0x0  }
0x99: {  	[sflag:s19] =	ssyncadd.s32 $0xFFFFFFB0  }
0x9a: {  	[spmem:s23] =	stream.linear.scatter [tilespmem:s21], [sflag:$0x9], $0x50, $0x38;
	[tilespmem:$0x1DE48] =	vst v63  }
0x9b: {  	_ =	swait.ge [sflag:s19], $0x50  }
0x9c: {  	s24 =	sld [smem:$0x7F8]  }
0x9d: {  	[sflag:s19] =	ssyncset.done $0x0  }
0x9e: {  	[sflag:s19] =	ssyncadd.s32 $0xFFFFFFB0  }
0x9f: {  	[spmem:s24] =	stream.linear.scatter [tilespmem:s21], [sflag:$0x9], $0x50, $0x38;
	[tilespmem:$0x1DE48] =	vst v63  }
0xa0: {  	_ =	swait.ge [sflag:s19], $0x50  }
0xa1: {  	s25 =	sld [smem:$0x7F9]  }
0xa2: {  	[sflag:s19] =	ssyncset.done $0x0  }
0xa3: {  	[sflag:s19] =	ssyncadd.s32 $0xFFFFFFB0  }
0xa4: {  	[spmem:s25] =	stream.linear.scatter [tilespmem:s21], [sflag:$0x9], $0x50, $0x38;
	[tilespmem:$0x1DE48] =	vst v63  }
0xa5: {  	_ =	swait.ge [sflag:s19], $0x50  }
0xa6: {  	s26 =	sld [smem:$0x7FA]  }
0xa7: {  	[sflag:s19] =	ssyncset.done $0x0  }
0xa8: {  	[sflag:s19] =	ssyncadd.s32 $0xFFFFFFB0  }
0xa9: {  	[spmem:s26] =	stream.linear.scatter [tilespmem:s21], [sflag:$0x9], $0x50, $0x38;
	[tilespmem:$0x1DE48] =	vst v63  }
0xaa: {  	_ =	swait.ge [sflag:s19], $0x50  }
0xab: {  	s28 =	sld [smem:$0x7FB]  }
0xac: {  	[sflag:s19] =	ssyncset.done $0x0  }
0xad: {  	[sflag:s19] =	ssyncadd.s32 $0xFFFFFFB0  }
0xae: {  	[spmem:s28] =	stream.linear.scatter [tilespmem:s21], [sflag:$0x9], $0x50, $0x38;
	[tilespmem:$0x1DE48] =	vst v63  }
0xaf: {  	_ =	swait.ge [sflag:s19], $0x50  }
0xb0: {  	s31 =	sld [smem:$0x7FC]  }
0xb1: {  	[sflag:s19] =	ssyncset.done $0x0  }
0xb2: {  	[sflag:s19] =	ssyncadd.s32 $0xFFFFFFB0  }
0xb3: {  	[spmem:s31] =	stream.linear.scatter [tilespmem:s21], [sflag:$0x9], $0x50, $0x38;
	[tilespmem:$0x1DE48] =	vst v63  }
0xb4: {  	_ =	swait.ge [sflag:s19], $0x50  }
0xb5: {  	s22 =	sld [smem:$0x7FD]  }
0xb6: {  	[sflag:s19] =	ssyncset.done $0x0  }
0xb7: {  	[sflag:s19] =	ssyncadd.s32 $0xFFFFFFB0  }
0xb8: {  	[spmem:s22] =	stream.linear.scatter [tilespmem:s21], [sflag:$0x9], $0x50, $0x38;
	[tilespmem:$0x1DE48] =	vst v63  }
0xb9: {  	_ =	swait.ge [sflag:s19], $0x50  }
0xba: {  	[sflag:s19] =	ssyncset.done $0x0  }
0xbb: {  	[sflag:s19] =	ssyncadd.s32 $0xFFFFFFB0  }
0xbc: {  	[bflag:$0x0] =	sbarrier.arrive $0xFFFF  }
0xbd: {  	s25 =	simm.s32 $0x0;
	s22 =	simm.s32 $0x80;
	s23 =	rddreg [dreg:$0x14]  }
0xbe: {  	[tilespmem:s22], [sflag:$0x5] =	stream.linear.gather [hbm4b:s23+s25], $0xA0, $0x38;
	[tilespmem:$0x1DE48] =	vst v63  }
0xbf: {  	s24 =	rddreg [dreg:$0x15];
	s23 =	simm.s32 $0x120  }
0xc0: {  	[tilespmem:s23], [sflag:$0x6] =	stream.linear.gather [hbm4b:s24+s25], $0xA0, $0x38;
	[tilespmem:$0x1DE48] =	vst v63  }
0xc1: {  	s26 =	rddreg [dreg:$0x16];
	s24 =	simm.s32 $0x1C0  }
0xc2: {  	[tilespmem:s24], [sflag:$0x7] =	stream.linear.gather [hbm4b:s26+s25], $0xA0, $0x38;
	[tilespmem:$0x1DE48] =	vst v63  }
0xc3: {  	s31 =	simm.s32 $0x260;
	s28 =	rddreg [dreg:$0x17];
	s26 =	simm.s32 $0x5  }
0xc4: {  	[tilespmem:s31], [sflag:$0x8] =	stream.linear.gather [hbm4b:s28+s25], $0xA0, $0x38;
	[tilespmem:$0x1DE48] =	vst v63  }
0xc5: {  	_ =	swait.ge [sflag:s26], $0xA0  }
0xc6: {  	[sflag:s26] =	ssyncset.done $0x0  }
0xc7: {  	[sflag:s26] =	ssyncadd.s32 $0xFFFFFF60  }
0xc8: {  	[tilespmem:s20], [sflag:$0x1] =	stream.indirect.gather [hbm4b:s0+s3], $0x80, s22, s3, $0xb8;
	[tilespmem:$0x1DE48] =	vst v63  }
0xc9: {  	s28 =	simm.s32 $0x6  }
0xca: {  	[tilespmem:s6], [sflag:$0x3] =	stream.indirect.gather [hbm4b:s7+s3], $0x80, s2, s3, $0xb8;
	[tilespmem:$0x1DE48] =	vst v63  }
0xcb: {  	_ =	swait.ge [sflag:s28], $0xA0  }
0xcc: {  	[tilespmem:$0x1FF80] =	vst v26  }
0xcd: {  	[tilespmem:$0x1FF90] =	vst v35  }
0xce: {  	[tilespmem:$0x1FFA0] =	vst v37  }
0xcf: {  	[tilespmem:$0x1FFB0] =	vst v29  }
0xd0: {  	[tilespmem:$0x1FFC0] =	vst v36  }
.Ltmp3:
0xd1: {  	[sflag:s28] =	ssyncset.done $0x0;
	[tilespmem:$0x1FFD0] =	vst v27;
	(pc) =	sbr.rel .LBB2_4-.Ltmp3, $4  }
0xd2: {  	s31 =	simm.s32 $0x2B00;
	[tilespmem:$0x1FFE0] =	vst v28;
	[sflag:s28] =	ssyncadd.s32 $0xFFFFFF60  }
0xd3: {  	[tilespmem:s31], [sflag:$0x2] =	stream.indirect.gather [hbm4b:s0+s3], $0x80, s23, s3, $0xb8;
	[tilespmem:$0x1DE48] =	vst v63  }
0xd4: {  	s30 =	simm.s32 $0x0;
	[tilespmem:$0x1FFF0] =	vst v34  }
0xd5: {  	[tilespmem:s12], [sflag:$0x4] =	stream.indirect.gather [hbm4b:s7+s3], $0x80, s11, s3, $0xb8;
	[tilespmem:$0x1DE48] =	vst v63  }
.LBB2_15:
0xd6: {  	s30 =	sadd.s32 $0x1, s30  }
.LBB2_4:
0xd7: {  	_ =	swait.ge [sflag:s13], $0x2800  }
0xd8: {  	[sflag:s13] =	ssyncset.done $0x0  }
0xd9: {  	[sflag:s13] =	ssyncadd.s32 $0xFFFFD800  }
0xda: {  	_ =	swait.ge [sflag:s14], $0x2800  }
0xdb: {  	[sflag:s14] =	ssyncset.done $0x0  }
0xdc: {  	s10 =	simm.s32 $0x400;
	[sflag:s14] =	ssyncadd.s32 $0xFFFFD800  }
0xdd: {  	s24 =	simm.s32 $0x5400;
	v31 =	vld [tilespmem:s10+$0x80]  }
0xde: {  	v1 =	vld [tilespmem:s24+$0x80]  }
0xdf: {  	v33 =	vld [tilespmem:s10+$0x90]  }
0xe0: {  	v2 =	vld [tilespmem:s24+$0x90]  }
0xe1: {  	v32 =	vld [tilespmem:s10+$0xA0]  }
0xe2: {  	v3 =	vld [tilespmem:s24+$0xA0]  }
0xe3: {  	v43 =	vld [tilespmem:s10+$0xB0]  }
0xe4: {  	v4 =	vld [tilespmem:s24+$0xB0]  }
0xe5: {  	v44 =	vld [tilespmem:s10+$0xC0]  }
0xe6: {  	v5 =	vld [tilespmem:s24+$0xC0]  }
0xe7: {  	v45 =	vld [tilespmem:s10+$0xD0]  }
0xe8: {  	v6 =	vld [tilespmem:s24+$0xD0]  }
0xe9: {  	v30 =	vld [tilespmem:s10+$0xFFFFFF10]  }
0xea: {  	v47 =	vld [tilespmem:s10+$0xE0]  }
0xeb: {  	v7 =	vld [tilespmem:s24+$0xE0]  }
0xec: {  	v46 =	vld [tilespmem:s10+$0xF0]  }
0xed: {  	v10 =	vld [tilespmem:s24+$0xF0]  }
0xee: {  	v0 =	vld [tilespmem:s24+$0xFFFFFF00];
	[tilespmem:$0x1FE80] =	vst v30  }
0xef: {  	v38 =	vld [tilespmem:s10+$0xFFFFFF20];
	_ =	sdelay $0x4  }
0xf0: {  	v11 =	vld [tilespmem:s24+$0xFFFFFF10];
	[tilespmem:$0x1FE90] =	vst v38  }
0xf1: {  	v9 =	vld [tilespmem:s10+$0xFFFFFF30];
	_ =	sdelay $0x4  }
0xf2: {  	v12 =	vld [tilespmem:s24+$0xFFFFFF20];
	[tilespmem:$0x1FEA0] =	vst v9  }
0xf3: {  	v25 =	vld [tilespmem:s10+$0xFFFFFF40];
	_ =	sdelay $0x4  }
0xf4: {  	v13 =	vld [tilespmem:s24+$0xFFFFFF30];
	[tilespmem:$0x1FEB0] =	vst v25  }
0xf5: {  	v8 =	vld [tilespmem:s10+$0xFFFFFF50];
	_ =	sdelay $0x4  }
0xf6: {  	v14 =	vld [tilespmem:s24+$0xFFFFFF40];
	[tilespmem:$0x1FEC0] =	vst v8  }
0xf7: {  	v39 =	vld [tilespmem:s10+$0xFFFFFF60];
	_ =	sdelay $0x4  }
0xf8: {  	v15 =	vld [tilespmem:s24+$0xFFFFFF50];
	[tilespmem:$0x1FED0] =	vst v39  }
0xf9: {  	v40 =	vld [tilespmem:s10+$0xFFFFFF70];
	_ =	sdelay $0x4  }
0xfa: {  	v17 =	vld [tilespmem:s24+$0xFFFFFF60];
	[tilespmem:$0x1FEE0] =	vst v40  }
0xfb: {  	v41 =	vld [tilespmem:s10+$0xFFFFFF80];
	_ =	sdelay $0x4  }
0xfc: {  	v22 =	vld [tilespmem:s24+$0xFFFFFF70];
	[tilespmem:$0x1FEF0] =	vst v41  }
0xfd: {  	v42 =	vld [tilespmem:s10+$0xFFFFFF90];
	_ =	sdelay $0x1  }
0xfe: {  	v6 =	vadd.f32 v6, v45;
	_ =	sdelay $0x1  }
0xff: {  	v23 =	vmul.f32 $2.000000030e-01, v6  }
0x100: {  	v51 =	vld [tilespmem:s24+$0xFFFFFF80];
	[tilespmem:$0x1FF00] =	vst v42  }
0x101: {  	v6 =	vmax.f32 v6, v23;
	v23 =	vld [tilespmem:s10+$0xFFFFFFA0];
	_ =	sdelay $0x1  }
0x102: {  	v7 =	vadd.f32 v7, v47;
	_ =	sdelay $0x1  }
0x103: {  	v24 =	vmul.f32 $2.000000030e-01, v7  }
0x104: {  	v53 =	vld [tilespmem:s24+$0xFFFFFF90];
	[tilespmem:$0x1FF10] =	vst v23  }
0x105: {  	v7 =	vmax.f32 v7, v24;
	v24 =	vld [tilespmem:s10+$0xFFFFFFB0]  }
0x106: {  	v1 =	vadd.f32 v1, v31  }
0x107: {  	v2 =	vadd.f32 v2, v33;
	v3 =	vadd.f32 v3, v32  }
0x108: {  	v4 =	vadd.f32 v4, v43;
	v5 =	vadd.f32 v5, v44;
	v16 =	vmul.f32 $2.000000030e-01, v1  }
0x109: {  	v18 =	vmul.f32 $2.000000030e-01, v2;
	v19 =	vmul.f32 $2.000000030e-01, v3  }
0x10a: {  	v20 =	vmul.f32 $2.000000030e-01, v4;
	v21 =	vmul.f32 $2.000000030e-01, v5;
	v1 =	vmax.f32 v1, v16;
	v16 =	vld [tilespmem:s24+$0xFFFFFFA0];
	[tilespmem:$0x1FF20] =	vst v24  }
0x10b: {  	v2 =	vmax.f32 v2, v18;
	v3 =	vmax.f32 v3, v19;
	v11 =	vadd.f32 v11, v30;
	v30 =	vld [tilespmem:s10+$0xFFFFFFC0]  }
0x10c: {  	v4 =	vmax.f32 v4, v20;
	v1 =	vmul.f32 v1, v26;
	v2 =	vmul.f32 v2, v27  }
0x10d: {  	v5 =	vmax.f32 v5, v21;
	v3 =	vmul.f32 v3, v28;
	v4 =	vmul.f32 v4, v34  }
0x10e: {  	v5 =	vmul.f32 v5, v29;
	v6 =	vmul.f32 v6, v35  }
0x10f: {  	v1 =	vadd.f32 v2, v1  }
0x110: {  	v2 =	vadd.f32 v4, v3;
	v4 =	vadd.f32 v6, v5;
	v5 =	vld [tilespmem:s24+$0xFFFFFFB0];
	[tilespmem:$0x1FF30] =	vst v30  }
0x111: {  	v59 =	vadd.f32 v13, v9;
	v9 =	vld [tilespmem:s10+$0xFFFFFFD0];
	_ =	sdelay $0x1  }
0x112: {  	v10 =	vadd.f32 v10, v46;
	_ =	sdelay $0x1  }
0x113: {  	v50 =	vmul.f32 $2.000000030e-01, v10  }
0x114: {  	v60 =	vld [tilespmem:s24+$0xFFFFFFC0];
	[tilespmem:$0x1FF40] =	vst v9  }
0x115: {  	v10 =	vmax.f32 v10, v50;
	v54 =	vadd.f32 v15, v8;
	v8 =	vld [tilespmem:s10+$0xFFFFFFE0]  }
0x116: {  	v7 =	vmul.f32 v7, v36;
	v10 =	vmul.f32 v10, v37;
	_ =	sdelay $0x1  }
0x117: {  	v6 =	vadd.f32 v10, v7  }
0x118: {  	v1 =	vadd.f32 v2, v1  }
0x119: {  	v2 =	vadd.f32 v6, v4;
	v6 =	vadd.f32 v14, v25;
	v14 =	vld [tilespmem:s24+$0xFFFFFFD0];
	[tilespmem:$0x1FF50] =	vst v8  }
0x11a: {  	v7 =	vadd.f32 v12, v38;
	v62 =	vld [tilespmem:s10+$0xFFFFFFF0]  }
0x11b: {  	v3 =	vmul.f32 $2.000000030e-01, v11  }
0x11c: {  	v4 =	vmul.f32 $2.000000030e-01, v7  }
0x11d: {  	v3 =	vmax.f32 v11, v3;
	v13 =	vmul.f32 $2.000000030e-01, v59  }
0x11e: {  	v2 =	vadd.f32 v2, v1;
	v4 =	vmax.f32 v7, v4;
	v7 =	vmul.f32 $2.000000030e-01, v6  }
0x11f: {  	v1 =	vmul.f32 v3, v27;
	v10 =	vmax.f32 v59, v13;
	v56 =	vmul.f32 $2.000000030e-01, v54;
	v58 =	vld [tilespmem:s24+$0xFFFFFFE0];
	[tilespmem:$0x1FF60] =	vst v62  }
0x120: {  	v4 =	vmul.f32 v4, v28;
	v10 =	vmul.f32 v10, v34;
	v3 =	vmax.f32 v6, v7;
	v63 =	vld [tilespmem:s24+$0xFFFFFFF0]  }
0x121: {  	v3 =	vmul.f32 v3, v29;
	v12 =	vmax.f32 v54, v56;
	v55 =	vadd.f32 v17, v39;
	v50 =	vld [tilespmem:s10+$0x0]  }
0x122: {  	v12 =	vmul.f32 v12, v35;
	v57 =	vadd.f32 v22, v40;
	v5 =	vadd.f32 v5, v24;
	v24 =	vld [tilespmem:s10+$0x30]  }
0x123: {  	v4 =	vadd.f32 v10, v4;
	v61 =	vmul.f32 $2.000000030e-01, v55;
	v7 =	vadd.f32 v51, v41;
	v39 =	vld [tilespmem:s24+$0x0]  }
0x124: {  	v3 =	vadd.f32 v12, v3;
	v6 =	vmul.f32 $2.000000030e-01, v57;
	v19 =	vadd.f32 v53, v42;
	v51 =	vld [tilespmem:s10+$0x10]  }
0x125: {  	v13 =	vmax.f32 v55, v61;
	v38 =	vmul.f32 $2.000000030e-01, v7;
	v40 =	vadd.f32 v16, v23;
	v41 =	vld [tilespmem:s24+$0x10]  }
0x126: {  	v13 =	vmul.f32 v13, v36;
	v6 =	vmax.f32 v57, v6;
	v42 =	vmul.f32 $2.000000030e-01, v19;
	v53 =	vld [tilespmem:s10+$0x20]  }
0x127: {  	v7 =	vmax.f32 v7, v38;
	v48 =	vmul.f32 $2.000000030e-01, v40;
	v59 =	vmul.f32 $2.000000030e-01, v5;
	v49 =	vld [tilespmem:s24+$0x20];
	[tilespmem:$0x1FF70] =	vst v24  }
0x128: {  	v6 =	vmul.f32 v6, v37;
	v7 =	vmul.f32 v7, v26;
	v16 =	vmax.f32 v19, v42;
	v12 =	vld [tilespmem:s24+$0x30]  }
0x129: {  	v16 =	vmul.f32 v16, v27;
	v10 =	vmax.f32 v40, v48;
	v5 =	vmax.f32 v5, v59;
	v55 =	vld [tilespmem:s10+$0x40]  }
0x12a: {  	v6 =	vadd.f32 v6, v13;
	v10 =	vmul.f32 v10, v28;
	v5 =	vmul.f32 v5, v34;
	v22 =	vld [tilespmem:s24+$0x40]  }
0x12b: {  	v11 =	vadd.f32 v60, v30;
	v14 =	vadd.f32 v14, v9;
	v56 =	vld [tilespmem:s10+$0x50]  }
0x12c: {  	v7 =	vadd.f32 v16, v7;
	v5 =	vadd.f32 v5, v10;
	v23 =	vld [tilespmem:s24+$0x50]  }
0x12d: {  	v3 =	vadd.f32 v6, v3;
	v60 =	vmul.f32 $2.000000030e-01, v11;
	v61 =	vmul.f32 $2.000000030e-01, v14;
	v57 =	vld [tilespmem:s10+$0x60]  }
0x12e: {  	v5 =	vadd.f32 v5, v7;
	v17 =	vadd.f32 v39, v50;
	v39 =	vld [tilespmem:s24+$0x60]  }
0x12f: {  	v11 =	vmax.f32 v11, v60;
	v14 =	vmax.f32 v14, v61;
	v21 =	vadd.f32 v58, v8;
	v58 =	vld [tilespmem:s10+$0x70]  }
0x130: {  	v11 =	vmul.f32 v11, v29;
	v25 =	vmul.f32 v14, v35;
	v18 =	vadd.f32 v63, v62;
	v42 =	vld [tilespmem:s24+$0x70]  }
0x131: {  	s28 =	simm.s32 $0x600;
	v62 =	vmul.f32 $2.000000030e-01, v21;
	v15 =	vadd.f32 v41, v51;
	v20 =	vadd.f32 v49, v53;
	v59 =	vld [tilespmem:s10+$0xFFFFFF00]  }
0x132: {  	v10 =	vadd.f32 v25, v11;
	v60 =	vld [tilespmem:s28+$0x80];
	v63 =	vmul.f32 $2.000000030e-01, v18;
	v40 =	vmul.f32 $2.000000030e-01, v17  }
0x133: {  	v61 =	vld [tilespmem:s28+$0x90];
	v38 =	vmax.f32 v21, v62;
	v48 =	vmul.f32 $2.000000030e-01, v15;
	v54 =	vmul.f32 $2.000000030e-01, v20  }
0x134: {  	v8 =	vld [tilespmem:s28+$0xFFFFFF20];
	v7 =	vmul.f32 v38, v36;
	v18 =	vmax.f32 v18, v63;
	v17 =	vmax.f32 v17, v40  }
0x135: {  	s25 =	simm.s32 $0x5600;
	v62 =	vld [tilespmem:s28+$0xB0];
	v49 =	vmax.f32 v15, v48;
	v15 =	vmax.f32 v20, v54;
	v12 =	vadd.f32 v12, v24  }
0x136: {  	v20 =	vld [tilespmem:s25+$0x90];
	v41 =	vmul.f32 v18, v37;
	v9 =	vadd.f32 v22, v55;
	v24 =	vadd.f32 v23, v56  }
0x137: {  	(xrf2) =	vadd.scan.msk.f32 $0xffff, v2;
	v11 =	vmul.f32 v17, v26;
	v17 =	vld [tilespmem:s25+$0x80];
	v16 =	vadd.f32 v39, v57;
	v0 =	vadd.f32 v0, v59  }
0x138: {  	v63 =	vld [tilespmem:s28+$0xA0];
	v7 =	vadd.f32 v41, v7;
	v2 =	vmul.f32 $2.000000030e-01, v12;
	v25 =	vmul.f32 $2.000000030e-01, v9  }
0x139: {  	v54 =	vld [tilespmem:s25+$0xB0];
	v38 =	vadd.f32 v42, v58;
	v42 =	vmul.f32 $2.000000030e-01, v24;
	v48 =	vmul.f32 $2.000000030e-01, v16  }
0x13a: {  	v40 =	vld [tilespmem:s28+$0xD0];
	v23 =	vmul.f32 $2.000000030e-01, v0;
	v7 =	vadd.f32 v7, v10;
	v10 =	vmul.f32 v49, v27  }
0x13b: {  	v22 =	vld [tilespmem:s25+$0xFFFFFF30];
	v49 =	vmul.f32 $2.000000030e-01, v38;
	v2 =	vmax.f32 v12, v2;
	v18 =	vmax.f32 v24, v42  }
0x13c: {  	v41 =	vld [tilespmem:s28+$0xC0];
	v16 =	vmax.f32 v16, v48;
	v0 =	vmax.f32 v0, v23;
	v13 =	vadd.f32 v17, v60  }
0x13d: {  	v24 =	vld [tilespmem:s25+$0xC0];
	v5 =	vadd.f32 v7, v5;
	v7 =	vmul.f32 v15, v28;
	v2 =	vmul.f32 v2, v34  }
0x13e: {  	v17 =	vld [tilespmem:s25+$0xFFFFFF20];
	v18 =	vmul.f32 v18, v35;
	v12 =	vmax.f32 v38, v49;
	v16 =	vmul.f32 v16, v36  }
0x13f: {  	v15 =	vld [tilespmem:s25+$0xA0];
	v10 =	vadd.f32 v10, v11;
	v0 =	vmul.f32 v0, v26;
	v12 =	vmul.f32 v12, v37  }
0x140: {  	v38 =	vld [tilespmem:s28+$0xE0];
	v42 =	vmul.f32 $2.000000030e-01, v13;
	(xrf2) =	vadd.scan.msk.f32 $0xffff, v5;
	v5 =	vmax.f32 v9, v25;
	v2 =	vadd.f32 v2, v7  }
0x141: {  	v39, _, _ =	vpop (xrf2);
	v7 =	vld [tilespmem:s25+$0xD0];
	v0 =	vadd.f32 v1, v0;
	v5 =	vmul.f32 v5, v29;
	v25 =	vadd.f32 v12, v16  }
0x142: {  	v1 =	vld [tilespmem:s25+$0xE0];
	v12 =	vperm.xlane v39, v52;
	v16 =	vadd.f32 v20, v61;
	v2 =	vadd.f32 v2, v10  }
0x143: {  	v30 =	vmovc v26;
	v26 =	vld [tilespmem:s25+$0xFFFFFF40];
	v19 =	vmax.f32 v13, v42;
	v0 =	vadd.f32 v4, v0;
	v14 =	vadd.f32 v24, v41  }
0x144: {  	v11 =	vmovc v37;
	v37 =	vld [tilespmem:s28+$0xF0];
	v19 =	vmul.f32 v19, v30;
	v5 =	vadd.f32 v18, v5;
	v6 =	vmul.f32 $1.442695020e+00, v12  }
0x145: {  	v4 =	vld [tilespmem:s25+$0xF0];
	v15 =	vadd.f32 v15, v63;
	v18 =	vadd.f32 v54, v62;
	v20 =	vmul.f32 $2.000000030e-01, v16  }
0x146: {  	v39 =	vmovc v28;
	v28 =	vld [tilespmem:s28+$0xFFFFFF30];
	v24 =	vmul.f32 $2.000000030e-01, v14;
	v5 =	vadd.f32 v25, v5;
	v7 =	vadd.f32 v7, v40  }
0x147: {  	v48 =	vmovc v29;
	v29 =	vld [tilespmem:s28+$0xFFFFFF40];
	v12 =	vmul.f32 $2.000000030e-01, v15;
	v1 =	vadd.f32 v1, v38;
	v23 =	vmul.f32 $2.000000030e-01, v18  }
0x148: {  	v13 =	vld [tilespmem:s28+$0xFFFFFF50];
	v16 =	vmax.f32 v16, v20;
	(erf) = vpow2.f32 v6;
	v25 =	vmul.f32 $2.000000030e-01, v7  }
0x149: {  	v9 =	vmovc v27;
	v20 =	vld [tilespmem:s25+$0xFFFFFF60];
	v14 =	vmax.f32 v14, v24;
	v27 =	vmul.f32 v16, v27;
	v2 =	vadd.f32 v5, v2  }
0x14a: {  	v24 =	vld [tilespmem:s25+$0xFFFFFF50];
	v4 =	vadd.f32 v4, v37;
	v42 =	vmul.f32 $2.000000030e-01, v1;
	v7 =	vmax.f32 v7, v25  }
0x14b: {  	v16 =	vld [tilespmem:s28+$0xFFFFFF70];
	v21 =	vmax.f32 v15, v12;
	v14 =	vmul.f32 v14, v48;
	v5, _, _ =	vpop (xrf2);
	v7 =	vmul.f32 v7, v35  }
0x14c: {  	v18 =	vmax.f32 v18, v23;
	v15 =	vld [tilespmem:s28+$0xFFFFFF60];
	v5 =	vperm.xlane v5, v52;
	v52 =	vmul.f32 $2.000000030e-01, v4  }
0x14d: {  	v0 =	vadd.f32 v3, v0;
	v23 =	vld [tilespmem:s25+$0xFFFFFF70];
	v21 =	vmul.f32 v21, v39;
	v18 =	vmul.f32 v18, v34  }
0x14e: {  	v1 =	vmax.f32 v1, v42;
	v7 =	vadd.f32 v7, v14;
	v14 =	vld [tilespmem:s28+$0xFFFFFF80];
	[tilespmem:$0x1FD50] =	vst v8;
	v4 =	vmax.f32 v4, v52  }
0x14f: {  	v3 =	vadd.f32 v22, v28;
	v1 =	vmul.f32 v1, v36;
	v6 =	vld [tilespmem:s25+$0xFFFFFF80];
	[tilespmem:$0x1FD60] =	vst v28;
	v4 =	vmul.f32 v4, v11  }
0x150: {  	v19 =	vadd.f32 v27, v19;
	v18 =	vadd.f32 v18, v21;
	v42 =	vld [tilespmem:s25+$0xFFFFFF90]  }
0x151: {  	(xrf2) =	vadd.scan.msk.f32 $0xffff, v0;
	v5 =	vmul.f32 $1.442695020e+00, v5;
	v1 =	vadd.f32 v4, v1;
	v4 =	vadd.f32 v17, v8;
	v8 =	vld [tilespmem:s28+$0xFFFFFF90]  }
0x152: {  	(xrf2) =	vadd.scan.msk.f32 $0xffff, v2;
	v52 =	vadd.f32 v26, v29;
	v17 =	vld [tilespmem:s28+$0xFFFFFF10];
	[tilespmem:$0x1FD70] =	vst v29  }
0x153: {  	(erf) = vpow2.f32 v5;
	v5 =	vadd.f32 v18, v19;
	v18 =	vmul.f32 $2.000000030e-01, v3;
	[tilespmem:$0x1FD80] =	vst v13  }
0x154: {  	v24 =	vadd.f32 v24, v13;
	v19 =	vld [tilespmem:s25+$0xFFFFFF10];
	[tilespmem:$0x1FD90] =	vst v15;
	v1 =	vadd.f32 v1, v7;
	v7 =	vmul.f32 $2.000000030e-01, v4  }
0x155: {  	v27 =	vadd.f32 v20, v15;
	v0 =	vmul.f32 $2.000000030e-01, v52;
	[tilespmem:$0x1FDA0] =	vst v16;
	v2 =	vmax.f32 v3, v18  }
0x156: {  	v13 =	vld [tilespmem:s28+$0xFFFFFFA0];
	v1 =	vadd.f32 v1, v5;
	v4 =	vmax.f32 v4, v7;
	v7 =	vadd.f32 v23, v16  }
0x157: {  	v3 =	vmul.f32 $2.000000030e-01, v27;
	v6 =	vadd.f32 v6, v14;
	v5 =	vmul.f32 $2.000000030e-01, v24;
	v23 =	vld [tilespmem:s25+$0xFFFFFFA0];
	[tilespmem:$0x1FDB0] =	vst v14  }
0x158: {  	v14 =	vld [tilespmem:s28+$0xFFFFFFB0];
	[tilespmem:$0x1FDC0] =	vst v8;
	v8 =	vadd.f32 v42, v8;
	(xrf2) =	vadd.scan.msk.f32 $0xffff, v1;
	v1 =	vmul.f32 $2.000000030e-01, v7  }
0x159: {  	v0 =	vmax.f32 v52, v0;
	v3 =	vmax.f32 v27, v3;
	v5 =	vmax.f32 v24, v5;
	v24 =	vld [tilespmem:s25+$0xFFFFFFB0]  }
0x15a: {  	v42 =	vmul.f32 $2.000000030e-01, v6;
	[tilespmem:$0x1FDD0] =	vst v17;
	v1 =	vmax.f32 v7, v1;
	v7 =	vmul.f32 $2.000000030e-01, v8  }
0x15b: {  	v18 =	vmovc v39;
	v28 =	vmul.f32 v4, v39;
	v39 =	vmul.f32 v2, v34;
	v52 =	vadd.f32 v19, v17;
	v15 =	vld [tilespmem:s28+$0xFFFFFFC0]  }
0x15c: {  	v4 =	vmul.f32 v3, v36;
	v19 =	vmul.f32 v0, v48;
	v0 =	vmax.f32 v8, v7;
	v7 =	vld [tilespmem:s25+$0xFFFFFFC0];
	[tilespmem:$0x1FDE0] =	vst v13  }
0x15d: {  	v49 =	vmovc v36;
	v6 =	vmax.f32 v6, v42;
	v5 =	vmul.f32 v5, v35;
	v36 =	vmul.f32 $2.000000030e-01, v52;
	v8 =	vld [tilespmem:s28+$0xFFFFFFD0];
	[tilespmem:$0x1FDF0] =	vst v14  }
0x15e: {  	v2 =	vmul.f32 v6, v30;
	v27 =	vadd.f32 v23, v13;
	v24 =	vadd.f32 v24, v14;
	v6 =	vld [tilespmem:s25+$0xFFFFFFD0]  }
0x15f: {  	v3 =	vmul.f32 v1, v11;
	v36 =	vmax.f32 v52, v36;
	v42 =	vmul.f32 v0, v9;
	v52 =	vld [tilespmem:s28+$0xFFFFFFE0]  }
0x160: {  	v39 =	vadd.f32 v39, v28;
	v1 =	vmul.f32 $2.000000030e-01, v27;
	v28 =	vld [tilespmem:s25+$0xFFFFFFE0];
	v0 =	vmul.f32 $2.000000030e-01, v24  }
0x161: {  	v54 =	vimm.s32 $0xF;
	v5 =	vadd.f32 v5, v19;
	v3 =	vadd.f32 v3, v4  }
0x162: {  	v12 =	vmov v30;
	v16, _, _ =	vpop (xrf2);
	v1 =	vmax.f32 v27, v1;
	v29 =	vadd.f32 v42, v2  }
0x163: {  	v30, _, _ =	vpop (xrf2);
	[tilespmem:$0x1FE00] =	vst v15;
	v42 =	vadd.f32 v3, v5;
	v17 =	vmax.f32 v24, v0;
	v7 =	vadd.f32 v7, v15  }
0x164: {  	v19 =	vld [tilespmem:s28+$0xFFFFFFF0];
	v2 =	vmul.f32 v1, v18;
	[tilespmem:$0x1FE10] =	vst v8;
	v5 =	vmul.f32 v17, v34;
	v0, _, _ =	vpop (xrf2);
	v6 =	vadd.f32 v6, v8  }
0x165: {  	v4 =	vld [tilespmem:s25+$0xFFFFFFF0];
	v28 =	vadd.f32 v28, v52;
	v27 =	vperm.xlane v0, v54;
	v0 =	vmul.f32 $2.000000030e-01, v7  }
0x166: {  	v26 =	vperm.xlane v16, v54;
	v8 =	vld [tilespmem:s28+$0x0];
	[tilespmem:$0x1FE20] =	vst v52;
	v2 =	vadd.f32 v5, v2  }
0x167: {  	v3 =	vld [tilespmem:s25+$0x0];
	v1 =	vmul.f32 $2.000000030e-01, v6;
	v0 =	vmax.f32 v7, v0;
	v7 =	vmul.f32 $2.000000030e-01, v28  }
0x168: {  	v27 =	vmul.f32 $1.442695020e+00, v27  }
0x169: {  	v10 =	vmovc v35;
	v5 =	vmul.f32 $1.442695020e+00, v26;
	v20 =	vld [tilespmem:s28+$0x10];
	v35 =	vadd.f32 v2, v29;
	v1 =	vmax.f32 v6, v1  }
0x16a: {  	v6 =	vld [tilespmem:s25+$0x10];
	[tilespmem:$0x1FE30] =	vst v19;
	v0 =	vmul.f32 v0, v48;
	(erf) = vpow2.f32 v27;
	v4 =	vadd.f32 v4, v19  }
0x16b: {  	v14 =	vld [tilespmem:s28+$0x20];
	v1 =	vmul.f32 v1, v10;
	(erf) = vpow2.f32 v5;
	v5 =	vmax.f32 v28, v7;
	v7 =	vpop (erf)  }
0x16c: {  	v2 =	vld [tilespmem:s25+$0x20];
	[tilespmem:$0x1FE40] =	vst v8;
	v3 =	vadd.f32 v3, v8;
	v29 =	vmul.f32 $2.000000030e-01, v4;
	v31 =	vmul.f32 v7, v31  }
0x16d: {  	v30 =	vperm.xlane v30, v54;
	v21 =	vld [tilespmem:s28+$0x30];
	v8 =	vmovc v34;
	v34 =	vadd.f32 v1, v0;
	v5 =	vmul.f32 v5, v49  }
0x16e: {  	v22 =	vld [tilespmem:s25+$0x30];
	v1 =	vmul.f32 v7, v33;
	v0 =	vmul.f32 $2.000000030e-01, v3;
	v4 =	vmax.f32 v4, v29;
	[tilespmem:s24+$0x80] =	vst v31  }
0x16f: {  	v23 =	vld [tilespmem:s28+$0x40];
	v32 =	vmul.f32 v7, v32;
	v4 =	vmul.f32 v4, v11;
	[tilespmem:$0x1FE50] =	vst v20  }
0x170: {  	v0 =	vmax.f32 v3, v0;
	v3 =	vmul.f32 $1.442695020e+00, v30;
	[tilespmem:s24+$0x90] =	vst v1;
	v1 =	vmul.f32 v7, v43  }
0x171: {  	[tilespmem:s24+$0xA0] =	vst v32;
	v4 =	vadd.f32 v4, v5;
	v5 =	vmul.f32 v7, v44  }
0x172: {  	(erf) = vpow2.f32 v3;
	v3 =	vmul.f32 v7, v45;
	[tilespmem:s24+$0xB0] =	vst v1  }
0x173: {  	v6 =	vadd.f32 v6, v20;
	v24 =	vld [tilespmem:s25+$0x40];
	[tilespmem:s24+$0xC0] =	vst v5  }
0x174: {  	v25 =	vld [tilespmem:s28+$0x50];
	[tilespmem:s24+$0xD0] =	vst v3  }
0x175: {  	s20 =	simm.s32 $0x3;
	s22 =	simm.s32 $0x7;
	s23 =	simm.s32 $0x0;
	v26 =	vmul.f32 $2.000000030e-01, v6;
	v52 =	vld [tilespmem:s25+$0x50];
	[tilespmem:$0x1FE60] =	vst v14  }
0x176: {  	v16 =	vmov s22;
	v17 =	vmov s23;
	v19 =	vmov s20;
	[tilespmem:$0x1FE70] =	vst v21  }
0x177: {  	v2 =	vadd.f32 v2, v14;
	v5 =	vmax.f32 v6, v26;
	v6 =	vmul.f32 v7, v47;
	v45 =	vld [tilespmem:s25+$0xFFFFFF00]  }
0x178: {  	v20 =	vmul.f32 v7, v46;
	v0 =	vmul.f32 v0, v12;
	v3 =	vadd.f32 v22, v21;
	v1 =	vpop (erf);
	v22 =	vld [tilespmem:s28+$0x60]  }
0x179: {  	v31 =	vmov v23;
	v4 =	vadd.f32 v4, v34;
	v5 =	vmul.f32 v5, v9;
	[tilespmem:s24+$0xE0] =	vst v6;
	v32 =	vld [tilespmem:s28+$0x70];
	v46 =	vpop (erf)  }
0x17a: {  	[tilespmem:s24+$0xF0] =	vst v20;
	v26 =	vmul.f32 $2.000000030e-01, v3;
	v33 =	vld [tilespmem:s28+$0xFFFFFF00];
	v21 =	vadd.f32 v24, v23;
	v30 =	vmovc v25;
	v6 =	vmul.f32 v46, v60  }
0x17b: {  	v43 =	vadd.f32 v52, v25;
	v24 =	vmul.f32 $2.000000030e-01, v2;
	v25 =	vld [tilespmem:s25+$0x60];
	[tilespmem:v19+s21+$0x0] =	vst.idx.msk $0x1, v7;
	v23 =	vmul.f32 v46, v61  }
0x17c: {  	v0 =	vadd.f32 v5, v0;
	v7 =	vmul.f32 v46, v63;
	v5 =	vmul.f32 v46, v62;
	[tilespmem:s25+$0x80] =	vst v6;
	v6 =	vld [tilespmem:s25+$0x70]  }
0x17d: {  	v4 =	vadd.f32 v4, v35;
	v41 =	vmul.f32 v46, v41;
	v40 =	vmul.f32 v46, v40;
	[tilespmem:s25+$0x90] =	vst v23  }
0x17e: {  	s31 =	simm.s32 $0x5800;
	v3 =	vmax.f32 v3, v26;
	v37 =	vmul.f32 v46, v37;
	v52 =	vmul.f32 $2.000000030e-01, v21;
	[tilespmem:s25+$0xA0] =	vst v7  }
0x17f: {  	v47 =	vld [tilespmem:s31+$0xA0];
	(xrf2) =	vadd.scan.msk.f32 $0xffff, v4;
	v2 =	vmax.f32 v2, v24;
	v3 =	vmul.f32 v3, v8;
	[tilespmem:s25+$0xB0] =	vst v5  }
0x180: {  	v4 =	vld [tilespmem:s31+$0x80];
	[tilespmem:s25+$0xC0] =	vst v41;
	v2 =	vmul.f32 v2, v18;
	v7 =	vmax.f32 v21, v52;
	v21 =	vadd.f32 v45, v33  }
0x181: {  	s23 =	simm.s32 $0x800;
	v38 =	vmul.f32 v46, v38;
	v60 =	vld [tilespmem:s31+$0xB0];
	[tilespmem:s25+$0xD0] =	vst v40;
	v5 =	vadd.f32 v25, v22;
	v6 =	vadd.f32 v6, v32  }
0x182: {  	[tilespmem:s25+$0xF0] =	vst v37;
	v37 =	vld [tilespmem:s23+$0x90];
	v2 =	vadd.f32 v3, v2;
	v3 =	vmul.f32 $2.000000030e-01, v21  }
0x183: {  	[tilespmem:s25+$0xE0] =	vst v38;
	v38 =	vld [tilespmem:s23+$0xA0];
	v20 =	vmul.f32 $2.000000030e-01, v5;
	v23 =	vmul.f32 $2.000000030e-01, v6  }
0x184: {  	v40 =	vld [tilespmem:s23+$0xC0];
	v29 =	vmov v22;
	[tilespmem:v16+s21+$0x0] =	vst.idx.msk $0x1, v46;
	v22 =	vmul.f32 v36, v9;
	v3 =	vmax.f32 v21, v3  }
0x185: {  	v41 =	vld [tilespmem:s23+$0xD0];
	v5 =	vmax.f32 v5, v20;
	v3 =	vmul.f32 v3, v12;
	v6 =	vmax.f32 v6, v23  }
0x186: {  	v0 =	vadd.f32 v2, v0;
	v2 =	vld [tilespmem:$0x1FE80];
	v5 =	vmul.f32 v5, v49;
	v6 =	vmul.f32 v6, v11  }
0x187: {  	v35 =	vpop (erf);
	v14 =	vmul.f32 $2.000000030e-01, v43;
	v36 =	vld [tilespmem:s23+$0x80]  }
0x188: {  	v24 =	vmul.f32 v35, v59;
	v3 =	vadd.f32 v22, v3;
	v5 =	vadd.f32 v6, v5;
	v6 =	vld [tilespmem:$0x1FE90]  }
0x189: {  	v22 =	vld [tilespmem:s31+$0xD0]  }
0x18a: {  	v15 =	vmax.f32 v43, v14;
	v7 =	vmul.f32 v7, v48;
	v3 =	vadd.f32 v39, v3;
	v39 =	vld [tilespmem:s23+$0xB0];
	[tilespmem:s24+$0xFFFFFF00] =	vst v24  }
0x18b: {  	v34 =	vmul.f32 v15, v10;
	v2 =	vmul.f32 v35, v2;
	v25 =	vld [tilespmem:$0x1FEA0]  }
0x18c: {  	v3 =	vadd.f32 v42, v3;
	v42 =	vld [tilespmem:s23+$0xE0]  }
0x18d: {  	v7 =	vadd.f32 v34, v7;
	v48 =	vld [tilespmem:$0x1FEB0];
	[tilespmem:s24+$0xFFFFFF10] =	vst v2;
	v6 =	vmul.f32 v35, v6  }
0x18e: {  	v2 =	vld [tilespmem:$0x1FEC0]  }
0x18f: {  	v5 =	vadd.f32 v5, v7;
	v7 =	vld [tilespmem:$0x1FED0];
	[tilespmem:s24+$0xFFFFFF20] =	vst v6  }
0x190: {  	v26 =	vmul.f32 v35, v25;
	v6 =	vld [tilespmem:$0x1FEE0]  }
0x191: {  	v52 =	vld [tilespmem:$0x1FEF0]  }
0x192: {  	v49 =	vmul.f32 v35, v48;
	[tilespmem:s24+$0xFFFFFF30] =	vst v26;
	v26 =	vld [tilespmem:s31+$0xE0]  }
0x193: {  	v19 =	vand.u32 $0xFFFFFFFC, v17;
	v63 =	vld [tilespmem:$0x1FF00]  }
0x194: {  	s10 =	simm.s32 $0x4;
	v44 =	vbroadcast v19, $0x0;
	v45 =	vpop (erf);
	v0 =	vadd.f32 v5, v0;
	v2 =	vmul.f32 v35, v2;
	v5 =	vld [tilespmem:$0x1FF10];
	[tilespmem:s24+$0xFFFFFF40] =	vst v49  }
0x195: {  	v17 =	vmov s10;
	v50 =	vmul.f32 v45, v50;
	v11 =	vmul.f32 v45, v55;
	v14 =	vld [tilespmem:$0x1FF20]  }
0x196: {  	(xrf2) =	vadd.scan.msk.f32 $0xffff, v3;
	v3 =	vand.u32 $0xFFFFFFFC, v17;
	v7 =	vmul.f32 v35, v7;
	v15 =	vld [tilespmem:$0x1FF30];
	[tilespmem:s24+$0xFFFFFF50] =	vst v2  }
0x197: {  	v34 =	vbroadcast v3, $0x0;
	v2 =	vld [tilespmem:$0x1FF40];
	v6 =	vmul.f32 v35, v6  }
0x198: {  	s26 =	simm.s32 $0x1;
	v4 =	vadd.f32 v4, v36;
	v23, _, _ =	vpop (xrf2);
	v19 =	vld [tilespmem:$0x1FF50];
	[tilespmem:s24+$0xFFFFFF60] =	vst v7;
	v59 =	vmul.f32 v1, v52;
	v52 =	vmul.f32 v45, v53  }
0x199: {  	v25 =	vmov s26;
	v7 =	vld [tilespmem:$0x1FF60];
	v53 =	vperm.xlane v23, v54;
	v54 =	vmul.f32 v45, v58;
	[tilespmem:s24+$0xFFFFFF70] =	vst v6  }
0x19a: {  	v46 =	vld [tilespmem:s31+$0x90];
	(xrf2) =	vadd.scan.msk.f32 $0xffff, v0;
	v13 =	vmul.f32 v1, v63;
	v5 =	vmul.f32 v1, v5;
	[tilespmem:v44+s21+$0x0] =	vst.idx.msk $0x1, v35  }
0x19b: {  	v55 =	vadd.f32 v26, v42;
	v61 =	vmul.f32 v1, v14;
	v0 =	vmul.f32 $1.442695020e+00, v53;
	v24 =	vld [tilespmem:$0x1FF70];
	[tilespmem:s24+$0xFFFFFF80] =	vst v59  }
0x19c: {  	v43 =	vld [tilespmem:s23+$0xF0];
	v63 =	vand.u32 $0xFFFFFFFD, v25;
	v16 =	vmul.f32 v1, v15;
	v6 =	vmul.f32 v45, v51;
	[tilespmem:s24+$0xFFFFFF90] =	vst v13  }
0x19d: {  	v21 =	vld [tilespmem:s31+$0xC0];
	v17 =	vadd.f32 v22, v41;
	[tilespmem:s24+$0xFFFFFFA0] =	vst v5;
	v13 =	vbroadcast v63, $0x0;
	(erf) = vpow2.f32 v0  }
0x19e: {  	v60 =	vadd.f32 v60, v39;
	v3 =	vld [tilespmem:s31+$0xFFFFFF10];
	v26 =	vmul.f32 $2.000000030e-01, v55;
	v2 =	vmul.f32 v1, v2;
	[tilespmem:s24+$0xFFFFFFB0] =	vst v61  }
0x19f: {  	s28 =	simm.s32 $0x2;
	v14 =	vld [tilespmem:s31+$0xF0];
	v15 =	vadd.f32 v46, v37;
	v20 =	vmul.f32 v1, v19;
	v7 =	vmul.f32 v1, v7;
	[tilespmem:s24+$0xFFFFFFC0] =	vst v16  }
0x1a0: {  	v48 =	vld [tilespmem:s23+$0xFFFFFF30];
	v59 =	vmul.f32 v45, v56;
	v56 =	vmul.f32 v45, v57;
	v5 =	vmov s28;
	[tilespmem:s24+$0xFFFFFFD0] =	vst v2  }
0x1a1: {  	v49 =	vld [tilespmem:s23+$0xFFFFFF40];
	v16 =	vadd.f32 v47, v38;
	v19 =	vmul.f32 $2.000000030e-01, v15;
	v0 =	vand.u32 $0xFFFFFFFE, v5;
	[tilespmem:s24+$0xFFFFFFE0] =	vst v20  }
0x1a2: {  	v46 =	vld [tilespmem:s23+$0xFFFFFF10];
	v2 =	vadd.f32 v21, v40;
	v63 =	vbroadcast v0, $0x0;
	v0 =	vmul.f32 $2.000000030e-01, v4;
	[tilespmem:s24+$0xFFFFFFF0] =	vst v7  }
0x1a3: {  	v44 =	vld [tilespmem:s31+$0xFFFFFF00];
	v20 =	vmul.f32 $2.000000030e-01, v16;
	v23 =	vmax.f32 v15, v19;
	[tilespmem:v13+s21+$0x0] =	vst.idx.msk $0x1, v1;
	v1 =	vmul.f32 $2.000000030e-01, v60  }
0x1a4: {  	v47 =	vld [tilespmem:s23+$0xFFFFFF20];
	[tilespmem:s24+$0x0] =	vst v50;
	v21 =	vmul.f32 $2.000000030e-01, v2;
	v7 =	vadd.f32 v14, v43;
	v53 =	vmul.f32 v23, v9  }
0x1a5: {  	[tilespmem:s24+$0x10] =	vst v6;
	v6 =	vld [tilespmem:s31+$0xFFFFFF40];
	v22 =	vmax.f32 v4, v0;
	v10 =	vmul.f32 v45, v24;
	v24 =	vmul.f32 $2.000000030e-01, v17  }
0x1a6: {  	[tilespmem:s24+$0x20] =	vst v52;
	v50 =	vld [tilespmem:s23+$0xFFFFFF50];
	v61 =	vmax.f32 v16, v20;
	v51 =	vmax.f32 v2, v21;
	v0 =	vmul.f32 $2.000000030e-01, v7;
	v35 =	vpop (erf)  }
0x1a7: {  	[tilespmem:s24+$0x40] =	vst v11;
	v5 =	vld [tilespmem:s31+$0xFFFFFF20];
	v52 =	vmul.f32 v22, v12;
	v58 =	vmax.f32 v17, v24;
	v25 =	vmax.f32 v60, v1;
	v1, _, _ =	vpop (xrf2)  }
0x1a8: {  	s22 =	simm.s32 $0x8;
	s26 =	simm.s32 $0xC;
	v4 =	vld [tilespmem:s31+$0xFFFFFF30];
	[tilespmem:s24+$0x30] =	vst v10;
	v60 =	vmax.f32 v55, v26;
	v55 =	vmul.f32 v61, v18;
	v57 =	vmul.f32 v25, v8;
	v2, _, _ =	vpop (xrf2)  }
.LBB2_5:
0x1a9: {  	v23 =	vld [tilespmem:$0x1FFB0]  }
0x1aa: {  	v20 =	vld [tilespmem:$0x1FF90]  }
0x1ab: {  	v21 =	vld [tilespmem:$0x1FFC0]  }
0x1ac: {  	v22 =	vld [tilespmem:$0x1FFA0];
	_ =	sdelay $0x1  }
0x1ad: {  	v61 =	vld [tilespmem:s31+$0xFFFFFF50]  }
0x1ae: {  	v18 =	vld [tilespmem:s31+$0xFFFFFF60];
	v27 =	vimm.s32 $0xF  }
0x1af: {  	v25 =	vld [tilespmem:s31+$0xFFFFFF70];
	v0 =	vmax.f32 v7, v0;
	v62 =	vmul.f32 v51, v23;
	v58 =	vmul.f32 v58, v20  }
0x1b0: {  	v8 =	vld [tilespmem:$0x1FDD0];
	v3 =	vadd.f32 v3, v46;
	v7 =	vmul.f32 v60, v21;
	v17 =	vmul.f32 v0, v22  }
0x1b1: {  	v13 =	vld [tilespmem:s31+$0xFFFFFF80];
	v19 =	vadd.f32 v53, v52;
	v55 =	vadd.f32 v57, v55;
	v0 =	vperm.xlane v1, v27  }
0x1b2: {  	v28 =	vld [tilespmem:$0x1FFF0];
	v1 =	vmul.f32 $2.000000030e-01, v3;
	v24 =	vadd.f32 v58, v62;
	v7 =	vadd.f32 v17, v7  }
0x1b3: {  	v11 =	vld [tilespmem:s31+$0xFFFFFFF0]  }
0x1b4: {  	v52 =	vld [tilespmem:s23+$0xFFFFFF70];
	v1 =	vmax.f32 v3, v1;
	v3 =	vadd.f32 v55, v19;
	v7 =	vadd.f32 v7, v24  }
0x1b5: {  	v51 =	vld [tilespmem:s23+$0xFFFFFF60]  }
0x1b6: {  	[tilespmem:s24+$0x50] =	vst v59;
	v9 =	vadd.f32 v7, v3;
	v7 =	vld [tilespmem:$0x1FD60]  }
0x1b7: {  	[tilespmem:s24+$0x70] =	vst v54;
	v53 =	vld [tilespmem:s23+$0xFFFFFF80];
	v54 =	vmov v8;
	v8 =	vmov v46  }
0x1b8: {  	v5 =	vadd.f32 v5, v47;
	[tilespmem:$0x1FDD0] =	vst v8;
	v8 =	vld [tilespmem:$0x1FD50]  }
0x1b9: {  	[tilespmem:s24+$0x60] =	vst v56;
	v4 =	vadd.f32 v4, v48;
	v46 =	vld [tilespmem:s23+$0xFFFFFF90]  }
0x1ba: {  	[tilespmem:v63+s21+$0x0] =	vst.idx.msk $0x1, v45;
	v26 =	vmul.f32 $2.000000030e-01, v5;
	v45 =	vadd.f32 v25, v52;
	v25 =	vld [tilespmem:$0x1FFD0];
	(xrf2) =	vadd.scan.msk.f32 $0xffff, v9  }
0x1bb: {  	v15 =	vmul.f32 $2.000000030e-01, v4;
	v60 =	vadd.f32 v18, v51;
	v18 =	vld [tilespmem:s31+$0xFFFFFF90];
	v59 =	vmovc v7;
	v7 =	vmov v48  }
0x1bc: {  	[tilespmem:$0x1FD60] =	vst v7;
	v7 =	vmax.f32 v5, v26;
	v5 =	vld [tilespmem:$0x1FD70]  }
0x1bd: {  	v4 =	vmax.f32 v4, v15;
	v15 =	vld [tilespmem:s31+$0xFFFFFFA0];
	v56 =	vmov v8;
	v8 =	vmov v47  }
0x1be: {  	v47 =	vld [tilespmem:s23+$0xFFFFFFA0];
	v14 =	vmul.f32 $2.000000030e-01, v60  }
0x1bf: {  	v2 =	vperm.xlane v2, v27;
	v6 =	vadd.f32 v6, v49;
	v55 =	vld [tilespmem:s23+$0xFFFFFFE0]  }
0x1c0: {  	v12 =	vadd.f32 v61, v50;
	[tilespmem:$0x1FD50] =	vst v8;
	v8 =	vmov v50;
	v19 =	vmax.f32 v60, v14;
	v50 =	vld [tilespmem:s23+$0xFFFFFFD0]  }
0x1c1: {  	v61 =	vadd.f32 v18, v46;
	v57 =	vmul.f32 v19, v21;
	v19 =	vld [tilespmem:s31+$0xFFFFFFD0];
	v63 =	vmovc v5;
	v5 =	vmov v49  }
0x1c2: {  	v2 =	vmul.f32 $1.442695020e+00, v2;
	v26 =	vld [tilespmem:$0x1FFE0];
	[tilespmem:$0x1FD70] =	vst v5  }
0x1c3: {  	v16 =	vmul.f32 $2.000000030e-01, v6;
	v18 =	vmul.f32 $2.000000030e-01, v61;
	v5 =	vld [tilespmem:$0x1FD80];
	[tilespmem:$0x1FD80] =	vst v8;
	v8 =	vadd.f32 v15, v47  }
0x1c4: {  	v13 =	vadd.f32 v13, v53;
	v17 =	vmul.f32 $2.000000030e-01, v12;
	v0 =	vmul.f32 $1.442695020e+00, v0;
	v14 =	vld [tilespmem:s31+$0xFFFFFFB0];
	v10, _, _ =	vpop (xrf2)  }
0x1c5: {  	v48 =	vld [tilespmem:s23+$0xFFFFFFB0];
	v60 =	vmax.f32 v61, v18;
	v10 =	vperm.xlane v10, v27;
	v15 =	vmul.f32 $2.000000030e-01, v8  }
0x1c6: {  	v4 =	vmul.f32 v4, v28;
	v24 =	vld [tilespmem:$0x1FF80];
	v60 =	vmul.f32 v60, v25;
	v62 =	vadd.f32 v19, v50  }
0x1c7: {  	v9 =	vld [tilespmem:s31+$0xFFFFFFE0];
	v7 =	vmul.f32 v7, v26;
	v10 =	vmul.f32 $1.442695020e+00, v10;
	v8 =	vmax.f32 v8, v15  }
0x1c8: {  	v61 =	vld [tilespmem:s23+$0x40];
	v15 =	vmul.f32 $2.000000030e-01, v62;
	v3 =	vmovc v5;
	v5 =	vmul.f32 v1, v25;
	v1 =	vmax.f32 v6, v16  }
0x1c9: {  	v19 =	vld [tilespmem:s31+$0x0];
	v6 =	vmax.f32 v12, v17;
	v12 =	vmul.f32 $2.000000030e-01, v45;
	v16 =	vmul.f32 $2.000000030e-01, v13  }
0x1ca: {  	v58 =	vadd.f32 v14, v48;
	v49 =	vld [tilespmem:s23+$0xFFFFFFC0];
	(erf) = vpow2.f32 v10;
	v1 =	vmul.f32 v1, v23  }
0x1cb: {  	v17 =	vmul.f32 v6, v20;
	v6 =	vadd.f32 v4, v7;
	v4 =	vld [tilespmem:s31+$0xFFFFFFC0];
	(erf) = vpow2.f32 v0  }
0x1cc: {  	v45 =	vmax.f32 v45, v12;
	v7 =	vmax.f32 v13, v16;
	v16 =	vmul.f32 $2.000000030e-01, v58;
	v13 =	vld [tilespmem:s31+$0x20]  }
0x1cd: {  	(erf) = vpow2.f32 v2;
	v2 =	vld [tilespmem:s23+$0x60];
	v45 =	vmul.f32 v45, v22  }
0x1ce: {  	v1 =	vadd.f32 v17, v1;
	v7 =	vmul.f32 v7, v24;
	v17 =	vmax.f32 v58, v16;
	v58 =	vld [tilespmem:s23+$0x0]  }
0x1cf: {  	v9 =	vadd.f32 v9, v55;
	v16 =	vmax.f32 v62, v15;
	v15 =	vld [tilespmem:s31+$0x40];
	v45 =	vadd.f32 v45, v57  }
0x1d0: {  	v8 =	vmul.f32 v8, v26;
	v57 =	vld [tilespmem:s23+$0xFFFFFFF0];
	v12 =	vadd.f32 v60, v7;
	v4 =	vadd.f32 v4, v49  }
0x1d1: {  	v62 =	vld [tilespmem:s23+$0x20];
	v7 =	vadd.f32 v45, v1;
	v1 =	vmul.f32 v17, v28;
	v17 =	vmul.f32 $2.000000030e-01, v9  }
0x1d2: {  	v60 =	vld [tilespmem:s23+$0x10];
	v10 =	vmul.f32 v16, v20;
	v18 =	vmul.f32 $2.000000030e-01, v4  }
0x1d3: {  	v1 =	vadd.f32 v1, v8;
	v8 =	vld [tilespmem:s31+$0x10];
	v9 =	vmax.f32 v9, v17;
	v45 =	vadd.f32 v19, v58  }
0x1d4: {  	v19 =	vld [tilespmem:s31+$0x30];
	v16 =	vpop (erf);
	v15 =	vadd.f32 v15, v61;
	v4 =	vmax.f32 v4, v18;
	v9 =	vmul.f32 v9, v21  }
0x1d5: {  	v17 =	vld [tilespmem:s31+$0x60];
	v11 =	vadd.f32 v11, v57;
	v36 =	vmul.f32 v16, v36;
	v37 =	vmul.f32 v16, v37  }
0x1d6: {  	v40 =	vmul.f32 v16, v40;
	v4 =	vmul.f32 v4, v23;
	v12 =	vadd.f32 v1, v12;
	v1 =	vld [tilespmem:s23+$0x30]  }
0x1d7: {  	v14 =	vmul.f32 $2.000000030e-01, v45;
	v18 =	vmul.f32 $2.000000030e-01, v11;
	[tilespmem:s31+$0x80] =	vst v36  }
0x1d8: {  	v13 =	vadd.f32 v13, v62;
	v36 =	vmul.f32 $2.000000030e-01, v15;
	[tilespmem:s31+$0x90] =	vst v37;
	v37 =	vmul.f32 v16, v39  }
0x1d9: {  	v4 =	vadd.f32 v10, v4;
	v11 =	vmax.f32 v11, v18;
	v8 =	vadd.f32 v8, v60  }
0x1da: {  	v14 =	vmax.f32 v45, v14;
	v45 =	vmul.f32 $2.000000030e-01, v13;
	v11 =	vmul.f32 v11, v22  }
0x1db: {  	s20 =	sadd.s32 $0x3, s22;
	v0 =	vld [tilespmem:s23+$0x50];
	v17 =	vadd.f32 v17, v2;
	v18 =	vmul.f32 $2.000000030e-01, v8;
	v10 =	vadd.f32 v19, v1  }
0x1dc: {  	[tilespmem:s31+$0xB0] =	vst v37;
	v37 =	vmov s20;
	v19 =	vmul.f32 v16, v38;
	v38 =	vld [tilespmem:s23+$0xFFFFFF00];
	v9 =	vadd.f32 v11, v9  }
0x1dd: {  	v11 =	vmul.f32 v14, v24;
	v14 =	vld [tilespmem:s31+$0x50];
	v8 =	vmax.f32 v8, v18;
	v18 =	vmul.f32 $2.000000030e-01, v10  }
0x1de: {  	v13 =	vmax.f32 v13, v45;
	v45 =	vld [tilespmem:s31+$0x70];
	v39 =	vmul.f32 $2.000000030e-01, v17;
	v8 =	vmul.f32 v8, v25  }
0x1df: {  	[tilespmem:s31+$0xC0] =	vst v40;
	v9 =	vadd.f32 v9, v4;
	v4 =	vld [tilespmem:s23+$0x70];
	v10 =	vmax.f32 v10, v18;
	v18 =	vmul.f32 v16, v41  }
0x1e0: {  	v15 =	vmax.f32 v15, v36;
	[tilespmem:s31+$0xA0] =	vst v19;
	v19 =	vpop (erf);
	v8 =	vadd.f32 v8, v11;
	v11 =	vmul.f32 v16, v42  }
0x1e1: {  	v41 =	vadd.f32 v44, v38;
	v42 =	vmax.f32 v17, v39;
	v3 =	vmul.f32 v19, v3;
	[tilespmem:s31+$0xD0] =	vst v18  }
0x1e2: {  	s24 =	smov.u32 s25;
	v14 =	vadd.f32 v14, v0;
	v18 =	vmul.f32 v16, v43;
	[tilespmem:s31+$0xE0] =	vst v11;
	v11 =	vmul.f32 v15, v23  }
0x1e3: {  	v44 =	vmul.f32 $2.000000030e-01, v41;
	v23 =	vmul.f32 v42, v21;
	[tilespmem:s24+$0xFFFFFF50] =	vst v3  }
0x1e4: {  	v21 =	vmul.f32 v19, v56;
	v56 =	vld [tilespmem:$0x1FE00];
	v36 =	vmul.f32 $2.000000030e-01, v14;
	v40 =	vadd.f32 v45, v4;
	[tilespmem:s31+$0xF0] =	vst v18  }
0x1e5: {  	v13 =	vmul.f32 v13, v26;
	s23 =	sadd.s32 $0x200, s23;
	v3 =	vld [tilespmem:$0x1FE10];
	[tilespmem:v37+s21+$0x0] =	vst.idx.msk $0x1, v16;
	v42 =	vmax.f32 v41, v44  }
0x1e6: {  	v14 =	vmax.f32 v14, v36;
	v43 =	vmul.f32 $2.000000030e-01, v40;
	v36 =	vld [tilespmem:s23+$0x80];
	v15 =	vmul.f32 v42, v24  }
0x1e7: {  	s25 =	smov.u32 s31;
	s31 =	sadd.s32 $0x200, s31;
	v37 =	vld [tilespmem:s23+$0x90];
	v14 =	vmul.f32 v14, v20;
	v20 =	vmul.f32 v19, v54  }
0x1e8: {  	v10 =	vmul.f32 v10, v28;
	[tilespmem:s24+$0xFFFFFF20] =	vst v21;
	v16 =	vld [tilespmem:s31+$0x90];
	v40 =	vmax.f32 v40, v43;
	v43 =	vmul.f32 v19, v33  }
0x1e9: {  	v9 =	vadd.f32 v9, v12;
	v42 =	vld [tilespmem:$0x1FD90];
	v5 =	vadd.f32 v5, v15;
	v15 =	vmul.f32 v35, v56;
	[tilespmem:s24+$0xFFFFFF10] =	vst v20  }
0x1ea: {  	v10 =	vadd.f32 v10, v13;
	v12 =	vld [tilespmem:s31+$0xA0];
	v3 =	vmul.f32 v35, v3;
	v13 =	vmul.f32 v40, v22;
	[tilespmem:s24+$0xFFFFFF00] =	vst v43  }
0x1eb: {  	v39 =	vld [tilespmem:s23+$0xB0];
	v22 =	vmul.f32 v19, v59;
	v59 =	vmov s22;
	[tilespmem:s24+$0xFFFFFFC0] =	vst v15  }
0x1ec: {  	v17 =	vld [tilespmem:s31+$0xB0];
	[tilespmem:s24+$0xFFFFFFD0] =	vst v3;
	v44 =	vadd.f32 v13, v23;
	v23 =	vmul.f32 v19, v63  }
0x1ed: {  	v54 =	vld [tilespmem:$0x1FDE0];
	v11 =	vadd.f32 v14, v11;
	[tilespmem:s24+$0xFFFFFF30] =	vst v22  }
0x1ee: {  	v33 =	vmov v38;
	v38 =	vld [tilespmem:s23+$0xA0];
	v18 =	vand.u32 $0xFFFFFFFC, v59;
	v59 =	vmov v46;
	[tilespmem:s24+$0xFFFFFF40] =	vst v23  }
0x1ef: {  	v45 =	vpop (erf);
	v8 =	vadd.f32 v10, v8;
	v3 =	vmov v62;
	v10 =	vadd.f32 v44, v11;
	v44 =	vld [tilespmem:$0x1FDC0];
	[tilespmem:$0x1FDC0] =	vst v59  }
0x1f0: {  	v56 =	vld [tilespmem:$0x1FE60];
	v5 =	vadd.f32 v6, v5;
	v59 =	vmul.f32 v45, v30;
	v30 =	vmov v49;
	[tilespmem:$0x1FE60] =	vst v3  }
0x1f1: {  	v6 =	vld [tilespmem:$0x1FDA0];
	v49 =	vmov v50;
	[tilespmem:$0x1FE00] =	vst v30  }
0x1f2: {  	(xrf2) =	vadd.scan.msk.f32 $0xffff, v9;
	v43 =	vld [tilespmem:$0x1FDB0];
	v5 =	vadd.f32 v7, v5;
	v50 =	vmov v55;
	[tilespmem:$0x1FE10] =	vst v49  }
0x1f3: {  	v63 =	vld [tilespmem:$0x1FE20];
	v11 =	vmul.f32 v19, v42;
	v55 =	vmov v57;
	[tilespmem:$0x1FE20] =	vst v50  }
0x1f4: {  	(xrf2) =	vadd.scan.msk.f32 $0xffff, v5;
	v5 =	vld [tilespmem:$0x1FE30];
	[tilespmem:$0x1FE30] =	vst v55  }
0x1f5: {  	v14 =	vld [tilespmem:s31+$0x80];
	v57 =	vmov v58;
	[tilespmem:s24+$0xFFFFFF60] =	vst v11  }
0x1f6: {  	v23 =	vmov v51;
	v51 =	vmov v52;
	v52 =	vld [tilespmem:$0x1FE40];
	[tilespmem:$0x1FE40] =	vst v57  }
0x1f7: {  	v7 =	vld [tilespmem:$0x1FDF0];
	v12 =	vadd.f32 v12, v38;
	v6 =	vmul.f32 v19, v6;
	[tilespmem:$0x1FD90] =	vst v23  }
0x1f8: {  	v41 =	vld [tilespmem:s23+$0xD0];
	v8 =	vadd.f32 v10, v8;
	v10 =	vmul.f32 v35, v54;
	v54 =	vmov v53;
	[tilespmem:$0x1FDA0] =	vst v51  }
0x1f9: {  	v40 =	vld [tilespmem:s23+$0xC0];
	v13 =	vmul.f32 v35, v43;
	[tilespmem:$0x1FDB0] =	vst v54  }
0x1fa: {  	v42 =	vld [tilespmem:s23+$0xE0];
	v57 =	vmul.f32 $2.000000030e-01, v12;
	[tilespmem:s24+$0xFFFFFF70] =	vst v6  }
0x1fb: {  	v58 =	vmov v60;
	v53 =	vld [tilespmem:s31+$0xD0];
	v20 =	vmul.f32 v35, v63;
	v23 =	vmul.f32 v45, v31;
	[tilespmem:s24+$0xFFFFFF80] =	vst v13  }
0x1fc: {  	v43 =	vld [tilespmem:s23+$0xF0];
	v63, _, _ =	vpop (xrf2);
	v54 =	vmul.f32 v45, v32;
	v7 =	vmul.f32 v35, v7;
	[tilespmem:s24+$0xFFFFFFA0] =	vst v10;
	v10 =	vadd.f32 v14, v36  }
0x1fd: {  	s28 =	sadd.s32 $0x1, s10;
	v6 =	vld [tilespmem:$0x1FE50];
	v31 =	vperm.xlane v63, v27;
	v14 =	vadd.f32 v16, v37;
	[tilespmem:$0x1FE50] =	vst v58;
	v13 =	vadd.f32 v17, v39  }
0x1fe: {  	v51 =	vld [tilespmem:s31+$0xC0];
	v9 =	vmul.f32 v35, v44;
	[tilespmem:v34+s21+$0x0] =	vst.idx.msk $0x1, v19;
	v34 =	vmov s28;
	v5 =	vmul.f32 v35, v5  }
0x1ff: {  	v44 =	vld [tilespmem:$0x1FE70];
	[tilespmem:s24+$0xFFFFFFE0] =	vst v20;
	v46 =	vand.u32 $0xFFFFFFFD, v34;
	v27 =	vmul.f32 $1.442695020e+00, v31;
	v34 =	vbroadcast v18, $0x0  }
0x200: {  	(xrf2) =	vadd.scan.msk.f32 $0xffff, v8;
	v19 =	vld [tilespmem:s31+$0xF0];
	[tilespmem:s24+$0x40] =	vst v23;
	v62 =	vmul.f32 $2.000000030e-01, v10;
	v55 =	vmul.f32 $2.000000030e-01, v14  }
0x201: {  	v8 =	vmov v47;
	[tilespmem:s24+$0xFFFFFFB0] =	vst v7;
	v3 =	vld [tilespmem:s31+$0xFFFFFF10];
	v58 =	vmul.f32 $2.000000030e-01, v13;
	v11 =	vmul.f32 v45, v52  }
0x202: {  	v12 =	vmax.f32 v12, v57;
	s28 =	sadd.s32 $0x2, s10;
	v52 =	vmul.f32 v45, v56;
	[tilespmem:$0x1FDE0] =	vst v8;
	v8 =	vld [tilespmem:s31+$0xE0];
	(erf) = vpow2.f32 v27  }
0x203: {  	v47 =	vmovc v48;
	v48 =	vld [tilespmem:s23+$0xFFFFFF30];
	[tilespmem:s24+$0xFFFFFF90] =	vst v9;
	v56 =	vmul.f32 v45, v29;
	v9 =	vbroadcast v46, $0x0;
	v29 =	vmov s28  }
0x204: {  	v32 =	vmovc v4;
	v4 =	vld [tilespmem:s31+$0xFFFFFF30];
	[tilespmem:$0x1FDF0] =	vst v47;
	v17 =	vadd.f32 v53, v41;
	v7 =	vand.u32 $0xFFFFFFFE, v29;
	v16 =	vadd.f32 v51, v40  }
0x205: {  	v49 =	vld [tilespmem:s23+$0xFFFFFF40];
	[tilespmem:s24+$0xFFFFFFF0] =	vst v5;
	v10 =	vmax.f32 v10, v62;
	v62 =	vmax.f32 v14, v55;
	v55 =	vmul.f32 v12, v26  }
0x206: {  	p0 =	slt.u32 s26, $0x4C;
	v50 =	vld [tilespmem:s23+$0xFFFFFF50];
	v13 =	vmax.f32 v13, v58;
	v6 =	vmul.f32 v45, v6;
	v63 =	vbroadcast v7, $0x0;
	[tilespmem:s24+$0x0] =	vst v11  }
.Ltmp4:
0x207: {  	v30 =	vmovc v0;
	v46 =	vld [tilespmem:s23+$0xFFFFFF10];
	v60 =	vmul.f32 $2.000000030e-01, v17;
	[tilespmem:s24+$0x20] =	vst v52;
	v52 =	vmul.f32 v10, v24;
	v8 =	vadd.f32 v8, v42;
	(pc) =	sbr.rel @p0 .LBB2_5-.Ltmp4, $4  }
0x208: {  	v47 =	vld [tilespmem:s23+$0xFFFFFF20];
	v31 =	vmovc v61;
	v53 =	vmul.f32 v62, v25;
	v22 =	vmul.f32 v45, v44;
	v7 =	vmov v1;
	[tilespmem:s24+$0x10] =	vst v6  }
0x209: {  	v5 =	vld [tilespmem:s31+$0xFFFFFF20];
	v51 =	vmul.f32 $2.000000030e-01, v16;
	v1, _, _ =	vpop (xrf2);
	[tilespmem:$0x1FE70] =	vst v7;
	v7 =	vadd.f32 v19, v43;
	v61 =	vmul.f32 $2.000000030e-01, v8  }
0x20a: {  	v57 =	vmul.f32 v13, v28;
	v44 =	vld [tilespmem:s31+$0xFFFFFF00];
	v29 =	vmov v2;
	v58 =	vmax.f32 v17, v60;
	[tilespmem:s24+$0x30] =	vst v22;
	v2, _, _ =	vpop (xrf2)  }
0x20b: {  	s10 =	smov.u32 s22;
	s22 =	smov.u32 s26;
	s26 =	sadd.s32 $0x4, s26;
	v6 =	vld [tilespmem:s31+$0xFFFFFF40];
	v51 =	vmax.f32 v16, v51;
	[tilespmem:v9+s21+$0x0] =	vst.idx.msk $0x1, v35;
	v0 =	vmul.f32 $2.000000030e-01, v7;
	v60 =	vmax.f32 v8, v61;
	v35 =	vpop (erf)  }
0x20c: {  	v28 =	vld [tilespmem:$0x1FFB0]  }
0x20d: {  	v14 =	vld [tilespmem:s23+$0xFFFFFF60];
	_ =	sdelay $0x1  }
0x20e: {  	v62 =	vld [tilespmem:$0x1FF90];
	_ =	sdelay $0x1  }
0x20f: {  	v61 =	vld [tilespmem:$0x1FFC0]  }
0x210: {  	v8 =	vmul.f32 v51, v28;
	v51 =	vld [tilespmem:s31+$0xFFFFFF50];
	[tilespmem:$0x1FD10] =	vst v14  }
0x211: {  	v16 =	vld [tilespmem:s23+$0xFFFFFF70]  }
0x212: {  	v9 =	vmul.f32 v58, v62;
	v58 =	vld [tilespmem:$0x1FFA0];
	_ =	sdelay $0x3  }
0x213: {  	v10 =	vadd.f32 v53, v52;
	v0 =	vmax.f32 v7, v0;
	v52 =	vld [tilespmem:s31+$0xFFFFFF60];
	[tilespmem:$0x1FD20] =	vst v16  }
0x214: {  	v18 =	vmul.f32 v60, v61;
	v0 =	vmul.f32 v0, v58;
	v15 =	vld [tilespmem:s23+$0xFFFFFF80]  }
0x215: {  	v11 =	vadd.f32 v57, v55  }
0x216: {  	v8 =	vadd.f32 v9, v8;
	v0 =	vadd.f32 v0, v18;
	_ =	sdelay $0x1  }
0x217: {  	v19 =	vadd.f32 v11, v10;
	v0 =	vadd.f32 v0, v8  }
0x218: {  	v53 =	vld [tilespmem:s31+$0xFFFFFF70];
	[tilespmem:$0x1FD30] =	vst v15  }
0x219: {  	v0 =	vadd.f32 v0, v19;
	v17 =	vld [tilespmem:s23+$0xFFFFFF90];
	_ =	sdelay $0x1  }
0x21a: {  	v25 =	vld [tilespmem:$0x1FFE0];
	(xrf2) =	vadd.scan.msk.f32 $0xffff, v0  }
0x21b: {  	v3 =	vadd.f32 v3, v46;
	v27 =	vld [tilespmem:$0x1FFF0]  }
0x21c: {  	v5 =	vadd.f32 v5, v47;
	v6 =	vadd.f32 v6, v49;
	v55 =	vld [tilespmem:s31+$0xFFFFFF80]  }
0x21d: {  	v21 =	vld [tilespmem:$0x1FFD0];
	v57 =	vmul.f32 $2.000000030e-01, v3;
	[tilespmem:$0x1FD40] =	vst v17  }
0x21e: {  	v4 =	vadd.f32 v4, v48;
	v60 =	vmul.f32 $2.000000030e-01, v5;
	v13 =	vmul.f32 $2.000000030e-01, v6;
	v12 =	vld [tilespmem:s31+$0xFFFFFF90]  }
0x21f: {  	v3 =	vmax.f32 v3, v57;
	v7 =	vadd.f32 v52, v14;
	v57 =	vld [tilespmem:s23+$0xFFFFFFA0]  }
0x220: {  	v5 =	vmax.f32 v5, v60;
	v6 =	vmax.f32 v6, v13;
	v18 =	vmul.f32 $2.000000030e-01, v4;
	v10 =	vld [tilespmem:s31+$0xFFFFFFA0]  }
0x221: {  	v14 =	vmul.f32 $2.000000030e-01, v7;
	v8 =	vadd.f32 v51, v50;
	v9 =	vadd.f32 v55, v15;
	v55 =	vld [tilespmem:s23+$0xFFFFFFB0]  }
0x222: {  	v5 =	vmul.f32 v5, v25;
	v6 =	vmul.f32 v6, v28;
	v4 =	vmax.f32 v4, v18;
	v15 =	vld [tilespmem:s31+$0xFFFFFFB0]  }
0x223: {  	v7 =	vmax.f32 v7, v14;
	v19 =	vmul.f32 $2.000000030e-01, v8;
	v0 =	vadd.f32 v53, v16;
	v60 =	vld [tilespmem:s23+$0xFFFFFFC0]  }
0x224: {  	v26 =	vimm.s32 $0xF;
	v4 =	vmul.f32 v4, v27;
	v7 =	vmul.f32 v7, v61;
	v14 =	vld [tilespmem:s31+$0xFFFFFFC0];
	v51, _, _ =	vpop (xrf2)  }
0x225: {  	v8 =	vmax.f32 v8, v19;
	v52 =	vmul.f32 $2.000000030e-01, v0;
	v18 =	vld [tilespmem:s31+$0xFFFFFFD0];
	v13 =	vperm.xlane v51, v26  }
0x226: {  	v11 =	vadd.f32 v4, v5;
	v8 =	vmul.f32 v8, v62;
	v53 =	vmul.f32 $2.000000030e-01, v9;
	v51 =	vld [tilespmem:$0x1FF80]  }
0x227: {  	v0 =	vmax.f32 v0, v52;
	v52 =	vld [tilespmem:s23+$0xFFFFFFE0];
	v12 =	vadd.f32 v12, v17;
	v13 =	vmul.f32 $1.442695020e+00, v13  }
0x228: {  	v6 =	vadd.f32 v8, v6;
	v0 =	vmul.f32 v0, v58;
	v24 =	vld [tilespmem:s23+$0xFFFFFFF0];
	v16 =	vmax.f32 v9, v53  }
0x229: {  	v53 =	vld [tilespmem:s23+$0xFFFFFFD0];
	v10 =	vadd.f32 v10, v57;
	v17 =	vmul.f32 $2.000000030e-01, v12;
	(erf) = vpow2.f32 v13  }
0x22a: {  	v1 =	vperm.xlane v1, v26;
	v0 =	vadd.f32 v0, v7;
	v9 =	vld [tilespmem:s31+$0xFFFFFFF0];
	v19 =	vadd.f32 v15, v55  }
0x22b: {  	v17 =	vmax.f32 v12, v17;
	v13 =	vld [tilespmem:s31+$0xFFFFFFE0];
	v4 =	vmul.f32 v16, v51;
	v16 =	vmul.f32 $2.000000030e-01, v10  }
0x22c: {  	v5 =	vmul.f32 v17, v21;
	v17 =	vmul.f32 $2.000000030e-01, v19  }
0x22d: {  	v7 =	vadd.f32 v14, v60;
	v14 =	vadd.f32 v0, v6;
	v8 =	vmax.f32 v10, v16  }
0x22e: {  	v4 =	vadd.f32 v5, v4;
	v5 =	vadd.f32 v18, v53;
	v18 =	vmax.f32 v19, v17  }
0x22f: {  	v19 =	vmul.f32 $2.000000030e-01, v7;
	v10 =	vperm.xlane v2, v26;
	v2 =	vadd.f32 v9, v24  }
0x230: {  	v8 =	vmul.f32 v8, v25;
	v17 =	vmul.f32 $2.000000030e-01, v5;
	v12 =	vadd.f32 v13, v52  }
0x231: {  	[tilespmem:s24+$0x50] =	vst v59;
	v6 =	vld [tilespmem:s23+$0xFFFFFF00];
	v16 =	vmul.f32 v18, v27;
	v18 =	vmul.f32 $1.442695020e+00, v1;
	v7 =	vmax.f32 v7, v19  }
0x232: {  	[tilespmem:s24+$0x60] =	vst v56;
	v56 =	vmul.f32 v7, v28;
	v5 =	vmax.f32 v5, v17;
	v19 =	vmul.f32 $2.000000030e-01, v12;
	v15 =	vpop (erf)  }
0x233: {  	[tilespmem:s24+$0x70] =	vst v54;
	v5 =	vmul.f32 v5, v62;
	v36 =	vmul.f32 v15, v36  }
0x234: {  	[tilespmem:v63+s21+$0x0] =	vst.idx.msk $0x1, v45;
	v63 =	vmul.f32 $2.000000030e-01, v2;
	v8 =	vadd.f32 v16, v8;
	v54 =	vmul.f32 v15, v37  }
0x235: {  	v59 =	vmax.f32 v12, v19;
	v16 =	vadd.f32 v5, v56;
	v56 =	vmul.f32 v15, v38;
	[tilespmem:s31+$0x80] =	vst v36  }
0x236: {  	v5 =	vmul.f32 v59, v61;
	v59 =	vadd.f32 v44, v6;
	v39 =	vmul.f32 v15, v39;
	[tilespmem:s31+$0x90] =	vst v54  }
0x237: {  	s20 =	sadd.s32 $0x3, s22;
	(erf) = vpow2.f32 v18;
	v45 =	vmax.f32 v2, v63;
	v19 =	vmul.f32 v15, v40;
	[tilespmem:s31+$0xA0] =	vst v56  }
0x238: {  	v22 =	vmul.f32 v15, v41;
	v44 =	vmov s20;
	v20 =	vmul.f32 $2.000000030e-01, v59;
	[tilespmem:s31+$0xB0] =	vst v39  }
0x239: {  	v18 =	vmul.f32 v45, v58;
	v45 =	vmul.f32 v15, v42;
	[tilespmem:s31+$0xC0] =	vst v19  }
0x23a: {  	[tilespmem:s31+$0xD0] =	vst v22;
	v12 =	vmax.f32 v59, v20;
	v20 =	vmul.f32 v15, v43  }
0x23b: {  	[tilespmem:s31+$0xE0] =	vst v45  }
0x23c: {  	[tilespmem:s31+$0xF0] =	vst v20  }
0x23d: {  	v17 =	vmul.f32 v3, v21;
	[tilespmem:v44+s21+$0x0] =	vst.idx.msk $0x1, v15  }
0x23e: {  	v19 =	vld [tilespmem:$0x1FDD0]  }
0x23f: {  	v12 =	vmul.f32 v12, v51;
	_ =	sdelay $0x1  }
0x240: {  	v12 =	vadd.f32 v17, v12;
	v17 =	vpop (erf)  }
0x241: {  	v37 =	vmul.f32 v17, v33  }
0x242: {  	v19 =	vmul.f32 v17, v19  }
0x243: {  	[tilespmem:s25+$0xFFFFFF00] =	vst v37  }
0x244: {  	v39 =	vld [tilespmem:$0x1FD50];
	[tilespmem:s25+$0xFFFFFF10] =	vst v19  }
0x245: {  	v18 =	vadd.f32 v18, v5;
	v42 =	vld [tilespmem:$0x1FD60];
	_ =	sdelay $0x1  }
0x246: {  	v8 =	vadd.f32 v8, v4;
	v16 =	vadd.f32 v18, v16  }
0x247: {  	v11 =	vadd.f32 v11, v12  }
0x248: {  	v8 =	vadd.f32 v16, v8;
	v16 =	vmul.f32 v17, v39  }
0x249: {  	v40 =	vadd.f32 v14, v11;
	v14 =	vmul.f32 v17, v42  }
0x24a: {  	[tilespmem:s25+$0xFFFFFF20] =	vst v16  }
0x24b: {  	v16 =	vld [tilespmem:$0x1FD70];
	[tilespmem:s25+$0xFFFFFF30] =	vst v14  }
0x24c: {  	v14 =	vld [tilespmem:$0x1FD80];
	_ =	sdelay $0x1  }
0x24d: {  	v23 =	vld [tilespmem:s31+$0x30]  }
0x24e: {  	v0 =	vld [tilespmem:s23+$0x0]  }
0x24f: {  	v9 =	vld [tilespmem:s31+$0x10];
	v16 =	vmul.f32 v17, v16  }
0x250: {  	v1 =	vld [tilespmem:s23+$0x10];
	v14 =	vmul.f32 v17, v14  }
0x251: {  	v13 =	vld [tilespmem:s31+$0x0];
	[tilespmem:s25+$0xFFFFFF40] =	vst v16  }
0x252: {  	v18 =	vld [tilespmem:$0x1FD90];
	[tilespmem:s25+$0xFFFFFF50] =	vst v14  }
0x253: {  	v19 =	vld [tilespmem:$0x1FDA0]  }
0x254: {  	v2 =	vld [tilespmem:s23+$0x20]  }
0x255: {  	v63 =	vld [tilespmem:s31+$0x20]  }
0x256: {  	v3 =	vld [tilespmem:s23+$0x30]  }
0x257: {  	v13 =	vadd.f32 v13, v0;
	v38 =	vld [tilespmem:s31+$0x60];
	v18 =	vmul.f32 v17, v18  }
0x258: {  	v5 =	vld [tilespmem:s23+$0x50];
	v19 =	vmul.f32 v17, v19  }
0x259: {  	v41 =	vmul.f32 $2.000000030e-01, v13;
	v36 =	vld [tilespmem:s23+$0x60];
	[tilespmem:s25+$0xFFFFFF60] =	vst v18  }
0x25a: {  	v59 =	vld [tilespmem:s31+$0x50];
	[tilespmem:s25+$0xFFFFFF70] =	vst v19  }
0x25b: {  	v13 =	vmax.f32 v13, v41;
	v41 =	vld [tilespmem:s31+$0x70];
	[tilespmem:v34+s21+$0x0] =	vst.idx.msk $0x1, v17  }
0x25c: {  	v7 =	vadd.f32 v63, v2;
	v34 =	vld [tilespmem:$0x1FDB0]  }
0x25d: {  	v37 =	vld [tilespmem:$0x1FDC0]  }
0x25e: {  	v63 =	vmul.f32 $2.000000030e-01, v7;
	v12 =	vadd.f32 v38, v36;
	v38 =	vld [tilespmem:$0x1FDE0]  }
0x25f: {  	v17 =	vld [tilespmem:$0x1FDF0]  }
0x260: {  	v56 =	vmul.f32 v13, v51;
	v15 =	vmax.f32 v7, v63;
	v7 =	vld [tilespmem:s23+$0x70]  }
0x261: {  	v13 =	vadd.f32 v59, v5;
	v59 =	vmul.f32 v15, v25;
	v15 =	vmul.f32 v35, v34  }
0x262: {  	v14 =	vmul.f32 v35, v37  }
0x263: {  	v43 =	vadd.f32 v23, v3;
	v16 =	vmul.f32 v35, v38;
	[tilespmem:s25+$0xFFFFFF80] =	vst v15  }
0x264: {  	v9 =	vadd.f32 v9, v1;
	v17 =	vmul.f32 v35, v17;
	v19 =	vld [tilespmem:$0x1FE00];
	[tilespmem:s25+$0xFFFFFF90] =	vst v14  }
0x265: {  	v4 =	vld [tilespmem:s23+$0x40];
	v45 =	vmul.f32 $2.000000030e-01, v43;
	v11 =	vadd.f32 v41, v7;
	[tilespmem:s25+$0xFFFFFFA0] =	vst v16  }
0x266: {  	v22 =	vld [tilespmem:s31+$0x40];
	v54 =	vmul.f32 $2.000000030e-01, v9;
	[tilespmem:s25+$0xFFFFFFB0] =	vst v17  }
0x267: {  	(xrf2) =	vadd.scan.msk.f32 $0xffff, v8;
	v8 =	vmax.f32 v43, v45;
	v63 =	vmul.f32 $2.000000030e-01, v12;
	v33 =	vmul.f32 $2.000000030e-01, v11;
	v45 =	vld [tilespmem:$0x1FE10]  }
0x268: {  	v10 =	vmul.f32 $1.442695020e+00, v10;
	v9 =	vmax.f32 v9, v54;
	(xrf2) =	vadd.scan.msk.f32 $0xffff, v40  }
0x269: {  	v9 =	vmul.f32 v9, v21;
	v12 =	vmax.f32 v12, v63;
	v11 =	vmax.f32 v11, v33  }
0x26a: {  	v12 =	vmul.f32 v12, v61;
	v11 =	vmul.f32 v11, v58  }
0x26b: {  	v9 =	vadd.f32 v9, v56;
	v44 =	vadd.f32 v22, v4;
	v19 =	vmul.f32 v35, v19  }
0x26c: {  	v56 =	vmul.f32 $2.000000030e-01, v13;
	v11 =	vadd.f32 v11, v12;
	v12 =	vmul.f32 v35, v45  }
0x26d: {  	v54 =	vmul.f32 $2.000000030e-01, v44;
	v8 =	vmul.f32 v8, v27;
	[tilespmem:s25+$0xFFFFFFC0] =	vst v19  }
0x26e: {  	(erf) = vpow2.f32 v10;
	s23 =	sadd.s32 $0x1, s10;
	v13 =	vmax.f32 v13, v56;
	v56 =	vld [tilespmem:$0x1FE20];
	[tilespmem:s25+$0xFFFFFFD0] =	vst v12  }
0x26f: {  	v10 =	vmax.f32 v44, v54;
	v8 =	vadd.f32 v8, v59;
	v40 =	vmov s23;
	v59 =	vld [tilespmem:$0x1FE30]  }
0x270: {  	v10 =	vmul.f32 v10, v28;
	v13 =	vmul.f32 v13, v62;
	v41 =	vand.u32 $0xFFFFFFFD, v40  }
0x271: {  	v43 =	vbroadcast v41, $0x0;
	v39, _, _ =	vpop (xrf2)  }
0x272: {  	v10 =	vadd.f32 v13, v10;
	v42, _, _ =	vpop (xrf2);
	v18 =	vperm.xlane v39, v26  }
0x273: {  	v8 =	vadd.f32 v8, v9;
	v44 =	vperm.xlane v42, v26;
	v9 =	vmul.f32 v35, v56  }
0x274: {  	v10 =	vadd.f32 v11, v10;
	v54 =	vmul.f32 $1.442695020e+00, v18;
	v11 =	vmul.f32 v35, v59  }
0x275: {  	v14 =	vmul.f32 $1.442695020e+00, v44;
	[tilespmem:s25+$0xFFFFFFE0] =	vst v9  }
0x276: {  	(erf) = vpow2.f32 v54;
	[tilespmem:s25+$0xFFFFFFF0] =	vst v11  }
0x277: {  	(erf) = vpow2.f32 v14;
	v14 =	vld [tilespmem:$0x1FE40];
	[tilespmem:v43+s21+$0x0] =	vst.idx.msk $0x1, v35  }
0x278: {  	v11 =	vld [tilespmem:$0x1FE50]  }
0x279: {  	v15 =	vld [tilespmem:$0x1FE60];
	_ =	sdelay $0x1  }
0x27a: {  	v63 =	vpop (erf)  }
0x27b: {  	v8 =	vadd.f32 v10, v8;
	v10 =	vmul.f32 v63, v14  }
0x27c: {  	v11 =	vmul.f32 v63, v11  }
0x27d: {  	(xrf2) =	vadd.scan.msk.f32 $0xffff, v8;
	v8 =	vmul.f32 v63, v15;
	[tilespmem:s25+$0x0] =	vst v10  }
0x27e: {  	v17 =	vmul.f32 v63, v31;
	[tilespmem:s25+$0x10] =	vst v11  }
0x27f: {  	v18 =	vmul.f32 v63, v30;
	v11 =	vld [tilespmem:$0x1FE70];
	[tilespmem:s25+$0x20] =	vst v8  }
0x280: {  	v33 =	vpop (erf);
	v19 =	vmul.f32 v63, v29;
	[tilespmem:s25+$0x40] =	vst v17  }
0x281: {  	s24 =	sadd.s32 $0x2, s10;
	v32 =	vmul.f32 v63, v32;
	v34 =	vpop (erf);
	[tilespmem:s25+$0x50] =	vst v18  }
0x282: {  	v16 =	vmov s24;
	v6 =	vmul.f32 v34, v6;
	[tilespmem:s25+$0x60] =	vst v19  }
0x283: {  	v37 =	vmul.f32 v34, v46;
	v10 =	vand.u32 $0xFFFFFFFE, v16;
	[tilespmem:s25+$0x70] =	vst v32  }
0x284: {  	v39 =	vmul.f32 v34, v47;
	v10 =	vbroadcast v10, $0x0;
	[tilespmem:s31+$0xFFFFFF00] =	vst v6  }
0x285: {  	v41 =	vmul.f32 v34, v48;
	[tilespmem:s31+$0xFFFFFF10] =	vst v37  }
0x286: {  	v43 =	vmul.f32 v34, v49;
	[tilespmem:s31+$0xFFFFFF20] =	vst v39  }
0x287: {  	[tilespmem:s31+$0xFFFFFF30] =	vst v41;
	v11 =	vmul.f32 v63, v11  }
0x288: {  	[tilespmem:s31+$0xFFFFFF40] =	vst v43  }
0x289: {  	v44 =	vmul.f32 v34, v50;
	[tilespmem:s25+$0x30] =	vst v11  }
0x28a: {  	v40, _, _ =	vpop (xrf2);
	[tilespmem:v10+s21+$0x0] =	vst.idx.msk $0x1, v63  }
0x28b: {  	v42 =	vperm.xlane v40, v26;
	v10 =	vld [tilespmem:$0x1FD10];
	[tilespmem:s31+$0xFFFFFF50] =	vst v44  }
0x28c: {  	v35 =	vmov s22;
	v12 =	vld [tilespmem:$0x1FD20]  }
0x28d: {  	v9 =	vmul.f32 $1.442695020e+00, v42;
	v38 =	vand.u32 $0xFFFFFFFC, v35  }
0x28e: {  	v6 =	vbroadcast v38, $0x0  }
0x28f: {  	(erf) = vpow2.f32 v9  }
0x290: {  	v10 =	vmul.f32 v34, v10  }
0x291: {  	v12 =	vmul.f32 v34, v12  }
0x292: {  	[tilespmem:s31+$0xFFFFFF60] =	vst v10  }
0x293: {  	v46 =	vmul.f32 v33, v57;
	[tilespmem:s31+$0xFFFFFF70] =	vst v12  }
0x294: {  	v48 =	vmul.f32 v33, v55;
	v45 =	vld [tilespmem:$0x1FD30];
	[tilespmem:v6+s21+$0x0] =	vst.idx.msk $0x1, v34  }
0x295: {  	v49 =	vmul.f32 v33, v60;
	v6 =	vld [tilespmem:$0x1FD40];
	[tilespmem:s31+$0xFFFFFFA0] =	vst v46  }
0x296: {  	v50 =	vmul.f32 v33, v53;
	[tilespmem:s31+$0xFFFFFFB0] =	vst v48  }
0x297: {  	v52 =	vmul.f32 v33, v52;
	[tilespmem:s31+$0xFFFFFFC0] =	vst v49  }
0x298: {  	v53 =	vmul.f32 v33, v24;
	v54 =	vpop (erf);
	[tilespmem:s31+$0xFFFFFFD0] =	vst v50  }
0x299: {  	v0 =	vmul.f32 v54, v0;
	[tilespmem:s31+$0xFFFFFFE0] =	vst v52  }
0x29a: {  	v1 =	vmul.f32 v54, v1;
	[tilespmem:s31+$0xFFFFFFF0] =	vst v53  }
0x29b: {  	v2 =	vmul.f32 v54, v2;
	[tilespmem:s31+$0x0] =	vst v0  }
0x29c: {  	s28 =	sadd.s32 $0x2, s22;
	v56 =	vmul.f32 v54, v3;
	[tilespmem:s31+$0x10] =	vst v1  }
0x29d: {  	s26 =	sadd.s32 $0x1, s22;
	v55 =	vmov s28;
	[tilespmem:s31+$0x20] =	vst v2;
	v9 =	vmul.f32 v33, v45  }
0x29e: {  	v47 =	vmov s26;
	v57 =	vmul.f32 v54, v4;
	v0 =	vand.u32 $0xFFFFFFFE, v55;
	[tilespmem:s31+$0x30] =	vst v56  }
0x29f: {  	v59 =	vmul.f32 v54, v5;
	v0 =	vbroadcast v0, $0x0;
	[tilespmem:s31+$0xFFFFFF80] =	vst v9;
	v9 =	vand.u32 $0xFFFFFFFD, v47  }
0x2a0: {  	v60 =	vmul.f32 v54, v36;
	[tilespmem:s31+$0x40] =	vst v57;
	v9 =	vbroadcast v9, $0x0  }
0x2a1: {  	v63 =	vmul.f32 v54, v7;
	[tilespmem:s31+$0x50] =	vst v59  }
0x2a2: {  	[tilespmem:s31+$0x60] =	vst v60;
	v6 =	vmul.f32 v33, v6  }
0x2a3: {  	[tilespmem:s31+$0x70] =	vst v63  }
0x2a4: {  	[tilespmem:s31+$0xFFFFFF90] =	vst v6  }
0x2a5: {  	[tilespmem:v0+s21+$0x0] =	vst.idx.msk $0x1, v54  }
0x2a6: {  	[tilespmem:v9+s21+$0x0] =	vst.idx.msk $0x1, v33  }
0x2a7: {  	[spmem:s4] =	stream.indirect.scatter.add.f32 [tilespmem:s6], [sflag:$0x9], $0x80, s2, s3, $0xb8;
	[tilespmem:$0x1DE48] =	vst v63  }
0x2a8: {  	_ =	swait.ge [sflag:s19], $0x2800  }
0x2a9: {  	p0 =	seq.s32 s30, $0x1F;
	[sflag:s19] =	ssyncset.done $0x0  }
.Ltmp5:
0x2aa: {  	[sflag:s19] =	ssyncadd.s32 $0xFFFFD800;
	(pc) =	sbr.rel @p0 .LBB2_16-.Ltmp5, $4  }
0x2ab: {  	[spmem:s5] =	stream.indirect.scatter.add.f32 [tilespmem:s21], [sflag:$0x9], $0x1, s2, s3, $0xb8;
	[tilespmem:$0x1DE48] =	vst v63  }
0x2ac: {  	_ =	swait.ge [sflag:s19], $0x50  }
0x2ad: {  	[sflag:s19] =	ssyncset.done $0x0  }
0x2ae: {  	v52 =	vimm.s32 $0xF;
	[sflag:s19] =	ssyncadd.s32 $0xFFFFFFB0  }
0x2af: {  	_ =	swait.ge [sflag:s15], $0xA0  }
0x2b0: {  	s31 =	sshll.u32 s30, $0x2;
	s10 =	simm.s32 $0x300;
	[sflag:s15] =	ssyncset.done $0x0  }
0x2b1: {  	s20 =	simm.s32 $0x1C0;
	s28 =	rddreg [dreg:$0x18];
	[sflag:s15] =	ssyncadd.s32 $0xFFFFFF60  }
0x2b2: {  	[tilespmem:s10], [sflag:$0x1] =	stream.indirect.gather [hbm4b:s0+s3], $0x80, s20, s3, $0xb8;
	[tilespmem:$0x1DE48] =	vst v63  }
0x2b3: {  	s10 =	sadd.s32 s31, s28  }
0x2b4: {  	s10 =	smul.u32 $0x14, s10  }
0x2b5: {  	[tilespmem:s6], [sflag:$0x3] =	stream.indirect.gather [hbm4b:s7+s3], $0x80, s16, s3, $0xb8;
	[tilespmem:$0x1DE48] =	vst v63  }
0x2b6: {  	s23 =	simm.s32 $0x0;
	s22 =	simm.s32 $0x80;
	s10 =	sadd.s32 s8, s10  }
0x2b7: {  	[tilespmem:s22], [sflag:$0x5] =	stream.linear.gather [hbm4b:s10+s23], $0xA0, $0x38;
	[tilespmem:$0x1DE48] =	vst v63  }
0x2b8: {  	_ =	swait.ge [sflag:s17], $0x2800  }
0x2b9: {  	[sflag:s17] =	ssyncset.done $0x0  }
0x2ba: {  	[sflag:s17] =	ssyncadd.s32 $0xFFFFD800  }
0x2bb: {  	_ =	swait.ge [sflag:s18], $0x2800  }
0x2bc: {  	[sflag:s18] =	ssyncset.done $0x0  }
0x2bd: {  	s25 =	simm.s32 $0x2C00;
	[sflag:s18] =	ssyncadd.s32 $0xFFFFD800  }
0x2be: {  	s24 =	simm.s32 $0x7C00;
	v30 =	vld [tilespmem:s25+$0x80]  }
0x2bf: {  	v1 =	vld [tilespmem:s24+$0x80]  }
0x2c0: {  	v32 =	vld [tilespmem:s25+$0x90]  }
0x2c1: {  	v2 =	vld [tilespmem:s24+$0x90]  }
0x2c2: {  	v31 =	vld [tilespmem:s25+$0xA0]  }
0x2c3: {  	v3 =	vld [tilespmem:s24+$0xA0]  }
0x2c4: {  	v33 =	vld [tilespmem:s25+$0xB0]  }
0x2c5: {  	v4 =	vld [tilespmem:s24+$0xB0]  }
0x2c6: {  	v42 =	vld [tilespmem:s25+$0xC0]  }
0x2c7: {  	v5 =	vld [tilespmem:s24+$0xC0]  }
0x2c8: {  	v43 =	vld [tilespmem:s25+$0xD0]  }
0x2c9: {  	v6 =	vld [tilespmem:s24+$0xD0]  }
0x2ca: {  	v38 =	vld [tilespmem:s25+$0xFFFFFF10]  }
0x2cb: {  	v45 =	vld [tilespmem:s25+$0xE0]  }
0x2cc: {  	v7 =	vld [tilespmem:s24+$0xE0]  }
0x2cd: {  	v44 =	vld [tilespmem:s25+$0xF0]  }
0x2ce: {  	v8 =	vld [tilespmem:s24+$0xF0]  }
0x2cf: {  	v0 =	vld [tilespmem:s24+$0xFFFFFF00];
	[tilespmem:$0x1FC30] =	vst v38  }
0x2d0: {  	v39 =	vld [tilespmem:s25+$0xFFFFFF20];
	_ =	sdelay $0x4  }
0x2d1: {  	v9 =	vld [tilespmem:s24+$0xFFFFFF10];
	[tilespmem:$0x1FC40] =	vst v39  }
0x2d2: {  	v36 =	vld [tilespmem:s25+$0xFFFFFF30];
	_ =	sdelay $0x4  }
0x2d3: {  	v10 =	vld [tilespmem:s24+$0xFFFFFF20];
	[tilespmem:$0x1FC50] =	vst v36  }
0x2d4: {  	v37 =	vld [tilespmem:s25+$0xFFFFFF40];
	_ =	sdelay $0x4  }
0x2d5: {  	v11 =	vld [tilespmem:s24+$0xFFFFFF30];
	[tilespmem:$0x1FC60] =	vst v37  }
0x2d6: {  	v55 =	vld [tilespmem:s25+$0xFFFFFF50];
	_ =	sdelay $0x4  }
0x2d7: {  	v12 =	vld [tilespmem:s24+$0xFFFFFF40];
	[tilespmem:$0x1FC70] =	vst v55  }
0x2d8: {  	v40 =	vld [tilespmem:s25+$0xFFFFFF60];
	_ =	sdelay $0x4  }
0x2d9: {  	v13 =	vld [tilespmem:s24+$0xFFFFFF50];
	[tilespmem:$0x1FC80] =	vst v40  }
0x2da: {  	v41 =	vld [tilespmem:s25+$0xFFFFFF70];
	_ =	sdelay $0x4  }
0x2db: {  	v15 =	vld [tilespmem:s24+$0xFFFFFF60];
	[tilespmem:$0x1FC90] =	vst v41  }
0x2dc: {  	v46 =	vld [tilespmem:s25+$0xFFFFFF80];
	_ =	sdelay $0x4  }
0x2dd: {  	v20 =	vld [tilespmem:s24+$0xFFFFFF70];
	[tilespmem:$0x1FCA0] =	vst v46  }
0x2de: {  	v47 =	vld [tilespmem:s25+$0xFFFFFF90]  }
0x2df: {  	v2 =	vadd.f32 v2, v32;
	_ =	sdelay $0x1  }
0x2e0: {  	v16 =	vmul.f32 $2.000000030e-01, v2;
	_ =	sdelay $0x1  }
0x2e1: {  	v2 =	vmax.f32 v2, v16;
	v16 =	vld [tilespmem:s24+$0xFFFFFF80];
	[tilespmem:$0x1FCB0] =	vst v47  }
0x2e2: {  	v1 =	vadd.f32 v1, v30;
	v3 =	vadd.f32 v3, v31;
	v59 =	vld [tilespmem:s25+$0xFFFFFFA0]  }
0x2e3: {  	v4 =	vadd.f32 v4, v33;
	v5 =	vadd.f32 v5, v42  }
0x2e4: {  	v6 =	vadd.f32 v6, v43;
	v7 =	vadd.f32 v7, v45;
	v14 =	vmul.f32 $2.000000030e-01, v1  }
0x2e5: {  	v8 =	vadd.f32 v8, v44;
	v17 =	vmul.f32 $2.000000030e-01, v3;
	v18 =	vmul.f32 $2.000000030e-01, v4  }
0x2e6: {  	v19 =	vmul.f32 $2.000000030e-01, v5;
	v56 =	vmul.f32 $2.000000030e-01, v6  }
0x2e7: {  	v50 =	vmovc v21;
	v22 =	vmul.f32 $2.000000030e-01, v7;
	v57 =	vmul.f32 $2.000000030e-01, v8;
	v3 =	vmax.f32 v3, v17;
	v17 =	vld [tilespmem:s24+$0xFFFFFF90];
	[tilespmem:$0x1FCC0] =	vst v59  }
0x2e8: {  	v26 =	vmovc v25;
	v1 =	vmax.f32 v1, v14;
	v4 =	vmax.f32 v4, v18;
	v5 =	vmax.f32 v5, v19;
	v63 =	vld [tilespmem:s25+$0xFFFFFFB0]  }
0x2e9: {  	v34 =	vmovc v27;
	v6 =	vmax.f32 v6, v56;
	v1 =	vmul.f32 v1, v51;
	v2 =	vmul.f32 v2, v50  }
0x2ea: {  	v27 =	vmovc v28;
	v7 =	vmax.f32 v7, v22;
	v3 =	vmul.f32 v3, v26;
	v4 =	vmul.f32 v4, v34  }
0x2eb: {  	v8 =	vmax.f32 v8, v57;
	v5 =	vmul.f32 v5, v27;
	v6 =	vmul.f32 v6, v62  }
0x2ec: {  	v7 =	vmul.f32 v7, v61;
	v8 =	vmul.f32 v8, v58;
	v1 =	vadd.f32 v2, v1  }
0x2ed: {  	v2 =	vadd.f32 v4, v3;
	v4 =	vadd.f32 v6, v5;
	v60 =	vld [tilespmem:s24+$0xFFFFFFA0];
	[tilespmem:$0x1FCD0] =	vst v63  }
0x2ee: {  	v6 =	vadd.f32 v8, v7;
	v7 =	vadd.f32 v10, v39;
	v39 =	vld [tilespmem:s25+$0xFFFFFFC0];
	_ =	sdelay $0x4  }
0x2ef: {  	v5 =	vld [tilespmem:s24+$0xFFFFFFB0];
	[tilespmem:$0x1FCE0] =	vst v39  }
0x2f0: {  	v8 =	vadd.f32 v11, v36;
	v36 =	vld [tilespmem:s25+$0xFFFFFFD0]  }
0x2f1: {  	v9 =	vadd.f32 v9, v38;
	_ =	sdelay $0x1  }
0x2f2: {  	v3 =	vmul.f32 $2.000000030e-01, v9;
	_ =	sdelay $0x1  }
0x2f3: {  	v3 =	vmax.f32 v9, v3;
	v9 =	vld [tilespmem:s24+$0xFFFFFFC0];
	[tilespmem:$0x1FCF0] =	vst v36  }
0x2f4: {  	v1 =	vadd.f32 v2, v1;
	v2 =	vadd.f32 v6, v4;
	v4 =	vmul.f32 $2.000000030e-01, v7;
	v57 =	vld [tilespmem:s25+$0xFFFFFFF0]  }
0x2f5: {  	v11 =	vmul.f32 $2.000000030e-01, v8  }
0x2f6: {  	v4 =	vmax.f32 v7, v4  }
0x2f7: {  	v8 =	vmax.f32 v8, v11;
	v6 =	vadd.f32 v12, v37;
	v37 =	vadd.f32 v13, v55;
	v12 =	vld [tilespmem:s24+$0xFFFFFFD0]  }
0x2f8: {  	v4 =	vmul.f32 v4, v26;
	v8 =	vmul.f32 v8, v34;
	v48 =	vld [tilespmem:s25+$0xFFFFFFE0]  }
0x2f9: {  	v2 =	vadd.f32 v2, v1;
	v7 =	vmul.f32 $2.000000030e-01, v6;
	v54 =	vmul.f32 $2.000000030e-01, v37;
	v19 =	vld [tilespmem:s24+$0xFFFFFFE0];
	[tilespmem:$0x1FD00] =	vst v57  }
0x2fa: {  	v1 =	vmul.f32 v3, v50;
	v53 =	vadd.f32 v15, v40;
	v55 =	vadd.f32 v20, v41;
	v40 =	vld [tilespmem:s24+$0xFFFFFFF0]  }
0x2fb: {  	v4 =	vadd.f32 v8, v4;
	v3 =	vmax.f32 v6, v7;
	v10 =	vmax.f32 v37, v54;
	v49 =	vld [tilespmem:s25+$0x0]  }
0x2fc: {  	v56 =	vmul.f32 $2.000000030e-01, v53;
	v6 =	vmul.f32 $2.000000030e-01, v55;
	v7 =	vadd.f32 v16, v46;
	v46 =	vld [tilespmem:s24+$0x0]  }
0x2fd: {  	v23 =	vmovc v51;
	v3 =	vmul.f32 v3, v27;
	v10 =	vmul.f32 v10, v62;
	v17 =	vadd.f32 v17, v47;
	v51 =	vld [tilespmem:s25+$0x10]  }
0x2fe: {  	v11 =	vmax.f32 v53, v56;
	v6 =	vmax.f32 v55, v6;
	v41 =	vmul.f32 $2.000000030e-01, v7;
	v13 =	vld [tilespmem:s24+$0x10]  }
0x2ff: {  	v8 =	vadd.f32 v60, v59;
	v59 =	vmul.f32 $2.000000030e-01, v17;
	v5 =	vadd.f32 v5, v63;
	v53 =	vld [tilespmem:s25+$0x20]  }
0x300: {  	v22 =	vmul.f32 v11, v61;
	v6 =	vmul.f32 v6, v58;
	v7 =	vmax.f32 v7, v41;
	v63 =	vld [tilespmem:s24+$0x20]  }
0x301: {  	v60 =	vmul.f32 $2.000000030e-01, v8;
	v14 =	vmax.f32 v17, v59;
	v37 =	vmul.f32 $2.000000030e-01, v5;
	v54 =	vld [tilespmem:s25+$0x30]  }
0x302: {  	v3 =	vadd.f32 v10, v3;
	v7 =	vmul.f32 v7, v23;
	v14 =	vmul.f32 v14, v50;
	v10 =	vld [tilespmem:s24+$0x30]  }
0x303: {  	v8 =	vmax.f32 v8, v60;
	v5 =	vmax.f32 v5, v37;
	v9 =	vadd.f32 v9, v39;
	v55 =	vld [tilespmem:s25+$0x40]  }
0x304: {  	v8 =	vmul.f32 v8, v26;
	v5 =	vmul.f32 v5, v34;
	v20 =	vld [tilespmem:s24+$0x40]  }
0x305: {  	v6 =	vadd.f32 v6, v22;
	v38 =	vmul.f32 $2.000000030e-01, v9;
	v12 =	vadd.f32 v12, v36;
	v56 =	vld [tilespmem:s25+$0x50]  }
0x306: {  	v7 =	vadd.f32 v14, v7;
	v5 =	vadd.f32 v5, v8;
	v59 =	vld [tilespmem:s25+$0xFFFFFF00]  }
0x307: {  	v3 =	vadd.f32 v6, v3;
	v9 =	vmax.f32 v9, v38;
	v21 =	vld [tilespmem:s24+$0x50];
	v39 =	vmul.f32 $2.000000030e-01, v12  }
0x308: {  	v5 =	vadd.f32 v5, v7;
	v9 =	vmul.f32 v9, v27;
	v19 =	vadd.f32 v19, v48;
	v47 =	vld [tilespmem:s24+$0x60]  }
0x309: {  	v35 =	vmovc v58;
	v58 =	vld [tilespmem:s25+$0x70];
	v12 =	vmax.f32 v12, v39;
	v16 =	vadd.f32 v40, v57;
	v15 =	vadd.f32 v46, v49  }
0x30a: {  	s26 =	simm.s32 $0x2E00;
	v36 =	vld [tilespmem:s24+$0x70];
	v8 =	vmul.f32 v12, v62;
	v13 =	vadd.f32 v13, v51;
	v18 =	vadd.f32 v63, v53  }
0x30b: {  	v60 =	vld [tilespmem:s26+$0x80];
	v40 =	vmul.f32 $2.000000030e-01, v19;
	v10 =	vadd.f32 v10, v54;
	v0 =	vadd.f32 v0, v59  }
0x30c: {  	v28 =	vmovc v62;
	v62 =	vld [tilespmem:s26+$0xB0];
	v8 =	vadd.f32 v8, v9;
	v41 =	vmul.f32 $2.000000030e-01, v16;
	v24 =	vmul.f32 $2.000000030e-01, v15  }
0x30d: {  	v57 =	vld [tilespmem:s25+$0x60];
	v46 =	vmax.f32 v19, v40;
	v37 =	vmul.f32 $2.000000030e-01, v13;
	v39 =	vmul.f32 $2.000000030e-01, v18  }
0x30e: {  	(xrf2) =	vadd.scan.msk.f32 $0xffff, v2;
	v12 =	vld [tilespmem:s26+$0xFFFFFF30];
	v40 =	vadd.f32 v20, v55;
	v2 =	vmul.f32 $2.000000030e-01, v10;
	v7 =	vmul.f32 v46, v61  }
0x30f: {  	s25 =	simm.s32 $0x7E00;
	v63 =	vld [tilespmem:s26+$0xA0];
	v16 =	vmax.f32 v16, v41;
	v15 =	vmax.f32 v15, v24;
	v38 =	vmax.f32 v13, v37  }
0x310: {  	v17 =	vld [tilespmem:s25+$0xFFFFFF20];
	v13 =	vmax.f32 v18, v39;
	v41 =	vadd.f32 v21, v56;
	v24 =	vmul.f32 $2.000000030e-01, v40  }
0x311: {  	v19 =	vld [tilespmem:s25+$0xB0];
	v2 =	vmax.f32 v10, v2;
	v21 =	vmul.f32 $2.000000030e-01, v0;
	v25 =	vmul.f32 v16, v35  }
0x312: {  	v29 =	vmovc v61;
	v61 =	vld [tilespmem:s26+$0x90];
	v9 =	vmul.f32 v15, v23;
	v14 =	vadd.f32 v47, v57;
	v2 =	vmul.f32 v2, v34  }
0x313: {  	v18 =	vld [tilespmem:s25+$0x90];
	v46 =	vmul.f32 $2.000000030e-01, v41;
	v0 =	vmax.f32 v0, v21;
	v7 =	vadd.f32 v25, v7  }
0x314: {  	v39 =	vld [tilespmem:s26+$0xC0];
	v25 =	vadd.f32 v36, v58;
	v47 =	vmul.f32 $2.000000030e-01, v14;
	v0 =	vmul.f32 v0, v23  }
0x315: {  	v37 =	vld [tilespmem:s26+$0xE0];
	v16 =	vmax.f32 v41, v46;
	v7 =	vadd.f32 v7, v8;
	v8 =	vmul.f32 v38, v50  }
0x316: {  	v15 =	vld [tilespmem:s25+$0x80];
	v11 =	vmul.f32 $2.000000030e-01, v25;
	v14 =	vmax.f32 v14, v47;
	v16 =	vmul.f32 v16, v28  }
0x317: {  	v0 =	vadd.f32 v1, v0;
	v1 =	vld [tilespmem:s25+$0xE0];
	v5 =	vadd.f32 v7, v5;
	v7 =	vmul.f32 v13, v26  }
0x318: {  	v38 =	vld [tilespmem:s26+$0xD0];
	v10 =	vmax.f32 v25, v11;
	v8 =	vadd.f32 v8, v9;
	v9 =	vadd.f32 v18, v61  }
0x319: {  	v14 =	vmul.f32 v14, v29;
	v13 =	vld [tilespmem:s25+$0xA0];
	v0 =	vadd.f32 v4, v0;
	v10 =	vmul.f32 v10, v35  }
0x31a: {  	(xrf2) =	vadd.scan.msk.f32 $0xffff, v5;
	v5 =	vmax.f32 v40, v24;
	v24 =	vld [tilespmem:s25+$0xC0];
	v2 =	vadd.f32 v2, v7;
	v18 =	vmul.f32 $2.000000030e-01, v9  }
0x31b: {  	v36, _, _ =	vpop (xrf2);
	v7 =	vld [tilespmem:s25+$0xD0];
	v5 =	vmul.f32 v5, v27;
	v25 =	vadd.f32 v10, v14;
	v14 =	vadd.f32 v19, v62  }
0x31c: {  	v4 =	vld [tilespmem:s25+$0xF0];
	v10 =	vperm.xlane v36, v52;
	v1 =	vadd.f32 v1, v37;
	v2 =	vadd.f32 v2, v8  }
0x31d: {  	v36 =	vld [tilespmem:s26+$0xF0];
	v8 =	vadd.f32 v15, v60;
	v9 =	vmax.f32 v9, v18;
	v5 =	vadd.f32 v16, v5  }
0x31e: {  	v22 =	vld [tilespmem:s25+$0xFFFFFF50];
	v6 =	vmul.f32 $1.442695020e+00, v10;
	v13 =	vadd.f32 v13, v63;
	v21 =	vmul.f32 $2.000000030e-01, v14  }
0x31f: {  	v20 =	vld [tilespmem:s25+$0xFFFFFF30];
	v18 =	vmul.f32 $2.000000030e-01, v1;
	v9 =	vmul.f32 v9, v50;
	v5 =	vadd.f32 v25, v5  }
0x320: {  	v10 =	vld [tilespmem:s26+$0xFFFFFF20];
	v15 =	vmul.f32 $2.000000030e-01, v8;
	v16 =	vadd.f32 v24, v39;
	v7 =	vadd.f32 v7, v38  }
0x321: {  	v19 =	vmul.f32 $2.000000030e-01, v13;
	v25 =	vld [tilespmem:s26+$0xFFFFFF40];
	v14 =	vmax.f32 v14, v21;
	v1 =	vmax.f32 v1, v18  }
0x322: {  	v40 =	vmovc v23;
	v24 =	vld [tilespmem:s25+$0xFFFFFF40];
	v4 =	vadd.f32 v4, v36;
	v8 =	vmax.f32 v8, v15;
	v14 =	vmul.f32 v14, v34  }
0x323: {  	v15 =	vld [tilespmem:s26+$0xFFFFFF60];
	v23 =	vmul.f32 $2.000000030e-01, v7;
	v19 =	vmax.f32 v13, v19;
	v8 =	vmul.f32 v8, v40  }
0x324: {  	v2 =	vadd.f32 v5, v2;
	v13 =	vld [tilespmem:s26+$0xFFFFFF50];
	v21 =	vmul.f32 $2.000000030e-01, v4;
	v19 =	vmul.f32 v19, v26;
	v5, _, _ =	vpop (xrf2)  }
0x325: {  	v7 =	vmax.f32 v7, v23;
	v23 =	vld [tilespmem:s25+$0xFFFFFF60];
	v5 =	vperm.xlane v5, v52;
	v52 =	vmul.f32 $2.000000030e-01, v16  }
0x326: {  	v1 =	vmul.f32 v1, v29;
	v8 =	vadd.f32 v9, v8;
	v9 =	vld [tilespmem:s25+$0xFFFFFF70]  }
0x327: {  	v4 =	vmax.f32 v4, v21;
	v19 =	vadd.f32 v14, v19;
	v14 =	vld [tilespmem:s26+$0xFFFFFF80];
	v16 =	vmax.f32 v16, v52  }
0x328: {  	v4 =	vmul.f32 v4, v35;
	v18 =	vmul.f32 v16, v27;
	v16 =	vld [tilespmem:s26+$0xFFFFFF70];
	[tilespmem:$0x1FB10] =	vst v10  }
0x329: {  	(erf) = vpow2.f32 v6;
	v5 =	vmul.f32 $1.442695020e+00, v5;
	v6 =	vld [tilespmem:s25+$0xFFFFFF80];
	[tilespmem:$0x1FB20] =	vst v12  }
0x32a: {  	v7 =	vmul.f32 v7, v28;
	v1 =	vadd.f32 v4, v1;
	v4 =	vadd.f32 v17, v10;
	v10 =	vld [tilespmem:s26+$0xFFFFFF90]  }
0x32b: {  	v0 =	vadd.f32 v3, v0;
	(erf) = vpow2.f32 v5;
	v5 =	vadd.f32 v19, v8;
	v8 =	vld [tilespmem:s25+$0xFFFFFF90]  }
0x32c: {  	v3 =	vadd.f32 v20, v12;
	v7 =	vadd.f32 v7, v18;
	v12 =	vld [tilespmem:s26+$0xFFFFFF10];
	[tilespmem:$0x1FB30] =	vst v25  }
0x32d: {  	(xrf2) =	vadd.scan.msk.f32 $0xffff, v0;
	v20 =	vadd.f32 v24, v25;
	[tilespmem:$0x1FB40] =	vst v13  }
0x32e: {  	v21 =	vadd.f32 v22, v13;
	v19 =	vld [tilespmem:s25+$0xFFFFFF10];
	[tilespmem:$0x1FB50] =	vst v15;
	v1 =	vadd.f32 v1, v7;
	v7 =	vmul.f32 $2.000000030e-01, v4  }
0x32f: {  	v0 =	vmul.f32 $2.000000030e-01, v20;
	v23 =	vadd.f32 v23, v15;
	v18 =	vmul.f32 $2.000000030e-01, v3;
	[tilespmem:$0x1FB60] =	vst v16  }
0x330: {  	(xrf2) =	vadd.scan.msk.f32 $0xffff, v2;
	v1 =	vadd.f32 v1, v5;
	v4 =	vmax.f32 v4, v7;
	v7 =	vadd.f32 v9, v16;
	v15 =	vld [tilespmem:s26+$0xFFFFFFA0]  }
0x331: {  	v0 =	vmax.f32 v20, v0;
	v2 =	vmax.f32 v3, v18;
	v3 =	vmul.f32 $2.000000030e-01, v23;
	v9 =	vld [tilespmem:s25+$0xFFFFFFA0];
	[tilespmem:$0x1FB70] =	vst v14  }
0x332: {  	v6 =	vadd.f32 v6, v14;
	v14 =	vld [tilespmem:s26+$0xFFFFFFB0];
	v8 =	vadd.f32 v8, v10;
	(xrf2) =	vadd.scan.msk.f32 $0xffff, v1;
	v1 =	vmul.f32 $2.000000030e-01, v7  }
0x333: {  	v2 =	vmul.f32 v2, v34;
	v5 =	vmul.f32 $2.000000030e-01, v21;
	v3 =	vmax.f32 v23, v3;
	[tilespmem:$0x1FB80] =	vst v10  }
0x334: {  	v4 =	vmul.f32 v4, v26;
	v23 =	vld [tilespmem:s25+$0xFFFFFFB0];
	[tilespmem:$0x1FB90] =	vst v12;
	v1 =	vmax.f32 v7, v1;
	v7 =	vmul.f32 $2.000000030e-01, v8  }
0x335: {  	v41 =	vmovc v28;
	v22 =	vmul.f32 v3, v29;
	v5 =	vmax.f32 v21, v5;
	v13 =	vmul.f32 $2.000000030e-01, v6;
	v16 =	vld [tilespmem:s26+$0xFFFFFFC0]  }
0x336: {  	v24 =	vadd.f32 v19, v12;
	v21 =	vmul.f32 v0, v27;
	v0 =	vmax.f32 v8, v7;
	v7 =	vld [tilespmem:s25+$0xFFFFFFC0];
	[tilespmem:$0x1FBA0] =	vst v15  }
0x337: {  	v5 =	vmul.f32 v5, v28;
	v10 =	vadd.f32 v2, v4;
	v6 =	vmax.f32 v6, v13;
	v12 =	vld [tilespmem:s26+$0xFFFFFFD0];
	[tilespmem:$0x1FBB0] =	vst v14  }
0x338: {  	v46 =	vmovc v29;
	v11 =	vmovc v27;
	v13 =	vimm.s32 $0xF;
	v3 =	vmul.f32 $2.000000030e-01, v24;
	v8 =	vadd.f32 v9, v15;
	v27 =	vld [tilespmem:s25+$0xFFFFFFD0]  }
0x339: {  	v47 =	vmovc v35;
	v1 =	vmul.f32 v1, v35;
	v6 =	vmul.f32 v6, v40;
	v23 =	vadd.f32 v23, v14;
	v14 =	vld [tilespmem:s26+$0xFFFFFFE0]  }
0x33a: {  	v17 =	vmovc v26;
	v52 =	vmovc v40;
	v19 =	vadd.f32 v5, v21;
	v18 =	vmul.f32 v0, v50;
	v0 =	vmul.f32 $2.000000030e-01, v8;
	v4 =	vld [tilespmem:s25+$0xFFFFFFE0]  }
0x33b: {  	v35 =	vmax.f32 v24, v3;
	v5, _, _ =	vpop (xrf2);
	v1 =	vadd.f32 v1, v22;
	v20 =	vmul.f32 $2.000000030e-01, v23  }
0x33c: {  	v29, _, _ =	vpop (xrf2);
	v5 =	vperm.xlane v5, v13;
	v28 =	vadd.f32 v18, v6;
	v0 =	vmax.f32 v8, v0  }
0x33d: {  	[tilespmem:$0x1FBC0] =	vst v16;
	v21 =	vmax.f32 v23, v20;
	v7 =	vadd.f32 v7, v16;
	v3 =	vmul.f32 v0, v17;
	v22, _, _ =	vpop (xrf2)  }
0x33e: {  	v15 =	vld [tilespmem:s26+$0xFFFFFFF0];
	v40 =	vadd.f32 v1, v19;
	[tilespmem:$0x1FBD0] =	vst v12;
	v1 =	vmul.f32 v21, v34;
	v23 =	vperm.xlane v22, v13  }
0x33f: {  	v27 =	vadd.f32 v27, v12;
	v6 =	vld [tilespmem:s25+$0xFFFFFFF0];
	v12 =	vmul.f32 $2.000000030e-01, v7;
	v4 =	vadd.f32 v4, v14  }
0x340: {  	v20 =	vld [tilespmem:s26+$0x0];
	[tilespmem:$0x1FBE0] =	vst v14;
	v1 =	vadd.f32 v1, v3;
	v3 =	vmul.f32 $1.442695020e+00, v5;
	v2 =	vmul.f32 $1.442695020e+00, v23  }
0x341: {  	v8 =	vld [tilespmem:s25+$0x0];
	v0 =	vmul.f32 $2.000000030e-01, v27;
	v5 =	vmul.f32 $2.000000030e-01, v4  }
0x342: {  	v7 =	vmax.f32 v7, v12;
	(erf) = vpow2.f32 v2  }
0x343: {  	v0 =	vmax.f32 v27, v0;
	v12 =	vmovc v34;
	v34 =	vadd.f32 v1, v28;
	(erf) = vpow2.f32 v3  }
0x344: {  	v21 =	vld [tilespmem:s26+$0x10];
	v1 =	vadd.f32 v6, v15;
	v3 =	vmax.f32 v4, v5;
	v4 =	vmul.f32 v7, v11  }
0x345: {  	v2 =	vld [tilespmem:s25+$0x10];
	v0 =	vmul.f32 v0, v41;
	v5 =	vpop (erf);
	v3 =	vmul.f32 v3, v46  }
0x346: {  	v8 =	vadd.f32 v8, v20;
	v7 =	vmul.f32 v5, v30;
	v30 =	vmul.f32 $2.000000030e-01, v1  }
0x347: {  	v22 =	vld [tilespmem:s26+$0x20];
	v9 =	vadd.f32 v0, v4;
	v4 =	vmul.f32 v5, v32;
	v31 =	vmul.f32 v5, v31  }
0x348: {  	v6 =	vld [tilespmem:s25+$0x20];
	[tilespmem:$0x1FBF0] =	vst v20;
	v0 =	vmul.f32 $2.000000030e-01, v8;
	v1 =	vmax.f32 v1, v30;
	v30 =	vperm.xlane v29, v13  }
0x349: {  	v29 =	vmov v21;
	[tilespmem:s24+$0x90] =	vst v4;
	v4 =	vmul.f32 v5, v33;
	v1 =	vmul.f32 v1, v47  }
0x34a: {  	v23 =	vld [tilespmem:s26+$0x30];
	[tilespmem:s24+$0x80] =	vst v7;
	v2 =	vadd.f32 v2, v29;
	v0 =	vmax.f32 v8, v0;
	v8 =	vmul.f32 $1.442695020e+00, v30  }
0x34b: {  	v24 =	vld [tilespmem:s25+$0x30];
	[tilespmem:s24+$0xB0] =	vst v4;
	v4 =	vmul.f32 v5, v43;
	v3 =	vadd.f32 v1, v3;
	v1 =	vmul.f32 v5, v42  }
0x34c: {  	s28 =	simm.s32 $0x3;
	v25 =	vld [tilespmem:s26+$0x40];
	[tilespmem:s24+$0xA0] =	vst v31;
	v31 =	vmul.f32 $2.000000030e-01, v2  }
0x34d: {  	v26 =	vld [tilespmem:s26+$0x50];
	(erf) = vpow2.f32 v8;
	v8 =	vmov s28;
	[tilespmem:s24+$0xD0] =	vst v4  }
0x34e: {  	v18 =	vld [tilespmem:s25+$0x50];
	[tilespmem:s24+$0xC0] =	vst v1;
	v2 =	vmax.f32 v2, v31;
	v31 =	vmul.f32 v5, v45  }
0x34f: {  	v19 =	vmul.f32 v5, v44;
	v7 =	vld [tilespmem:s25+$0x40];
	[tilespmem:$0x1FC00] =	vst v23;
	v1 =	vpop (erf)  }
0x350: {  	v0 =	vmul.f32 v0, v52;
	v30 =	vmov v22;
	[tilespmem:s24+$0xE0] =	vst v31;
	v44 =	vpop (erf)  }
0x351: {  	v4 =	vadd.f32 v6, v30;
	v6 =	vadd.f32 v24, v23;
	[tilespmem:s24+$0xF0] =	vst v19;
	v20 =	vmul.f32 v44, v60  }
0x352: {  	v2 =	vmul.f32 v2, v50;
	v22 =	vmul.f32 v44, v61;
	[tilespmem:v8+s21+$0x0] =	vst.idx.msk $0x1, v5  }
0x353: {  	v5 =	vmul.f32 v44, v63;
	v8 =	vmul.f32 $2.000000030e-01, v6;
	[tilespmem:s25+$0x80] =	vst v20  }
0x354: {  	v32 =	vmov v26;
	v23 =	vadd.f32 v18, v26;
	v21 =	vld [tilespmem:s26+$0x60];
	v38 =	vmul.f32 v44, v38;
	[tilespmem:s25+$0x90] =	vst v22  }
0x355: {  	v26 =	vld [tilespmem:s26+$0x70];
	v0 =	vadd.f32 v2, v0;
	v2 =	vmax.f32 v6, v8;
	[tilespmem:s25+$0xA0] =	vst v5;
	v8 =	vmul.f32 v44, v39  }
0x356: {  	v6 =	vmul.f32 v44, v62;
	v20 =	vld [tilespmem:s26+$0xFFFFFF00];
	[tilespmem:s25+$0xD0] =	vst v38  }
0x357: {  	v7 =	vadd.f32 v7, v25;
	v24 =	vmul.f32 $2.000000030e-01, v4;
	v16 =	vld [tilespmem:s25+$0x70];
	[tilespmem:s25+$0xC0] =	vst v8;
	v8 =	vmul.f32 v44, v37  }
0x358: {  	v3 =	vadd.f32 v3, v9;
	v31 =	vmov v25;
	v25 =	vld [tilespmem:s25+$0x60];
	[tilespmem:s25+$0xB0] =	vst v6  }
0x359: {  	v18 =	vmul.f32 $2.000000030e-01, v7;
	v19 =	vmul.f32 $2.000000030e-01, v23;
	v4 =	vmax.f32 v4, v24;
	[tilespmem:s25+$0xE0] =	vst v8  }
0x35a: {  	v43 =	vld [tilespmem:s25+$0xFFFFFF00];
	v3 =	vadd.f32 v3, v34;
	v36 =	vmul.f32 v44, v36;
	v4 =	vmul.f32 v4, v17;
	[tilespmem:$0x1FC10] =	vst v26  }
0x35b: {  	s22 =	simm.s32 $0x7;
	v5 =	vmax.f32 v7, v18;
	v7 =	vmax.f32 v23, v19;
	v22 =	vmov s23;
	s26 =	simm.s32 $0x3000;
	[tilespmem:$0x1FC20] =	vst v20  }
0x35c: {  	s10 =	simm.s32 $0x8000;
	v33 =	vmovc v21;
	v21 =	vmov s22;
	v2 =	vmul.f32 v2, v12;
	v5 =	vmul.f32 v5, v11;
	[tilespmem:s25+$0xF0] =	vst v36;
	v36 =	vld [tilespmem:s26+$0x80]  }
0x35d: {  	(xrf2) =	vadd.scan.msk.f32 $0xffff, v3;
	v37 =	vand.u32 $0xFFFFFFFC, v22;
	v6 =	vadd.f32 v25, v33;
	v8 =	vadd.f32 v16, v26;
	v3 =	vld [tilespmem:s10+$0x80]  }
0x35e: {  	v7 =	vmul.f32 v7, v41;
	v42 =	vbroadcast v37, $0x0;
	v37 =	vld [tilespmem:s26+$0x90]  }
0x35f: {  	v23 =	vmul.f32 $2.000000030e-01, v6;
	v25 =	vmul.f32 $2.000000030e-01, v8;
	v38 =	vld [tilespmem:s26+$0xA0]  }
0x360: {  	v2 =	vadd.f32 v2, v4;
	v5 =	vadd.f32 v7, v5;
	v60 =	vld [tilespmem:s10+$0xA0]  }
0x361: {  	v39 =	vld [tilespmem:s26+$0xB0];
	v6 =	vmax.f32 v6, v23;
	[tilespmem:v21+s21+$0x0] =	vst.idx.msk $0x1, v44;
	v8 =	vmax.f32 v8, v25  }
0x362: {  	v26 =	vpop (erf);
	v0 =	vadd.f32 v2, v0;
	v6 =	vmul.f32 v6, v46;
	v2 =	vld [tilespmem:$0x1FC30];
	v7 =	vmul.f32 v8, v47  }
0x363: {  	v61 =	vld [tilespmem:s10+$0xB0];
	v8 =	vmul.f32 v26, v59  }
0x364: {  	v24 =	vadd.f32 v43, v20;
	v6 =	vadd.f32 v7, v6;
	v7 =	vld [tilespmem:$0x1FC40]  }
0x365: {  	v22 =	vld [tilespmem:s10+$0xC0];
	[tilespmem:s24+$0xFFFFFF00] =	vst v8  }
0x366: {  	v4 =	vmul.f32 $2.000000030e-01, v24;
	v46 =	vld [tilespmem:$0x1FC50]  }
0x367: {  	v41 =	vld [tilespmem:s26+$0xD0];
	v2 =	vmul.f32 v26, v2  }
0x368: {  	v35 =	vmul.f32 v35, v50;
	v4 =	vmax.f32 v24, v4;
	v47 =	vld [tilespmem:$0x1FC60]  }
0x369: {  	v4 =	vmul.f32 v4, v52;
	v8 =	vld [tilespmem:s10+$0x90];
	[tilespmem:s24+$0xFFFFFF10] =	vst v2;
	v7 =	vmul.f32 v26, v7  }
0x36a: {  	v2 =	vld [tilespmem:$0x1FC70]  }
0x36b: {  	v4 =	vadd.f32 v35, v4;
	v5 =	vadd.f32 v6, v5;
	v6 =	vld [tilespmem:$0x1FC80];
	v9 =	vmul.f32 v26, v46;
	[tilespmem:s24+$0xFFFFFF20] =	vst v7  }
0x36c: {  	v14 =	vmov v50;
	v7 =	vld [tilespmem:$0x1FC90]  }
0x36d: {  	v28 =	vmovc v15;
	v15 =	vmov v52;
	v4 =	vadd.f32 v10, v4;
	v50 =	vmul.f32 v26, v47;
	v52 =	vld [tilespmem:$0x1FCA0];
	[tilespmem:s24+$0xFFFFFF30] =	vst v9  }
0x36e: {  	v21 =	vmul.f32 v1, v48;
	v9 =	vld [tilespmem:$0x1FCB0]  }
0x36f: {  	v24, _, _ =	vpop (xrf2);
	v0 =	vadd.f32 v5, v0;
	v4 =	vadd.f32 v40, v4;
	v5 =	vld [tilespmem:$0x1FCC0];
	[tilespmem:s24+$0xFFFFFF40] =	vst v50;
	v2 =	vmul.f32 v26, v2  }
0x370: {  	v45 =	vpop (erf);
	v44 =	vperm.xlane v24, v13;
	v6 =	vmul.f32 v26, v6;
	v63 =	vld [tilespmem:$0x1FCD0]  }
0x371: {  	v49 =	vmul.f32 v45, v49;
	v62 =	vmul.f32 v45, v53;
	(xrf2) =	vadd.scan.msk.f32 $0xffff, v4;
	v18 =	vld [tilespmem:$0x1FCE0];
	[tilespmem:s24+$0xFFFFFF50] =	vst v2  }
0x372: {  	v11 =	vmul.f32 v45, v55;
	(xrf2) =	vadd.scan.msk.f32 $0xffff, v0;
	v0 =	vmul.f32 $1.442695020e+00, v44;
	v2 =	vld [tilespmem:$0x1FCF0];
	[tilespmem:s24+$0xFFFFFF60] =	vst v6  }
0x373: {  	s22 =	simm.s32 $0x4;
	v50 =	vmul.f32 v45, v51;
	v7 =	vmul.f32 v26, v7;
	v6 =	vld [tilespmem:$0x1FD00];
	[tilespmem:s24+$0xFFFFFFE0] =	vst v21  }
0x374: {  	v20 =	vmov s22;
	v43 =	vld [tilespmem:s26+$0xF0];
	(erf) = vpow2.f32 v0;
	v59 =	vmul.f32 v1, v52;
	[tilespmem:s24+$0x0] =	vst v49  }
0x375: {  	s23 =	simm.s32 $0x1;
	v23 =	vld [tilespmem:s10+$0xD0];
	v8 =	vadd.f32 v8, v37;
	v52 =	vmul.f32 v45, v54;
	v54 =	vmul.f32 v45, v58;
	[tilespmem:s24+$0xFFFFFF70] =	vst v7  }
0x376: {  	v48 =	vld [tilespmem:s26+$0xFFFFFF30];
	v25 =	vmov s23;
	v9 =	vmul.f32 v1, v9;
	v5 =	vmul.f32 v1, v5;
	[tilespmem:s24+$0xFFFFFF80] =	vst v59  }
0x377: {  	v13 =	vld [tilespmem:s10+$0xF0];
	v21 =	vmul.f32 $2.000000030e-01, v8;
	v16 =	vmul.f32 v1, v63;
	v63 =	vand.u32 $0xFFFFFFFD, v25;
	[tilespmem:v42+s21+$0x0] =	vst.idx.msk $0x1, v26  }
0x378: {  	v40 =	vld [tilespmem:s26+$0xC0];
	v19 =	vmul.f32 v1, v18;
	v7 =	vand.u32 $0xFFFFFFFC, v20;
	[tilespmem:s24+$0xFFFFFF90] =	vst v9;
	v4 =	vbroadcast v63, $0x0  }
0x379: {  	s28 =	simm.s32 $0x2;
	v59 =	vmul.f32 v45, v56;
	v56 =	vmul.f32 v45, v57;
	v18 =	vadd.f32 v60, v38;
	v42 =	vld [tilespmem:s26+$0xE0];
	[tilespmem:s24+$0xFFFFFFA0] =	vst v5  }
0x37a: {  	v26 =	vld [tilespmem:s10+$0xE0];
	v5 =	vmov s28;
	[tilespmem:s24+$0xFFFFFFB0] =	vst v16;
	v16 =	vadd.f32 v3, v36;
	v2 =	vmul.f32 v1, v2  }
0x37b: {  	v46 =	vld [tilespmem:s26+$0xFFFFFF10];
	v20 =	vadd.f32 v23, v41;
	[tilespmem:s24+$0xFFFFFFC0] =	vst v19;
	v0 =	vand.u32 $0xFFFFFFFE, v5;
	v6 =	vmul.f32 v1, v6  }
0x37c: {  	v47 =	vld [tilespmem:s26+$0xFFFFFF20];
	v19 =	vadd.f32 v61, v39;
	v63 =	vbroadcast v0, $0x0;
	v0 =	vmul.f32 $2.000000030e-01, v16;
	[tilespmem:s24+$0xFFFFFFD0] =	vst v2  }
0x37d: {  	v44 =	vld [tilespmem:s10+$0xFFFFFF00];
	v34 =	vbroadcast v7, $0x0;
	v7 =	vadd.f32 v13, v43;
	v24 =	vmul.f32 $2.000000030e-01, v20;
	[tilespmem:s24+$0xFFFFFFF0] =	vst v6  }
0x37e: {  	v49 =	vld [tilespmem:s26+$0xFFFFFF40];
	v2 =	vadd.f32 v22, v40;
	v35 =	vmax.f32 v16, v0;
	[tilespmem:v4+s21+$0x0] =	vst.idx.msk $0x1, v1;
	v1 =	vmul.f32 $2.000000030e-01, v19  }
0x37f: {  	[tilespmem:s24+$0x10] =	vst v50;
	v50 =	vld [tilespmem:s26+$0xFFFFFF50];
	v8 =	vmax.f32 v8, v21;
	v22 =	vmul.f32 $2.000000030e-01, v18;
	v23 =	vadd.f32 v26, v42  }
0x380: {  	v3 =	vld [tilespmem:s10+$0xFFFFFF10];
	v53 =	vmul.f32 v8, v14;
	v58 =	vmax.f32 v20, v24;
	v6 =	vmul.f32 $2.000000030e-01, v2  }
0x381: {  	[tilespmem:s24+$0x30] =	vst v52;
	v5 =	vld [tilespmem:s10+$0xFFFFFF20];
	v25 =	vmax.f32 v18, v22;
	v52 =	vmul.f32 v35, v15;
	v61 =	vmul.f32 $2.000000030e-01, v23;
	v35 =	vpop (erf)  }
0x382: {  	[tilespmem:s24+$0x20] =	vst v62;
	v0 =	vmul.f32 $2.000000030e-01, v7;
	v4 =	vld [tilespmem:s10+$0xFFFFFF30];
	v55 =	vmul.f32 v25, v17;
	v26 =	vmax.f32 v19, v1;
	v1, _, _ =	vpop (xrf2)  }
0x383: {  	s20 =	simm.s32 $0xC;
	s23 =	simm.s32 $0x8;
	[tilespmem:s24+$0x40] =	vst v11;
	v51 =	vmax.f32 v2, v6;
	v6 =	vld [tilespmem:s10+$0xFFFFFF40];
	v60 =	vmax.f32 v23, v61;
	v57 =	vmul.f32 v26, v12;
	v2, _, _ =	vpop (xrf2)  }
.LBB2_8:
0x384: {  	v23 =	vld [tilespmem:$0x1FFB0]  }
0x385: {  	v20 =	vld [tilespmem:$0x1FF90]  }
0x386: {  	v21 =	vld [tilespmem:$0x1FFC0]  }
0x387: {  	v22 =	vld [tilespmem:$0x1FFA0];
	_ =	sdelay $0x1  }
0x388: {  	[tilespmem:$0x1FB00] =	vst v33;
	v33 =	vmov v32  }
0x389: {  	v32 =	vmovc v31;
	v31 =	vmovc v30;
	v30 =	vmov v29;
	v29 =	vmov v28;
	v28 =	vimm.s32 $0xF  }
0x38a: {  	v8 =	vld [tilespmem:s10+$0xFFFFFF50];
	v0 =	vmax.f32 v7, v0;
	v9 =	vmul.f32 v51, v23;
	v58 =	vmul.f32 v58, v20  }
0x38b: {  	v24 =	vld [tilespmem:s10+$0xFFFFFF60];
	v3 =	vadd.f32 v3, v46;
	v7 =	vmul.f32 v60, v21;
	v19 =	vmul.f32 v0, v22  }
0x38c: {  	v26 =	vld [tilespmem:s10+$0xFFFFFF70];
	v25 =	vadd.f32 v53, v52;
	v55 =	vadd.f32 v57, v55;
	v0 =	vperm.xlane v1, v28  }
0x38d: {  	v10 =	vld [tilespmem:$0x1FB90];
	v1 =	vmul.f32 $2.000000030e-01, v3;
	v11 =	vadd.f32 v58, v9;
	v7 =	vadd.f32 v19, v7  }
0x38e: {  	v16 =	vld [tilespmem:$0x1FB10]  }
0x38f: {  	v27 =	vld [tilespmem:$0x1FFF0];
	v1 =	vmax.f32 v3, v1;
	v3 =	vadd.f32 v55, v25;
	v7 =	vadd.f32 v7, v11  }
0x390: {  	v62 =	vld [tilespmem:s10+$0xFFFFFFE0]  }
0x391: {  	v12 =	vadd.f32 v7, v3;
	v7 =	vld [tilespmem:$0x1FB20]  }
0x392: {  	v52 =	vld [tilespmem:s26+$0xFFFFFF70]  }
0x393: {  	v53 =	vld [tilespmem:s26+$0xFFFFFF80];
	v5 =	vadd.f32 v5, v47  }
0x394: {  	[tilespmem:s24+$0x50] =	vst v59;
	v14 =	vmov v46;
	v46 =	vld [tilespmem:s26+$0xFFFFFF90];
	(xrf2) =	vadd.scan.msk.f32 $0xffff, v12  }
0x395: {  	[tilespmem:s24+$0x60] =	vst v56;
	v4 =	vadd.f32 v4, v48;
	v51 =	vld [tilespmem:s26+$0xFFFFFF60];
	v15 =	vmul.f32 $2.000000030e-01, v5  }
0x396: {  	[tilespmem:s24+$0x70] =	vst v54;
	v17 =	vmov v47;
	v47 =	vld [tilespmem:s26+$0xFFFFFFA0];
	v59 =	vmov v7;
	v7 =	vmov v48  }
0x397: {  	v18 =	vmul.f32 $2.000000030e-01, v4;
	[tilespmem:$0x1FB20] =	vst v7;
	v7 =	vmax.f32 v5, v15;
	v5 =	vld [tilespmem:$0x1FB30]  }
0x398: {  	[tilespmem:v63+s21+$0x0] =	vst.idx.msk $0x1, v45;
	v45 =	vadd.f32 v26, v52;
	v26 =	vld [tilespmem:$0x1FFE0]  }
0x399: {  	v55 =	vld [tilespmem:s10+$0xFFFFFF80]  }
0x39a: {  	v2 =	vperm.xlane v2, v28;
	v25 =	vld [tilespmem:$0x1FFD0];
	v19 =	vadd.f32 v24, v51  }
0x39b: {  	v6 =	vadd.f32 v6, v49;
	v8 =	vadd.f32 v8, v50;
	v4 =	vmax.f32 v4, v18;
	v18 =	vmovc v50;
	v50 =	vld [tilespmem:s26+$0xFFFFFFD0]  }
0x39c: {  	v2 =	vmul.f32 $1.442695020e+00, v2;
	[tilespmem:$0x1FB10] =	vst v17;
	v17 =	vmul.f32 $2.000000030e-01, v19;
	v15 =	vld [tilespmem:s10+$0xFFFFFF90];
	v63 =	vmovc v5;
	v5 =	vmov v49  }
0x39d: {  	v54 =	vmov v10;
	v13 =	vmul.f32 $2.000000030e-01, v6;
	v12 =	vmul.f32 $2.000000030e-01, v45;
	[tilespmem:$0x1FB30] =	vst v5;
	v5 =	vld [tilespmem:$0x1FB40]  }
0x39e: {  	[tilespmem:$0x1FB90] =	vst v14;
	v14 =	vmul.f32 $2.000000030e-01, v8;
	v0 =	vmul.f32 $1.442695020e+00, v0;
	v24 =	vld [tilespmem:$0x1FF80];
	v19 =	vmax.f32 v19, v17;
	v10, _, _ =	vpop (xrf2)  }
0x39f: {  	v45 =	vmax.f32 v45, v12;
	v9 =	vmul.f32 v19, v21;
	v19 =	vld [tilespmem:s10+$0xFFFFFFD0];
	v10 =	vperm.xlane v10, v28  }
0x3a0: {  	v4 =	vmul.f32 v4, v27;
	v48 =	vld [tilespmem:s26+$0xFFFFFFB0];
	v45 =	vmul.f32 v45, v22  }
0x3a1: {  	v7 =	vmul.f32 v7, v26;
	v58 =	vadd.f32 v15, v46;
	v49 =	vld [tilespmem:s26+$0xFFFFFFC0];
	v10 =	vmul.f32 $1.442695020e+00, v10  }
0x3a2: {  	v3 =	vmovc v5;
	v5 =	vmul.f32 v1, v25;
	v1 =	vmax.f32 v6, v13;
	v6 =	vmax.f32 v8, v14;
	v8 =	vld [tilespmem:s10+$0xFFFFFFA0]  }
0x3a3: {  	[tilespmem:$0x1FB40] =	vst v18;
	v18 =	vmul.f32 $2.000000030e-01, v58;
	v13 =	vadd.f32 v55, v53;
	v14 =	vld [tilespmem:s10+$0xFFFFFFB0];
	(erf) = vpow2.f32 v10  }
0x3a4: {  	v1 =	vmul.f32 v1, v23;
	v17 =	vmul.f32 v6, v20;
	v6 =	vadd.f32 v4, v7;
	v4 =	vld [tilespmem:s10+$0xFFFFFFC0]  }
0x3a5: {  	v56 =	vmov v16;
	v55 =	vld [tilespmem:s26+$0xFFFFFFE0];
	(erf) = vpow2.f32 v0;
	v16 =	vmul.f32 $2.000000030e-01, v13  }
0x3a6: {  	v60 =	vld [tilespmem:s26+$0x10];
	v9 =	vadd.f32 v45, v9;
	v57 =	vmax.f32 v58, v18;
	(erf) = vpow2.f32 v2  }
0x3a7: {  	v11 =	vld [tilespmem:s10+$0xFFFFFFF0];
	v1 =	vadd.f32 v17, v1;
	v7 =	vmax.f32 v13, v16;
	v13 =	vadd.f32 v19, v50  }
0x3a8: {  	v58 =	vld [tilespmem:s26+$0x0];
	v16 =	vmul.f32 v57, v25;
	v8 =	vadd.f32 v8, v47;
	v61 =	vadd.f32 v14, v48  }
0x3a9: {  	v57 =	vld [tilespmem:s26+$0xFFFFFFF0];
	v7 =	vmul.f32 v7, v24;
	v4 =	vadd.f32 v4, v49;
	v18 =	vmul.f32 $2.000000030e-01, v13  }
0x3aa: {  	v2 =	vld [tilespmem:s26+$0x60];
	v19 =	vadd.f32 v62, v55;
	v15 =	vmul.f32 $2.000000030e-01, v8;
	v17 =	vmul.f32 $2.000000030e-01, v61  }
0x3ab: {  	v45 =	vadd.f32 v16, v7;
	v7 =	vadd.f32 v9, v1;
	v9 =	vld [tilespmem:s10+$0x0];
	v12 =	vmul.f32 $2.000000030e-01, v4  }
0x3ac: {  	v8 =	vmax.f32 v8, v15;
	v61 =	vmax.f32 v61, v17;
	v17 =	vmul.f32 $2.000000030e-01, v19;
	v15 =	vld [tilespmem:s10+$0x40]  }
0x3ad: {  	v16 =	vmax.f32 v13, v18;
	v8 =	vmul.f32 v8, v26;
	v1 =	vmul.f32 v61, v27;
	v61 =	vld [tilespmem:s26+$0x40]  }
0x3ae: {  	v11 =	vadd.f32 v11, v57;
	v4 =	vmax.f32 v4, v12;
	v12 =	vmax.f32 v19, v17;
	v19 =	vld [tilespmem:s10+$0x30]  }
0x3af: {  	v10 =	vmul.f32 v16, v20;
	v1 =	vadd.f32 v1, v8;
	v8 =	vld [tilespmem:s10+$0x10]  }
0x3b0: {  	v4 =	vmul.f32 v4, v23;
	v18 =	vmul.f32 $2.000000030e-01, v11;
	v16 =	vpop (erf);
	v17 =	vld [tilespmem:s10+$0x60];
	v9 =	vadd.f32 v9, v58  }
0x3b1: {  	v12 =	vmul.f32 v12, v21;
	v36 =	vmul.f32 v16, v36;
	v13 =	vadd.f32 v1, v45;
	v1 =	vld [tilespmem:s26+$0x30]  }
0x3b2: {  	v62 =	vld [tilespmem:s26+$0x20];
	v37 =	vmul.f32 v16, v37;
	v40 =	vmul.f32 v16, v40;
	v11 =	vmax.f32 v11, v18  }
0x3b3: {  	v45 =	vld [tilespmem:s10+$0x20];
	v14 =	vmul.f32 $2.000000030e-01, v9;
	v11 =	vmul.f32 v11, v22  }
0x3b4: {  	v4 =	vadd.f32 v10, v4;
	[tilespmem:s10+$0x90] =	vst v37;
	v37 =	vmul.f32 v16, v39;
	v8 =	vadd.f32 v8, v60  }
0x3b5: {  	v0 =	vld [tilespmem:s26+$0x50];
	v15 =	vadd.f32 v15, v61;
	v9 =	vmax.f32 v9, v14;
	v11 =	vadd.f32 v11, v12  }
0x3b6: {  	s28 =	sadd.s32 $0x3, s23;
	v12 =	vld [tilespmem:s10+$0x50];
	v17 =	vadd.f32 v17, v2;
	v18 =	vmul.f32 $2.000000030e-01, v8;
	v10 =	vadd.f32 v19, v1  }
0x3b7: {  	[tilespmem:s10+$0xB0] =	vst v37;
	v37 =	vmov s28;
	v9 =	vmul.f32 v9, v24;
	v19 =	vmul.f32 v16, v38  }
0x3b8: {  	v45 =	vadd.f32 v45, v62;
	v38 =	vld [tilespmem:s26+$0xFFFFFF00];
	v8 =	vmax.f32 v8, v18;
	v18 =	vmul.f32 $2.000000030e-01, v10  }
0x3b9: {  	[tilespmem:s10+$0x80] =	vst v36;
	v36 =	vmul.f32 $2.000000030e-01, v15;
	v11 =	vadd.f32 v11, v4;
	v8 =	vmul.f32 v8, v25  }
0x3ba: {  	[tilespmem:s10+$0xC0] =	vst v40;
	v14 =	vmul.f32 $2.000000030e-01, v45;
	v10 =	vmax.f32 v10, v18;
	v18 =	vmul.f32 v16, v41  }
0x3bb: {  	v12 =	vadd.f32 v12, v0;
	[tilespmem:s10+$0xA0] =	vst v19;
	v19 =	vpop (erf);
	v8 =	vadd.f32 v8, v9;
	v9 =	vmul.f32 v16, v42  }
0x3bc: {  	v4 =	vld [tilespmem:s26+$0x70];
	v15 =	vmax.f32 v15, v36;
	v14 =	vmax.f32 v45, v14;
	v54 =	vmul.f32 v19, v54;
	[tilespmem:s10+$0xD0] =	vst v18  }
0x3bd: {  	s24 =	smov.u32 s25;
	v45 =	vld [tilespmem:s10+$0x70];
	v36 =	vmul.f32 $2.000000030e-01, v12;
	v41 =	vadd.f32 v44, v38;
	v3 =	vmul.f32 v19, v3;
	[tilespmem:s10+$0xE0] =	vst v9  }
0x3be: {  	v39 =	vmul.f32 $2.000000030e-01, v17;
	v18 =	vmul.f32 v16, v43;
	[tilespmem:s24+$0xFFFFFF10] =	vst v54  }
0x3bf: {  	v12 =	vmax.f32 v12, v36;
	v44 =	vmul.f32 $2.000000030e-01, v41;
	v54 =	vld [tilespmem:$0x1FBC0];
	[tilespmem:s24+$0xFFFFFF50] =	vst v3  }
0x3c0: {  	v42 =	vmax.f32 v17, v39;
	v9 =	vmul.f32 v15, v23;
	v12 =	vmul.f32 v12, v20;
	v3 =	vld [tilespmem:$0x1FBD0];
	[tilespmem:s10+$0xF0] =	vst v18  }
0x3c1: {  	s26 =	sadd.s32 $0x200, s26;
	v23 =	vmul.f32 v42, v21;
	[tilespmem:v37+s21+$0x0] =	vst.idx.msk $0x1, v16;
	v42 =	vmax.f32 v41, v44;
	v41 =	vld [tilespmem:$0x1FB50]  }
0x3c2: {  	s25 =	smov.u32 s10;
	v14 =	vmul.f32 v14, v26;
	s10 =	sadd.s32 $0x200, s10;
	v40 =	vadd.f32 v45, v4;
	v36 =	vld [tilespmem:s26+$0x80]  }
0x3c3: {  	v20 =	vmul.f32 v19, v56;
	v9 =	vadd.f32 v12, v9;
	v12 =	vld [tilespmem:s10+$0x80];
	v15 =	vmul.f32 v42, v24  }
0x3c4: {  	v10 =	vmul.f32 v10, v27;
	v37 =	vld [tilespmem:s26+$0x90];
	v43 =	vmul.f32 $2.000000030e-01, v40  }
0x3c5: {  	v21 =	vmov v38;
	[tilespmem:s24+$0xFFFFFF20] =	vst v20;
	v16 =	vld [tilespmem:s10+$0x90];
	v5 =	vadd.f32 v5, v15;
	v15 =	vmul.f32 v35, v54  }
0x3c6: {  	v11 =	vadd.f32 v11, v13;
	v3 =	vmul.f32 v35, v3;
	v40 =	vmax.f32 v40, v43;
	v43 =	vld [tilespmem:$0x1FC20];
	[tilespmem:$0x1FC20] =	vst v21  }
0x3c7: {  	v10 =	vadd.f32 v10, v14;
	v38 =	vld [tilespmem:s26+$0xA0];
	v14 =	vmul.f32 v40, v22;
	[tilespmem:s24+$0xFFFFFFC0] =	vst v15  }
0x3c8: {  	(xrf2) =	vadd.scan.msk.f32 $0xffff, v11;
	v42 =	vld [tilespmem:$0x1FB70];
	v22 =	vmul.f32 v19, v59;
	v11 =	vmul.f32 v19, v41;
	v41 =	vmovc v52;
	[tilespmem:s24+$0xFFFFFFD0] =	vst v3  }
0x3c9: {  	v45 =	vpop (erf);
	v5 =	vadd.f32 v6, v5;
	v6 =	vld [tilespmem:$0x1FB60];
	[tilespmem:$0x1FB60] =	vst v41  }
0x3ca: {  	v13 =	vld [tilespmem:s10+$0xA0];
	v52 =	vmul.f32 v45, v31;
	[tilespmem:s24+$0xFFFFFF30] =	vst v22  }
0x3cb: {  	v39 =	vld [tilespmem:s26+$0xB0];
	[tilespmem:s24+$0xFFFFFF60] =	vst v11  }
0x3cc: {  	v17 =	vld [tilespmem:s10+$0xB0];
	v44 =	vadd.f32 v14, v23;
	v23 =	vmul.f32 v19, v63;
	v63 =	vmov v51;
	[tilespmem:s24+$0x20] =	vst v52  }
0x3cd: {  	v59 =	vld [tilespmem:$0x1FBE0];
	v14 =	vmul.f32 v35, v42;
	v5 =	vadd.f32 v7, v5;
	[tilespmem:$0x1FB50] =	vst v63  }
0x3ce: {  	v8 =	vadd.f32 v10, v8;
	v40 =	vld [tilespmem:s26+$0xC0];
	v10 =	vmul.f32 v19, v43;
	[tilespmem:s24+$0xFFFFFF40] =	vst v23  }
0x3cf: {  	v7 =	vld [tilespmem:$0x1FBB0];
	(xrf2) =	vadd.scan.msk.f32 $0xffff, v5;
	v5 =	vmul.f32 v35, v29;
	[tilespmem:s24+$0xFFFFFF80] =	vst v14  }
0x3d0: {  	v42 =	vld [tilespmem:$0x1FBF0];
	v23 =	vmul.f32 v45, v32;
	[tilespmem:s24+$0xFFFFFF00] =	vst v10  }
0x3d1: {  	v41 =	vld [tilespmem:s26+$0xD0];
	v6 =	vmul.f32 v19, v6;
	[tilespmem:s24+$0xFFFFFFF0] =	vst v5  }
0x3d2: {  	v43 =	vld [tilespmem:$0x1FB80];
	v20 =	vmul.f32 v35, v59;
	[tilespmem:s24+$0x40] =	vst v23  }
0x3d3: {  	v9 =	vadd.f32 v44, v9;
	v44 =	vld [tilespmem:$0x1FBA0];
	[tilespmem:s24+$0xFFFFFF70] =	vst v6  }
0x3d4: {  	v56 =	vmov s23;
	v63 =	vld [tilespmem:$0x1FC00];
	v7 =	vmul.f32 v35, v7;
	[tilespmem:s24+$0xFFFFFFE0] =	vst v20  }
0x3d5: {  	s28 =	sadd.s32 $0x1, s22;
	v18 =	vand.u32 $0xFFFFFFFC, v56;
	v51 =	vld [tilespmem:s10+$0xC0];
	v11 =	vmul.f32 v45, v42;
	[tilespmem:v34+s21+$0x0] =	vst.idx.msk $0x1, v19  }
0x3d6: {  	v54 =	vmov s28;
	v8 =	vadd.f32 v9, v8;
	v6 =	vmul.f32 v45, v30;
	v42 =	vld [tilespmem:s26+$0xE0];
	[tilespmem:s24+$0xFFFFFFB0] =	vst v7  }
0x3d7: {  	v13 =	vadd.f32 v13, v38;
	v59 =	vmul.f32 v45, v33;
	v19 =	vld [tilespmem:s10+$0xF0];
	v9 =	vmul.f32 v35, v43;
	[tilespmem:s24+$0x0] =	vst v11  }
0x3d8: {  	v10 =	vmul.f32 v35, v44;
	v43 =	vmov v53;
	v44 =	vmov v46;
	v53 =	vld [tilespmem:s10+$0xD0];
	v46, _, _ =	vpop (xrf2);
	[tilespmem:s24+$0x10] =	vst v6  }
0x3d9: {  	v14 =	vadd.f32 v17, v39;
	v22 =	vmul.f32 v45, v63;
	v3 =	vld [tilespmem:s10+$0xFFFFFF10];
	[tilespmem:$0x1FB70] =	vst v43;
	v30 =	vperm.xlane v46, v28  }
0x3da: {  	v34 =	vand.u32 $0xFFFFFFFD, v54;
	(xrf2) =	vadd.scan.msk.f32 $0xffff, v8;
	v5 =	vld [tilespmem:s10+$0xFFFFFF20];
	[tilespmem:$0x1FB80] =	vst v44;
	v8 =	vmovc v47;
	v47 =	vmov v48  }
0x3db: {  	v44 =	vld [tilespmem:$0x1FB00];
	v48 =	vmovc v49;
	v49 =	vmovc v50;
	v50 =	vmov v55;
	v55 =	vmul.f32 $2.000000030e-01, v13;
	[tilespmem:s24+$0xFFFFFF90] =	vst v9;
	v63 =	vmul.f32 $1.442695020e+00, v30  }
0x3dc: {  	v31 =	vmovc v61;
	v46 =	vld [tilespmem:$0x1FC10];
	v28 =	vmovc v57;
	[tilespmem:s24+$0xFFFFFFA0] =	vst v10;
	v9 =	vbroadcast v34, $0x0;
	v34 =	vbroadcast v18, $0x0;
	v10 =	vadd.f32 v12, v36  }
0x3dd: {  	s28 =	sadd.s32 $0x2, s22;
	v57 =	vmovc v58;
	[tilespmem:$0x1FBA0] =	vst v8;
	v8 =	vld [tilespmem:s10+$0xE0];
	v12 =	vadd.f32 v16, v37;
	v16 =	vadd.f32 v51, v40;
	(erf) = vpow2.f32 v63  }
0x3de: {  	v32 =	vmovc v0;
	v0 =	vmovc v4;
	v4 =	vld [tilespmem:s10+$0xFFFFFF30];
	[tilespmem:$0x1FBF0] =	vst v57;
	v57 =	vmul.f32 $2.000000030e-01, v14;
	v30 =	vmov s28;
	v61 =	vmax.f32 v13, v55  }
0x3df: {  	v29 =	vmovc v60;
	v43 =	vld [tilespmem:s26+$0xF0];
	[tilespmem:$0x1FC10] =	vst v0;
	v7 =	vand.u32 $0xFFFFFFFE, v30;
	v60 =	vmul.f32 $2.000000030e-01, v10;
	v51 =	vmul.f32 $2.000000030e-01, v16  }
0x3e0: {  	v33 =	vmov v2;
	v6 =	vld [tilespmem:s10+$0xFFFFFF40];
	[tilespmem:$0x1FBB0] =	vst v47;
	v55 =	vmul.f32 v61, v26;
	v63 =	vbroadcast v7, $0x0  }
0x3e1: {  	p0 =	slt.u32 s20, $0x4C;
	[tilespmem:$0x1FBC0] =	vst v48;
	v47 =	vld [tilespmem:s26+$0xFFFFFF20];
	v17 =	vadd.f32 v53, v41;
	v56 =	vmul.f32 v45, v44;
	v54 =	vmul.f32 v45, v46  }
.Ltmp6:
0x3e2: {  	[tilespmem:$0x1FBD0] =	vst v49;
	v48 =	vld [tilespmem:s26+$0xFFFFFF30];
	v30 =	vmovc v62;
	v62 =	vmul.f32 $2.000000030e-01, v12;
	v10 =	vmax.f32 v10, v60;
	v8 =	vadd.f32 v8, v42;
	(pc) =	sbr.rel @p0 .LBB2_8-.Ltmp6, $4  }
0x3e3: {  	[tilespmem:$0x1FBE0] =	vst v50;
	v49 =	vld [tilespmem:s26+$0xFFFFFF40];
	v51 =	vmax.f32 v16, v51;
	v7 =	vmovc v1;
	v58 =	vmul.f32 $2.000000030e-01, v17;
	v52 =	vmul.f32 v10, v24  }
0x3e4: {  	v50 =	vld [tilespmem:s26+$0xFFFFFF50];
	v1, _, _ =	vpop (xrf2);
	[tilespmem:$0x1FC00] =	vst v7;
	v7 =	vadd.f32 v19, v43;
	v60 =	vmax.f32 v12, v62;
	v21 =	vmul.f32 $2.000000030e-01, v8  }
0x3e5: {  	[tilespmem:s24+$0x30] =	vst v22;
	v44 =	vld [tilespmem:s10+$0xFFFFFF00];
	v62 =	vmax.f32 v14, v57;
	v53 =	vmul.f32 v60, v25;
	v58 =	vmax.f32 v17, v58;
	v2, _, _ =	vpop (xrf2)  }
0x3e6: {  	s22 =	smov.u32 s23;
	s23 =	smov.u32 s20;
	s20 =	sadd.s32 $0x4, s20;
	v46 =	vld [tilespmem:s26+$0xFFFFFF10];
	[tilespmem:v9+s21+$0x0] =	vst.idx.msk $0x1, v35;
	v57 =	vmul.f32 v62, v27;
	v0 =	vmul.f32 $2.000000030e-01, v7;
	v60 =	vmax.f32 v8, v21;
	v35 =	vpop (erf)  }
0x3e7: {  	v14 =	vld [tilespmem:s26+$0xFFFFFF60];
	_ =	sdelay $0x2  }
0x3e8: {  	v61 =	vld [tilespmem:$0x1FF90]  }
0x3e9: {  	v62 =	vld [tilespmem:$0x1FFB0]  }
0x3ea: {  	v10 =	vadd.f32 v53, v52;
	v53 =	vld [tilespmem:s10+$0xFFFFFF50];
	[tilespmem:$0x1FAB0] =	vst v14  }
0x3eb: {  	v16 =	vld [tilespmem:s26+$0xFFFFFF70]  }
0x3ec: {  	v24 =	vld [tilespmem:$0x1FFA0]  }
0x3ed: {  	v9 =	vmul.f32 v58, v61;
	v58 =	vld [tilespmem:$0x1FFC0];
	_ =	sdelay $0x2  }
0x3ee: {  	v11 =	vadd.f32 v57, v55;
	v55 =	vld [tilespmem:s10+$0xFFFFFF60];
	[tilespmem:$0x1FAC0] =	vst v16  }
0x3ef: {  	v0 =	vmax.f32 v7, v0;
	v8 =	vmul.f32 v51, v62;
	v15 =	vld [tilespmem:s26+$0xFFFFFF80]  }
0x3f0: {  	v0 =	vmul.f32 v0, v24;
	v51 =	vmul.f32 v60, v58;
	_ =	sdelay $0x1  }
0x3f1: {  	v8 =	vadd.f32 v9, v8;
	v0 =	vadd.f32 v0, v51;
	_ =	sdelay $0x1  }
0x3f2: {  	v52 =	vadd.f32 v11, v10;
	v57 =	vld [tilespmem:s10+$0xFFFFFF70];
	v0 =	vadd.f32 v0, v8;
	[tilespmem:$0x1FAD0] =	vst v15  }
0x3f3: {  	v17 =	vld [tilespmem:s26+$0xFFFFFF90]  }
0x3f4: {  	v0 =	vadd.f32 v0, v52;
	_ =	sdelay $0x1  }
0x3f5: {  	(xrf2) =	vadd.scan.msk.f32 $0xffff, v0;
	_ =	sdelay $0x1  }
0x3f6: {  	v5 =	vadd.f32 v5, v47;
	v60 =	vld [tilespmem:s10+$0xFFFFFF80];
	[tilespmem:$0x1FAE0] =	vst v17  }
0x3f7: {  	v18 =	vld [tilespmem:s26+$0xFFFFFFA0]  }
0x3f8: {  	v21 =	vmul.f32 $2.000000030e-01, v5;
	v0 =	vadd.f32 v57, v16  }
0x3f9: {  	v25 =	vld [tilespmem:$0x1FFE0];
	v6 =	vadd.f32 v6, v49  }
0x3fa: {  	v3 =	vadd.f32 v3, v46;
	v5 =	vmax.f32 v5, v21;
	v21 =	vmul.f32 $2.000000030e-01, v0;
	v12 =	vld [tilespmem:s10+$0xFFFFFF90]  }
0x3fb: {  	v4 =	vadd.f32 v4, v48;
	v27 =	vimm.s32 $0xF;
	v13 =	vmul.f32 $2.000000030e-01, v6;
	v57 =	vld [tilespmem:$0x1FFF0]  }
0x3fc: {  	v20 =	vmul.f32 $2.000000030e-01, v3;
	v7 =	vadd.f32 v55, v14;
	v0 =	vmax.f32 v0, v21;
	v21 =	vld [tilespmem:$0x1FFD0];
	[tilespmem:$0x1FAF0] =	vst v18  }
0x3fd: {  	v22 =	vmul.f32 $2.000000030e-01, v4;
	v6 =	vmax.f32 v6, v13;
	v8 =	vadd.f32 v53, v50;
	v51 =	vld [tilespmem:s10+$0xFFFFFFA0]  }
0x3fe: {  	v5 =	vmul.f32 v5, v25;
	v3 =	vmax.f32 v3, v20;
	v14 =	vmul.f32 $2.000000030e-01, v7;
	v19, _, _ =	vpop (xrf2);
	v26 =	vld [tilespmem:s26+$0xFFFFFFB0]  }
0x3ff: {  	v23 =	vmul.f32 $2.000000030e-01, v8;
	v12 =	vadd.f32 v12, v17;
	v13 =	vperm.xlane v19, v27;
	v20 =	vld [tilespmem:s10+$0xFFFFFFB0]  }
0x400: {  	v6 =	vmul.f32 v6, v62;
	v7 =	vmax.f32 v7, v14;
	v9 =	vadd.f32 v60, v15;
	v60 =	vld [tilespmem:s26+$0xFFFFFFC0]  }
0x401: {  	v8 =	vmax.f32 v8, v23;
	v14 =	vld [tilespmem:s10+$0xFFFFFFC0];
	v13 =	vmul.f32 $1.442695020e+00, v13;
	v17 =	vmul.f32 $2.000000030e-01, v12  }
0x402: {  	v4 =	vmax.f32 v4, v22;
	v7 =	vmul.f32 v7, v58;
	v8 =	vmul.f32 v8, v61;
	v55 =	vld [tilespmem:s26+$0xFFFFFFD0]  }
0x403: {  	v4 =	vmul.f32 v4, v57;
	v16 =	vmax.f32 v12, v17;
	(erf) = vpow2.f32 v13;
	v17 =	vld [tilespmem:s10+$0xFFFFFFD0]  }
0x404: {  	v0 =	vmul.f32 v0, v24;
	v22 =	vmul.f32 $2.000000030e-01, v9;
	v10 =	vadd.f32 v51, v18;
	v51 =	vld [tilespmem:$0x1FF80]  }
0x405: {  	v1 =	vperm.xlane v1, v27;
	v6 =	vadd.f32 v8, v6;
	v53 =	vld [tilespmem:s26+$0xFFFFFFE0]  }
0x406: {  	v11 =	vadd.f32 v4, v5;
	v0 =	vadd.f32 v0, v7;
	v23 =	vmax.f32 v9, v22;
	v52 =	vld [tilespmem:s26+$0xFFFFFFF0]  }
0x407: {  	v13 =	vld [tilespmem:s10+$0xFFFFFFE0];
	v5 =	vmul.f32 v16, v21;
	v19 =	vadd.f32 v20, v26;
	v22 =	vmul.f32 $2.000000030e-01, v10  }
0x408: {  	v7 =	vadd.f32 v14, v60;
	[tilespmem:s24+$0x50] =	vst v59;
	v59 =	vmul.f32 $1.442695020e+00, v1;
	v16 =	vadd.f32 v17, v55;
	v17 =	vld [tilespmem:s10+$0xFFFFFFF0]  }
0x409: {  	[tilespmem:s24+$0x60] =	vst v56;
	v8 =	vmax.f32 v10, v22;
	v4 =	vmul.f32 v23, v51;
	v23 =	vmul.f32 $2.000000030e-01, v19  }
0x40a: {  	v14 =	vadd.f32 v0, v6;
	[tilespmem:s24+$0x70] =	vst v54;
	v8 =	vmul.f32 v8, v25;
	v22 =	vmul.f32 $2.000000030e-01, v16  }
0x40b: {  	[tilespmem:v63+s21+$0x0] =	vst.idx.msk $0x1, v45;
	v4 =	vadd.f32 v5, v4;
	v18 =	vmax.f32 v19, v23;
	v19 =	vmul.f32 $2.000000030e-01, v7  }
0x40c: {  	v23 =	vadd.f32 v13, v53;
	v5 =	vmax.f32 v16, v22;
	v15 =	vpop (erf);
	v20 =	vmul.f32 v18, v57  }
0x40d: {  	v6 =	vld [tilespmem:s26+$0xFFFFFF00];
	v56 =	vadd.f32 v17, v52;
	v5 =	vmul.f32 v5, v61;
	v45 =	vmul.f32 v15, v37  }
0x40e: {  	v54 =	vmul.f32 v15, v38;
	v39 =	vmul.f32 v15, v39;
	v7 =	vmax.f32 v7, v19  }
0x40f: {  	v18 =	vmul.f32 $2.000000030e-01, v23;
	v19 =	vmul.f32 v7, v62;
	[tilespmem:s10+$0x90] =	vst v45  }
0x410: {  	v8 =	vadd.f32 v20, v8;
	v22 =	vmul.f32 $2.000000030e-01, v56;
	[tilespmem:s10+$0xA0] =	vst v54;
	v45 =	vmul.f32 v15, v42  }
0x411: {  	s20 =	sadd.s32 $0x3, s23;
	[tilespmem:s10+$0xB0] =	vst v39;
	v54 =	vmul.f32 v15, v43;
	v20 =	vmax.f32 v23, v18;
	v23 =	vmul.f32 v15, v36  }
0x412: {  	v36 =	vmax.f32 v56, v22;
	v56 =	vadd.f32 v44, v6;
	v44 =	vmov s20;
	[tilespmem:s10+$0xE0] =	vst v45  }
0x413: {  	(erf) = vpow2.f32 v59;
	v16 =	vadd.f32 v5, v19;
	v19 =	vmul.f32 v15, v40;
	[tilespmem:s10+$0xF0] =	vst v54  }
0x414: {  	v22 =	vmul.f32 v15, v41;
	[tilespmem:s10+$0x80] =	vst v23  }
0x415: {  	[tilespmem:s10+$0xC0] =	vst v19  }
0x416: {  	[tilespmem:s10+$0xD0] =	vst v22  }
0x417: {  	v5 =	vmul.f32 v20, v58;
	v20 =	vmul.f32 $2.000000030e-01, v56;
	[tilespmem:v44+s21+$0x0] =	vst.idx.msk $0x1, v15  }
0x418: {  	v17 =	vmul.f32 v3, v21;
	v40 =	vld [tilespmem:$0x1FC20]  }
0x419: {  	v63 =	vmul.f32 v36, v24;
	v12 =	vmax.f32 v56, v20;
	v19 =	vld [tilespmem:$0x1FB90]  }
0x41a: {  	v12 =	vmul.f32 v12, v51  }
0x41b: {  	v18 =	vadd.f32 v63, v5  }
0x41c: {  	v12 =	vadd.f32 v17, v12;
	v17 =	vpop (erf)  }
0x41d: {  	v16 =	vadd.f32 v18, v16;
	v18 =	vmul.f32 v17, v40  }
0x41e: {  	v19 =	vmul.f32 v17, v19  }
0x41f: {  	[tilespmem:s25+$0xFFFFFF00] =	vst v18  }
0x420: {  	v42 =	vld [tilespmem:$0x1FB10];
	[tilespmem:s25+$0xFFFFFF10] =	vst v19  }
0x421: {  	v45 =	vld [tilespmem:$0x1FB20];
	_ =	sdelay $0x1  }
0x422: {  	v8 =	vadd.f32 v8, v4  }
0x423: {  	v11 =	vadd.f32 v11, v12  }
0x424: {  	v8 =	vadd.f32 v16, v8;
	v16 =	vmul.f32 v17, v42  }
0x425: {  	v43 =	vadd.f32 v14, v11;
	v14 =	vmul.f32 v17, v45  }
0x426: {  	[tilespmem:s25+$0xFFFFFF20] =	vst v16  }
0x427: {  	v16 =	vld [tilespmem:$0x1FB30];
	[tilespmem:s25+$0xFFFFFF30] =	vst v14  }
0x428: {  	v14 =	vld [tilespmem:$0x1FB40];
	_ =	sdelay $0x3  }
0x429: {  	v16 =	vmul.f32 v17, v16  }
0x42a: {  	v9 =	vld [tilespmem:s10+$0x10];
	v14 =	vmul.f32 v17, v14  }
0x42b: {  	v0 =	vld [tilespmem:s26+$0x0];
	[tilespmem:s25+$0xFFFFFF40] =	vst v16  }
0x42c: {  	v18 =	vld [tilespmem:$0x1FB50];
	[tilespmem:s25+$0xFFFFFF50] =	vst v14  }
0x42d: {  	v19 =	vld [tilespmem:$0x1FB60]  }
0x42e: {  	v59 =	vld [tilespmem:s10+$0x20]  }
0x42f: {  	v13 =	vld [tilespmem:s10+$0x0]  }
0x430: {  	v10 =	vperm.xlane v2, v27;
	v2 =	vld [tilespmem:s26+$0x20]  }
0x431: {  	v1 =	vld [tilespmem:s26+$0x10];
	v18 =	vmul.f32 v17, v18  }
0x432: {  	v3 =	vld [tilespmem:s26+$0x30];
	v19 =	vmul.f32 v17, v19  }
0x433: {  	v4 =	vld [tilespmem:s26+$0x40];
	[tilespmem:s25+$0xFFFFFF60] =	vst v18  }
0x434: {  	v13 =	vadd.f32 v13, v0;
	v23 =	vld [tilespmem:s10+$0x30];
	[tilespmem:s25+$0xFFFFFF70] =	vst v19  }
0x435: {  	v7 =	vadd.f32 v59, v2;
	v22 =	vld [tilespmem:s10+$0x40];
	[tilespmem:v34+s21+$0x0] =	vst.idx.msk $0x1, v17  }
0x436: {  	v9 =	vadd.f32 v9, v1;
	v41 =	vmul.f32 $2.000000030e-01, v13;
	v38 =	vld [tilespmem:$0x1FB70]  }
0x437: {  	v36 =	vld [tilespmem:s26+$0x60];
	v63 =	vmul.f32 $2.000000030e-01, v7  }
0x438: {  	v13 =	vmax.f32 v13, v41;
	v56 =	vmul.f32 $2.000000030e-01, v9;
	v41 =	vld [tilespmem:s10+$0x60]  }
0x439: {  	v15 =	vmax.f32 v7, v63;
	v7 =	vld [tilespmem:s26+$0x70]  }
0x43a: {  	v9 =	vmax.f32 v9, v56;
	v39 =	vld [tilespmem:$0x1FB80]  }
0x43b: {  	v56 =	vadd.f32 v22, v4;
	v22 =	vmul.f32 v15, v25;
	v40 =	vld [tilespmem:$0x1FBA0];
	v15 =	vmul.f32 v35, v38  }
0x43c: {  	v17 =	vld [tilespmem:$0x1FBB0]  }
0x43d: {  	v10 =	vmul.f32 $1.442695020e+00, v10;
	v44 =	vld [tilespmem:s10+$0x70];
	[tilespmem:s25+$0xFFFFFF80] =	vst v15  }
0x43e: {  	v19 =	vld [tilespmem:$0x1FBC0]  }
0x43f: {  	(erf) = vpow2.f32 v10;
	v14 =	vmul.f32 v35, v39  }
0x440: {  	v59 =	vmul.f32 v13, v51;
	v16 =	vmul.f32 v35, v40  }
0x441: {  	v54 =	vadd.f32 v23, v3;
	v9 =	vmul.f32 v9, v21;
	v17 =	vmul.f32 v35, v17;
	[tilespmem:s25+$0xFFFFFF90] =	vst v14  }
0x442: {  	v5 =	vld [tilespmem:s26+$0x50];
	v63 =	vmul.f32 $2.000000030e-01, v56;
	v12 =	vadd.f32 v41, v36;
	v11 =	vadd.f32 v44, v7;
	[tilespmem:s25+$0xFFFFFFA0] =	vst v16  }
0x443: {  	v13 =	vld [tilespmem:s10+$0x50];
	v9 =	vadd.f32 v9, v59;
	v59 =	vmul.f32 $2.000000030e-01, v54;
	[tilespmem:s25+$0xFFFFFFB0] =	vst v17;
	v19 =	vmul.f32 v35, v19  }
0x444: {  	(xrf2) =	vadd.scan.msk.f32 $0xffff, v8;
	v10 =	vmax.f32 v56, v63;
	v23 =	vmul.f32 $2.000000030e-01, v12;
	v37 =	vmul.f32 $2.000000030e-01, v11;
	v56 =	vld [tilespmem:$0x1FBD0]  }
0x445: {  	v8 =	vmax.f32 v54, v59;
	(xrf2) =	vadd.scan.msk.f32 $0xffff, v43;
	[tilespmem:s25+$0xFFFFFFC0] =	vst v19  }
0x446: {  	v8 =	vmul.f32 v8, v57;
	v12 =	vmax.f32 v12, v23;
	v11 =	vmax.f32 v11, v37;
	v63 =	vld [tilespmem:$0x1FBE0]  }
0x447: {  	v12 =	vmul.f32 v12, v58;
	v11 =	vmul.f32 v11, v24  }
0x448: {  	v13 =	vadd.f32 v13, v5  }
0x449: {  	v8 =	vadd.f32 v8, v22;
	v11 =	vadd.f32 v11, v12;
	v12 =	vmul.f32 v35, v56  }
0x44a: {  	s28 =	sadd.s32 $0x1, s22;
	v20 =	vmul.f32 $2.000000030e-01, v13;
	v15 =	vmul.f32 v35, v28  }
0x44b: {  	v8 =	vadd.f32 v8, v9;
	v42 =	vmov s28;
	[tilespmem:s25+$0xFFFFFFD0] =	vst v12;
	v9 =	vmul.f32 v35, v63  }
0x44c: {  	v10 =	vmul.f32 v10, v62;
	v13 =	vmax.f32 v13, v20;
	v43 =	vand.u32 $0xFFFFFFFD, v42;
	[tilespmem:s25+$0xFFFFFFF0] =	vst v15  }
0x44d: {  	v13 =	vmul.f32 v13, v61;
	v45 =	vbroadcast v43, $0x0;
	[tilespmem:s25+$0xFFFFFFE0] =	vst v9  }
0x44e: {  	v41, _, _ =	vpop (xrf2);
	v17 =	vld [tilespmem:$0x1FBF0]  }
0x44f: {  	v10 =	vadd.f32 v13, v10;
	v44, _, _ =	vpop (xrf2);
	v18 =	vperm.xlane v41, v27  }
0x450: {  	v54 =	vperm.xlane v44, v27  }
0x451: {  	v10 =	vadd.f32 v11, v10;
	v59 =	vmul.f32 $1.442695020e+00, v18;
	v16 =	vpop (erf)  }
0x452: {  	v14 =	vmul.f32 $1.442695020e+00, v54;
	v18 =	vmul.f32 v16, v29  }
0x453: {  	v8 =	vadd.f32 v10, v8;
	(erf) = vpow2.f32 v59;
	[tilespmem:v45+s21+$0x0] =	vst.idx.msk $0x1, v35;
	v10 =	vmul.f32 v16, v17  }
0x454: {  	(erf) = vpow2.f32 v14;
	[tilespmem:s25+$0x10] =	vst v18  }
0x455: {  	[tilespmem:s25+$0x0] =	vst v10  }
0x456: {  	v11 =	vld [tilespmem:$0x1FC00];
	_ =	sdelay $0x2  }
0x457: {  	v19 =	vmul.f32 v16, v30  }
0x458: {  	v22 =	vmul.f32 v16, v31  }
0x459: {  	[tilespmem:s25+$0x20] =	vst v19;
	v11 =	vmul.f32 v16, v11  }
0x45a: {  	(xrf2) =	vadd.scan.msk.f32 $0xffff, v8;
	v23 =	vmul.f32 v16, v32;
	v32 =	vmul.f32 v16, v33;
	v33 =	vpop (erf);
	[tilespmem:s25+$0x40] =	vst v22  }
0x45b: {  	s22 =	sadd.s32 $0x2, s22;
	v34 =	vpop (erf);
	[tilespmem:s25+$0x30] =	vst v11  }
0x45c: {  	v20 =	vmov s22;
	v6 =	vmul.f32 v34, v6;
	v12 =	vld [tilespmem:$0x1FC10];
	[tilespmem:s25+$0x50] =	vst v23  }
0x45d: {  	v37 =	vmul.f32 v34, v46;
	v10 =	vand.u32 $0xFFFFFFFE, v20;
	[tilespmem:s25+$0x60] =	vst v32  }
0x45e: {  	v39 =	vmul.f32 v34, v47;
	v10 =	vbroadcast v10, $0x0;
	[tilespmem:s10+$0xFFFFFF00] =	vst v6  }
0x45f: {  	v41 =	vmul.f32 v34, v48;
	[tilespmem:s10+$0xFFFFFF10] =	vst v37  }
0x460: {  	v43 =	vmul.f32 v34, v49;
	[tilespmem:s10+$0xFFFFFF20] =	vst v39  }
0x461: {  	[tilespmem:s10+$0xFFFFFF30] =	vst v41;
	v12 =	vmul.f32 v16, v12  }
0x462: {  	[tilespmem:s10+$0xFFFFFF40] =	vst v43  }
0x463: {  	v44 =	vmul.f32 v34, v50;
	[tilespmem:s25+$0x70] =	vst v12  }
0x464: {  	v40, _, _ =	vpop (xrf2);
	[tilespmem:v10+s21+$0x0] =	vst.idx.msk $0x1, v16  }
0x465: {  	v42 =	vperm.xlane v40, v27;
	v10 =	vld [tilespmem:$0x1FAB0];
	[tilespmem:s10+$0xFFFFFF50] =	vst v44  }
0x466: {  	v35 =	vmov s23;
	v12 =	vld [tilespmem:$0x1FAC0]  }
0x467: {  	v9 =	vmul.f32 $1.442695020e+00, v42;
	v38 =	vand.u32 $0xFFFFFFFC, v35  }
0x468: {  	v6 =	vbroadcast v38, $0x0  }
0x469: {  	(erf) = vpow2.f32 v9  }
0x46a: {  	v10 =	vmul.f32 v34, v10  }
0x46b: {  	v12 =	vmul.f32 v34, v12  }
0x46c: {  	[tilespmem:s10+$0xFFFFFF60] =	vst v10  }
0x46d: {  	[tilespmem:s10+$0xFFFFFF70] =	vst v12  }
0x46e: {  	v47 =	vmul.f32 v33, v26;
	v45 =	vld [tilespmem:$0x1FAD0];
	[tilespmem:v6+s21+$0x0] =	vst.idx.msk $0x1, v34  }
0x46f: {  	v48 =	vmul.f32 v33, v60;
	v6 =	vld [tilespmem:$0x1FAE0]  }
0x470: {  	v49 =	vmul.f32 v33, v55;
	v8 =	vld [tilespmem:$0x1FAF0];
	[tilespmem:s10+$0xFFFFFFB0] =	vst v47  }
0x471: {  	v50 =	vmul.f32 v33, v53;
	[tilespmem:s10+$0xFFFFFFC0] =	vst v48  }
0x472: {  	v52 =	vmul.f32 v33, v52;
	v53 =	vpop (erf);
	[tilespmem:s10+$0xFFFFFFD0] =	vst v49  }
0x473: {  	v0 =	vmul.f32 v53, v0;
	[tilespmem:s10+$0xFFFFFFE0] =	vst v50  }
0x474: {  	v1 =	vmul.f32 v53, v1;
	[tilespmem:s10+$0xFFFFFFF0] =	vst v52  }
0x475: {  	v2 =	vmul.f32 v53, v2;
	[tilespmem:s10+$0x0] =	vst v0  }
0x476: {  	v55 =	vmul.f32 v53, v3;
	[tilespmem:s10+$0x10] =	vst v1  }
0x477: {  	v56 =	vmul.f32 v53, v4;
	s25 =	sadd.s32 $0x2, s23;
	[tilespmem:s10+$0x20] =	vst v2  }
0x478: {  	s24 =	sadd.s32 $0x1, s23;
	v54 =	vmov s25;
	[tilespmem:s10+$0x30] =	vst v55;
	v9 =	vmul.f32 v33, v45  }
0x479: {  	v46 =	vmov s24;
	v59 =	vmul.f32 v53, v5;
	v0 =	vand.u32 $0xFFFFFFFE, v54;
	[tilespmem:s10+$0x40] =	vst v56  }
0x47a: {  	v60 =	vmul.f32 v53, v36;
	v0 =	vbroadcast v0, $0x0;
	[tilespmem:s10+$0xFFFFFF80] =	vst v9;
	v9 =	vand.u32 $0xFFFFFFFD, v46  }
0x47b: {  	v63 =	vmul.f32 v53, v7;
	[tilespmem:s10+$0x50] =	vst v59;
	v9 =	vbroadcast v9, $0x0  }
0x47c: {  	[tilespmem:s10+$0x60] =	vst v60;
	v6 =	vmul.f32 v33, v6  }
0x47d: {  	[tilespmem:s10+$0x70] =	vst v63;
	v8 =	vmul.f32 v33, v8  }
0x47e: {  	[tilespmem:s10+$0xFFFFFF90] =	vst v6  }
0x47f: {  	[tilespmem:s10+$0xFFFFFFA0] =	vst v8  }
0x480: {  	[tilespmem:v0+s21+$0x0] =	vst.idx.msk $0x1, v53  }
0x481: {  	[tilespmem:v9+s21+$0x0] =	vst.idx.msk $0x1, v33  }
0x482: {  	[spmem:s4] =	stream.indirect.scatter.add.f32 [tilespmem:s12], [sflag:$0x9], $0x80, s11, s3, $0xb8;
	[tilespmem:$0x1DE48] =	vst v63  }
0x483: {  	_ =	swait.ge [sflag:s19], $0x2800  }
0x484: {  	[sflag:s19] =	ssyncset.done $0x0  }
0x485: {  	[sflag:s19] =	ssyncadd.s32 $0xFFFFD800  }
0x486: {  	[spmem:s5] =	stream.indirect.scatter.add.f32 [tilespmem:s21], [sflag:$0x9], $0x1, s11, s3, $0xb8;
	[tilespmem:$0x1DE48] =	vst v63  }
0x487: {  	_ =	swait.ge [sflag:s19], $0x50  }
0x488: {  	[sflag:s19] =	ssyncset.done $0x0  }
0x489: {  	p0 =	seq.s32 s30, $0x1E;
	[sflag:s19] =	ssyncadd.s32 $0xFFFFFFB0  }
0x48a: {  	p1 =	sgt.u32 @!p0 s30, $0x1E;
	_ =	swait.ge [sflag:s1], $0xA0  }
0x48b: {  	p1 =	por p0, !p1;
	[sflag:s1] =	ssyncset.done $0x0  }
0x48c: {  	s26 =	simm.s32 $0x260;
	s28 =	simm.s32 $0x2B00;
	[sflag:s1] =	ssyncadd.s32 $0xFFFFFF60  }
0x48d: {  	[tilespmem:s28], [sflag:$0x2] =	stream.indirect.gather [hbm4b:s0+s3], $0x80, s26, s3, $0xb8;
	[tilespmem:$0x1DE48] =	vst v63  }
.Ltmp7:
0x48e: {  	s10 =	sadd.s32 @!p0 s31, s29;
	(pc) =	sbr.rel @!p1 .LBB2_15-.Ltmp7, $4  }
0x48f: {  	s10 =	smul.u32 @!p0 $0x14, s10  }
0x490: {  	[tilespmem:s12], [sflag:$0x4] =	stream.indirect.gather [hbm4b:s7+s3], $0x80, s9, s3, $0xb8;
	[tilespmem:$0x1DE48] =	vst v63  }
0x491: {  	s20 =	simm.s32 @!p0 $0x0;
	s22 =	simm.s32 @!p0 $0x120;
	v27 =	vmovc v21;
	v28 =	vmov v25;
	v29 =	vmov v62;
	v26 =	vmov v51;
	s10 =	sadd.s32 @!p0 s8, s10  }
0x492: {  	v35 =	vmovc v61;
	v36 =	vmovc v58;
	v37 =	vmov v24;
	v34 =	vmov v57;
	v52 =	vimm.s32 $0xF;
	[tilespmem:s22], [sflag:$0x6] =	stream.linear.gather @!p0 [hbm4b:s10+s20], $0xA0, $0x38;
	[tilespmem:$0x1DE48] =	vst v63  }
0x493: {  	_ =	swait.ge [sflag:s13], $0x2800  }
0x494: {  	[sflag:s13] =	ssyncset.done $0x0  }
0x495: {  	[sflag:s13] =	ssyncadd.s32 $0xFFFFD800  }
0x496: {  	_ =	swait.ge [sflag:s14], $0x2800  }
0x497: {  	[sflag:s14] =	ssyncset.done $0x0  }
0x498: {  	s10 =	simm.s32 $0x400;
	[sflag:s14] =	ssyncadd.s32 $0xFFFFD800  }
0x499: {  	s24 =	simm.s32 $0x5400;
	v30 =	vld [tilespmem:s10+$0x80]  }
0x49a: {  	v1 =	vld [tilespmem:s24+$0x80]  }
0x49b: {  	v32 =	vld [tilespmem:s10+$0x90]  }
0x49c: {  	v2 =	vld [tilespmem:s24+$0x90]  }
0x49d: {  	v31 =	vld [tilespmem:s10+$0xA0]  }
0x49e: {  	v3 =	vld [tilespmem:s24+$0xA0]  }
0x49f: {  	v33 =	vld [tilespmem:s10+$0xB0]  }
0x4a0: {  	v4 =	vld [tilespmem:s24+$0xB0]  }
0x4a1: {  	v42 =	vld [tilespmem:s10+$0xC0]  }
0x4a2: {  	v5 =	vld [tilespmem:s24+$0xC0]  }
0x4a3: {  	v43 =	vld [tilespmem:s10+$0xD0]  }
0x4a4: {  	v6 =	vld [tilespmem:s24+$0xD0]  }
0x4a5: {  	v38 =	vld [tilespmem:s10+$0xFFFFFF10]  }
0x4a6: {  	v45 =	vld [tilespmem:s10+$0xE0]  }
0x4a7: {  	v7 =	vld [tilespmem:s24+$0xE0]  }
0x4a8: {  	v44 =	vld [tilespmem:s10+$0xF0]  }
0x4a9: {  	v8 =	vld [tilespmem:s24+$0xF0]  }
0x4aa: {  	v0 =	vld [tilespmem:s24+$0xFFFFFF00];
	[tilespmem:$0x1F9D0] =	vst v38  }
0x4ab: {  	v39 =	vld [tilespmem:s10+$0xFFFFFF20];
	_ =	sdelay $0x4  }
0x4ac: {  	v9 =	vld [tilespmem:s24+$0xFFFFFF10];
	[tilespmem:$0x1F9E0] =	vst v39  }
0x4ad: {  	v24 =	vld [tilespmem:s10+$0xFFFFFF30];
	_ =	sdelay $0x4  }
0x4ae: {  	v10 =	vld [tilespmem:s24+$0xFFFFFF20];
	[tilespmem:$0x1F9F0] =	vst v24  }
0x4af: {  	v25 =	vld [tilespmem:s10+$0xFFFFFF40];
	_ =	sdelay $0x4  }
0x4b0: {  	v11 =	vld [tilespmem:s24+$0xFFFFFF30];
	[tilespmem:$0x1FA00] =	vst v25  }
0x4b1: {  	v23 =	vld [tilespmem:s10+$0xFFFFFF50];
	_ =	sdelay $0x4  }
0x4b2: {  	v12 =	vld [tilespmem:s24+$0xFFFFFF40];
	[tilespmem:$0x1FA10] =	vst v23  }
0x4b3: {  	v40 =	vld [tilespmem:s10+$0xFFFFFF60];
	_ =	sdelay $0x4  }
0x4b4: {  	v13 =	vld [tilespmem:s24+$0xFFFFFF50];
	[tilespmem:$0x1FA20] =	vst v40  }
0x4b5: {  	v41 =	vld [tilespmem:s10+$0xFFFFFF70];
	_ =	sdelay $0x4  }
0x4b6: {  	v15 =	vld [tilespmem:s24+$0xFFFFFF60];
	[tilespmem:$0x1FA30] =	vst v41  }
0x4b7: {  	v46 =	vld [tilespmem:s10+$0xFFFFFF80];
	_ =	sdelay $0x4  }
0x4b8: {  	v20 =	vld [tilespmem:s24+$0xFFFFFF70];
	[tilespmem:$0x1FA40] =	vst v46  }
0x4b9: {  	v47 =	vld [tilespmem:s10+$0xFFFFFF90];
	_ =	sdelay $0x4  }
0x4ba: {  	v1 =	vadd.f32 v1, v30;
	v2 =	vadd.f32 v2, v32;
	v53 =	vld [tilespmem:s24+$0xFFFFFF80];
	[tilespmem:$0x1FA50] =	vst v47  }
0x4bb: {  	v3 =	vadd.f32 v3, v31;
	v4 =	vadd.f32 v4, v33;
	v60 =	vld [tilespmem:s10+$0xFFFFFFA0]  }
0x4bc: {  	v5 =	vadd.f32 v5, v42;
	v6 =	vadd.f32 v6, v43;
	v14 =	vmul.f32 $2.000000030e-01, v1  }
0x4bd: {  	v7 =	vadd.f32 v7, v45;
	v16 =	vmul.f32 $2.000000030e-01, v2;
	v17 =	vmul.f32 $2.000000030e-01, v3  }
0x4be: {  	v8 =	vadd.f32 v8, v44;
	v18 =	vmul.f32 $2.000000030e-01, v4;
	v19 =	vmul.f32 $2.000000030e-01, v5  }
0x4bf: {  	v21 =	vmul.f32 $2.000000030e-01, v6;
	v22 =	vmul.f32 $2.000000030e-01, v7  }
0x4c0: {  	v51 =	vmul.f32 $2.000000030e-01, v8;
	v1 =	vmax.f32 v1, v14;
	v2 =	vmax.f32 v2, v16;
	v59 =	vld [tilespmem:s24+$0xFFFFFF90];
	[tilespmem:$0x1FA60] =	vst v60  }
0x4c1: {  	v3 =	vmax.f32 v3, v17;
	v4 =	vmax.f32 v4, v18;
	v5 =	vmax.f32 v5, v19;
	v62 =	vld [tilespmem:s10+$0xFFFFFFB0]  }
0x4c2: {  	v6 =	vmax.f32 v6, v21;
	v1 =	vmul.f32 v1, v26;
	v2 =	vmul.f32 v2, v27  }
0x4c3: {  	v7 =	vmax.f32 v7, v22;
	v3 =	vmul.f32 v3, v28;
	v4 =	vmul.f32 v4, v34  }
0x4c4: {  	v8 =	vmax.f32 v8, v51;
	v5 =	vmul.f32 v5, v29;
	v6 =	vmul.f32 v6, v35  }
0x4c5: {  	v7 =	vmul.f32 v7, v36;
	v8 =	vmul.f32 v8, v37;
	v1 =	vadd.f32 v2, v1  }
0x4c6: {  	v2 =	vadd.f32 v4, v3;
	v4 =	vadd.f32 v6, v5;
	v61 =	vld [tilespmem:s24+$0xFFFFFFA0];
	[tilespmem:$0x1FA70] =	vst v62  }
0x4c7: {  	v6 =	vadd.f32 v8, v7;
	v7 =	vadd.f32 v10, v39;
	v39 =	vld [tilespmem:s10+$0xFFFFFFC0];
	_ =	sdelay $0x4  }
0x4c8: {  	v5 =	vld [tilespmem:s24+$0xFFFFFFB0];
	[tilespmem:$0x1FA80] =	vst v39  }
0x4c9: {  	v8 =	vadd.f32 v11, v24;
	v24 =	vld [tilespmem:s10+$0xFFFFFFD0];
	_ =	sdelay $0x4  }
0x4ca: {  	v63 =	vld [tilespmem:s24+$0xFFFFFFC0];
	[tilespmem:$0x1FA90] =	vst v24  }
0x4cb: {  	v9 =	vadd.f32 v9, v38;
	v54 =	vadd.f32 v13, v23;
	v23 =	vld [tilespmem:s10+$0xFFFFFFE0]  }
0x4cc: {  	v1 =	vadd.f32 v2, v1;
	v2 =	vadd.f32 v6, v4;
	v4 =	vmul.f32 $2.000000030e-01, v7  }
0x4cd: {  	v11 =	vmul.f32 $2.000000030e-01, v8  }
0x4ce: {  	v3 =	vmul.f32 $2.000000030e-01, v9;
	v4 =	vmax.f32 v7, v4;
	v6 =	vadd.f32 v12, v25  }
0x4cf: {  	v4 =	vmul.f32 v4, v28;
	v8 =	vmax.f32 v8, v11  }
0x4d0: {  	v3 =	vmax.f32 v9, v3;
	v8 =	vmul.f32 v8, v34;
	v7 =	vmul.f32 $2.000000030e-01, v6;
	v12 =	vld [tilespmem:s24+$0xFFFFFFD0];
	[tilespmem:$0x1FAA0] =	vst v23  }
0x4d1: {  	v2 =	vadd.f32 v2, v1;
	v1 =	vmul.f32 v3, v27;
	v58 =	vld [tilespmem:s24+$0xFFFFFFE0]  }
0x4d2: {  	v4 =	vadd.f32 v8, v4;
	v3 =	vmax.f32 v6, v7;
	v56 =	vmul.f32 $2.000000030e-01, v54;
	v49 =	vld [tilespmem:s10+$0xFFFFFFF0]  }
0x4d3: {  	v3 =	vmul.f32 v3, v29;
	v55 =	vadd.f32 v15, v40;
	v7 =	vadd.f32 v53, v46;
	v40 =	vld [tilespmem:s24+$0xFFFFFFF0]  }
0x4d4: {  	v10 =	vmax.f32 v54, v56;
	v57 =	vadd.f32 v20, v41;
	v17 =	vadd.f32 v59, v47;
	v50 =	vld [tilespmem:s10+$0x0]  }
0x4d5: {  	v41 =	vmul.f32 $2.000000030e-01, v7;
	v8 =	vadd.f32 v61, v60;
	v5 =	vadd.f32 v5, v62;
	v46 =	vld [tilespmem:s24+$0x0]  }
0x4d6: {  	v10 =	vmul.f32 v10, v35;
	v59 =	vmul.f32 $2.000000030e-01, v17;
	v54 =	vld [tilespmem:s10+$0x10]  }
0x4d7: {  	v7 =	vmax.f32 v7, v41;
	v60 =	vmul.f32 $2.000000030e-01, v8;
	v62 =	vmul.f32 $2.000000030e-01, v5;
	v47 =	vld [tilespmem:s24+$0x10]  }
0x4d8: {  	v6 =	vmul.f32 $2.000000030e-01, v57;
	v7 =	vmul.f32 v7, v26;
	v14 =	vmax.f32 v17, v59;
	v53 =	vld [tilespmem:s10+$0x20]  }
0x4d9: {  	v14 =	vmul.f32 v14, v27;
	v8 =	vmax.f32 v8, v60;
	v5 =	vmax.f32 v5, v62;
	v61 =	vld [tilespmem:s24+$0x20]  }
0x4da: {  	v8 =	vmul.f32 v8, v28;
	v5 =	vmul.f32 v5, v34;
	v51 =	vld [tilespmem:s10+$0x30]  }
0x4db: {  	v3 =	vadd.f32 v10, v3;
	v25 =	vmul.f32 $2.000000030e-01, v55;
	v9 =	vadd.f32 v63, v39;
	v10 =	vld [tilespmem:s24+$0x30]  }
0x4dc: {  	v6 =	vmax.f32 v57, v6;
	v7 =	vadd.f32 v14, v7;
	v5 =	vadd.f32 v5, v8;
	v57 =	vld [tilespmem:s10+$0x60]  }
0x4dd: {  	v11 =	vmax.f32 v55, v25;
	v63 =	vmul.f32 $2.000000030e-01, v9;
	v12 =	vadd.f32 v12, v24;
	v41 =	vld [tilespmem:s24+$0x60]  }
0x4de: {  	v22 =	vmul.f32 v11, v36;
	v6 =	vmul.f32 v6, v37;
	v5 =	vadd.f32 v5, v7;
	v59 =	vld [tilespmem:s10+$0xFFFFFF00]  }
0x4df: {  	v9 =	vmax.f32 v9, v63;
	v55 =	vld [tilespmem:s10+$0x40];
	v25 =	vmul.f32 $2.000000030e-01, v12;
	v19 =	vadd.f32 v58, v23  }
0x4e0: {  	v9 =	vmul.f32 v9, v29;
	v20 =	vld [tilespmem:s24+$0x40];
	v16 =	vadd.f32 v40, v49;
	v15 =	vadd.f32 v46, v50  }
0x4e1: {  	v56 =	vld [tilespmem:s10+$0x50];
	v12 =	vmax.f32 v12, v25;
	v13 =	vadd.f32 v47, v54;
	v18 =	vadd.f32 v61, v53  }
0x4e2: {  	v21 =	vld [tilespmem:s24+$0x50];
	v8 =	vmul.f32 v12, v35;
	v10 =	vadd.f32 v10, v51;
	v14 =	vadd.f32 v41, v57  }
0x4e3: {  	s28 =	simm.s32 $0x600;
	v48 =	vld [tilespmem:s24+$0x70];
	v0 =	vadd.f32 v0, v59;
	v38 =	vmul.f32 $2.000000030e-01, v19;
	v39 =	vmul.f32 $2.000000030e-01, v16  }
0x4e4: {  	v60 =	vld [tilespmem:s28+$0x80];
	v8 =	vadd.f32 v8, v9;
	v46 =	vmul.f32 $2.000000030e-01, v15;
	v23 =	vmul.f32 $2.000000030e-01, v13  }
0x4e5: {  	(xrf2) =	vadd.scan.msk.f32 $0xffff, v2;
	v58 =	vld [tilespmem:s10+$0x70];
	v25 =	vmul.f32 $2.000000030e-01, v18;
	v2 =	vmul.f32 $2.000000030e-01, v10;
	v40 =	vmax.f32 v19, v38  }
0x4e6: {  	v63 =	vld [tilespmem:s28+$0xA0];
	v16 =	vmax.f32 v16, v39;
	v15 =	vmax.f32 v15, v46;
	v24 =	vmax.f32 v13, v23  }
0x4e7: {  	v62 =	vld [tilespmem:s28+$0xB0];
	v38 =	vadd.f32 v20, v55;
	v39 =	vadd.f32 v21, v56;
	v23 =	vmul.f32 $2.000000030e-01, v0  }
0x4e8: {  	s25 =	simm.s32 $0x5600;
	v61 =	vld [tilespmem:s28+$0x90];
	v2 =	vmax.f32 v10, v2;
	v7 =	vmul.f32 v40, v36;
	v47 =	vmul.f32 v16, v37  }
0x4e9: {  	v13 =	vmax.f32 v18, v25;
	v18 =	vld [tilespmem:s25+$0x90];
	v9 =	vmul.f32 v15, v26;
	v2 =	vmul.f32 v2, v34  }
0x4ea: {  	v21 =	vld [tilespmem:s25+$0xB0];
	v41 =	vadd.f32 v48, v58;
	v40 =	vmul.f32 $2.000000030e-01, v38;
	v46 =	vmul.f32 $2.000000030e-01, v39  }
0x4eb: {  	v15 =	vld [tilespmem:s25+$0x80];
	v0 =	vmax.f32 v0, v23;
	v7 =	vadd.f32 v47, v7;
	v47 =	vmul.f32 $2.000000030e-01, v14  }
0x4ec: {  	v48 =	vld [tilespmem:s28+$0xC0];
	v11 =	vmul.f32 $2.000000030e-01, v41;
	v0 =	vmul.f32 v0, v26  }
0x4ed: {  	v16 =	vmax.f32 v39, v46;
	v39 =	vld [tilespmem:s28+$0xD0];
	v7 =	vadd.f32 v7, v8;
	v8 =	vmul.f32 v24, v27  }
0x4ee: {  	v14 =	vmax.f32 v14, v47;
	v16 =	vmul.f32 v16, v35;
	v10 =	vmax.f32 v41, v11;
	v24 =	vld [tilespmem:s25+$0xC0]  }
0x4ef: {  	v0 =	vadd.f32 v1, v0;
	v1 =	vld [tilespmem:s25+$0xE0];
	v14 =	vmul.f32 v14, v36;
	v5 =	vadd.f32 v7, v5  }
0x4f0: {  	v6 =	vadd.f32 v6, v22;
	v10 =	vmul.f32 v10, v37;
	v7 =	vmul.f32 v13, v28;
	v13 =	vld [tilespmem:s25+$0xA0]  }
0x4f1: {  	v46 =	vmovc v36;
	v8 =	vadd.f32 v8, v9;
	v47 =	vmov v37;
	v37 =	vld [tilespmem:s28+$0xE0];
	v0 =	vadd.f32 v4, v0;
	(xrf2) =	vadd.scan.msk.f32 $0xffff, v5  }
0x4f2: {  	v36, _, _ =	vpop (xrf2);
	v4 =	vld [tilespmem:s25+$0xF0];
	v9 =	vadd.f32 v18, v61;
	v25 =	vadd.f32 v10, v14;
	v5 =	vmax.f32 v38, v40  }
0x4f3: {  	v10 =	vperm.xlane v36, v52;
	v36 =	vld [tilespmem:s28+$0xF0];
	v2 =	vadd.f32 v2, v7;
	v5 =	vmul.f32 v5, v29  }
0x4f4: {  	v3 =	vadd.f32 v6, v3;
	v14 =	vadd.f32 v21, v62;
	v7 =	vld [tilespmem:s25+$0xD0];
	v18 =	vmul.f32 $2.000000030e-01, v9  }
0x4f5: {  	v17 =	vld [tilespmem:s25+$0xFFFFFF20];
	v6 =	vmul.f32 $1.442695020e+00, v10;
	v2 =	vadd.f32 v2, v8;
	v5 =	vadd.f32 v16, v5  }
0x4f6: {  	v12 =	vld [tilespmem:s28+$0xFFFFFF30];
	v40 =	vmul.f32 $2.000000030e-01, v14;
	v8 =	vadd.f32 v15, v60;
	v13 =	vadd.f32 v13, v63  }
0x4f7: {  	v20 =	vld [tilespmem:s25+$0xFFFFFF30];
	v9 =	vmax.f32 v9, v18;
	v16 =	vadd.f32 v24, v48;
	v5 =	vadd.f32 v25, v5  }
0x4f8: {  	v10 =	vld [tilespmem:s28+$0xFFFFFF20];
	v1 =	vadd.f32 v1, v37;
	v15 =	vmul.f32 $2.000000030e-01, v8;
	v4 =	vadd.f32 v4, v36  }
0x4f9: {  	v24 =	vld [tilespmem:s25+$0xFFFFFF40];
	v9 =	vmul.f32 v9, v27;
	v7 =	vadd.f32 v7, v39;
	v19 =	vmul.f32 $2.000000030e-01, v13  }
0x4fa: {  	v25 =	vld [tilespmem:s28+$0xFFFFFF40];
	v8 =	vmax.f32 v8, v15;
	v15 =	vmul.f32 $2.000000030e-01, v1;
	v21 =	vmul.f32 $2.000000030e-01, v4  }
0x4fb: {  	v2 =	vadd.f32 v5, v2;
	v23 =	vmul.f32 $2.000000030e-01, v7;
	v18 =	vmax.f32 v13, v19;
	v13 =	vld [tilespmem:s28+$0xFFFFFF50];
	v5, _, _ =	vpop (xrf2)  }
0x4fc: {  	v19 =	vmax.f32 v14, v40;
	v40 =	vld [tilespmem:s25+$0xFFFFFF50];
	v5 =	vperm.xlane v5, v52;
	v52 =	vmul.f32 $2.000000030e-01, v16  }
0x4fd: {  	v8 =	vmul.f32 v8, v26;
	v14 =	vld [tilespmem:s28+$0xFFFFFF60];
	v18 =	vmul.f32 v18, v28  }
0x4fe: {  	v1 =	vmax.f32 v1, v15;
	v15 =	vld [tilespmem:s28+$0xFFFFFF70];
	v7 =	vmax.f32 v7, v23;
	v16 =	vmax.f32 v16, v52  }
0x4ff: {  	v0 =	vadd.f32 v3, v0;
	v23 =	vld [tilespmem:s25+$0xFFFFFF60];
	v7 =	vmul.f32 v7, v35;
	v16 =	vmul.f32 v16, v29  }
0x500: {  	v19 =	vmul.f32 v19, v34;
	v4 =	vmax.f32 v4, v21;
	v8 =	vadd.f32 v9, v8;
	v9 =	vld [tilespmem:s25+$0xFFFFFF70]  }
0x501: {  	v1 =	vmul.f32 v1, v46;
	v4 =	vmul.f32 v4, v47;
	v7 =	vadd.f32 v7, v16;
	v16 =	vld [tilespmem:s28+$0xFFFFFF80];
	[tilespmem:$0x1F8A0] =	vst v10  }
0x502: {  	(erf) = vpow2.f32 v6;
	v18 =	vadd.f32 v19, v18;
	v5 =	vmul.f32 $1.442695020e+00, v5;
	v6 =	vld [tilespmem:s25+$0xFFFFFF80];
	[tilespmem:$0x1F8B0] =	vst v12  }
0x503: {  	v1 =	vadd.f32 v4, v1;
	v4 =	vadd.f32 v17, v10;
	v10 =	vld [tilespmem:s28+$0xFFFFFF90]  }
0x504: {  	v17 =	vadd.f32 v24, v25;
	(erf) = vpow2.f32 v5;
	v5 =	vadd.f32 v18, v8;
	v8 =	vld [tilespmem:s25+$0xFFFFFF90]  }
0x505: {  	v3 =	vadd.f32 v20, v12;
	v12 =	vld [tilespmem:s28+$0xFFFFFF10];
	[tilespmem:$0x1F8C0] =	vst v25  }
0x506: {  	(xrf2) =	vadd.scan.msk.f32 $0xffff, v0;
	v0 =	vmul.f32 $2.000000030e-01, v17;
	[tilespmem:$0x1F8D0] =	vst v13  }
0x507: {  	v40 =	vadd.f32 v40, v13;
	v1 =	vadd.f32 v1, v7;
	v7 =	vmul.f32 $2.000000030e-01, v4;
	v19 =	vld [tilespmem:s25+$0xFFFFFF10];
	[tilespmem:$0x1F8E0] =	vst v14  }
0x508: {  	v23 =	vadd.f32 v23, v14;
	v18 =	vmul.f32 $2.000000030e-01, v3;
	v0 =	vmax.f32 v17, v0;
	[tilespmem:$0x1F8F0] =	vst v15  }
0x509: {  	(xrf2) =	vadd.scan.msk.f32 $0xffff, v2;
	v1 =	vadd.f32 v1, v5;
	v4 =	vmax.f32 v4, v7;
	v7 =	vadd.f32 v9, v15;
	v14 =	vld [tilespmem:s28+$0xFFFFFFA0]  }
0x50a: {  	v21 =	vmul.f32 v0, v29;
	v2 =	vmax.f32 v3, v18;
	v3 =	vmul.f32 $2.000000030e-01, v23;
	v9 =	vld [tilespmem:s25+$0xFFFFFFA0];
	[tilespmem:$0x1F900] =	vst v16  }
0x50b: {  	v5 =	vmul.f32 $2.000000030e-01, v40;
	(xrf2) =	vadd.scan.msk.f32 $0xffff, v1;
	v1 =	vmul.f32 $2.000000030e-01, v7;
	v15 =	vld [tilespmem:s28+$0xFFFFFFB0];
	v8 =	vadd.f32 v8, v10  }
0x50c: {  	v2 =	vmul.f32 v2, v34;
	v3 =	vmax.f32 v23, v3;
	v6 =	vadd.f32 v6, v16;
	[tilespmem:$0x1F910] =	vst v10  }
0x50d: {  	v5 =	vmax.f32 v40, v5;
	v40 =	vld [tilespmem:s25+$0xFFFFFFB0];
	[tilespmem:$0x1F920] =	vst v12;
	v1 =	vmax.f32 v7, v1;
	v7 =	vmul.f32 $2.000000030e-01, v8  }
0x50e: {  	v22 =	vmul.f32 v3, v46;
	v4 =	vmul.f32 v4, v28;
	v16 =	vld [tilespmem:s28+$0xFFFFFFC0]  }
0x50f: {  	v13 =	vmul.f32 $2.000000030e-01, v6;
	v24 =	vadd.f32 v19, v12;
	v0 =	vmax.f32 v8, v7;
	v7 =	vld [tilespmem:s25+$0xFFFFFFC0];
	[tilespmem:$0x1F930] =	vst v14  }
0x510: {  	v5 =	vmul.f32 v5, v35;
	v10 =	vadd.f32 v2, v4;
	v1 =	vmul.f32 v1, v47;
	v12 =	vld [tilespmem:s28+$0xFFFFFFD0];
	[tilespmem:$0x1F940] =	vst v15  }
0x511: {  	v38 =	vmovc v27;
	v52 =	vmovc v26;
	v6 =	vmax.f32 v6, v13;
	v3 =	vmul.f32 $2.000000030e-01, v24;
	v8 =	vadd.f32 v9, v14;
	v27 =	vld [tilespmem:s25+$0xFFFFFFD0]  }
0x512: {  	v41 =	vmovc v35;
	v13 =	vimm.s32 $0xF;
	v6 =	vmul.f32 v6, v52;
	v17 =	vmul.f32 v0, v38;
	v14 =	vld [tilespmem:s28+$0xFFFFFFE0]  }
0x513: {  	v11 =	vmovc v29;
	v18 =	vmovc v28;
	v1 =	vadd.f32 v1, v22;
	v23 =	vadd.f32 v40, v15;
	v0 =	vmul.f32 $2.000000030e-01, v8;
	v4 =	vld [tilespmem:s25+$0xFFFFFFE0]  }
0x514: {  	v35 =	vmax.f32 v24, v3;
	v40 =	vadd.f32 v5, v21;
	v5, _, _ =	vpop (xrf2);
	v28 =	vadd.f32 v17, v6  }
0x515: {  	v29, _, _ =	vpop (xrf2);
	v5 =	vperm.xlane v5, v13;
	v19 =	vmul.f32 $2.000000030e-01, v23;
	v0 =	vmax.f32 v8, v0  }
0x516: {  	[tilespmem:$0x1F950] =	vst v16;
	v40 =	vadd.f32 v1, v40;
	v7 =	vadd.f32 v7, v16;
	v22, _, _ =	vpop (xrf2);
	v3 =	vmul.f32 v0, v18  }
0x517: {  	v21 =	vld [tilespmem:s28+$0xFFFFFFF0];
	v20 =	vmax.f32 v23, v19;
	v23 =	vperm.xlane v22, v13;
	[tilespmem:$0x1F960] =	vst v12;
	v27 =	vadd.f32 v27, v12  }
0x518: {  	v6 =	vld [tilespmem:s25+$0xFFFFFFF0];
	v1 =	vmul.f32 v20, v34;
	v24 =	vmul.f32 $2.000000030e-01, v7;
	v4 =	vadd.f32 v4, v14  }
0x519: {  	v2 =	vmul.f32 $1.442695020e+00, v23;
	v0 =	vmul.f32 $2.000000030e-01, v27  }
0x51a: {  	v25 =	vld [tilespmem:s28+$0x0];
	[tilespmem:$0x1F970] =	vst v14;
	v1 =	vadd.f32 v1, v3;
	v3 =	vmul.f32 $1.442695020e+00, v5;
	v5 =	vmul.f32 $2.000000030e-01, v4  }
0x51b: {  	v8 =	vld [tilespmem:s25+$0x0]  }
0x51c: {  	v26 =	vld [tilespmem:s28+$0x10];
	v7 =	vmax.f32 v7, v24;
	(erf) = vpow2.f32 v2;
	v0 =	vmax.f32 v27, v0  }
0x51d: {  	v12 =	vmovc v34;
	v2 =	vld [tilespmem:s25+$0x10];
	[tilespmem:$0x1F980] =	vst v21;
	v34 =	vadd.f32 v1, v28;
	(erf) = vpow2.f32 v3;
	v1 =	vadd.f32 v6, v21  }
0x51e: {  	v20 =	vld [tilespmem:s28+$0x20];
	v3 =	vmax.f32 v4, v5;
	v4 =	vmul.f32 v7, v11;
	v0 =	vmul.f32 v0, v41;
	v5 =	vpop (erf)  }
0x51f: {  	v6 =	vld [tilespmem:s25+$0x20];
	[tilespmem:$0x1F990] =	vst v25;
	v7 =	vmul.f32 v5, v30;
	v30 =	vmul.f32 $2.000000030e-01, v1  }
0x520: {  	v3 =	vmul.f32 v3, v46;
	v8 =	vadd.f32 v8, v25;
	v21 =	vld [tilespmem:s28+$0x30];
	v9 =	vadd.f32 v0, v4  }
0x521: {  	v22 =	vld [tilespmem:s25+$0x30];
	v4 =	vmul.f32 v5, v32;
	v31 =	vmul.f32 v5, v31;
	v1 =	vmax.f32 v1, v30;
	[tilespmem:s24+$0x80] =	vst v7  }
0x522: {  	v23 =	vld [tilespmem:s28+$0x40];
	v0 =	vmul.f32 $2.000000030e-01, v8;
	v2 =	vadd.f32 v2, v26;
	[tilespmem:$0x1F9A0] =	vst v26;
	v1 =	vmul.f32 v1, v47  }
0x523: {  	v30 =	vperm.xlane v29, v13;
	[tilespmem:s24+$0x90] =	vst v4;
	v4 =	vmul.f32 v5, v33  }
0x524: {  	v7 =	vld [tilespmem:s25+$0x40];
	[tilespmem:s24+$0xA0] =	vst v31;
	v31 =	vmul.f32 $2.000000030e-01, v2;
	v3 =	vadd.f32 v1, v3;
	v1 =	vmul.f32 v5, v42  }
0x525: {  	v0 =	vmax.f32 v8, v0;
	v8 =	vmul.f32 $1.442695020e+00, v30;
	v24 =	vld [tilespmem:s28+$0x50];
	[tilespmem:s24+$0xB0] =	vst v4;
	v4 =	vmul.f32 v5, v43  }
0x526: {  	s20 =	simm.s32 $0x3;
	v25 =	vld [tilespmem:s25+$0x50];
	v2 =	vmax.f32 v2, v31;
	v31 =	vmul.f32 v5, v45;
	[tilespmem:s24+$0xC0] =	vst v1  }
0x527: {  	v26 =	vmul.f32 v5, v44;
	(erf) = vpow2.f32 v8;
	v8 =	vmov s20;
	[tilespmem:s24+$0xD0] =	vst v4  }
0x528: {  	v0 =	vmul.f32 v0, v52;
	v3 =	vadd.f32 v3, v9;
	v4 =	vadd.f32 v6, v20;
	[tilespmem:$0x1F9B0] =	vst v20  }
0x529: {  	v2 =	vmul.f32 v2, v38;
	v6 =	vadd.f32 v22, v21;
	v1 =	vpop (erf);
	[tilespmem:$0x1F9C0] =	vst v21;
	v7 =	vadd.f32 v7, v23  }
0x52a: {  	v30 =	vmov v24;
	v44 =	vpop (erf);
	[tilespmem:s24+$0xE0] =	vst v31;
	v31 =	vmov v23;
	v20 =	vld [tilespmem:s28+$0x60];
	v23 =	vmul.f32 $2.000000030e-01, v4  }
0x52b: {  	v22 =	vadd.f32 v25, v24;
	[tilespmem:s24+$0xF0] =	vst v26;
	v24 =	vld [tilespmem:s25+$0x60];
	v19 =	vmul.f32 v44, v60;
	v21 =	vmul.f32 v44, v61  }
0x52c: {  	v0 =	vadd.f32 v2, v0;
	v32 =	vld [tilespmem:s28+$0x70];
	[tilespmem:v8+s21+$0x0] =	vst.idx.msk $0x1, v5;
	v5 =	vmul.f32 v44, v63;
	v8 =	vmul.f32 $2.000000030e-01, v6  }
0x52d: {  	v16 =	vmovc v38;
	v3 =	vadd.f32 v3, v34;
	v25 =	vld [tilespmem:s25+$0x70];
	v26 =	vmul.f32 $2.000000030e-01, v7;
	v38 =	vmul.f32 $2.000000030e-01, v22  }
0x52e: {  	s20 =	simm.s32 $0x7;
	v14 =	vmul.f32 v44, v39;
	[tilespmem:s25+$0x80] =	vst v19;
	v2 =	vmax.f32 v6, v8;
	v8 =	vmul.f32 v44, v48  }
0x52f: {  	v15 =	vmov s20;
	v36 =	vmul.f32 v44, v36;
	v6 =	vmul.f32 v44, v62;
	[tilespmem:s25+$0xA0] =	vst v5  }
0x530: {  	v43 =	vld [tilespmem:s25+$0xFFFFFF00];
	(xrf2) =	vadd.scan.msk.f32 $0xffff, v3;
	v4 =	vmax.f32 v4, v23;
	[tilespmem:s25+$0xC0] =	vst v8;
	v8 =	vmul.f32 v44, v37  }
0x531: {  	s10 =	simm.s32 $0x5800;
	v33 =	vld [tilespmem:s28+$0xFFFFFF00];
	v5 =	vmax.f32 v7, v26;
	v7 =	vmax.f32 v22, v38;
	v4 =	vmul.f32 v4, v18;
	[tilespmem:s25+$0xB0] =	vst v6  }
0x532: {  	s26 =	simm.s32 $0x800;
	v3 =	vld [tilespmem:s10+$0x80];
	v2 =	vmul.f32 v2, v12;
	v6 =	vadd.f32 v24, v20;
	[tilespmem:s25+$0xE0] =	vst v8;
	v8 =	vadd.f32 v25, v32  }
0x533: {  	v39 =	vld [tilespmem:s26+$0xB0];
	[tilespmem:s25+$0x90] =	vst v21;
	v5 =	vmul.f32 v5, v11;
	v7 =	vmul.f32 v7, v41  }
0x534: {  	v60 =	vld [tilespmem:s10+$0xB0];
	[tilespmem:s25+$0xD0] =	vst v14;
	v19 =	vmul.f32 $2.000000030e-01, v6;
	v21 =	vmul.f32 $2.000000030e-01, v8  }
0x535: {  	[tilespmem:s25+$0xF0] =	vst v36;
	v36 =	vld [tilespmem:s26+$0x80];
	v2 =	vadd.f32 v2, v4;
	v5 =	vadd.f32 v7, v5  }
0x536: {  	v38 =	vld [tilespmem:s26+$0xA0];
	[tilespmem:v15+s21+$0x0] =	vst.idx.msk $0x1, v44;
	v6 =	vmax.f32 v6, v19;
	v8 =	vmax.f32 v8, v21  }
0x537: {  	v34 =	vpop (erf);
	v0 =	vadd.f32 v2, v0;
	v2 =	vld [tilespmem:$0x1F9D0];
	v6 =	vmul.f32 v6, v46;
	v7 =	vmul.f32 v8, v47  }
0x538: {  	v48 =	vld [tilespmem:s26+$0xFFFFFF30];
	v8 =	vmul.f32 v34, v59  }
0x539: {  	s22 =	simm.s32 $0x0;
	v6 =	vadd.f32 v7, v6;
	v7 =	vld [tilespmem:$0x1F9E0]  }
0x53a: {  	v17 =	vmov s22;
	v41 =	vld [tilespmem:s26+$0xD0];
	[tilespmem:s24+$0xFFFFFF00] =	vst v8  }
0x53b: {  	v37 =	vand.u32 $0xFFFFFFFC, v17;
	v22 =	vld [tilespmem:$0x1F9F0]  }
0x53c: {  	v42 =	vbroadcast v37, $0x0;
	v37 =	vld [tilespmem:s26+$0x90];
	v2 =	vmul.f32 v34, v2  }
0x53d: {  	v29 =	vmov v20;
	v20 =	vadd.f32 v43, v33;
	v23 =	vld [tilespmem:$0x1FA00]  }
0x53e: {  	v8 =	vld [tilespmem:s10+$0x90];
	[tilespmem:s24+$0xFFFFFF10] =	vst v2;
	v7 =	vmul.f32 v34, v7  }
0x53f: {  	v4 =	vmul.f32 $2.000000030e-01, v20;
	v2 =	vld [tilespmem:$0x1FA10]  }
0x540: {  	v5 =	vadd.f32 v6, v5;
	v6 =	vld [tilespmem:$0x1FA20];
	v9 =	vmul.f32 v34, v22;
	[tilespmem:s24+$0xFFFFFF20] =	vst v7  }
0x541: {  	v35 =	vmul.f32 v35, v16;
	v4 =	vmax.f32 v20, v4;
	v7 =	vld [tilespmem:$0x1FA30]  }
0x542: {  	v4 =	vmul.f32 v4, v52;
	v24 =	vmul.f32 v34, v23;
	v25 =	vld [tilespmem:$0x1FA40];
	[tilespmem:s24+$0xFFFFFF30] =	vst v9  }
0x543: {  	v49 =	vmul.f32 v1, v49;
	v9 =	vld [tilespmem:$0x1FA50]  }
0x544: {  	v45 =	vpop (erf);
	v4 =	vadd.f32 v35, v4;
	v0 =	vadd.f32 v5, v0;
	v2 =	vmul.f32 v34, v2;
	v5 =	vld [tilespmem:$0x1FA60];
	[tilespmem:s24+$0xFFFFFF40] =	vst v24  }
0x545: {  	v50 =	vmul.f32 v45, v50;
	v54 =	vmul.f32 v45, v54;
	v14 =	vld [tilespmem:$0x1FA70]  }
0x546: {  	v63 =	vmul.f32 v45, v51;
	v4 =	vadd.f32 v10, v4;
	v6 =	vmul.f32 v34, v6;
	v17 =	vld [tilespmem:$0x1FA80];
	[tilespmem:s24+$0xFFFFFF50] =	vst v2  }
0x547: {  	v11 =	vmul.f32 v45, v55;
	v51 =	vmul.f32 v45, v56;
	v15 =	vmov v52;
	v2 =	vld [tilespmem:$0x1FA90]  }
0x548: {  	s22 =	simm.s32 $0x4;
	v3 =	vadd.f32 v3, v36;
	v52 =	vmul.f32 v45, v58;
	v4 =	vadd.f32 v40, v4;
	v21 =	vld [tilespmem:$0x1FAA0];
	[tilespmem:s24+$0xFFFFFF60] =	vst v6  }
0x549: {  	v43 =	vld [tilespmem:s26+$0xF0];
	v20 =	vmov s22;
	v10 =	vmul.f32 v45, v53;
	v24, _, _ =	vpop (xrf2);
	[tilespmem:s24+$0xFFFFFFF0] =	vst v49;
	v7 =	vmul.f32 v34, v7  }
0x54a: {  	v59 =	vld [tilespmem:s10+$0xA0];
	(xrf2) =	vadd.scan.msk.f32 $0xffff, v4;
	v44 =	vperm.xlane v24, v13;
	[tilespmem:s24+$0x0] =	vst v50;
	v26 =	vmul.f32 v1, v25  }
0x54b: {  	s23 =	simm.s32 $0x1;
	v53 =	vmul.f32 v45, v57;
	v40 =	vld [tilespmem:s26+$0xC0];
	v8 =	vadd.f32 v8, v37;
	(xrf2) =	vadd.scan.msk.f32 $0xffff, v0;
	[tilespmem:s24+$0xFFFFFF70] =	vst v7  }
0x54c: {  	v23 =	vld [tilespmem:s10+$0xC0];
	v25 =	vmov s23;
	v0 =	vmul.f32 $1.442695020e+00, v44;
	v9 =	vmul.f32 v1, v9;
	[tilespmem:s24+$0xFFFFFF80] =	vst v26  }
0x54d: {  	v46 =	vld [tilespmem:s26+$0xFFFFFF10];
	v5 =	vmul.f32 v1, v5;
	v13 =	vand.u32 $0xFFFFFFFD, v25;
	v35 =	vmul.f32 v1, v14;
	[tilespmem:v42+s21+$0x0] =	vst.idx.msk $0x1, v34  }
0x54e: {  	s28 =	simm.s32 $0x2;
	v6 =	vand.u32 $0xFFFFFFFC, v20;
	v19 =	vmul.f32 v1, v17;
	v7 =	vld [tilespmem:s10+$0xD0];
	v4 =	vbroadcast v13, $0x0;
	[tilespmem:s24+$0xFFFFFF90] =	vst v9  }
0x54f: {  	v26 =	vld [tilespmem:s10+$0xE0];
	(erf) = vpow2.f32 v0;
	v2 =	vmul.f32 v1, v2;
	[tilespmem:s24+$0xFFFFFFA0] =	vst v5;
	v5 =	vmov s28  }
0x550: {  	v17 =	vadd.f32 v59, v38;
	v22 =	vmul.f32 v1, v21;
	v42 =	vld [tilespmem:s26+$0xE0];
	[tilespmem:s24+$0xFFFFFFC0] =	vst v19;
	v0 =	vand.u32 $0xFFFFFFFE, v5  }
0x551: {  	v20 =	vadd.f32 v23, v40;
	v14 =	vld [tilespmem:s10+$0xF0];
	[tilespmem:s24+$0xFFFFFFD0] =	vst v2;
	v61 =	vbroadcast v0, $0x0;
	v0 =	vmul.f32 $2.000000030e-01, v3  }
0x552: {  	v47 =	vld [tilespmem:s26+$0xFFFFFF20];
	v19 =	vadd.f32 v60, v39;
	[tilespmem:s24+$0xFFFFFFE0] =	vst v22;
	v2 =	vmul.f32 $2.000000030e-01, v8;
	v22 =	vmul.f32 $2.000000030e-01, v17  }
0x553: {  	v49 =	vld [tilespmem:s26+$0xFFFFFF40];
	v34 =	vbroadcast v6, $0x0;
	[tilespmem:s24+$0xFFFFFFB0] =	vst v35;
	v21 =	vadd.f32 v7, v41;
	v24 =	vmax.f32 v3, v0  }
0x554: {  	v50 =	vld [tilespmem:s26+$0xFFFFFF50];
	v8 =	vmax.f32 v8, v2;
	v35 =	vmax.f32 v17, v22;
	[tilespmem:v4+s21+$0x0] =	vst.idx.msk $0x1, v1;
	v1 =	vmul.f32 $2.000000030e-01, v19  }
0x555: {  	[tilespmem:s24+$0x10] =	vst v54;
	v44 =	vld [tilespmem:s10+$0xFFFFFF00];
	v23 =	vadd.f32 v26, v42;
	v4 =	vmul.f32 $2.000000030e-01, v20;
	v54 =	vmul.f32 v24, v15  }
0x556: {  	v6 =	vld [tilespmem:s10+$0xFFFFFF10];
	v7 =	vadd.f32 v14, v43;
	v55 =	vmul.f32 v8, v16;
	v57 =	vmul.f32 v35, v18  }
0x557: {  	[tilespmem:s24+$0x20] =	vst v10;
	v5 =	vld [tilespmem:s10+$0xFFFFFF20];
	v3, _, _ =	vpop (xrf2);
	v25 =	vmul.f32 $2.000000030e-01, v21;
	v60 =	vmul.f32 $2.000000030e-01, v23  }
0x558: {  	[tilespmem:s24+$0x30] =	vst v63;
	v2 =	vld [tilespmem:s10+$0xFFFFFF30];
	v0 =	vmul.f32 $2.000000030e-01, v7;
	v26 =	vmax.f32 v19, v1;
	v56 =	vmax.f32 v20, v4;
	v35 =	vpop (erf)  }
0x559: {  	s20 =	simm.s32 $0xC;
	[tilespmem:s24+$0x40] =	vst v11;
	s23 =	simm.s32 $0x8;
	v4 =	vld [tilespmem:s10+$0xFFFFFF40];
	v59 =	vmax.f32 v21, v25;
	v58 =	vmul.f32 v26, v12;
	v1, _, _ =	vpop (xrf2);
	v60 =	vmax.f32 v23, v60  }
.LBB2_11:
0x55a: {  	v22 =	vld [tilespmem:$0x1FFB0]  }
0x55b: {  	v20 =	vld [tilespmem:$0x1FF90]  }
0x55c: {  	v23 =	vld [tilespmem:$0x1FFC0]  }
0x55d: {  	v21 =	vld [tilespmem:$0x1FFA0];
	_ =	sdelay $0x1  }
0x55e: {  	v28 =	vimm.s32 $0xF  }
0x55f: {  	v8 =	vld [tilespmem:s10+$0xFFFFFF50];
	v25 =	vadd.f32 v2, v48;
	v2 =	vperm.xlane v1, v28  }
0x560: {  	v0 =	vmax.f32 v7, v0;
	v1 =	vld [tilespmem:$0x1F920];
	v9 =	vmul.f32 v56, v22;
	v17 =	vmul.f32 v59, v20  }
0x561: {  	[tilespmem:s24+$0x50] =	vst v51;
	v51 =	vld [tilespmem:s26+$0xFFFFFF60];
	v6 =	vadd.f32 v6, v46;
	v7 =	vmul.f32 v60, v23;
	v18 =	vmul.f32 v0, v21  }
0x562: {  	v19 =	vld [tilespmem:s10+$0xFFFFFF60];
	v54 =	vadd.f32 v55, v54;
	v24 =	vadd.f32 v58, v57;
	v0 =	vperm.xlane v3, v28  }
0x563: {  	v26 =	vld [tilespmem:s10+$0xFFFFFF70];
	v3 =	vmul.f32 $2.000000030e-01, v6;
	v9 =	vadd.f32 v17, v9;
	v10 =	vadd.f32 v18, v7  }
0x564: {  	[tilespmem:s24+$0x60] =	vst v53;
	v53 =	vld [tilespmem:s26+$0xFFFFFF80]  }
0x565: {  	v12 =	vld [tilespmem:$0x1F8A0];
	v56 =	vmovc v1;
	v1 =	vmax.f32 v6, v3;
	v3 =	vadd.f32 v24, v54;
	v6 =	vadd.f32 v10, v9  }
0x566: {  	[tilespmem:s24+$0x70] =	vst v52;
	v52 =	vld [tilespmem:s26+$0xFFFFFF70]  }
0x567: {  	v16 =	vadd.f32 v6, v3;
	v6 =	vld [tilespmem:$0x1F8B0]  }
0x568: {  	v27 =	vld [tilespmem:$0x1FFF0]  }
0x569: {  	v5 =	vadd.f32 v5, v47;
	v13 =	vmov v47;
	v47 =	vld [tilespmem:s26+$0xFFFFFFA0]  }
0x56a: {  	[tilespmem:v61+s21+$0x0] =	vst.idx.msk $0x1, v45;
	v61 =	vmov v12;
	v12 =	vld [tilespmem:s10+$0xFFFFFFB0];
	v7 =	vmov v46  }
0x56b: {  	v59 =	vld [tilespmem:s26+$0x40];
	[tilespmem:$0x1F920] =	vst v7;
	v7 =	vmul.f32 $2.000000030e-01, v5  }
0x56c: {  	v57 =	vadd.f32 v26, v52;
	v26 =	vld [tilespmem:$0x1FFE0];
	v62 =	vmov v6;
	v6 =	vmov v48  }
0x56d: {  	v14 =	vmul.f32 $2.000000030e-01, v25;
	[tilespmem:$0x1F8B0] =	vst v6;
	v6 =	vmax.f32 v5, v7;
	v5 =	vld [tilespmem:$0x1F8C0]  }
0x56e: {  	v18 =	vld [tilespmem:s10+$0xFFFFFF90];
	(xrf2) =	vadd.scan.msk.f32 $0xffff, v16  }
0x56f: {  	v45 =	vmax.f32 v25, v14;
	v25 =	vld [tilespmem:$0x1FFD0]  }
0x570: {  	v9 =	vld [tilespmem:s10+$0xFFFFFF80]  }
0x571: {  	v8 =	vadd.f32 v8, v50;
	v14 =	vld [tilespmem:s10+$0xFFFFFFC0]  }
0x572: {  	v15 =	vadd.f32 v19, v51;
	v2 =	vmul.f32 $1.442695020e+00, v2;
	v46 =	vld [tilespmem:s26+$0xFFFFFF90];
	v63 =	vmovc v5;
	v5 =	vmov v49  }
0x573: {  	v17 =	vmul.f32 $2.000000030e-01, v8;
	v60 =	vmul.f32 $2.000000030e-01, v57;
	[tilespmem:$0x1F8C0] =	vst v5;
	v5 =	vld [tilespmem:$0x1F8D0]  }
0x574: {  	v4 =	vadd.f32 v4, v49;
	v19 =	vmul.f32 $2.000000030e-01, v15;
	v0 =	vmul.f32 $1.442695020e+00, v0;
	v54 =	vld [tilespmem:s26+$0xFFFFFFE0]  }
0x575: {  	v45 =	vmul.f32 v45, v27;
	v57 =	vmax.f32 v57, v60;
	v9 =	vadd.f32 v9, v53;
	v49 =	vld [tilespmem:s26+$0xFFFFFFC0]  }
0x576: {  	v24 =	vld [tilespmem:$0x1FF80];
	v57 =	vmul.f32 v57, v21;
	v7 =	vmul.f32 $2.000000030e-01, v4  }
0x577: {  	[tilespmem:$0x1F8A0] =	vst v13;
	v60 =	vld [tilespmem:s26+$0x20];
	v55 =	vadd.f32 v18, v46;
	v13 =	vmul.f32 $2.000000030e-01, v9;
	v6 =	vmul.f32 v6, v26  }
0x578: {  	v10, _, _ =	vpop (xrf2);
	v3 =	vmov v5;
	v5 =	vmul.f32 v1, v25;
	v1 =	vmax.f32 v4, v7;
	v7 =	vld [tilespmem:s10+$0xFFFFFFA0]  }
0x579: {  	v48 =	vld [tilespmem:s26+$0xFFFFFFB0];
	v6 =	vadd.f32 v45, v6;
	v10 =	vperm.xlane v10, v28;
	v4 =	vmax.f32 v8, v17  }
0x57a: {  	v45 =	vadd.f32 v14, v49;
	v14 =	vld [tilespmem:s10+$0x20];
	v8 =	vmovc v50;
	v1 =	vmul.f32 v1, v22;
	v4 =	vmul.f32 v4, v20  }
0x57b: {  	v9 =	vmax.f32 v9, v13;
	v50 =	vld [tilespmem:s26+$0xFFFFFFD0];
	[tilespmem:$0x1F8D0] =	vst v8;
	v8 =	vmax.f32 v15, v19;
	v15 =	vmul.f32 $2.000000030e-01, v55  }
0x57c: {  	v9 =	vmul.f32 v9, v24;
	v10 =	vmul.f32 $1.442695020e+00, v10;
	v1 =	vadd.f32 v4, v1;
	v4 =	vld [tilespmem:s10+$0xFFFFFFD0]  }
0x57d: {  	v19 =	vld [tilespmem:s10+$0xFFFFFFE0];
	v8 =	vmul.f32 v8, v23;
	v55 =	vmax.f32 v55, v15;
	v7 =	vadd.f32 v7, v47  }
0x57e: {  	v17 =	vadd.f32 v12, v48;
	v12 =	vld [tilespmem:s10+$0xFFFFFFF0];
	(erf) = vpow2.f32 v10;
	v18 =	vmul.f32 v55, v25  }
0x57f: {  	(erf) = vpow2.f32 v0;
	v8 =	vadd.f32 v57, v8;
	v55 =	vld [tilespmem:s26+$0xFFFFFFF0];
	v16 =	vmul.f32 $2.000000030e-01, v7  }
0x580: {  	(erf) = vpow2.f32 v2;
	v15 =	vld [tilespmem:s10+$0x40];
	v14 =	vadd.f32 v14, v60;
	v9 =	vadd.f32 v18, v9  }
0x581: {  	v57 =	vld [tilespmem:s26+$0x0];
	v4 =	vadd.f32 v4, v50;
	v7 =	vmax.f32 v7, v16;
	v16 =	vmul.f32 $2.000000030e-01, v17  }
0x582: {  	v13 =	vadd.f32 v19, v54;
	v19 =	vld [tilespmem:s10+$0x10];
	v11 =	vmul.f32 v7, v26;
	v7 =	vadd.f32 v8, v1  }
0x583: {  	v8 =	vld [tilespmem:s10+$0x0];
	v18 =	vmul.f32 $2.000000030e-01, v4;
	v58 =	vmax.f32 v17, v16;
	v17 =	vmul.f32 $2.000000030e-01, v45  }
0x584: {  	v12 =	vadd.f32 v12, v55;
	v16 =	vmul.f32 $2.000000030e-01, v13;
	v1 =	vmul.f32 v58, v27;
	v58 =	vld [tilespmem:s26+$0x10]  }
0x585: {  	v15 =	vadd.f32 v15, v59;
	v4 =	vmax.f32 v4, v18;
	v45 =	vmax.f32 v45, v17  }
0x586: {  	v4 =	vmul.f32 v4, v20;
	v10 =	vmax.f32 v13, v16;
	v17 =	vmul.f32 $2.000000030e-01, v12  }
0x587: {  	v0 =	vld [tilespmem:s26+$0x50];
	v13 =	vmul.f32 $2.000000030e-01, v14;
	v45 =	vmul.f32 v45, v22;
	v1 =	vadd.f32 v1, v11  }
0x588: {  	v2 =	vld [tilespmem:s26+$0x60];
	v10 =	vmul.f32 v10, v23;
	v8 =	vadd.f32 v8, v57;
	v12 =	vmax.f32 v12, v17  }
0x589: {  	v16 =	vpop (erf);
	v9 =	vadd.f32 v1, v9;
	v1 =	vld [tilespmem:s26+$0x30];
	v12 =	vmul.f32 v12, v21;
	v11 =	vadd.f32 v19, v58  }
0x58a: {  	v4 =	vadd.f32 v4, v45;
	v45 =	vld [tilespmem:s10+$0x30];
	v36 =	vmul.f32 v16, v36;
	v37 =	vmul.f32 v16, v37  }
0x58b: {  	v17 =	vld [tilespmem:s10+$0x60];
	v13 =	vmax.f32 v14, v13;
	v18 =	vmul.f32 $2.000000030e-01, v8;
	v19 =	vmul.f32 $2.000000030e-01, v11  }
0x58c: {  	v13 =	vmul.f32 v13, v26;
	v10 =	vadd.f32 v12, v10;
	v12 =	vld [tilespmem:s10+$0x50];
	[tilespmem:s10+$0x80] =	vst v36;
	v36 =	vmul.f32 $2.000000030e-01, v15  }
0x58d: {  	[tilespmem:s10+$0x90] =	vst v37;
	v37 =	vmul.f32 v16, v39;
	v8 =	vmax.f32 v8, v18;
	v11 =	vmax.f32 v11, v19  }
0x58e: {  	s28 =	sadd.s32 $0x3, s23;
	v8 =	vmul.f32 v8, v24;
	v11 =	vmul.f32 v11, v25  }
0x58f: {  	v39 =	vmov s28;
	[tilespmem:s10+$0xB0] =	vst v37;
	v37 =	vmul.f32 v16, v43;
	v45 =	vadd.f32 v45, v1  }
0x590: {  	v17 =	vadd.f32 v17, v2;
	v19 =	vpop (erf);
	v8 =	vadd.f32 v11, v8;
	v11 =	vmul.f32 v16, v38;
	v38 =	vld [tilespmem:s26+$0xFFFFFF00]  }
0x591: {  	[tilespmem:s10+$0xF0] =	vst v37;
	v18 =	vmul.f32 $2.000000030e-01, v45;
	v12 =	vadd.f32 v12, v0;
	v3 =	vmul.f32 v19, v3  }
0x592: {  	s24 =	smov.u32 s25;
	v15 =	vmax.f32 v15, v36;
	v56 =	vmul.f32 v19, v56;
	[tilespmem:s10+$0xA0] =	vst v11;
	v11 =	vmul.f32 v16, v40  }
0x593: {  	v18 =	vmax.f32 v45, v18;
	v45 =	vmul.f32 v16, v41;
	v36 =	vmul.f32 $2.000000030e-01, v12;
	[tilespmem:s24+$0xFFFFFF50] =	vst v3  }
0x594: {  	v14 =	vld [tilespmem:s10+$0x70];
	v10 =	vadd.f32 v10, v4;
	v40 =	vmul.f32 $2.000000030e-01, v17;
	[tilespmem:s10+$0xC0] =	vst v11;
	v11 =	vmul.f32 v16, v42  }
0x595: {  	v4 =	vld [tilespmem:s26+$0x70];
	v18 =	vmul.f32 v18, v27;
	[tilespmem:s10+$0xD0] =	vst v45;
	v12 =	vmax.f32 v12, v36;
	v41 =	vadd.f32 v44, v38  }
0x596: {  	v3 =	vld [tilespmem:$0x1F960];
	v12 =	vmul.f32 v12, v20;
	v44 =	vmax.f32 v17, v40;
	[tilespmem:s10+$0xE0] =	vst v11;
	v11 =	vmul.f32 v15, v22  }
0x597: {  	s26 =	sadd.s32 $0x200, s26;
	v42 =	vmul.f32 v44, v23;
	v23 =	vld [tilespmem:$0x1F910];
	v40 =	vmul.f32 $2.000000030e-01, v41;
	[tilespmem:v39+s21+$0x0] =	vst.idx.msk $0x1, v16  }
0x598: {  	s25 =	smov.u32 s10;
	v61 =	vmul.f32 v19, v61;
	v13 =	vadd.f32 v18, v13;
	s10 =	sadd.s32 $0x200, s10;
	v36 =	vld [tilespmem:s26+$0x80]  }
0x599: {  	[tilespmem:s24+$0xFFFFFF10] =	vst v56;
	v18 =	vmul.f32 v19, v62;
	v11 =	vadd.f32 v12, v11;
	v12 =	vld [tilespmem:s10+$0x80];
	v43 =	vmax.f32 v41, v40  }
0x59a: {  	v14 =	vadd.f32 v14, v4;
	[tilespmem:s24+$0xFFFFFF20] =	vst v61;
	v20 =	vmul.f32 v19, v63;
	v37 =	vld [tilespmem:s26+$0x90];
	v15 =	vmul.f32 v43, v24  }
0x59b: {  	v44 =	vmul.f32 v19, v33;
	[tilespmem:s24+$0xFFFFFF30] =	vst v18;
	v16 =	vld [tilespmem:s10+$0x90]  }
0x59c: {  	v61 =	vmovc v46;
	v22 =	vmul.f32 $2.000000030e-01, v14;
	v33 =	vmov v38;
	[tilespmem:s24+$0xFFFFFF40] =	vst v20;
	v38 =	vld [tilespmem:s26+$0xA0];
	v5 =	vadd.f32 v5, v15  }
0x59d: {  	v8 =	vadd.f32 v13, v8;
	[tilespmem:$0x1F910] =	vst v61;
	v3 =	vmul.f32 v35, v3;
	v13 =	vld [tilespmem:s10+$0xA0]  }
0x59e: {  	v9 =	vadd.f32 v10, v9;
	v14 =	vmax.f32 v14, v22;
	[tilespmem:s24+$0xFFFFFF00] =	vst v44;
	v5 =	vadd.f32 v6, v5;
	v6 =	vld [tilespmem:$0x1F8F0]  }
0x59f: {  	v45 =	vpop (erf);
	v22 =	vld [tilespmem:$0x1F900];
	v14 =	vmul.f32 v14, v21;
	[tilespmem:s24+$0xFFFFFFD0] =	vst v3;
	v44 =	vmov v52;
	v52 =	vmov v53  }
0x5a0: {  	v21 =	vld [tilespmem:$0x1F8E0];
	v53 =	vmul.f32 v45, v29;
	v29 =	vmov v48;
	v48 =	vmov v54;
	[tilespmem:$0x1F900] =	vst v52  }
0x5a1: {  	(xrf2) =	vadd.scan.msk.f32 $0xffff, v9;
	v10 =	vadd.f32 v14, v42;
	v9 =	vmul.f32 v35, v23;
	v42 =	vld [tilespmem:$0x1F970];
	[tilespmem:$0x1F970] =	vst v48;
	v43 =	vmovc v51  }
0x5a2: {  	v39 =	vld [tilespmem:s26+$0xB0];
	v23 =	vmul.f32 v45, v31;
	[tilespmem:$0x1F8E0] =	vst v43  }
0x5a3: {  	v41 =	vld [tilespmem:$0x1F950];
	[tilespmem:s24+$0xFFFFFF90] =	vst v9;
	v6 =	vmul.f32 v19, v6  }
0x5a4: {  	v40 =	vld [tilespmem:$0x1F930];
	[tilespmem:s24+$0x40] =	vst v23  }
0x5a5: {  	v14 =	vmul.f32 v35, v22;
	[tilespmem:s24+$0xFFFFFF70] =	vst v6;
	v6 =	vld [tilespmem:$0x1F9A0]  }
0x5a6: {  	v51 =	vld [tilespmem:$0x1F990];
	v10 =	vadd.f32 v10, v11;
	v11 =	vmul.f32 v19, v21;
	[tilespmem:$0x1F8F0] =	vst v44  }
0x5a7: {  	v17 =	vld [tilespmem:s10+$0xB0];
	[tilespmem:s24+$0xFFFFFF80] =	vst v14  }
0x5a8: {  	v15 =	vmul.f32 v35, v41;
	v44 =	vld [tilespmem:$0x1F9C0];
	[tilespmem:s24+$0xFFFFFF60] =	vst v11  }
0x5a9: {  	v8 =	vadd.f32 v10, v8;
	v10 =	vmul.f32 v35, v40;
	v5 =	vadd.f32 v7, v5;
	v7 =	vld [tilespmem:$0x1F940];
	[tilespmem:$0x1F940] =	vst v29  }
0x5aa: {  	[tilespmem:s24+$0xFFFFFFC0] =	vst v15;
	v63 =	vmul.f32 v45, v6;
	v6 =	vld [tilespmem:$0x1F9B0]  }
0x5ab: {  	v62 =	vld [tilespmem:s10+$0xC0];
	v11 =	vmul.f32 v45, v51;
	v51 =	vmul.f32 v45, v30;
	[tilespmem:s24+$0xFFFFFFA0] =	vst v10;
	v30 =	vmov v49  }
0x5ac: {  	v43 =	vld [tilespmem:s26+$0xF0];
	v56 =	vmul.f32 v35, v42;
	v49 =	vmov v55;
	[tilespmem:$0x1F950] =	vst v30  }
0x5ad: {  	(xrf2) =	vadd.scan.msk.f32 $0xffff, v5;
	v5 =	vld [tilespmem:$0x1F980];
	[tilespmem:$0x1F980] =	vst v49  }
0x5ae: {  	v41 =	vld [tilespmem:s26+$0xD0];
	[tilespmem:s24+$0xFFFFFFE0] =	vst v56  }
0x5af: {  	s28 =	sadd.s32 $0x1, s22;
	v18 =	vmov s23;
	v21 =	vld [tilespmem:s10+$0xD0];
	v22 =	vmul.f32 v45, v44;
	[tilespmem:s24+$0x0] =	vst v11;
	v20 =	vmul.f32 v45, v6;
	v6, _, _ =	vpop (xrf2)  }
0x5b0: {  	v18 =	vand.u32 $0xFFFFFFFC, v18;
	v40 =	vld [tilespmem:s26+$0xC0];
	[tilespmem:v34+s21+$0x0] =	vst.idx.msk $0x1, v19;
	v34 =	vmov s28;
	v6 =	vperm.xlane v6, v28  }
0x5b1: {  	v13 =	vadd.f32 v13, v38;
	v14 =	vld [tilespmem:s10+$0xF0];
	v7 =	vmul.f32 v35, v7;
	[tilespmem:s24+$0x30] =	vst v22;
	s28 =	sadd.s32 $0x2, s22;
	v46 =	vand.u32 $0xFFFFFFFD, v34  }
0x5b2: {  	v42 =	vld [tilespmem:s26+$0xE0];
	v29 =	vmov s28;
	v9 =	vbroadcast v46, $0x0;
	(xrf2) =	vadd.scan.msk.f32 $0xffff, v8;
	v28 =	vmul.f32 $1.442695020e+00, v6  }
0x5b3: {  	v10 =	vadd.f32 v12, v36;
	v5 =	vmul.f32 v35, v5;
	[tilespmem:s24+$0xFFFFFFB0] =	vst v7;
	v44 =	vld [tilespmem:s10+$0xFFFFFF00];
	v7 =	vand.u32 $0xFFFFFFFE, v29;
	v8 =	vmovc v47  }
0x5b4: {  	v52 =	vmul.f32 v45, v32;
	v15 =	vadd.f32 v17, v39;
	[tilespmem:$0x1F930] =	vst v8;
	v8 =	vld [tilespmem:s10+$0xE0];
	(erf) = vpow2.f32 v28  }
0x5b5: {  	v12 =	vadd.f32 v16, v37;
	v56 =	vmul.f32 $2.000000030e-01, v13;
	v54 =	vmul.f32 $2.000000030e-01, v10;
	v48 =	vld [tilespmem:s26+$0xFFFFFF30];
	[tilespmem:s24+$0xFFFFFFF0] =	vst v5;
	v29 =	vmovc v60  }
0x5b6: {  	v32 =	vmovc v4;
	v34 =	vbroadcast v18, $0x0;
	v18 =	vadd.f32 v21, v41;
	v49 =	vld [tilespmem:s26+$0xFFFFFF40];
	v61 =	vbroadcast v7, $0x0;
	[tilespmem:$0x1F9B0] =	vst v29;
	v7 =	vmovc v1  }
0x5b7: {  	v55 =	vadd.f32 v62, v40;
	v10 =	vmax.f32 v10, v54;
	v4 =	vld [tilespmem:s10+$0xFFFFFF40];
	[tilespmem:$0x1F9C0] =	vst v7;
	v7 =	vadd.f32 v14, v43  }
0x5b8: {  	p1 =	slt.u32 s20, $0x4C;
	v31 =	vmovc v59;
	v30 =	vmov v0;
	v54 =	vmul.f32 v10, v24;
	v46 =	vld [tilespmem:s26+$0xFFFFFF10];
	[tilespmem:v9+s21+$0x0] =	vst.idx.msk $0x1, v35;
	v9 =	vmul.f32 $2.000000030e-01, v18  }
.Ltmp8:
0x5b9: {  	v5 =	vld [tilespmem:s10+$0xFFFFFF20];
	[tilespmem:s24+$0x10] =	vst v63;
	v0 =	vmul.f32 $2.000000030e-01, v7;
	v47 =	vmovc v50;
	v50 =	vmovc v57;
	v57 =	vmul.f32 $2.000000030e-01, v15;
	v8 =	vadd.f32 v8, v42;
	(pc) =	sbr.rel @p1 .LBB2_11-.Ltmp8, $4  }
0x5ba: {  	v62 =	vmax.f32 v13, v56;
	v29 =	vmovc v2;
	v2 =	vld [tilespmem:s10+$0xFFFFFF30];
	[tilespmem:$0x1F960] =	vst v47;
	v6 =	vmovc v58;
	v28 =	vmul.f32 $2.000000030e-01, v12;
	v58 =	vmul.f32 $2.000000030e-01, v55  }
0x5bb: {  	[tilespmem:$0x1F990] =	vst v50;
	v47 =	vld [tilespmem:s26+$0xFFFFFF20];
	v3, _, _ =	vpop (xrf2);
	v59 =	vmax.f32 v18, v9;
	v63 =	vmax.f32 v15, v57;
	v14 =	vmul.f32 $2.000000030e-01, v8  }
0x5bc: {  	v50 =	vld [tilespmem:s26+$0xFFFFFF50];
	[tilespmem:s24+$0x20] =	vst v20;
	v57 =	vmul.f32 v62, v26;
	v60 =	vmax.f32 v12, v28;
	v56 =	vmax.f32 v55, v58;
	v1, _, _ =	vpop (xrf2)  }
0x5bd: {  	s22 =	smov.u32 s23;
	s23 =	smov.u32 s20;
	s20 =	sadd.s32 $0x4, s20;
	[tilespmem:$0x1F9A0] =	vst v6;
	v6 =	vld [tilespmem:s10+$0xFFFFFF10];
	v58 =	vmul.f32 v63, v27;
	v55 =	vmul.f32 v60, v25;
	v60 =	vmax.f32 v8, v14;
	v35 =	vpop (erf)  }
0x5be: {  	v62 =	vld [tilespmem:$0x1FFB0];
	_ =	sdelay $0x1  }
0x5bf: {  	v14 =	vld [tilespmem:s26+$0xFFFFFF60];
	_ =	sdelay $0x2  }
0x5c0: {  	v8 =	vmul.f32 v56, v62;
	v56 =	vld [tilespmem:$0x1FF90];
	_ =	sdelay $0x1  }
0x5c1: {  	v0 =	vmax.f32 v7, v0;
	v7 =	vld [tilespmem:s10+$0xFFFFFF50];
	[tilespmem:$0x1F670] =	vst v14  }
0x5c2: {  	v15 =	vld [tilespmem:s26+$0xFFFFFF70]  }
0x5c3: {  	v23 =	vld [tilespmem:$0x1FFA0]  }
0x5c4: {  	v9 =	vmul.f32 v59, v56;
	v59 =	vld [tilespmem:$0x1FFC0];
	_ =	sdelay $0x2  }
0x5c5: {  	v13 =	vld [tilespmem:s10+$0xFFFFFF60];
	[tilespmem:$0x1F680] =	vst v15  }
0x5c6: {  	v16 =	vld [tilespmem:s26+$0xFFFFFF80]  }
0x5c7: {  	v0 =	vmul.f32 v0, v23;
	v10 =	vmul.f32 v60, v59  }
0x5c8: {  	v11 =	vadd.f32 v55, v54;
	v12 =	vadd.f32 v58, v57  }
0x5c9: {  	v8 =	vadd.f32 v9, v8;
	v0 =	vadd.f32 v0, v10  }
0x5ca: {  	v2 =	vadd.f32 v2, v48  }
0x5cb: {  	v22 =	vadd.f32 v12, v11;
	v21 =	vld [tilespmem:s10+$0xFFFFFF70];
	[tilespmem:$0x1F690] =	vst v16;
	v0 =	vadd.f32 v0, v8  }
0x5cc: {  	v54 =	vadd.f32 v13, v14;
	v17 =	vld [tilespmem:s26+$0xFFFFFF90]  }
0x5cd: {  	v26 =	vmul.f32 $2.000000030e-01, v2;
	v0 =	vadd.f32 v0, v22  }
0x5ce: {  	v28 =	vld [tilespmem:$0x1FFD0];
	v14 =	vmul.f32 $2.000000030e-01, v54  }
0x5cf: {  	v2 =	vmax.f32 v2, v26;
	v26 =	vld [tilespmem:$0x1FFF0];
	(xrf2) =	vadd.scan.msk.f32 $0xffff, v0  }
0x5d0: {  	v8 =	vld [tilespmem:s10+$0xFFFFFF80];
	v22 =	vmax.f32 v54, v14  }
0x5d1: {  	v6 =	vadd.f32 v6, v46;
	v10 =	vmul.f32 v22, v59;
	v22 =	vld [tilespmem:$0x1FF80];
	[tilespmem:$0x1F6A0] =	vst v17  }
0x5d2: {  	v19 =	vimm.s32 $0xF;
	v5 =	vadd.f32 v5, v47;
	v25 =	vld [tilespmem:s10+$0xFFFFFF90]  }
0x5d3: {  	v7 =	vadd.f32 v7, v50;
	v24 =	vmul.f32 $2.000000030e-01, v6;
	v9 =	vadd.f32 v21, v15;
	v58 =	vld [tilespmem:s26+$0xFFFFFFA0]  }
0x5d4: {  	v4 =	vadd.f32 v4, v49;
	v3 =	vperm.xlane v3, v19;
	v0 =	vmul.f32 $2.000000030e-01, v5;
	v55 =	vld [tilespmem:s10+$0xFFFFFFA0]  }
0x5d5: {  	v20 =	vmul.f32 $2.000000030e-01, v7;
	v6 =	vmax.f32 v6, v24;
	v15 =	vmul.f32 $2.000000030e-01, v9;
	v57 =	vld [tilespmem:s26+$0xFFFFFFB0]  }
0x5d6: {  	v8 =	vadd.f32 v8, v16;
	v21 =	vld [tilespmem:s10+$0xFFFFFFB0];
	v0 =	vmax.f32 v5, v0;
	v5 =	vmul.f32 $2.000000030e-01, v4  }
0x5d7: {  	v2 =	vmul.f32 v2, v26;
	v9 =	vmax.f32 v9, v15;
	v11 =	vadd.f32 v25, v17;
	v25 =	vld [tilespmem:$0x1FFE0]  }
0x5d8: {  	v60 =	vld [tilespmem:s26+$0xFFFFFFC0];
	v4 =	vmax.f32 v4, v5;
	v5 =	vmax.f32 v7, v20;
	v7 =	vmul.f32 $2.000000030e-01, v8  }
0x5d9: {  	v9 =	vmul.f32 v9, v23;
	v12 =	vld [tilespmem:s10+$0xFFFFFFC0];
	v4 =	vmul.f32 v4, v62;
	v13 =	vadd.f32 v55, v58;
	v55, _, _ =	vpop (xrf2)  }
0x5da: {  	v24 =	vld [tilespmem:s26+$0xFFFFFFD0];
	v7 =	vmax.f32 v8, v7;
	v54 =	vmul.f32 $2.000000030e-01, v11;
	v14 =	vperm.xlane v55, v19  }
0x5db: {  	v63 =	vld [tilespmem:s26+$0xFFFFFFE0];
	v5 =	vmul.f32 v5, v56;
	v15 =	vadd.f32 v21, v57;
	v7 =	vmul.f32 v7, v22  }
0x5dc: {  	v16 =	vld [tilespmem:s10+$0xFFFFFFE0];
	v8 =	vmax.f32 v11, v54;
	v0 =	vmul.f32 v0, v25;
	v21 =	vmul.f32 $1.442695020e+00, v14  }
0x5dd: {  	v17 =	vld [tilespmem:s10+$0xFFFFFFF0];
	v4 =	vadd.f32 v5, v4;
	v5 =	vmul.f32 v8, v28;
	v8 =	vmul.f32 $2.000000030e-01, v13  }
0x5de: {  	v9 =	vadd.f32 v9, v10;
	v11 =	vld [tilespmem:s10+$0xFFFFFFD0];
	v54 =	vmul.f32 $2.000000030e-01, v15;
	(erf) = vpow2.f32 v21  }
0x5df: {  	v3 =	vmul.f32 $1.442695020e+00, v3;
	v55 =	vld [tilespmem:s26+$0xFFFFFFF0];
	v18 =	vadd.f32 v2, v0;
	v0 =	vmax.f32 v13, v8  }
0x5e0: {  	v2 =	vadd.f32 v5, v7;
	v5 =	vmax.f32 v15, v54;
	v8 =	vadd.f32 v9, v4;
	v54 =	vld [tilespmem:s26+$0x0]  }
0x5e1: {  	v4 =	vadd.f32 v12, v60;
	v14 =	vld [tilespmem:s10+$0x0];
	v0 =	vmul.f32 v0, v25;
	v21 =	vmul.f32 v5, v26  }
0x5e2: {  	v10 =	vadd.f32 v16, v63;
	(erf) = vpow2.f32 v3;
	v3 =	vld [tilespmem:s10+$0x10]  }
0x5e3: {  	[tilespmem:s24+$0x50] =	vst v51;
	v7 =	vadd.f32 v11, v24;
	v12 =	vmul.f32 $2.000000030e-01, v4;
	v9 =	vadd.f32 v21, v0;
	v0 =	vld [tilespmem:s26+$0x10]  }
0x5e4: {  	[tilespmem:s24+$0x60] =	vst v53;
	v11 =	vadd.f32 v17, v55  }
0x5e5: {  	[tilespmem:s24+$0x70] =	vst v52;
	v20 =	vmul.f32 $2.000000030e-01, v7;
	v21 =	vmul.f32 $2.000000030e-01, v10;
	v4 =	vmax.f32 v4, v12  }
0x5e6: {  	[tilespmem:v61+s21+$0x0] =	vst.idx.msk $0x1, v45;
	v17 =	vmul.f32 $2.000000030e-01, v11;
	v4 =	vmul.f32 v4, v62  }
0x5e7: {  	v12 =	vadd.f32 v14, v54;
	v7 =	vmax.f32 v7, v20;
	v9 =	vadd.f32 v9, v2;
	v15 =	vpop (erf)  }
0x5e8: {  	v7 =	vmul.f32 v7, v56;
	v53 =	vadd.f32 v3, v0;
	v3 =	vmul.f32 v15, v36  }
0x5e9: {  	v2 =	vmax.f32 v10, v21;
	v20 =	vmax.f32 v11, v17;
	v36 =	vmul.f32 v15, v37  }
0x5ea: {  	v5 =	vld [tilespmem:s26+$0xFFFFFF00];
	v7 =	vadd.f32 v7, v4;
	v4 =	vmul.f32 v20, v23;
	v20 =	vmul.f32 v15, v38;
	[tilespmem:s10+$0x80] =	vst v3  }
0x5eb: {  	v13 =	vmul.f32 v2, v59;
	v38 =	vmul.f32 v15, v39;
	[tilespmem:s10+$0x90] =	vst v36  }
0x5ec: {  	s20 =	sadd.s32 $0x3, s23;
	v61 =	vmul.f32 $2.000000030e-01, v12;
	v40 =	vmul.f32 v15, v40;
	[tilespmem:s10+$0xA0] =	vst v20  }
0x5ed: {  	v45 =	vmov s20;
	v13 =	vadd.f32 v4, v13;
	v41 =	vmul.f32 v15, v41;
	[tilespmem:s10+$0xB0] =	vst v38  }
0x5ee: {  	v1 =	vperm.xlane v1, v19;
	v12 =	vmax.f32 v12, v61;
	v61 =	vmul.f32 v15, v43;
	[tilespmem:s10+$0xC0] =	vst v40  }
0x5ef: {  	v21 =	vadd.f32 v44, v5;
	v13 =	vadd.f32 v13, v7;
	v7 =	vmul.f32 v15, v42;
	[tilespmem:s10+$0xD0] =	vst v41  }
0x5f0: {  	v51 =	vld [tilespmem:s10+$0x20];
	v44 =	vmul.f32 $1.442695020e+00, v1;
	[tilespmem:s10+$0xF0] =	vst v61  }
0x5f1: {  	v1 =	vld [tilespmem:s26+$0x20];
	v52 =	vmul.f32 $2.000000030e-01, v21;
	[tilespmem:s10+$0xE0] =	vst v7  }
0x5f2: {  	(erf) = vpow2.f32 v44;
	v44 =	vld [tilespmem:s10+$0x50];
	[tilespmem:v45+s21+$0x0] =	vst.idx.msk $0x1, v15  }
0x5f3: {  	v11 =	vmax.f32 v21, v52;
	v42 =	vld [tilespmem:$0x1F920]  }
0x5f4: {  	v6 =	vmul.f32 v6, v28;
	v4 =	vld [tilespmem:s26+$0x50];
	v11 =	vmul.f32 v11, v22;
	_ =	sdelay $0x1  }
0x5f5: {  	v6 =	vadd.f32 v6, v11;
	v9 =	vadd.f32 v13, v9;
	v13 =	vpop (erf)  }
0x5f6: {  	v40 =	vmul.f32 v13, v33  }
0x5f7: {  	v2 =	vld [tilespmem:s26+$0x30];
	v10 =	vadd.f32 v51, v1;
	v51 =	vadd.f32 v18, v6;
	(xrf2) =	vadd.scan.msk.f32 $0xffff, v9;
	v9 =	vmul.f32 v13, v42  }
0x5f8: {  	v41 =	vadd.f32 v44, v4;
	v44 =	vld [tilespmem:$0x1F8A0];
	[tilespmem:s25+$0xFFFFFF00] =	vst v40  }
0x5f9: {  	v8 =	vadd.f32 v8, v51;
	v51 =	vld [tilespmem:$0x1F8B0];
	[tilespmem:s25+$0xFFFFFF10] =	vst v9  }
0x5fa: {  	v61 =	vld [tilespmem:$0x1F8C0]  }
0x5fb: {  	v21 =	vld [tilespmem:s10+$0x30];
	_ =	sdelay $0x1  }
0x5fc: {  	v27 =	vmov v22;
	v39 =	vld [tilespmem:s10+$0x40];
	v22 =	vmul.f32 v13, v44  }
0x5fd: {  	v37 =	vmul.f32 $2.000000030e-01, v53;
	v3 =	vld [tilespmem:s26+$0x40];
	v18 =	vmul.f32 v13, v51  }
0x5fe: {  	v36 =	vld [tilespmem:s10+$0x60];
	[tilespmem:s25+$0xFFFFFF20] =	vst v22;
	v20 =	vmul.f32 v13, v61  }
0x5ff: {  	v17 =	vmax.f32 v53, v37;
	v53 =	vadd.f32 v21, v2;
	v21 =	vld [tilespmem:$0x1F8D0];
	[tilespmem:s25+$0xFFFFFF30] =	vst v18  }
0x600: {  	v33 =	vld [tilespmem:$0x1F8E0];
	[tilespmem:s25+$0xFFFFFF40] =	vst v20  }
0x601: {  	v18 =	vld [tilespmem:$0x1F8F0]  }
0x602: {  	v38 =	vld [tilespmem:s10+$0x70]  }
0x603: {  	v12 =	vmul.f32 v12, v27;
	v17 =	vmul.f32 v17, v28;
	v7 =	vld [tilespmem:s26+$0x70]  }
0x604: {  	v6 =	vld [tilespmem:s26+$0x60];
	v21 =	vmul.f32 v13, v21  }
0x605: {  	v12 =	vadd.f32 v17, v12;
	v16 =	vadd.f32 v39, v3;
	v17 =	vmul.f32 v13, v33  }
0x606: {  	v52 =	vmul.f32 $2.000000030e-01, v10;
	[tilespmem:s25+$0xFFFFFF50] =	vst v21;
	v18 =	vmul.f32 v13, v18  }
0x607: {  	v39 =	vmul.f32 $2.000000030e-01, v16;
	[tilespmem:s25+$0xFFFFFF60] =	vst v17  }
0x608: {  	v10 =	vmax.f32 v10, v52;
	v15 =	vadd.f32 v38, v7;
	v38 =	vld [tilespmem:$0x1F900];
	[tilespmem:s25+$0xFFFFFF70] =	vst v18  }
0x609: {  	v37 =	vmul.f32 $2.000000030e-01, v53;
	v43 =	vadd.f32 v36, v6;
	v52 =	vmax.f32 v16, v39;
	v39 =	vld [tilespmem:$0x1F910];
	[tilespmem:v34+s21+$0x0] =	vst.idx.msk $0x1, v13  }
0x60a: {  	v13 =	vld [tilespmem:$0x1F930]  }
0x60b: {  	(xrf2) =	vadd.scan.msk.f32 $0xffff, v8;
	v8 =	vmax.f32 v53, v37;
	v36 =	vmul.f32 $2.000000030e-01, v15;
	v53 =	vmul.f32 $2.000000030e-01, v43;
	v17 =	vld [tilespmem:$0x1F940];
	_ =	sdelay $0x1  }
0x60c: {  	v14 =	vmax.f32 v15, v36;
	v16 =	vmax.f32 v43, v53;
	v15 =	vmul.f32 v35, v38  }
0x60d: {  	v37 =	vmul.f32 v16, v59;
	v16 =	vmul.f32 v35, v39  }
0x60e: {  	[tilespmem:s25+$0xFFFFFF80] =	vst v15;
	v13 =	vmul.f32 v35, v13  }
0x60f: {  	v15 =	vld [tilespmem:$0x1F950];
	v17 =	vmul.f32 v35, v17;
	[tilespmem:s25+$0xFFFFFF90] =	vst v16  }
0x610: {  	[tilespmem:s25+$0xFFFFFFA0] =	vst v13  }
0x611: {  	v9 =	vmul.f32 v52, v62;
	v52 =	vld [tilespmem:$0x1F960];
	[tilespmem:s25+$0xFFFFFFB0] =	vst v17  }
0x612: {  	v61 =	vld [tilespmem:$0x1F970]  }
0x613: {  	v10 =	vmul.f32 v10, v25;
	v8 =	vmul.f32 v8, v26  }
0x614: {  	v45 =	vmul.f32 $2.000000030e-01, v41;
	v42 =	vimm.s32 $0xF;
	v14 =	vmul.f32 v14, v23;
	v40, _, _ =	vpop (xrf2)  }
0x615: {  	v8 =	vadd.f32 v8, v10;
	v44, _, _ =	vpop (xrf2);
	v18 =	vperm.xlane v40, v42;
	v15 =	vmul.f32 v35, v15  }
0x616: {  	v10 =	vadd.f32 v14, v37;
	v51 =	vperm.xlane v44, v42;
	v14 =	vmul.f32 v35, v52  }
0x617: {  	s28 =	sadd.s32 $0x1, s22;
	v8 =	vadd.f32 v8, v12;
	v53 =	vmul.f32 $1.442695020e+00, v18;
	[tilespmem:s25+$0xFFFFFFC0] =	vst v15;
	v12 =	vmul.f32 v35, v61  }
0x618: {  	v11 =	vmax.f32 v41, v45;
	v41 =	vmov s28;
	v13 =	vmul.f32 $1.442695020e+00, v51;
	v15 =	vld [tilespmem:$0x1F980];
	[tilespmem:s25+$0xFFFFFFD0] =	vst v14  }
0x619: {  	v11 =	vmul.f32 v11, v56;
	v43 =	vand.u32 $0xFFFFFFFD, v41;
	(erf) = vpow2.f32 v53;
	[tilespmem:s25+$0xFFFFFFE0] =	vst v12  }
0x61a: {  	v45 =	vbroadcast v43, $0x0;
	v17 =	vpop (erf);
	(erf) = vpow2.f32 v13;
	v18 =	vld [tilespmem:$0x1F990]  }
0x61b: {  	v9 =	vadd.f32 v11, v9;
	_ =	sdelay $0x1  }
0x61c: {  	v9 =	vadd.f32 v10, v9;
	v10 =	vmul.f32 v35, v15;
	_ =	sdelay $0x1  }
0x61d: {  	v8 =	vadd.f32 v9, v8;
	[tilespmem:s25+$0xFFFFFFF0] =	vst v10;
	v9 =	vmul.f32 v17, v18  }
0x61e: {  	v19 =	vmul.f32 v17, v31;
	v10 =	vld [tilespmem:$0x1F9A0];
	[tilespmem:v45+s21+$0x0] =	vst.idx.msk $0x1, v35  }
0x61f: {  	v20 =	vmul.f32 v17, v30;
	v11 =	vld [tilespmem:$0x1F9B0];
	[tilespmem:s25+$0x0] =	vst v9  }
0x620: {  	s24 =	sadd.s32 $0x2, s22;
	v21 =	vmul.f32 v17, v29;
	v22 =	vmul.f32 v17, v32;
	v32 =	vpop (erf);
	v9 =	vld [tilespmem:$0x1F9C0];
	[tilespmem:s25+$0x40] =	vst v19  }
0x621: {  	(xrf2) =	vadd.scan.msk.f32 $0xffff, v8;
	v8 =	vmov s24;
	v33 =	vpop (erf);
	[tilespmem:s25+$0x50] =	vst v20  }
0x622: {  	v8 =	vand.u32 $0xFFFFFFFE, v8;
	v5 =	vmul.f32 v33, v5;
	[tilespmem:s25+$0x60] =	vst v21  }
0x623: {  	v8 =	vbroadcast v8, $0x0;
	v36 =	vmul.f32 v33, v47;
	[tilespmem:s25+$0x70] =	vst v22  }
0x624: {  	v10 =	vmul.f32 v17, v10;
	[tilespmem:s10+$0xFFFFFF00] =	vst v5  }
0x625: {  	v11 =	vmul.f32 v17, v11;
	[tilespmem:s10+$0xFFFFFF20] =	vst v36  }
0x626: {  	[tilespmem:s25+$0x10] =	vst v10;
	v9 =	vmul.f32 v17, v9  }
0x627: {  	[tilespmem:s25+$0x20] =	vst v11  }
0x628: {  	v38 =	vmul.f32 v33, v48;
	[tilespmem:s25+$0x30] =	vst v9  }
0x629: {  	[tilespmem:v8+s21+$0x0] =	vst.idx.msk $0x1, v17;
	v8 =	vmul.f32 v33, v46  }
0x62a: {  	[tilespmem:s10+$0xFFFFFF30] =	vst v38  }
0x62b: {  	v34 =	vimm.s32 $0xF;
	v37, _, _ =	vpop (xrf2);
	v39 =	vmul.f32 v33, v49;
	[tilespmem:s10+$0xFFFFFF10] =	vst v8  }
0x62c: {  	v35 =	vmov s23;
	v8 =	vperm.xlane v37, v34;
	v13 =	vld [tilespmem:$0x1F670]  }
0x62d: {  	v10 =	vand.u32 $0xFFFFFFFC, v35;
	[tilespmem:s10+$0xFFFFFF40] =	vst v39  }
0x62e: {  	v5 =	vbroadcast v10, $0x0;
	v8 =	vmul.f32 $1.442695020e+00, v8;
	v10 =	vld [tilespmem:$0x1F680];
	_ =	sdelay $0x1  }
0x62f: {  	v40 =	vmul.f32 v33, v50;
	(erf) = vpow2.f32 v8  }
0x630: {  	v13 =	vmul.f32 v33, v13  }
0x631: {  	[tilespmem:s10+$0xFFFFFF50] =	vst v40  }
0x632: {  	v10 =	vmul.f32 v33, v10;
	[tilespmem:s10+$0xFFFFFF60] =	vst v13  }
0x633: {  	v8 =	vld [tilespmem:$0x1F690]  }
0x634: {  	v42 =	vmul.f32 v32, v60;
	[tilespmem:s10+$0xFFFFFF70] =	vst v10  }
0x635: {  	v43 =	vmul.f32 v32, v24;
	v10 =	vld [tilespmem:$0x1F6A0];
	[tilespmem:v5+s21+$0x0] =	vst.idx.msk $0x1, v33  }
0x636: {  	s26 =	sadd.s32 $0x1, s23;
	v44 =	vmul.f32 v32, v55;
	[tilespmem:s10+$0xFFFFFFC0] =	vst v42  }
0x637: {  	v41 =	vmov s26;
	v5 =	vmul.f32 v32, v58;
	[tilespmem:s10+$0xFFFFFFD0] =	vst v43  }
0x638: {  	v9 =	vand.u32 $0xFFFFFFFD, v41;
	[tilespmem:s10+$0xFFFFFFF0] =	vst v44;
	v45 =	vpop (erf);
	v8 =	vmul.f32 v32, v8  }
0x639: {  	[tilespmem:s10+$0xFFFFFFA0] =	vst v5;
	v5 =	vbroadcast v9, $0x0;
	v0 =	vmul.f32 v45, v0  }
0x63a: {  	[tilespmem:s10+$0xFFFFFF80] =	vst v8;
	v8 =	vmul.f32 v32, v57  }
0x63b: {  	v10 =	vmul.f32 v32, v10;
	[tilespmem:s10+$0x10] =	vst v0  }
0x63c: {  	[tilespmem:s10+$0xFFFFFFB0] =	vst v8;
	v8 =	vmul.f32 v32, v63  }
0x63d: {  	[tilespmem:s10+$0xFFFFFF90] =	vst v10  }
0x63e: {  	s28 =	sadd.s32 $0x2, s23;
	v1 =	vmul.f32 v45, v1;
	[tilespmem:s10+$0xFFFFFFE0] =	vst v8  }
0x63f: {  	v2 =	vmul.f32 v45, v2;
	[tilespmem:v5+s21+$0x0] =	vst.idx.msk $0x1, v32;
	v5 =	vmov s28  }
0x640: {  	v0 =	vmul.f32 v45, v3;
	[tilespmem:s10+$0x20] =	vst v1;
	v5 =	vand.u32 $0xFFFFFFFE, v5  }
0x641: {  	v1 =	vmul.f32 v45, v4;
	[tilespmem:s10+$0x30] =	vst v2;
	v3 =	vbroadcast v5, $0x0  }
0x642: {  	v2 =	vmul.f32 v45, v6;
	[tilespmem:s10+$0x40] =	vst v0  }
0x643: {  	v0 =	vmul.f32 v45, v7;
	[tilespmem:s10+$0x50] =	vst v1  }
0x644: {  	[tilespmem:s10+$0x60] =	vst v2;
	v8 =	vmul.f32 v45, v54  }
0x645: {  	[tilespmem:s10+$0x70] =	vst v0  }
0x646: {  	[tilespmem:s10+$0x0] =	vst v8  }
0x647: {  	[tilespmem:v3+s21+$0x0] =	vst.idx.msk $0x1, v45  }
0x648: {  	[spmem:s4] =	stream.indirect.scatter.add.f32 [tilespmem:s6], [sflag:$0x9], $0x80, s16, s3, $0xb8;
	[tilespmem:$0x1DE48] =	vst v63  }
0x649: {  	_ =	swait.ge [sflag:s19], $0x2800  }
0x64a: {  	[sflag:s19] =	ssyncset.done $0x0  }
0x64b: {  	[sflag:s19] =	ssyncadd.s32 $0xFFFFD800  }
0x64c: {  	[spmem:s5] =	stream.indirect.scatter.add.f32 [tilespmem:s21], [sflag:$0x9], $0x1, s16, s3, $0xb8;
	[tilespmem:$0x1DE48] =	vst v63  }
0x64d: {  	_ =	swait.ge [sflag:s19], $0x50  }
0x64e: {  	[sflag:s19] =	ssyncset.done $0x0  }
0x64f: {  	s22 =	simm.s32 $0x5;
	[sflag:s19] =	ssyncadd.s32 $0xFFFFFFB0  }
0x650: {  	_ =	swait.ge [sflag:s22], $0xA0  }
0x651: {  	s24 =	simm.s32 $0x80;
	[sflag:s22] =	ssyncset.done $0x0;
	s10 =	rddreg [dreg:$0x19]  }
0x652: {  	s23 =	simm.s32 $0x300;
	[sflag:s22] =	ssyncadd.s32 $0xFFFFFF60;
	s10 =	sadd.s32 @!p0 s31, s10  }
0x653: {  	[tilespmem:s23], [sflag:$0x1] =	stream.indirect.gather [hbm4b:s0+s3], $0x80, s24, s3, $0xb8;
	[tilespmem:$0x1DE48] =	vst v63  }
0x654: {  	s10 =	smul.u32 @!p0 $0x14, s10  }
0x655: {  	[tilespmem:s6], [sflag:$0x3] =	stream.indirect.gather [hbm4b:s7+s3], $0x80, s2, s3, $0xb8;
	[tilespmem:$0x1DE48] =	vst v63  }
0x656: {  	s20 =	simm.s32 @!p0 $0x0;
	s22 =	simm.s32 @!p0 $0x1C0;
	s10 =	sadd.s32 @!p0 s8, s10  }
0x657: {  	[tilespmem:s22], [sflag:$0x7] =	stream.linear.gather @!p0 [hbm4b:s10+s20], $0xA0, $0x38;
	[tilespmem:$0x1DE48] =	vst v63  }
0x658: {  	_ =	swait.ge [sflag:s17], $0x2800  }
0x659: {  	[sflag:s17] =	ssyncset.done $0x0  }
0x65a: {  	[sflag:s17] =	ssyncadd.s32 $0xFFFFD800  }
0x65b: {  	_ =	swait.ge [sflag:s18], $0x2800  }
0x65c: {  	[sflag:s18] =	ssyncset.done $0x0  }
0x65d: {  	s25 =	simm.s32 $0x2C00;
	[sflag:s18] =	ssyncadd.s32 $0xFFFFD800  }
0x65e: {  	s24 =	simm.s32 $0x7C00;
	v30 =	vld [tilespmem:s25+$0x80]  }
0x65f: {  	v1 =	vld [tilespmem:s24+$0x80]  }
0x660: {  	v32 =	vld [tilespmem:s25+$0x90]  }
0x661: {  	v2 =	vld [tilespmem:s24+$0x90]  }
0x662: {  	v31 =	vld [tilespmem:s25+$0xA0]  }
0x663: {  	v3 =	vld [tilespmem:s24+$0xA0]  }
0x664: {  	v33 =	vld [tilespmem:s25+$0xB0]  }
0x665: {  	v4 =	vld [tilespmem:s24+$0xB0]  }
0x666: {  	v42 =	vld [tilespmem:s25+$0xC0]  }
0x667: {  	v5 =	vld [tilespmem:s24+$0xC0]  }
0x668: {  	v43 =	vld [tilespmem:s25+$0xD0]  }
0x669: {  	v6 =	vld [tilespmem:s24+$0xD0]  }
0x66a: {  	v36 =	vld [tilespmem:s25+$0xFFFFFF10]  }
0x66b: {  	v45 =	vld [tilespmem:s25+$0xE0]  }
0x66c: {  	v7 =	vld [tilespmem:s24+$0xE0]  }
0x66d: {  	v44 =	vld [tilespmem:s25+$0xF0]  }
0x66e: {  	v8 =	vld [tilespmem:s24+$0xF0]  }
0x66f: {  	v0 =	vld [tilespmem:s24+$0xFFFFFF00];
	[tilespmem:$0x1F7D0] =	vst v36  }
0x670: {  	v37 =	vld [tilespmem:s25+$0xFFFFFF20];
	_ =	sdelay $0x4  }
0x671: {  	v46 =	vld [tilespmem:s24+$0xFFFFFF10];
	[tilespmem:$0x1F7E0] =	vst v37  }
0x672: {  	v29 =	vld [tilespmem:s25+$0xFFFFFF30];
	_ =	sdelay $0x4  }
0x673: {  	v10 =	vld [tilespmem:s24+$0xFFFFFF20];
	[tilespmem:$0x1F7F0] =	vst v29  }
0x674: {  	v35 =	vld [tilespmem:s25+$0xFFFFFF40];
	_ =	sdelay $0x4  }
0x675: {  	v11 =	vld [tilespmem:s24+$0xFFFFFF30];
	[tilespmem:$0x1F800] =	vst v35  }
0x676: {  	v24 =	vld [tilespmem:s25+$0xFFFFFF50];
	_ =	sdelay $0x4  }
0x677: {  	v12 =	vld [tilespmem:s24+$0xFFFFFF40];
	[tilespmem:$0x1F810] =	vst v24  }
0x678: {  	v38 =	vld [tilespmem:s25+$0xFFFFFF60];
	_ =	sdelay $0x4  }
0x679: {  	v55 =	vld [tilespmem:s24+$0xFFFFFF50];
	[tilespmem:$0x1F820] =	vst v38  }
0x67a: {  	v39 =	vld [tilespmem:s25+$0xFFFFFF70];
	_ =	sdelay $0x4  }
0x67b: {  	v48 =	vld [tilespmem:s24+$0xFFFFFF60];
	[tilespmem:$0x1F830] =	vst v39  }
0x67c: {  	v40 =	vld [tilespmem:s25+$0xFFFFFF80];
	_ =	sdelay $0x4  }
0x67d: {  	v63 =	vld [tilespmem:s24+$0xFFFFFF70];
	[tilespmem:$0x1F840] =	vst v40  }
0x67e: {  	v53 =	vld [tilespmem:s25+$0xFFFFFF90];
	_ =	sdelay $0x4  }
0x67f: {  	v52 =	vld [tilespmem:s24+$0xFFFFFF80];
	[tilespmem:$0x1F850] =	vst v53  }
0x680: {  	v21 =	vld [tilespmem:s25+$0xFFFFFFA0];
	_ =	sdelay $0x1  }
0x681: {  	v1 =	vadd.f32 v1, v30;
	_ =	sdelay $0x1  }
0x682: {  	v47 =	vmul.f32 $2.000000030e-01, v1  }
0x683: {  	v2 =	vadd.f32 v2, v32;
	v54 =	vld [tilespmem:s24+$0xFFFFFF90];
	[tilespmem:$0x1F860] =	vst v21  }
0x684: {  	v3 =	vadd.f32 v3, v31;
	v4 =	vadd.f32 v4, v33;
	v1 =	vmax.f32 v1, v47;
	v47 =	vld [tilespmem:s25+$0xFFFFFFB0]  }
0x685: {  	v5 =	vadd.f32 v5, v42;
	v6 =	vadd.f32 v6, v43  }
0x686: {  	v7 =	vadd.f32 v7, v45;
	v57 =	vmul.f32 $2.000000030e-01, v2;
	v58 =	vmul.f32 $2.000000030e-01, v3  }
0x687: {  	v8 =	vadd.f32 v8, v44;
	v60 =	vmul.f32 $2.000000030e-01, v4;
	v61 =	vmul.f32 $2.000000030e-01, v5  }
0x688: {  	v49 =	vmul.f32 $2.000000030e-01, v6;
	v50 =	vmul.f32 $2.000000030e-01, v7  }
0x689: {  	v51 =	vmul.f32 $2.000000030e-01, v8;
	v2 =	vmax.f32 v2, v57;
	v9 =	vadd.f32 v46, v36;
	v46 =	vld [tilespmem:s24+$0xFFFFFFA0];
	[tilespmem:$0x1F870] =	vst v47  }
0x68a: {  	v3 =	vmax.f32 v3, v58;
	v4 =	vmax.f32 v4, v60;
	v5 =	vmax.f32 v5, v61;
	v36 =	vld [tilespmem:s25+$0xFFFFFFC0]  }
0x68b: {  	v6 =	vmax.f32 v6, v49;
	v1 =	vmul.f32 v1, v27;
	v2 =	vmul.f32 v2, v28  }
0x68c: {  	v7 =	vmax.f32 v7, v50;
	v3 =	vmul.f32 v3, v25;
	v4 =	vmul.f32 v4, v26  }
0x68d: {  	v8 =	vmax.f32 v8, v51;
	v5 =	vmul.f32 v5, v62;
	v6 =	vmul.f32 v6, v56  }
0x68e: {  	v7 =	vmul.f32 v7, v59;
	v8 =	vmul.f32 v8, v23;
	v1 =	vadd.f32 v2, v1  }
0x68f: {  	v2 =	vadd.f32 v4, v3;
	v4 =	vadd.f32 v6, v5;
	v5 =	vld [tilespmem:s24+$0xFFFFFFB0];
	[tilespmem:$0x1F880] =	vst v36  }
0x690: {  	v6 =	vadd.f32 v8, v7;
	v8 =	vadd.f32 v11, v29;
	v29 =	vld [tilespmem:s25+$0xFFFFFFD0]  }
0x691: {  	v1 =	vadd.f32 v2, v1  }
0x692: {  	v2 =	vadd.f32 v6, v4;
	v7 =	vadd.f32 v10, v37  }
0x693: {  	v3 =	vmul.f32 $2.000000030e-01, v9  }
0x694: {  	v2 =	vadd.f32 v2, v1;
	v4 =	vmul.f32 $2.000000030e-01, v7  }
0x695: {  	v3 =	vmax.f32 v9, v3;
	v6 =	vadd.f32 v12, v35;
	v55 =	vadd.f32 v55, v24;
	v9 =	vld [tilespmem:s24+$0xFFFFFFC0];
	[tilespmem:$0x1F890] =	vst v29  }
0x696: {  	v1 =	vmul.f32 v3, v28;
	v4 =	vmax.f32 v7, v4;
	v11 =	vmul.f32 $2.000000030e-01, v8;
	v57 =	vld [tilespmem:s24+$0xFFFFFFD0]  }
0x697: {  	v7 =	vmul.f32 $2.000000030e-01, v6;
	v60 =	vmul.f32 $2.000000030e-01, v55;
	v58 =	vadd.f32 v48, v38;
	v48 =	vld [tilespmem:s25+$0xFFFFFFE0]  }
0x698: {  	v4 =	vmul.f32 v4, v25;
	v8 =	vmax.f32 v8, v11;
	v61 =	vadd.f32 v63, v39;
	v63 =	vld [tilespmem:s24+$0xFFFFFFE0]  }
0x699: {  	v8 =	vmul.f32 v8, v26;
	v3 =	vmax.f32 v6, v7;
	v10 =	vmax.f32 v55, v60;
	v50 =	vld [tilespmem:s25+$0xFFFFFFF0]  }
0x69a: {  	v3 =	vmul.f32 v3, v62;
	v10 =	vmul.f32 v10, v56;
	v37 =	vld [tilespmem:s24+$0xFFFFFFF0]  }
0x69b: {  	v4 =	vadd.f32 v8, v4;
	v24 =	vmul.f32 $2.000000030e-01, v58;
	v49 =	vld [tilespmem:s25+$0x0]  }
0x69c: {  	v3 =	vadd.f32 v10, v3;
	v7 =	vadd.f32 v52, v40;
	v39 =	vld [tilespmem:s24+$0x0]  }
0x69d: {  	v11 =	vmax.f32 v58, v24;
	v6 =	vmul.f32 $2.000000030e-01, v61;
	v17 =	vadd.f32 v54, v53;
	v52 =	vld [tilespmem:s25+$0x10]  }
0x69e: {  	v38 =	vmul.f32 $2.000000030e-01, v7;
	v8 =	vadd.f32 v46, v21;
	v5 =	vadd.f32 v5, v47;
	v40 =	vld [tilespmem:s24+$0x10]  }
0x69f: {  	v11 =	vmul.f32 v11, v59;
	v6 =	vmax.f32 v61, v6;
	v41 =	vmul.f32 $2.000000030e-01, v17;
	v51 =	vld [tilespmem:s25+$0x20]  }
0x6a0: {  	v7 =	vmax.f32 v7, v38;
	v46 =	vmul.f32 $2.000000030e-01, v8;
	v60 =	vmul.f32 $2.000000030e-01, v5;
	v47 =	vld [tilespmem:s24+$0x20]  }
0x6a1: {  	v6 =	vmul.f32 v6, v23;
	v7 =	vmul.f32 v7, v27;
	v14 =	vmax.f32 v17, v41;
	v54 =	vld [tilespmem:s25+$0x30]  }
0x6a2: {  	v14 =	vmul.f32 v14, v28;
	v8 =	vmax.f32 v8, v46;
	v5 =	vmax.f32 v5, v60;
	v10 =	vld [tilespmem:s24+$0x30]  }
0x6a3: {  	v8 =	vmul.f32 v8, v25;
	v5 =	vmul.f32 v5, v26;
	v9 =	vadd.f32 v9, v36;
	v55 =	vld [tilespmem:s25+$0x40]  }
0x6a4: {  	v6 =	vadd.f32 v6, v11;
	v20 =	vld [tilespmem:s24+$0x40]  }
0x6a5: {  	v7 =	vadd.f32 v14, v7;
	v53 =	vld [tilespmem:s25+$0x50];
	v5 =	vadd.f32 v5, v8;
	v61 =	vmul.f32 $2.000000030e-01, v9  }
0x6a6: {  	v3 =	vadd.f32 v6, v3;
	v21 =	vld [tilespmem:s24+$0x50]  }
0x6a7: {  	v14 =	vld [tilespmem:s24+$0x60];
	v5 =	vadd.f32 v5, v7;
	v9 =	vmax.f32 v9, v61;
	v12 =	vadd.f32 v57, v29  }
0x6a8: {  	s26 =	simm.s32 $0x2E00;
	v58 =	vld [tilespmem:s25+$0x70];
	v9 =	vmul.f32 v9, v62;
	v19 =	vadd.f32 v63, v48;
	v16 =	vadd.f32 v37, v50  }
0x6a9: {  	v60 =	vld [tilespmem:s26+$0x80];
	v15 =	vadd.f32 v39, v49;
	v13 =	vadd.f32 v40, v52;
	v63 =	vmul.f32 $2.000000030e-01, v12  }
0x6aa: {  	v57 =	vld [tilespmem:s25+$0x60];
	v10 =	vadd.f32 v10, v54;
	v24 =	vmul.f32 $2.000000030e-01, v19;
	v36 =	vmul.f32 $2.000000030e-01, v16  }
0x6ab: {  	v18 =	vadd.f32 v47, v51;
	v47 =	vld [tilespmem:s25+$0xFFFFFF00];
	v38 =	vmul.f32 $2.000000030e-01, v15;
	v22 =	vmul.f32 $2.000000030e-01, v13  }
0x6ac: {  	(xrf2) =	vadd.scan.msk.f32 $0xffff, v2;
	v40 =	vld [tilespmem:s24+$0x70];
	v2 =	vmul.f32 $2.000000030e-01, v10;
	v12 =	vmax.f32 v12, v63;
	v37 =	vmax.f32 v19, v24  }
0x6ad: {  	v46 =	vld [tilespmem:s26+$0xB0];
	v16 =	vmax.f32 v16, v36;
	v15 =	vmax.f32 v15, v38;
	v24 =	vmax.f32 v13, v22  }
0x6ae: {  	v11 =	vld [tilespmem:s26+$0xFFFFFF30];
	v36 =	vmul.f32 $2.000000030e-01, v18;
	v38 =	vadd.f32 v21, v53;
	v2 =	vmax.f32 v10, v2  }
0x6af: {  	v61 =	vld [tilespmem:s26+$0x90];
	v8 =	vmul.f32 v12, v56;
	v7 =	vmul.f32 v37, v59;
	v37 =	vadd.f32 v20, v55  }
0x6b0: {  	s25 =	simm.s32 $0x7E00;
	v63 =	vld [tilespmem:s26+$0xA0];
	v39 =	vmul.f32 v16, v23;
	v14 =	vadd.f32 v14, v57;
	v0 =	vadd.f32 v0, v47  }
0x6b1: {  	v19 =	vld [tilespmem:s25+$0xB0];
	v10 =	vadd.f32 v40, v58;
	v2 =	vmul.f32 v2, v26;
	v40 =	vmul.f32 $2.000000030e-01, v38  }
0x6b2: {  	v22 =	vld [tilespmem:s25+$0xC0];
	v8 =	vadd.f32 v8, v9;
	v7 =	vadd.f32 v39, v7;
	v21 =	vmul.f32 $2.000000030e-01, v0  }
0x6b3: {  	v13 =	vmax.f32 v18, v36;
	v18 =	vld [tilespmem:s25+$0x90];
	v9 =	vmul.f32 v15, v27;
	v39 =	vmul.f32 $2.000000030e-01, v37  }
0x6b4: {  	v15 =	vld [tilespmem:s25+$0x80];
	v20 =	vmul.f32 $2.000000030e-01, v14;
	v7 =	vadd.f32 v7, v8;
	v0 =	vmax.f32 v0, v21  }
0x6b5: {  	v16 =	vmax.f32 v38, v40;
	v38 =	vld [tilespmem:s26+$0xD0];
	v8 =	vmul.f32 v24, v28;
	v0 =	vmul.f32 v0, v27  }
0x6b6: {  	v24 =	vmul.f32 $2.000000030e-01, v10;
	v5 =	vadd.f32 v7, v5;
	v7 =	vmul.f32 v13, v25;
	v13 =	vld [tilespmem:s25+$0xA0]  }
0x6b7: {  	v14 =	vmax.f32 v14, v20;
	v16 =	vmul.f32 v16, v56;
	v0 =	vadd.f32 v1, v0;
	v1 =	vld [tilespmem:s25+$0xE0]  }
0x6b8: {  	v10 =	vmax.f32 v10, v24;
	v40 =	vadd.f32 v18, v61;
	(xrf2) =	vadd.scan.msk.f32 $0xffff, v5;
	v5 =	vmax.f32 v37, v39;
	v39 =	vld [tilespmem:s26+$0xC0]  }
0x6b9: {  	v14 =	vmul.f32 v14, v59;
	v10 =	vmul.f32 v10, v23;
	v2 =	vadd.f32 v2, v7;
	v7 =	vld [tilespmem:s25+$0xD0]  }
0x6ba: {  	v36, _, _ =	vpop (xrf2);
	v8 =	vadd.f32 v8, v9;
	v37 =	vld [tilespmem:s26+$0xE0];
	v18 =	vmul.f32 $2.000000030e-01, v40;
	v5 =	vmul.f32 v5, v62  }
0x6bb: {  	v24 =	vadd.f32 v10, v14;
	v10 =	vperm.xlane v36, v34;
	v36 =	vld [tilespmem:s26+$0xF0];
	v0 =	vadd.f32 v4, v0  }
0x6bc: {  	v4 =	vld [tilespmem:s25+$0xF0];
	v14 =	vadd.f32 v19, v46;
	v2 =	vadd.f32 v2, v8  }
0x6bd: {  	v17 =	vld [tilespmem:s25+$0xFFFFFF20];
	v8 =	vadd.f32 v15, v60;
	v9 =	vmax.f32 v40, v18;
	v5 =	vadd.f32 v16, v5  }
0x6be: {  	v12 =	vld [tilespmem:s26+$0xFFFFFF40];
	v6 =	vmul.f32 $1.442695020e+00, v10;
	v13 =	vadd.f32 v13, v63;
	v21 =	vmul.f32 $2.000000030e-01, v14  }
0x6bf: {  	v20 =	vld [tilespmem:s25+$0xFFFFFF30];
	v9 =	vmul.f32 v9, v28;
	v15 =	vmul.f32 $2.000000030e-01, v8;
	v5 =	vadd.f32 v24, v5  }
0x6c0: {  	v10 =	vld [tilespmem:s26+$0xFFFFFF20];
	v16 =	vadd.f32 v22, v39;
	v7 =	vadd.f32 v7, v38;
	v19 =	vmul.f32 $2.000000030e-01, v13  }
0x6c1: {  	v1 =	vadd.f32 v1, v37;
	v24 =	vld [tilespmem:s25+$0xFFFFFF40];
	v14 =	vmax.f32 v14, v21;
	v4 =	vadd.f32 v4, v36  }
0x6c2: {  	v41 =	vmovc v23;
	v22 =	vld [tilespmem:s25+$0xFFFFFF50];
	v8 =	vmax.f32 v8, v15;
	v14 =	vmul.f32 v14, v26;
	v23 =	vmul.f32 $2.000000030e-01, v7  }
0x6c3: {  	v15 =	vld [tilespmem:s26+$0xFFFFFF60];
	v40 =	vmul.f32 $2.000000030e-01, v1;
	v19 =	vmax.f32 v13, v19;
	v8 =	vmul.f32 v8, v27  }
0x6c4: {  	v2 =	vadd.f32 v5, v2;
	v13 =	vld [tilespmem:s26+$0xFFFFFF50];
	v21 =	vmul.f32 $2.000000030e-01, v4;
	v19 =	vmul.f32 v19, v25;
	v5, _, _ =	vpop (xrf2)  }
0x6c5: {  	v7 =	vmax.f32 v7, v23;
	v23 =	vld [tilespmem:s25+$0xFFFFFF60];
	v5 =	vperm.xlane v5, v34;
	v34 =	vmul.f32 $2.000000030e-01, v16  }
0x6c6: {  	v1 =	vmax.f32 v1, v40;
	v8 =	vadd.f32 v9, v8;
	v9 =	vld [tilespmem:s25+$0xFFFFFF70];
	v4 =	vmax.f32 v4, v21  }
0x6c7: {  	v1 =	vmul.f32 v1, v59;
	v19 =	vadd.f32 v14, v19;
	v14 =	vld [tilespmem:s26+$0xFFFFFF80];
	v16 =	vmax.f32 v16, v34  }
0x6c8: {  	v4 =	vmul.f32 v4, v41;
	v40 =	vmul.f32 v16, v62;
	v16 =	vld [tilespmem:s26+$0xFFFFFF70];
	[tilespmem:$0x1F6B0] =	vst v10  }
0x6c9: {  	(erf) = vpow2.f32 v6;
	v5 =	vmul.f32 $1.442695020e+00, v5;
	v6 =	vld [tilespmem:s25+$0xFFFFFF80];
	[tilespmem:$0x1F6C0] =	vst v11  }
0x6ca: {  	v7 =	vmul.f32 v7, v56;
	v1 =	vadd.f32 v4, v1;
	v4 =	vadd.f32 v17, v10;
	v10 =	vld [tilespmem:s26+$0xFFFFFF90]  }
0x6cb: {  	v0 =	vadd.f32 v3, v0;
	(erf) = vpow2.f32 v5;
	v5 =	vadd.f32 v19, v8;
	v8 =	vld [tilespmem:s25+$0xFFFFFF90]  }
0x6cc: {  	v3 =	vadd.f32 v20, v11;
	v7 =	vadd.f32 v7, v40;
	v11 =	vld [tilespmem:s26+$0xFFFFFF10];
	[tilespmem:$0x1F6D0] =	vst v12  }
0x6cd: {  	(xrf2) =	vadd.scan.msk.f32 $0xffff, v0;
	v17 =	vadd.f32 v24, v12;
	[tilespmem:$0x1F6E0] =	vst v13  }
0x6ce: {  	v18 =	vadd.f32 v22, v13;
	v40 =	vld [tilespmem:s25+$0xFFFFFF10];
	[tilespmem:$0x1F6F0] =	vst v15;
	v1 =	vadd.f32 v1, v7;
	v7 =	vmul.f32 $2.000000030e-01, v4  }
0x6cf: {  	v23 =	vadd.f32 v23, v15;
	v19 =	vmul.f32 $2.000000030e-01, v3;
	v0 =	vmul.f32 $2.000000030e-01, v17;
	[tilespmem:$0x1F700] =	vst v16  }
0x6d0: {  	(xrf2) =	vadd.scan.msk.f32 $0xffff, v2;
	v1 =	vadd.f32 v1, v5;
	v4 =	vmax.f32 v4, v7;
	v7 =	vadd.f32 v9, v16;
	v12 =	vld [tilespmem:s26+$0xFFFFFFA0]  }
0x6d1: {  	v2 =	vmax.f32 v3, v19;
	v3 =	vmul.f32 $2.000000030e-01, v23;
	v9 =	vld [tilespmem:s25+$0xFFFFFFA0];
	[tilespmem:$0x1F710] =	vst v14;
	v6 =	vadd.f32 v6, v14  }
0x6d2: {  	v2 =	vmul.f32 v2, v26;
	v13 =	vld [tilespmem:s26+$0xFFFFFFB0];
	v8 =	vadd.f32 v8, v10;
	(xrf2) =	vadd.scan.msk.f32 $0xffff, v1;
	v1 =	vmul.f32 $2.000000030e-01, v7  }
0x6d3: {  	v0 =	vmax.f32 v17, v0;
	v5 =	vmul.f32 $2.000000030e-01, v18;
	[tilespmem:$0x1F720] =	vst v10;
	v14 =	vmul.f32 $2.000000030e-01, v6  }
0x6d4: {  	v3 =	vmax.f32 v23, v3;
	v23 =	vld [tilespmem:s25+$0xFFFFFFB0];
	[tilespmem:$0x1F730] =	vst v11;
	v1 =	vmax.f32 v7, v1;
	v7 =	vmul.f32 $2.000000030e-01, v8  }
0x6d5: {  	v4 =	vmul.f32 v4, v25;
	v5 =	vmax.f32 v18, v5;
	v6 =	vmax.f32 v6, v14;
	v14 =	vld [tilespmem:s26+$0xFFFFFFC0]  }
0x6d6: {  	v24 =	vadd.f32 v40, v11;
	v40 =	vmul.f32 v0, v62;
	v0 =	vmax.f32 v8, v7;
	v7 =	vld [tilespmem:s25+$0xFFFFFFC0];
	[tilespmem:$0x1F740] =	vst v12  }
0x6d7: {  	v20 =	vmul.f32 v3, v59;
	v5 =	vmul.f32 v5, v56;
	v8 =	vadd.f32 v9, v12;
	v12 =	vld [tilespmem:s26+$0xFFFFFFD0];
	[tilespmem:$0x1F750] =	vst v13  }
0x6d8: {  	v34 =	vmovc v27;
	v10 =	vadd.f32 v2, v4;
	v3 =	vmul.f32 $2.000000030e-01, v24;
	v6 =	vmul.f32 v6, v27;
	v27 =	vld [tilespmem:s25+$0xFFFFFFD0]  }
0x6d9: {  	v35 =	vmovc v28;
	v2 =	vimm.s32 $0xF;
	v1 =	vmul.f32 v1, v41;
	v21 =	vadd.f32 v23, v13;
	v13 =	vld [tilespmem:s26+$0xFFFFFFE0]  }
0x6da: {  	v17 =	vmovc v26;
	v11 =	vmovc v25;
	v16 =	vmax.f32 v24, v3;
	v22 =	vmul.f32 v0, v28;
	v0 =	vmul.f32 $2.000000030e-01, v8;
	v4 =	vld [tilespmem:s25+$0xFFFFFFE0]  }
0x6db: {  	v23 =	vadd.f32 v5, v40;
	v5, _, _ =	vpop (xrf2);
	v1 =	vadd.f32 v1, v20;
	v15 =	vmul.f32 $2.000000030e-01, v21  }
0x6dc: {  	v29, _, _ =	vpop (xrf2);
	v5 =	vperm.xlane v5, v2;
	v28 =	vadd.f32 v22, v6;
	v0 =	vmax.f32 v8, v0  }
0x6dd: {  	[tilespmem:$0x1F760] =	vst v14;
	v18 =	vmax.f32 v21, v15;
	v7 =	vadd.f32 v7, v14;
	v3 =	vmul.f32 v0, v11;
	v19, _, _ =	vpop (xrf2)  }
0x6de: {  	v40 =	vadd.f32 v1, v23;
	v14 =	vld [tilespmem:s26+$0xFFFFFFF0];
	[tilespmem:$0x1F770] =	vst v12;
	v1 =	vmul.f32 v18, v17;
	v20 =	vperm.xlane v19, v2  }
0x6df: {  	v27 =	vadd.f32 v27, v12;
	v6 =	vld [tilespmem:s25+$0xFFFFFFF0];
	v21 =	vmul.f32 $2.000000030e-01, v7;
	v4 =	vadd.f32 v4, v13  }
0x6e0: {  	v22 =	vld [tilespmem:s26+$0x0];
	[tilespmem:$0x1F780] =	vst v13;
	v1 =	vadd.f32 v1, v3;
	v3 =	vmul.f32 $1.442695020e+00, v5;
	v2 =	vmul.f32 $1.442695020e+00, v20  }
0x6e1: {  	v8 =	vld [tilespmem:s25+$0x0];
	v0 =	vmul.f32 $2.000000030e-01, v27;
	v5 =	vmul.f32 $2.000000030e-01, v4  }
0x6e2: {  	v7 =	vmax.f32 v7, v21;
	(erf) = vpow2.f32 v2  }
0x6e3: {  	v18 =	vadd.f32 v1, v28;
	v0 =	vmax.f32 v27, v0;
	(erf) = vpow2.f32 v3  }
0x6e4: {  	v23 =	vld [tilespmem:s26+$0x10];
	v1 =	vadd.f32 v6, v14;
	v3 =	vmax.f32 v4, v5;
	v4 =	vmul.f32 v7, v62  }
0x6e5: {  	v15 =	vimm.s32 $0xF;
	v2 =	vld [tilespmem:s25+$0x10];
	v0 =	vmul.f32 v0, v56;
	v5 =	vpop (erf);
	v3 =	vmul.f32 v3, v59  }
0x6e6: {  	v8 =	vadd.f32 v8, v22;
	v7 =	vmul.f32 v5, v30;
	v30 =	vmul.f32 $2.000000030e-01, v1  }
0x6e7: {  	v24 =	vld [tilespmem:s26+$0x20];
	v9 =	vadd.f32 v0, v4;
	v4 =	vmul.f32 v5, v32;
	v31 =	vmul.f32 v5, v31  }
0x6e8: {  	v6 =	vld [tilespmem:s25+$0x20];
	[tilespmem:$0x1F790] =	vst v22;
	v0 =	vmul.f32 $2.000000030e-01, v8;
	v1 =	vmax.f32 v1, v30;
	v30 =	vperm.xlane v29, v15  }
0x6e9: {  	v29 =	vmov v23;
	[tilespmem:s24+$0x90] =	vst v4;
	v4 =	vmul.f32 v5, v33;
	v1 =	vmul.f32 v1, v41  }
0x6ea: {  	v25 =	vld [tilespmem:s26+$0x30];
	[tilespmem:s24+$0x80] =	vst v7;
	v2 =	vadd.f32 v2, v29;
	v0 =	vmax.f32 v8, v0;
	v8 =	vmul.f32 $1.442695020e+00, v30  }
0x6eb: {  	v26 =	vld [tilespmem:s25+$0x30];
	[tilespmem:s24+$0xB0] =	vst v4;
	v4 =	vmul.f32 v5, v43;
	v3 =	vadd.f32 v1, v3;
	v1 =	vmul.f32 v5, v42  }
0x6ec: {  	s28 =	simm.s32 $0x3;
	v21 =	vld [tilespmem:s26+$0x40];
	[tilespmem:s24+$0xA0] =	vst v31;
	v31 =	vmul.f32 $2.000000030e-01, v2  }
0x6ed: {  	v22 =	vld [tilespmem:s26+$0x50];
	(erf) = vpow2.f32 v8;
	v8 =	vmov s28;
	[tilespmem:s24+$0xD0] =	vst v4  }
0x6ee: {  	v7 =	vld [tilespmem:s25+$0x40];
	[tilespmem:s24+$0xC0] =	vst v1;
	v2 =	vmax.f32 v2, v31;
	v31 =	vmul.f32 v5, v45  }
0x6ef: {  	v23 =	vld [tilespmem:s25+$0x50];
	v30 =	vmov v24;
	v24 =	vmul.f32 v5, v44;
	[tilespmem:$0x1F7A0] =	vst v25;
	v1 =	vpop (erf)  }
0x6f0: {  	v0 =	vmul.f32 v0, v34;
	[tilespmem:s24+$0xE0] =	vst v31;
	v44 =	vpop (erf)  }
0x6f1: {  	v4 =	vadd.f32 v6, v30;
	v6 =	vadd.f32 v26, v25;
	[tilespmem:s24+$0xF0] =	vst v24;
	v25 =	vmul.f32 v44, v60  }
0x6f2: {  	v2 =	vmul.f32 v2, v35;
	v20 =	vmul.f32 v44, v61;
	[tilespmem:v8+s21+$0x0] =	vst.idx.msk $0x1, v5  }
0x6f3: {  	v7 =	vadd.f32 v7, v21;
	v26 =	vld [tilespmem:s26+$0x60];
	v5 =	vmul.f32 v44, v63;
	v8 =	vmul.f32 $2.000000030e-01, v6;
	[tilespmem:s25+$0x80] =	vst v25  }
0x6f4: {  	v32 =	vmovc v22;
	v24 =	vld [tilespmem:s26+$0x70];
	v0 =	vadd.f32 v2, v0;
	v31 =	vmov v21;
	v38 =	vmul.f32 v44, v38;
	[tilespmem:s25+$0x90] =	vst v20  }
0x6f5: {  	v21 =	vadd.f32 v23, v32;
	v23 =	vld [tilespmem:s25+$0x60];
	v2 =	vmax.f32 v6, v8;
	[tilespmem:s25+$0xA0] =	vst v5;
	v8 =	vmul.f32 v44, v39  }
0x6f6: {  	v3 =	vadd.f32 v3, v9;
	v6 =	vmul.f32 v44, v46;
	v20 =	vld [tilespmem:s26+$0xFFFFFF00];
	[tilespmem:s25+$0xD0] =	vst v38  }
0x6f7: {  	v22 =	vmul.f32 $2.000000030e-01, v4;
	v25 =	vld [tilespmem:s25+$0x70];
	[tilespmem:s25+$0xC0] =	vst v8;
	v8 =	vmul.f32 v44, v37  }
0x6f8: {  	v3 =	vadd.f32 v3, v18;
	v36 =	vmul.f32 v44, v36;
	[tilespmem:s25+$0xB0] =	vst v6  }
0x6f9: {  	s22 =	simm.s32 $0x0;
	v19 =	vmovc v34;
	v4 =	vmax.f32 v4, v22;
	v34 =	vmul.f32 $2.000000030e-01, v21;
	v33 =	vmovc v26;
	v26 =	vmul.f32 $2.000000030e-01, v7;
	[tilespmem:s25+$0xE0] =	vst v8  }
0x6fa: {  	s20 =	simm.s32 $0x7;
	v43 =	vld [tilespmem:s25+$0xFFFFFF00];
	v22 =	vmov s22;
	v4 =	vmul.f32 v4, v11;
	v2 =	vmul.f32 v2, v17;
	[tilespmem:$0x1F7B0] =	vst v24  }
0x6fb: {  	s26 =	simm.s32 $0x3000;
	v5 =	vmax.f32 v7, v26;
	v7 =	vmax.f32 v21, v34;
	v21 =	vmov s20;
	[tilespmem:$0x1F7C0] =	vst v20  }
0x6fc: {  	s10 =	simm.s32 $0x8000;
	v37 =	vand.u32 $0xFFFFFFFC, v22;
	v6 =	vadd.f32 v23, v33;
	v8 =	vadd.f32 v25, v24;
	[tilespmem:s25+$0xF0] =	vst v36;
	v36 =	vld [tilespmem:s26+$0x80]  }
0x6fd: {  	(xrf2) =	vadd.scan.msk.f32 $0xffff, v3;
	v42 =	vbroadcast v37, $0x0;
	v2 =	vadd.f32 v2, v4;
	v3 =	vld [tilespmem:s10+$0x80]  }
0x6fe: {  	v23 =	vmul.f32 $2.000000030e-01, v6;
	v37 =	vld [tilespmem:s26+$0x90];
	v25 =	vmul.f32 $2.000000030e-01, v8  }
0x6ff: {  	v5 =	vmul.f32 v5, v62;
	v7 =	vmul.f32 v7, v56;
	v0 =	vadd.f32 v2, v0;
	v38 =	vld [tilespmem:s26+$0xA0]  }
0x700: {  	v60 =	vld [tilespmem:s10+$0xA0];
	v6 =	vmax.f32 v6, v23;
	[tilespmem:v21+s21+$0x0] =	vst.idx.msk $0x1, v44;
	v8 =	vmax.f32 v8, v25  }
0x701: {  	v26 =	vpop (erf);
	v5 =	vadd.f32 v7, v5;
	v6 =	vmul.f32 v6, v59;
	v2 =	vld [tilespmem:$0x1F7D0];
	v7 =	vmul.f32 v8, v41  }
0x702: {  	v39 =	vld [tilespmem:s26+$0xB0];
	v8 =	vmul.f32 v26, v47  }
0x703: {  	v24 =	vadd.f32 v43, v20;
	v6 =	vadd.f32 v7, v6;
	v7 =	vld [tilespmem:$0x1F7E0]  }
0x704: {  	v61 =	vld [tilespmem:s10+$0xB0];
	[tilespmem:s24+$0xFFFFFF00] =	vst v8  }
0x705: {  	v4 =	vmul.f32 $2.000000030e-01, v24;
	v47 =	vld [tilespmem:$0x1F7F0]  }
0x706: {  	v22 =	vld [tilespmem:s10+$0xC0];
	v2 =	vmul.f32 v26, v2  }
0x707: {  	v28 =	vmovc v14;
	v14 =	vmov v35;
	v35 =	vmul.f32 v16, v35;
	v4 =	vmax.f32 v24, v4;
	v56 =	vld [tilespmem:$0x1F800]  }
0x708: {  	v4 =	vmul.f32 v4, v19;
	v8 =	vld [tilespmem:s10+$0x90];
	[tilespmem:s24+$0xFFFFFF10] =	vst v2;
	v7 =	vmul.f32 v26, v7  }
0x709: {  	v2 =	vld [tilespmem:$0x1F810]  }
0x70a: {  	v4 =	vadd.f32 v35, v4;
	v5 =	vadd.f32 v6, v5;
	v6 =	vld [tilespmem:$0x1F820];
	v9 =	vmul.f32 v26, v47;
	[tilespmem:s24+$0xFFFFFF20] =	vst v7  }
0x70b: {  	v7 =	vld [tilespmem:$0x1F830]  }
0x70c: {  	v45 =	vpop (erf);
	v4 =	vadd.f32 v10, v4;
	v59 =	vmul.f32 v26, v56;
	v63 =	vld [tilespmem:$0x1F840];
	[tilespmem:s24+$0xFFFFFF30] =	vst v9  }
0x70d: {  	v49 =	vmul.f32 v45, v49;
	v62 =	vmul.f32 v45, v51;
	v9 =	vld [tilespmem:$0x1F850]  }
0x70e: {  	v24, _, _ =	vpop (xrf2);
	v0 =	vadd.f32 v5, v0;
	v4 =	vadd.f32 v40, v4;
	v5 =	vld [tilespmem:$0x1F860];
	[tilespmem:s24+$0xFFFFFF40] =	vst v59;
	v2 =	vmul.f32 v26, v2  }
0x70f: {  	v44 =	vperm.xlane v24, v15;
	v6 =	vmul.f32 v26, v6;
	v13 =	vld [tilespmem:$0x1F870]  }
0x710: {  	v21 =	vmul.f32 v1, v48;
	v10 =	vmul.f32 v45, v55;
	(xrf2) =	vadd.scan.msk.f32 $0xffff, v4;
	v16 =	vld [tilespmem:$0x1F880];
	[tilespmem:s24+$0xFFFFFF50] =	vst v2  }
0x711: {  	v56 =	vmul.f32 v45, v57;
	(xrf2) =	vadd.scan.msk.f32 $0xffff, v0;
	v0 =	vmul.f32 $1.442695020e+00, v44;
	v2 =	vld [tilespmem:$0x1F890];
	[tilespmem:s24+$0xFFFFFF60] =	vst v6  }
0x712: {  	v43 =	vld [tilespmem:s26+$0xF0];
	v59 =	vmul.f32 v45, v53;
	v7 =	vmul.f32 v26, v7;
	[tilespmem:s24+$0xFFFFFFE0] =	vst v21  }
0x713: {  	v23 =	vld [tilespmem:s10+$0xD0];
	(erf) = vpow2.f32 v0;
	v12 =	vmul.f32 v1, v63;
	[tilespmem:s24+$0x0] =	vst v49  }
0x714: {  	s23 =	simm.s32 $0x1;
	v41 =	vld [tilespmem:s26+$0xD0];
	v8 =	vadd.f32 v8, v37;
	v6 =	vmul.f32 v1, v50;
	v50 =	vmul.f32 v45, v52;
	[tilespmem:s24+$0xFFFFFF70] =	vst v7  }
0x715: {  	v46 =	vld [tilespmem:s26+$0xFFFFFF10];
	v25 =	vmov s23;
	v52 =	vmul.f32 v45, v54;
	v54 =	vmul.f32 v45, v58;
	[tilespmem:s24+$0xFFFFFF80] =	vst v12  }
0x716: {  	s22 =	simm.s32 $0x4;
	v48 =	vld [tilespmem:s26+$0xFFFFFF30];
	v21 =	vmul.f32 $2.000000030e-01, v8;
	v9 =	vmul.f32 v1, v9;
	v12 =	vand.u32 $0xFFFFFFFD, v25;
	[tilespmem:s24+$0xFFFFFFF0] =	vst v6  }
0x717: {  	v20 =	vmov s22;
	v40 =	vld [tilespmem:s26+$0xC0];
	v5 =	vmul.f32 v1, v5;
	[tilespmem:v42+s21+$0x0] =	vst.idx.msk $0x1, v26;
	v4 =	vbroadcast v12, $0x0  }
0x718: {  	s28 =	simm.s32 $0x2;
	v15 =	vadd.f32 v3, v36;
	v35 =	vmul.f32 v1, v13;
	v18 =	vmul.f32 v1, v16;
	v42 =	vld [tilespmem:s26+$0xE0];
	[tilespmem:s24+$0xFFFFFF90] =	vst v9  }
0x719: {  	v7 =	vand.u32 $0xFFFFFFFC, v20;
	v20 =	vadd.f32 v23, v41;
	v26 =	vld [tilespmem:s10+$0xE0];
	[tilespmem:s24+$0xFFFFFFA0] =	vst v5;
	v5 =	vmov s28  }
0x71a: {  	v13 =	vld [tilespmem:s10+$0xF0];
	v8 =	vmax.f32 v8, v21;
	[tilespmem:s24+$0xFFFFFFB0] =	vst v35;
	v0 =	vand.u32 $0xFFFFFFFE, v5;
	v2 =	vmul.f32 v1, v2  }
0x71b: {  	v3 =	vld [tilespmem:s10+$0xFFFFFF10];
	[tilespmem:s24+$0xFFFFFFC0] =	vst v18;
	v18 =	vadd.f32 v61, v39;
	v63 =	vbroadcast v0, $0x0;
	v0 =	vmul.f32 $2.000000030e-01, v15  }
0x71c: {  	v47 =	vld [tilespmem:s26+$0xFFFFFF20];
	v16 =	vadd.f32 v60, v38;
	v34 =	vbroadcast v7, $0x0;
	v53 =	vmul.f32 v8, v14;
	[tilespmem:s24+$0xFFFFFFD0] =	vst v2  }
0x71d: {  	v44 =	vld [tilespmem:s10+$0xFFFFFF00];
	v24 =	vmul.f32 $2.000000030e-01, v20;
	v35 =	vmax.f32 v15, v0;
	[tilespmem:v4+s21+$0x0] =	vst.idx.msk $0x1, v1;
	v1 =	vmul.f32 $2.000000030e-01, v18  }
0x71e: {  	v49 =	vld [tilespmem:s26+$0xFFFFFF40];
	[tilespmem:s24+$0x10] =	vst v50;
	v2 =	vadd.f32 v22, v40;
	v22 =	vmul.f32 $2.000000030e-01, v16;
	v23 =	vadd.f32 v26, v42  }
0x71f: {  	[tilespmem:s24+$0x30] =	vst v52;
	v50 =	vld [tilespmem:s26+$0xFFFFFF50];
	v58 =	vmax.f32 v20, v24;
	v7 =	vadd.f32 v13, v43;
	v52 =	vmul.f32 v35, v19  }
0x720: {  	v5 =	vld [tilespmem:s10+$0xFFFFFF20];
	v6 =	vmul.f32 $2.000000030e-01, v2;
	v25 =	vmax.f32 v16, v22;
	v61 =	vmul.f32 $2.000000030e-01, v23;
	v35 =	vpop (erf)  }
0x721: {  	[tilespmem:s24+$0x20] =	vst v62;
	v4 =	vld [tilespmem:s10+$0xFFFFFF30];
	v0 =	vmul.f32 $2.000000030e-01, v7;
	v55 =	vmul.f32 v25, v11;
	v26 =	vmax.f32 v18, v1;
	v1, _, _ =	vpop (xrf2)  }
0x722: {  	s20 =	simm.s32 $0xC;
	s23 =	simm.s32 $0x8;
	[tilespmem:s24+$0x40] =	vst v10;
	v51 =	vmax.f32 v2, v6;
	v6 =	vld [tilespmem:s10+$0xFFFFFF40];
	v60 =	vmax.f32 v23, v61;
	v57 =	vmul.f32 v26, v17;
	v2, _, _ =	vpop (xrf2)  }
.LBB2_13:
0x723: {  	v23 =	vld [tilespmem:$0x1FFB0]  }
0x724: {  	v20 =	vld [tilespmem:$0x1FF90]  }
0x725: {  	v21 =	vld [tilespmem:$0x1FFC0]  }
0x726: {  	v22 =	vld [tilespmem:$0x1FFA0];
	_ =	sdelay $0x1  }
0x727: {  	[tilespmem:$0x1F660] =	vst v33;
	v33 =	vmov v32  }
0x728: {  	v32 =	vmovc v31;
	v31 =	vmovc v30;
	v30 =	vmov v29;
	v29 =	vmov v28;
	v28 =	vimm.s32 $0xF  }
0x729: {  	v8 =	vld [tilespmem:s10+$0xFFFFFF50];
	v0 =	vmax.f32 v7, v0;
	v9 =	vmul.f32 v51, v23;
	v58 =	vmul.f32 v58, v20  }
0x72a: {  	v24 =	vld [tilespmem:s10+$0xFFFFFF60];
	v3 =	vadd.f32 v3, v46;
	v7 =	vmul.f32 v60, v21;
	v19 =	vmul.f32 v0, v22  }
0x72b: {  	v26 =	vld [tilespmem:s10+$0xFFFFFF70];
	v25 =	vadd.f32 v53, v52;
	v55 =	vadd.f32 v57, v55;
	v0 =	vperm.xlane v1, v28  }
0x72c: {  	v10 =	vld [tilespmem:$0x1F730];
	v1 =	vmul.f32 $2.000000030e-01, v3;
	v11 =	vadd.f32 v58, v9;
	v7 =	vadd.f32 v19, v7  }
0x72d: {  	v16 =	vld [tilespmem:$0x1F6B0]  }
0x72e: {  	v27 =	vld [tilespmem:$0x1FFF0];
	v1 =	vmax.f32 v3, v1;
	v3 =	vadd.f32 v55, v25;
	v7 =	vadd.f32 v7, v11  }
0x72f: {  	v62 =	vld [tilespmem:s10+$0xFFFFFFE0]  }
0x730: {  	v12 =	vadd.f32 v7, v3;
	v7 =	vld [tilespmem:$0x1F6C0]  }
0x731: {  	v52 =	vld [tilespmem:s26+$0xFFFFFF70]  }
0x732: {  	v53 =	vld [tilespmem:s26+$0xFFFFFF80];
	v5 =	vadd.f32 v5, v47  }
0x733: {  	[tilespmem:s24+$0x50] =	vst v59;
	v14 =	vmov v46;
	v46 =	vld [tilespmem:s26+$0xFFFFFF90];
	(xrf2) =	vadd.scan.msk.f32 $0xffff, v12  }
0x734: {  	[tilespmem:s24+$0x60] =	vst v56;
	v4 =	vadd.f32 v4, v48;
	v51 =	vld [tilespmem:s26+$0xFFFFFF60];
	v15 =	vmul.f32 $2.000000030e-01, v5  }
0x735: {  	[tilespmem:s24+$0x70] =	vst v54;
	v17 =	vmov v47;
	v47 =	vld [tilespmem:s26+$0xFFFFFFA0];
	v59 =	vmov v7;
	v7 =	vmov v48  }
0x736: {  	v18 =	vmul.f32 $2.000000030e-01, v4;
	[tilespmem:$0x1F6C0] =	vst v7;
	v7 =	vmax.f32 v5, v15;
	v5 =	vld [tilespmem:$0x1F6D0]  }
0x737: {  	[tilespmem:v63+s21+$0x0] =	vst.idx.msk $0x1, v45;
	v45 =	vadd.f32 v26, v52;
	v26 =	vld [tilespmem:$0x1FFE0]  }
0x738: {  	v55 =	vld [tilespmem:s10+$0xFFFFFF80]  }
0x739: {  	v2 =	vperm.xlane v2, v28;
	v25 =	vld [tilespmem:$0x1FFD0];
	v19 =	vadd.f32 v24, v51  }
0x73a: {  	v6 =	vadd.f32 v6, v49;
	v8 =	vadd.f32 v8, v50;
	v4 =	vmax.f32 v4, v18;
	v18 =	vmovc v50;
	v50 =	vld [tilespmem:s26+$0xFFFFFFD0]  }
0x73b: {  	v2 =	vmul.f32 $1.442695020e+00, v2;
	[tilespmem:$0x1F6B0] =	vst v17;
	v17 =	vmul.f32 $2.000000030e-01, v19;
	v15 =	vld [tilespmem:s10+$0xFFFFFF90];
	v63 =	vmovc v5;
	v5 =	vmov v49  }
0x73c: {  	v54 =	vmov v10;
	v13 =	vmul.f32 $2.000000030e-01, v6;
	v12 =	vmul.f32 $2.000000030e-01, v45;
	[tilespmem:$0x1F6D0] =	vst v5;
	v5 =	vld [tilespmem:$0x1F6E0]  }
0x73d: {  	[tilespmem:$0x1F730] =	vst v14;
	v14 =	vmul.f32 $2.000000030e-01, v8;
	v0 =	vmul.f32 $1.442695020e+00, v0;
	v24 =	vld [tilespmem:$0x1FF80];
	v19 =	vmax.f32 v19, v17;
	v10, _, _ =	vpop (xrf2)  }
0x73e: {  	v45 =	vmax.f32 v45, v12;
	v9 =	vmul.f32 v19, v21;
	v19 =	vld [tilespmem:s10+$0xFFFFFFD0];
	v10 =	vperm.xlane v10, v28  }
0x73f: {  	v4 =	vmul.f32 v4, v27;
	v48 =	vld [tilespmem:s26+$0xFFFFFFB0];
	v45 =	vmul.f32 v45, v22  }
0x740: {  	v7 =	vmul.f32 v7, v26;
	v58 =	vadd.f32 v15, v46;
	v49 =	vld [tilespmem:s26+$0xFFFFFFC0];
	v10 =	vmul.f32 $1.442695020e+00, v10  }
0x741: {  	v3 =	vmovc v5;
	v5 =	vmul.f32 v1, v25;
	v1 =	vmax.f32 v6, v13;
	v6 =	vmax.f32 v8, v14;
	v8 =	vld [tilespmem:s10+$0xFFFFFFA0]  }
0x742: {  	[tilespmem:$0x1F6E0] =	vst v18;
	v18 =	vmul.f32 $2.000000030e-01, v58;
	v13 =	vadd.f32 v55, v53;
	v14 =	vld [tilespmem:s10+$0xFFFFFFB0];
	(erf) = vpow2.f32 v10  }
0x743: {  	v1 =	vmul.f32 v1, v23;
	v17 =	vmul.f32 v6, v20;
	v6 =	vadd.f32 v4, v7;
	v4 =	vld [tilespmem:s10+$0xFFFFFFC0]  }
0x744: {  	v56 =	vmov v16;
	v55 =	vld [tilespmem:s26+$0xFFFFFFE0];
	(erf) = vpow2.f32 v0;
	v16 =	vmul.f32 $2.000000030e-01, v13  }
0x745: {  	v60 =	vld [tilespmem:s26+$0x10];
	v9 =	vadd.f32 v45, v9;
	v57 =	vmax.f32 v58, v18;
	(erf) = vpow2.f32 v2  }
0x746: {  	v11 =	vld [tilespmem:s10+$0xFFFFFFF0];
	v1 =	vadd.f32 v17, v1;
	v7 =	vmax.f32 v13, v16;
	v13 =	vadd.f32 v19, v50  }
0x747: {  	v58 =	vld [tilespmem:s26+$0x0];
	v16 =	vmul.f32 v57, v25;
	v8 =	vadd.f32 v8, v47;
	v61 =	vadd.f32 v14, v48  }
0x748: {  	v57 =	vld [tilespmem:s26+$0xFFFFFFF0];
	v7 =	vmul.f32 v7, v24;
	v4 =	vadd.f32 v4, v49;
	v18 =	vmul.f32 $2.000000030e-01, v13  }
0x749: {  	v2 =	vld [tilespmem:s26+$0x60];
	v19 =	vadd.f32 v62, v55;
	v15 =	vmul.f32 $2.000000030e-01, v8;
	v17 =	vmul.f32 $2.000000030e-01, v61  }
0x74a: {  	v45 =	vadd.f32 v16, v7;
	v7 =	vadd.f32 v9, v1;
	v9 =	vld [tilespmem:s10+$0x0];
	v12 =	vmul.f32 $2.000000030e-01, v4  }
0x74b: {  	v8 =	vmax.f32 v8, v15;
	v61 =	vmax.f32 v61, v17;
	v17 =	vmul.f32 $2.000000030e-01, v19;
	v15 =	vld [tilespmem:s10+$0x40]  }
0x74c: {  	v16 =	vmax.f32 v13, v18;
	v8 =	vmul.f32 v8, v26;
	v1 =	vmul.f32 v61, v27;
	v61 =	vld [tilespmem:s26+$0x40]  }
0x74d: {  	v11 =	vadd.f32 v11, v57;
	v4 =	vmax.f32 v4, v12;
	v12 =	vmax.f32 v19, v17;
	v19 =	vld [tilespmem:s10+$0x30]  }
0x74e: {  	v10 =	vmul.f32 v16, v20;
	v1 =	vadd.f32 v1, v8;
	v8 =	vld [tilespmem:s10+$0x10]  }
0x74f: {  	v4 =	vmul.f32 v4, v23;
	v18 =	vmul.f32 $2.000000030e-01, v11;
	v16 =	vpop (erf);
	v17 =	vld [tilespmem:s10+$0x60];
	v9 =	vadd.f32 v9, v58  }
0x750: {  	v12 =	vmul.f32 v12, v21;
	v36 =	vmul.f32 v16, v36;
	v13 =	vadd.f32 v1, v45;
	v1 =	vld [tilespmem:s26+$0x30]  }
0x751: {  	v62 =	vld [tilespmem:s26+$0x20];
	v37 =	vmul.f32 v16, v37;
	v40 =	vmul.f32 v16, v40;
	v11 =	vmax.f32 v11, v18  }
0x752: {  	v45 =	vld [tilespmem:s10+$0x20];
	v14 =	vmul.f32 $2.000000030e-01, v9;
	v11 =	vmul.f32 v11, v22  }
0x753: {  	v4 =	vadd.f32 v10, v4;
	[tilespmem:s10+$0x90] =	vst v37;
	v37 =	vmul.f32 v16, v39;
	v8 =	vadd.f32 v8, v60  }
0x754: {  	v0 =	vld [tilespmem:s26+$0x50];
	v15 =	vadd.f32 v15, v61;
	v9 =	vmax.f32 v9, v14;
	v11 =	vadd.f32 v11, v12  }
0x755: {  	s28 =	sadd.s32 $0x3, s23;
	v12 =	vld [tilespmem:s10+$0x50];
	v17 =	vadd.f32 v17, v2;
	v18 =	vmul.f32 $2.000000030e-01, v8;
	v10 =	vadd.f32 v19, v1  }
0x756: {  	[tilespmem:s10+$0xB0] =	vst v37;
	v37 =	vmov s28;
	v9 =	vmul.f32 v9, v24;
	v19 =	vmul.f32 v16, v38  }
0x757: {  	v45 =	vadd.f32 v45, v62;
	v38 =	vld [tilespmem:s26+$0xFFFFFF00];
	v8 =	vmax.f32 v8, v18;
	v18 =	vmul.f32 $2.000000030e-01, v10  }
0x758: {  	[tilespmem:s10+$0x80] =	vst v36;
	v36 =	vmul.f32 $2.000000030e-01, v15;
	v11 =	vadd.f32 v11, v4;
	v8 =	vmul.f32 v8, v25  }
0x759: {  	[tilespmem:s10+$0xC0] =	vst v40;
	v14 =	vmul.f32 $2.000000030e-01, v45;
	v10 =	vmax.f32 v10, v18;
	v18 =	vmul.f32 v16, v41  }
0x75a: {  	v12 =	vadd.f32 v12, v0;
	[tilespmem:s10+$0xA0] =	vst v19;
	v19 =	vpop (erf);
	v8 =	vadd.f32 v8, v9;
	v9 =	vmul.f32 v16, v42  }
0x75b: {  	v4 =	vld [tilespmem:s26+$0x70];
	v15 =	vmax.f32 v15, v36;
	v14 =	vmax.f32 v45, v14;
	v54 =	vmul.f32 v19, v54;
	[tilespmem:s10+$0xD0] =	vst v18  }
0x75c: {  	s24 =	smov.u32 s25;
	v45 =	vld [tilespmem:s10+$0x70];
	v36 =	vmul.f32 $2.000000030e-01, v12;
	v41 =	vadd.f32 v44, v38;
	v3 =	vmul.f32 v19, v3;
	[tilespmem:s10+$0xE0] =	vst v9  }
0x75d: {  	v39 =	vmul.f32 $2.000000030e-01, v17;
	v18 =	vmul.f32 v16, v43;
	[tilespmem:s24+$0xFFFFFF10] =	vst v54  }
0x75e: {  	v12 =	vmax.f32 v12, v36;
	v44 =	vmul.f32 $2.000000030e-01, v41;
	v54 =	vld [tilespmem:$0x1F760];
	[tilespmem:s24+$0xFFFFFF50] =	vst v3  }
0x75f: {  	v42 =	vmax.f32 v17, v39;
	v9 =	vmul.f32 v15, v23;
	v12 =	vmul.f32 v12, v20;
	v3 =	vld [tilespmem:$0x1F770];
	[tilespmem:s10+$0xF0] =	vst v18  }
0x760: {  	s26 =	sadd.s32 $0x200, s26;
	v23 =	vmul.f32 v42, v21;
	[tilespmem:v37+s21+$0x0] =	vst.idx.msk $0x1, v16;
	v42 =	vmax.f32 v41, v44;
	v41 =	vld [tilespmem:$0x1F6F0]  }
0x761: {  	s25 =	smov.u32 s10;
	v14 =	vmul.f32 v14, v26;
	s10 =	sadd.s32 $0x200, s10;
	v40 =	vadd.f32 v45, v4;
	v36 =	vld [tilespmem:s26+$0x80]  }
0x762: {  	v20 =	vmul.f32 v19, v56;
	v9 =	vadd.f32 v12, v9;
	v12 =	vld [tilespmem:s10+$0x80];
	v15 =	vmul.f32 v42, v24  }
0x763: {  	v10 =	vmul.f32 v10, v27;
	v37 =	vld [tilespmem:s26+$0x90];
	v43 =	vmul.f32 $2.000000030e-01, v40  }
0x764: {  	v21 =	vmov v38;
	[tilespmem:s24+$0xFFFFFF20] =	vst v20;
	v16 =	vld [tilespmem:s10+$0x90];
	v5 =	vadd.f32 v5, v15;
	v15 =	vmul.f32 v35, v54  }
0x765: {  	v11 =	vadd.f32 v11, v13;
	v3 =	vmul.f32 v35, v3;
	v40 =	vmax.f32 v40, v43;
	v43 =	vld [tilespmem:$0x1F7C0];
	[tilespmem:$0x1F7C0] =	vst v21  }
0x766: {  	v10 =	vadd.f32 v10, v14;
	v38 =	vld [tilespmem:s26+$0xA0];
	v14 =	vmul.f32 v40, v22;
	[tilespmem:s24+$0xFFFFFFC0] =	vst v15  }
0x767: {  	(xrf2) =	vadd.scan.msk.f32 $0xffff, v11;
	v42 =	vld [tilespmem:$0x1F710];
	v22 =	vmul.f32 v19, v59;
	v11 =	vmul.f32 v19, v41;
	v41 =	vmovc v52;
	[tilespmem:s24+$0xFFFFFFD0] =	vst v3  }
0x768: {  	v45 =	vpop (erf);
	v5 =	vadd.f32 v6, v5;
	v6 =	vld [tilespmem:$0x1F700];
	[tilespmem:$0x1F700] =	vst v41  }
0x769: {  	v13 =	vld [tilespmem:s10+$0xA0];
	v52 =	vmul.f32 v45, v31;
	[tilespmem:s24+$0xFFFFFF30] =	vst v22  }
0x76a: {  	v39 =	vld [tilespmem:s26+$0xB0];
	[tilespmem:s24+$0xFFFFFF60] =	vst v11  }
0x76b: {  	v17 =	vld [tilespmem:s10+$0xB0];
	v44 =	vadd.f32 v14, v23;
	v23 =	vmul.f32 v19, v63;
	v63 =	vmov v51;
	[tilespmem:s24+$0x20] =	vst v52  }
0x76c: {  	v59 =	vld [tilespmem:$0x1F780];
	v14 =	vmul.f32 v35, v42;
	v5 =	vadd.f32 v7, v5;
	[tilespmem:$0x1F6F0] =	vst v63  }
0x76d: {  	v8 =	vadd.f32 v10, v8;
	v40 =	vld [tilespmem:s26+$0xC0];
	v10 =	vmul.f32 v19, v43;
	[tilespmem:s24+$0xFFFFFF40] =	vst v23  }
0x76e: {  	v7 =	vld [tilespmem:$0x1F750];
	(xrf2) =	vadd.scan.msk.f32 $0xffff, v5;
	v5 =	vmul.f32 v35, v29;
	[tilespmem:s24+$0xFFFFFF80] =	vst v14  }
0x76f: {  	v42 =	vld [tilespmem:$0x1F790];
	v23 =	vmul.f32 v45, v32;
	[tilespmem:s24+$0xFFFFFF00] =	vst v10  }
0x770: {  	v41 =	vld [tilespmem:s26+$0xD0];
	v6 =	vmul.f32 v19, v6;
	[tilespmem:s24+$0xFFFFFFF0] =	vst v5  }
0x771: {  	v43 =	vld [tilespmem:$0x1F720];
	v20 =	vmul.f32 v35, v59;
	[tilespmem:s24+$0x40] =	vst v23  }
0x772: {  	v9 =	vadd.f32 v44, v9;
	v44 =	vld [tilespmem:$0x1F740];
	[tilespmem:s24+$0xFFFFFF70] =	vst v6  }
0x773: {  	v56 =	vmov s23;
	v63 =	vld [tilespmem:$0x1F7A0];
	v7 =	vmul.f32 v35, v7;
	[tilespmem:s24+$0xFFFFFFE0] =	vst v20  }
0x774: {  	s28 =	sadd.s32 $0x1, s22;
	v18 =	vand.u32 $0xFFFFFFFC, v56;
	v51 =	vld [tilespmem:s10+$0xC0];
	v11 =	vmul.f32 v45, v42;
	[tilespmem:v34+s21+$0x0] =	vst.idx.msk $0x1, v19  }
0x775: {  	v54 =	vmov s28;
	v8 =	vadd.f32 v9, v8;
	v6 =	vmul.f32 v45, v30;
	v42 =	vld [tilespmem:s26+$0xE0];
	[tilespmem:s24+$0xFFFFFFB0] =	vst v7  }
0x776: {  	v13 =	vadd.f32 v13, v38;
	v59 =	vmul.f32 v45, v33;
	v19 =	vld [tilespmem:s10+$0xF0];
	v9 =	vmul.f32 v35, v43;
	[tilespmem:s24+$0x0] =	vst v11  }
0x777: {  	v10 =	vmul.f32 v35, v44;
	v43 =	vmov v53;
	v44 =	vmov v46;
	v53 =	vld [tilespmem:s10+$0xD0];
	v46, _, _ =	vpop (xrf2);
	[tilespmem:s24+$0x10] =	vst v6  }
0x778: {  	v14 =	vadd.f32 v17, v39;
	v22 =	vmul.f32 v45, v63;
	v3 =	vld [tilespmem:s10+$0xFFFFFF10];
	[tilespmem:$0x1F710] =	vst v43;
	v30 =	vperm.xlane v46, v28  }
0x779: {  	v34 =	vand.u32 $0xFFFFFFFD, v54;
	(xrf2) =	vadd.scan.msk.f32 $0xffff, v8;
	v5 =	vld [tilespmem:s10+$0xFFFFFF20];
	[tilespmem:$0x1F720] =	vst v44;
	v8 =	vmovc v47;
	v47 =	vmov v48  }
0x77a: {  	v44 =	vld [tilespmem:$0x1F660];
	v48 =	vmovc v49;
	v49 =	vmovc v50;
	v50 =	vmov v55;
	v55 =	vmul.f32 $2.000000030e-01, v13;
	[tilespmem:s24+$0xFFFFFF90] =	vst v9;
	v63 =	vmul.f32 $1.442695020e+00, v30  }
0x77b: {  	v31 =	vmovc v61;
	v46 =	vld [tilespmem:$0x1F7B0];
	v28 =	vmovc v57;
	[tilespmem:s24+$0xFFFFFFA0] =	vst v10;
	v9 =	vbroadcast v34, $0x0;
	v34 =	vbroadcast v18, $0x0;
	v10 =	vadd.f32 v12, v36  }
0x77c: {  	s28 =	sadd.s32 $0x2, s22;
	v57 =	vmovc v58;
	[tilespmem:$0x1F740] =	vst v8;
	v8 =	vld [tilespmem:s10+$0xE0];
	v12 =	vadd.f32 v16, v37;
	v16 =	vadd.f32 v51, v40;
	(erf) = vpow2.f32 v63  }
0x77d: {  	v32 =	vmovc v0;
	v0 =	vmovc v4;
	v4 =	vld [tilespmem:s10+$0xFFFFFF30];
	[tilespmem:$0x1F790] =	vst v57;
	v57 =	vmul.f32 $2.000000030e-01, v14;
	v30 =	vmov s28;
	v61 =	vmax.f32 v13, v55  }
0x77e: {  	v29 =	vmovc v60;
	v43 =	vld [tilespmem:s26+$0xF0];
	[tilespmem:$0x1F7B0] =	vst v0;
	v7 =	vand.u32 $0xFFFFFFFE, v30;
	v60 =	vmul.f32 $2.000000030e-01, v10;
	v51 =	vmul.f32 $2.000000030e-01, v16  }
0x77f: {  	v33 =	vmov v2;
	v6 =	vld [tilespmem:s10+$0xFFFFFF40];
	[tilespmem:$0x1F750] =	vst v47;
	v55 =	vmul.f32 v61, v26;
	v63 =	vbroadcast v7, $0x0  }
0x780: {  	p1 =	slt.u32 s20, $0x4C;
	[tilespmem:$0x1F760] =	vst v48;
	v47 =	vld [tilespmem:s26+$0xFFFFFF20];
	v17 =	vadd.f32 v53, v41;
	v56 =	vmul.f32 v45, v44;
	v54 =	vmul.f32 v45, v46  }
.Ltmp9:
0x781: {  	[tilespmem:$0x1F770] =	vst v49;
	v48 =	vld [tilespmem:s26+$0xFFFFFF30];
	v30 =	vmovc v62;
	v62 =	vmul.f32 $2.000000030e-01, v12;
	v10 =	vmax.f32 v10, v60;
	v8 =	vadd.f32 v8, v42;
	(pc) =	sbr.rel @p1 .LBB2_13-.Ltmp9, $4  }
0x782: {  	[tilespmem:$0x1F780] =	vst v50;
	v49 =	vld [tilespmem:s26+$0xFFFFFF40];
	v51 =	vmax.f32 v16, v51;
	v7 =	vmovc v1;
	v58 =	vmul.f32 $2.000000030e-01, v17;
	v52 =	vmul.f32 v10, v24  }
0x783: {  	v50 =	vld [tilespmem:s26+$0xFFFFFF50];
	v1, _, _ =	vpop (xrf2);
	[tilespmem:$0x1F7A0] =	vst v7;
	v7 =	vadd.f32 v19, v43;
	v60 =	vmax.f32 v12, v62;
	v21 =	vmul.f32 $2.000000030e-01, v8  }
0x784: {  	[tilespmem:s24+$0x30] =	vst v22;
	v44 =	vld [tilespmem:s10+$0xFFFFFF00];
	v62 =	vmax.f32 v14, v57;
	v53 =	vmul.f32 v60, v25;
	v58 =	vmax.f32 v17, v58;
	v2, _, _ =	vpop (xrf2)  }
0x785: {  	s22 =	smov.u32 s23;
	s23 =	smov.u32 s20;
	s20 =	sadd.s32 $0x4, s20;
	v46 =	vld [tilespmem:s26+$0xFFFFFF10];
	[tilespmem:v9+s21+$0x0] =	vst.idx.msk $0x1, v35;
	v57 =	vmul.f32 v62, v27;
	v0 =	vmul.f32 $2.000000030e-01, v7;
	v60 =	vmax.f32 v8, v21;
	v35 =	vpop (erf)  }
0x786: {  	v14 =	vld [tilespmem:s26+$0xFFFFFF60];
	_ =	sdelay $0x3  }
0x787: {  	v61 =	vld [tilespmem:$0x1FF90]  }
0x788: {  	v10 =	vadd.f32 v53, v52;
	v53 =	vld [tilespmem:s10+$0xFFFFFF50];
	[tilespmem:$0x1F610] =	vst v14  }
0x789: {  	v16 =	vld [tilespmem:s26+$0xFFFFFF70]  }
0x78a: {  	v62 =	vld [tilespmem:$0x1FFB0]  }
0x78b: {  	v24 =	vld [tilespmem:$0x1FFA0]  }
0x78c: {  	v9 =	vmul.f32 v58, v61;
	v58 =	vld [tilespmem:$0x1FFC0];
	_ =	sdelay $0x1  }
0x78d: {  	v11 =	vadd.f32 v57, v55;
	v55 =	vld [tilespmem:s10+$0xFFFFFF60];
	[tilespmem:$0x1F620] =	vst v16  }
0x78e: {  	v15 =	vld [tilespmem:s26+$0xFFFFFF80]  }
0x78f: {  	v0 =	vmax.f32 v7, v0;
	v8 =	vmul.f32 v51, v62  }
0x790: {  	v0 =	vmul.f32 v0, v24;
	v51 =	vmul.f32 v60, v58;
	_ =	sdelay $0x1  }
0x791: {  	v8 =	vadd.f32 v9, v8;
	v0 =	vadd.f32 v0, v51  }
0x792: {  	v57 =	vld [tilespmem:s10+$0xFFFFFF70];
	[tilespmem:$0x1F630] =	vst v15  }
0x793: {  	v52 =	vadd.f32 v11, v10;
	v0 =	vadd.f32 v0, v8;
	v17 =	vld [tilespmem:s26+$0xFFFFFF90];
	_ =	sdelay $0x1  }
0x794: {  	v0 =	vadd.f32 v0, v52;
	_ =	sdelay $0x1  }
0x795: {  	v5 =	vadd.f32 v5, v47;
	(xrf2) =	vadd.scan.msk.f32 $0xffff, v0  }
0x796: {  	v60 =	vld [tilespmem:s10+$0xFFFFFF80];
	[tilespmem:$0x1F640] =	vst v17  }
0x797: {  	v21 =	vmul.f32 $2.000000030e-01, v5;
	v0 =	vadd.f32 v57, v16;
	v18 =	vld [tilespmem:s26+$0xFFFFFFA0];
	_ =	sdelay $0x1  }
0x798: {  	v5 =	vmax.f32 v5, v21;
	v57 =	vld [tilespmem:$0x1FFE0];
	v21 =	vmul.f32 $2.000000030e-01, v0  }
0x799: {  	v12 =	vld [tilespmem:s10+$0xFFFFFF90]  }
0x79a: {  	v4 =	vadd.f32 v4, v48;
	v3 =	vadd.f32 v3, v46;
	v0 =	vmax.f32 v0, v21;
	v21 =	vld [tilespmem:$0x1FFD0]  }
0x79b: {  	v6 =	vadd.f32 v6, v49;
	v9 =	vadd.f32 v60, v15;
	v60 =	vld [tilespmem:$0x1FFF0];
	[tilespmem:$0x1F650] =	vst v18  }
0x79c: {  	v27 =	vimm.s32 $0xF;
	v20 =	vmul.f32 $2.000000030e-01, v3;
	v7 =	vadd.f32 v55, v14;
	v51 =	vld [tilespmem:s10+$0xFFFFFFA0]  }
0x79d: {  	v22 =	vmul.f32 $2.000000030e-01, v4;
	v13 =	vmul.f32 $2.000000030e-01, v6;
	v8 =	vadd.f32 v53, v50;
	v25 =	vld [tilespmem:s26+$0xFFFFFFB0]  }
0x79e: {  	v3 =	vmax.f32 v3, v20;
	v14 =	vmul.f32 $2.000000030e-01, v7;
	v19, _, _ =	vpop (xrf2);
	v12 =	vadd.f32 v12, v17;
	v20 =	vld [tilespmem:s10+$0xFFFFFFB0]  }
0x79f: {  	v6 =	vmax.f32 v6, v13;
	v23 =	vmul.f32 $2.000000030e-01, v8;
	v13 =	vperm.xlane v19, v27;
	v26 =	vld [tilespmem:s26+$0xFFFFFFC0]  }
0x7a0: {  	v1 =	vperm.xlane v1, v27;
	v7 =	vmax.f32 v7, v14;
	v14 =	vld [tilespmem:s10+$0xFFFFFFC0];
	v17 =	vmul.f32 $2.000000030e-01, v12  }
0x7a1: {  	v4 =	vmax.f32 v4, v22;
	v8 =	vmax.f32 v8, v23;
	v55 =	vld [tilespmem:s26+$0xFFFFFFD0];
	v13 =	vmul.f32 $1.442695020e+00, v13  }
0x7a2: {  	v6 =	vmul.f32 v6, v62;
	v8 =	vmul.f32 v8, v61;
	v16 =	vmax.f32 v12, v17;
	v17 =	vld [tilespmem:s10+$0xFFFFFFD0]  }
0x7a3: {  	v5 =	vmul.f32 v5, v57;
	(erf) = vpow2.f32 v13;
	v10 =	vadd.f32 v51, v18;
	v51 =	vld [tilespmem:$0x1FF80]  }
0x7a4: {  	v22 =	vmul.f32 $2.000000030e-01, v9;
	v4 =	vmul.f32 v4, v60  }
0x7a5: {  	v7 =	vmul.f32 v7, v58;
	v6 =	vadd.f32 v8, v6;
	v0 =	vmul.f32 v0, v24;
	v53 =	vld [tilespmem:s26+$0xFFFFFFE0]  }
0x7a6: {  	v23 =	vmax.f32 v9, v22;
	v11 =	vadd.f32 v4, v5;
	v52 =	vld [tilespmem:s26+$0xFFFFFFF0];
	v5 =	vmul.f32 v16, v21  }
0x7a7: {  	v13 =	vld [tilespmem:s10+$0xFFFFFFE0];
	v19 =	vadd.f32 v20, v25;
	v22 =	vmul.f32 $2.000000030e-01, v10;
	v16 =	vadd.f32 v17, v55  }
0x7a8: {  	v0 =	vadd.f32 v0, v7;
	v7 =	vadd.f32 v14, v26;
	[tilespmem:s24+$0x50] =	vst v59;
	v17 =	vld [tilespmem:s10+$0xFFFFFFF0];
	v4 =	vmul.f32 v23, v51  }
0x7a9: {  	[tilespmem:s24+$0x60] =	vst v56;
	v8 =	vmax.f32 v10, v22;
	v23 =	vmul.f32 $2.000000030e-01, v19;
	v22 =	vmul.f32 $2.000000030e-01, v16  }
0x7aa: {  	v59 =	vmul.f32 $1.442695020e+00, v1;
	[tilespmem:s24+$0x70] =	vst v54;
	v8 =	vmul.f32 v8, v57;
	v4 =	vadd.f32 v5, v4  }
0x7ab: {  	[tilespmem:v63+s21+$0x0] =	vst.idx.msk $0x1, v45;
	v18 =	vmax.f32 v19, v23;
	v19 =	vmul.f32 $2.000000030e-01, v7;
	v5 =	vmax.f32 v16, v22  }
0x7ac: {  	v23 =	vadd.f32 v13, v53;
	v15 =	vpop (erf);
	v20 =	vmul.f32 v18, v60;
	v5 =	vmul.f32 v5, v61  }
0x7ad: {  	v56 =	vadd.f32 v17, v52;
	v45 =	vmul.f32 v15, v37;
	v54 =	vmul.f32 v15, v38  }
0x7ae: {  	v39 =	vmul.f32 v15, v39;
	v7 =	vmax.f32 v7, v19;
	v18 =	vmul.f32 $2.000000030e-01, v23  }
0x7af: {  	v14 =	vadd.f32 v0, v6;
	v6 =	vld [tilespmem:s26+$0xFFFFFF00];
	v19 =	vmul.f32 v7, v62;
	v22 =	vmul.f32 $2.000000030e-01, v56;
	[tilespmem:s10+$0x90] =	vst v45  }
0x7b0: {  	v8 =	vadd.f32 v20, v8;
	[tilespmem:s10+$0xA0] =	vst v54;
	v45 =	vmul.f32 v15, v43;
	v20 =	vmax.f32 v23, v18  }
0x7b1: {  	s20 =	sadd.s32 $0x3, s23;
	[tilespmem:s10+$0xB0] =	vst v39;
	v23 =	vmul.f32 v15, v36;
	v16 =	vadd.f32 v5, v19;
	v36 =	vmax.f32 v56, v22  }
0x7b2: {  	v19 =	vmul.f32 v15, v40;
	v22 =	vmul.f32 v15, v41;
	v41 =	vmov s20;
	[tilespmem:s10+$0xF0] =	vst v45  }
0x7b3: {  	(erf) = vpow2.f32 v59;
	[tilespmem:s10+$0x80] =	vst v23  }
0x7b4: {  	v56 =	vadd.f32 v44, v6;
	v44 =	vmul.f32 v15, v42;
	[tilespmem:s10+$0xC0] =	vst v19  }
0x7b5: {  	[tilespmem:s10+$0xD0] =	vst v22  }
0x7b6: {  	[tilespmem:s10+$0xE0] =	vst v44  }
0x7b7: {  	v5 =	vmul.f32 v20, v58;
	v20 =	vmul.f32 $2.000000030e-01, v56;
	[tilespmem:v41+s21+$0x0] =	vst.idx.msk $0x1, v15  }
0x7b8: {  	v17 =	vmul.f32 v3, v21;
	v39 =	vld [tilespmem:$0x1F7C0]  }
0x7b9: {  	v63 =	vmul.f32 v36, v24;
	v12 =	vmax.f32 v56, v20;
	v19 =	vld [tilespmem:$0x1F730]  }
0x7ba: {  	v12 =	vmul.f32 v12, v51  }
0x7bb: {  	v18 =	vadd.f32 v63, v5  }
0x7bc: {  	v12 =	vadd.f32 v17, v12;
	v17 =	vpop (erf)  }
0x7bd: {  	v16 =	vadd.f32 v18, v16;
	v18 =	vmul.f32 v17, v39  }
0x7be: {  	v19 =	vmul.f32 v17, v19  }
0x7bf: {  	[tilespmem:s25+$0xFFFFFF00] =	vst v18  }
0x7c0: {  	v41 =	vld [tilespmem:$0x1F6B0];
	[tilespmem:s25+$0xFFFFFF10] =	vst v19  }
0x7c1: {  	v44 =	vld [tilespmem:$0x1F6C0];
	_ =	sdelay $0x1  }
0x7c2: {  	v8 =	vadd.f32 v8, v4  }
0x7c3: {  	v11 =	vadd.f32 v11, v12  }
0x7c4: {  	v8 =	vadd.f32 v16, v8;
	v16 =	vmul.f32 v17, v41  }
0x7c5: {  	v42 =	vadd.f32 v14, v11;
	v14 =	vmul.f32 v17, v44  }
0x7c6: {  	[tilespmem:s25+$0xFFFFFF20] =	vst v16  }
0x7c7: {  	v16 =	vld [tilespmem:$0x1F6D0];
	[tilespmem:s25+$0xFFFFFF30] =	vst v14  }
0x7c8: {  	v14 =	vld [tilespmem:$0x1F6E0];
	_ =	sdelay $0x3  }
0x7c9: {  	v16 =	vmul.f32 v17, v16  }
0x7ca: {  	v9 =	vld [tilespmem:s10+$0x10];
	v14 =	vmul.f32 v17, v14  }
0x7cb: {  	v0 =	vld [tilespmem:s26+$0x0];
	[tilespmem:s25+$0xFFFFFF40] =	vst v16  }
0x7cc: {  	v18 =	vld [tilespmem:$0x1F6F0];
	[tilespmem:s25+$0xFFFFFF50] =	vst v14  }
0x7cd: {  	v19 =	vld [tilespmem:$0x1F700]  }
0x7ce: {  	v1 =	vld [tilespmem:s26+$0x10]  }
0x7cf: {  	v59 =	vld [tilespmem:s10+$0x20]  }
0x7d0: {  	v13 =	vld [tilespmem:s10+$0x0]  }
0x7d1: {  	v10 =	vperm.xlane v2, v27;
	v2 =	vld [tilespmem:s26+$0x20];
	v18 =	vmul.f32 v17, v18  }
0x7d2: {  	v3 =	vld [tilespmem:s26+$0x30];
	v19 =	vmul.f32 v17, v19  }
0x7d3: {  	v43 =	vld [tilespmem:s10+$0x70];
	[tilespmem:s25+$0xFFFFFF60] =	vst v18  }
0x7d4: {  	v4 =	vld [tilespmem:s26+$0x40];
	[tilespmem:s25+$0xFFFFFF70] =	vst v19  }
0x7d5: {  	v13 =	vadd.f32 v13, v0;
	v23 =	vld [tilespmem:s10+$0x30];
	[tilespmem:v34+s21+$0x0] =	vst.idx.msk $0x1, v17  }
0x7d6: {  	v7 =	vadd.f32 v59, v2;
	v34 =	vld [tilespmem:$0x1F710]  }
0x7d7: {  	v36 =	vld [tilespmem:s26+$0x60];
	v40 =	vmul.f32 $2.000000030e-01, v13  }
0x7d8: {  	v9 =	vadd.f32 v9, v1;
	v22 =	vld [tilespmem:s10+$0x40];
	v63 =	vmul.f32 $2.000000030e-01, v7  }
0x7d9: {  	v13 =	vmax.f32 v13, v40;
	v40 =	vld [tilespmem:s10+$0x60]  }
0x7da: {  	v54 =	vmul.f32 $2.000000030e-01, v9;
	v15 =	vmax.f32 v7, v63;
	v37 =	vld [tilespmem:$0x1F720]  }
0x7db: {  	v20 =	vmul.f32 v15, v57;
	v38 =	vld [tilespmem:$0x1F740];
	v15 =	vmul.f32 v35, v34  }
0x7dc: {  	v17 =	vld [tilespmem:$0x1F750]  }
0x7dd: {  	v9 =	vmax.f32 v9, v54;
	v7 =	vld [tilespmem:s26+$0x70];
	[tilespmem:s25+$0xFFFFFF80] =	vst v15  }
0x7de: {  	v9 =	vmul.f32 v9, v21;
	v19 =	vld [tilespmem:$0x1F760]  }
0x7df: {  	v56 =	vmul.f32 v13, v51;
	v14 =	vmul.f32 v35, v37  }
0x7e0: {  	v45 =	vadd.f32 v23, v3;
	v16 =	vmul.f32 v35, v38  }
0x7e1: {  	v9 =	vadd.f32 v9, v56;
	v17 =	vmul.f32 v35, v17;
	[tilespmem:s25+$0xFFFFFF90] =	vst v14  }
0x7e2: {  	v59 =	vld [tilespmem:s10+$0x50];
	v56 =	vmul.f32 $2.000000030e-01, v45;
	v12 =	vadd.f32 v40, v36;
	v11 =	vadd.f32 v43, v7;
	[tilespmem:s25+$0xFFFFFFA0] =	vst v16  }
0x7e3: {  	v5 =	vld [tilespmem:s26+$0x50];
	v54 =	vadd.f32 v22, v4;
	[tilespmem:s25+$0xFFFFFFB0] =	vst v17;
	v19 =	vmul.f32 v35, v19  }
0x7e4: {  	(xrf2) =	vadd.scan.msk.f32 $0xffff, v8;
	v8 =	vmax.f32 v45, v56;
	v22 =	vmul.f32 $2.000000030e-01, v12;
	v23 =	vmul.f32 $2.000000030e-01, v11;
	v45 =	vld [tilespmem:$0x1F770]  }
0x7e5: {  	v10 =	vmul.f32 $1.442695020e+00, v10;
	(xrf2) =	vadd.scan.msk.f32 $0xffff, v42;
	[tilespmem:s25+$0xFFFFFFC0] =	vst v19  }
0x7e6: {  	v8 =	vmul.f32 v8, v60;
	v12 =	vmax.f32 v12, v22;
	v11 =	vmax.f32 v11, v23;
	v56 =	vld [tilespmem:$0x1F780]  }
0x7e7: {  	v12 =	vmul.f32 v12, v58;
	v11 =	vmul.f32 v11, v24  }
0x7e8: {  	(erf) = vpow2.f32 v10;
	v13 =	vadd.f32 v59, v5;
	v59 =	vmul.f32 $2.000000030e-01, v54  }
0x7e9: {  	v8 =	vadd.f32 v8, v20;
	v11 =	vadd.f32 v11, v12;
	v12 =	vmul.f32 v35, v45  }
0x7ea: {  	s28 =	sadd.s32 $0x1, s22;
	v63 =	vmul.f32 $2.000000030e-01, v13;
	v10 =	vmax.f32 v54, v59;
	v59 =	vmul.f32 v35, v28  }
0x7eb: {  	v40 =	vmov s28;
	v8 =	vadd.f32 v8, v9;
	[tilespmem:s25+$0xFFFFFFD0] =	vst v12;
	v9 =	vmul.f32 v35, v56  }
0x7ec: {  	v13 =	vmax.f32 v13, v63;
	v10 =	vmul.f32 v10, v62;
	v41 =	vand.u32 $0xFFFFFFFD, v40;
	[tilespmem:s25+$0xFFFFFFF0] =	vst v59  }
0x7ed: {  	v13 =	vmul.f32 v13, v61;
	v43 =	vbroadcast v41, $0x0;
	[tilespmem:s25+$0xFFFFFFE0] =	vst v9  }
0x7ee: {  	v39, _, _ =	vpop (xrf2);
	v16 =	vld [tilespmem:$0x1F790]  }
0x7ef: {  	v10 =	vadd.f32 v13, v10;
	v42, _, _ =	vpop (xrf2);
	v18 =	vperm.xlane v39, v27  }
0x7f0: {  	v44 =	vperm.xlane v42, v27  }
0x7f1: {  	v63 =	vpop (erf);
	v10 =	vadd.f32 v11, v10;
	v54 =	vmul.f32 $1.442695020e+00, v18  }
0x7f2: {  	v14 =	vmul.f32 $1.442695020e+00, v44;
	v17 =	vmul.f32 v63, v29  }
0x7f3: {  	v8 =	vadd.f32 v10, v8;
	(erf) = vpow2.f32 v54;
	[tilespmem:v43+s21+$0x0] =	vst.idx.msk $0x1, v35;
	v10 =	vmul.f32 v63, v16  }
0x7f4: {  	(erf) = vpow2.f32 v14;
	[tilespmem:s25+$0x10] =	vst v17  }
0x7f5: {  	[tilespmem:s25+$0x0] =	vst v10  }
0x7f6: {  	v11 =	vld [tilespmem:$0x1F7A0];
	_ =	sdelay $0x2  }
0x7f7: {  	v18 =	vmul.f32 v63, v30  }
0x7f8: {  	v20 =	vmul.f32 v63, v31  }
0x7f9: {  	[tilespmem:s25+$0x20] =	vst v18;
	v11 =	vmul.f32 v63, v11  }
0x7fa: {  	v22 =	vmul.f32 v63, v32;
	(xrf2) =	vadd.scan.msk.f32 $0xffff, v8;
	v32 =	vpop (erf);
	[tilespmem:s25+$0x40] =	vst v20  }
0x7fb: {  	s24 =	sadd.s32 $0x2, s22;
	v23 =	vmul.f32 v63, v33;
	v33 =	vpop (erf);
	[tilespmem:s25+$0x30] =	vst v11  }
0x7fc: {  	v19 =	vmov s24;
	v6 =	vmul.f32 v33, v6;
	v12 =	vld [tilespmem:$0x1F7B0];
	[tilespmem:s25+$0x50] =	vst v22  }
0x7fd: {  	v35 =	vmul.f32 v33, v46;
	v10 =	vand.u32 $0xFFFFFFFE, v19;
	[tilespmem:s25+$0x60] =	vst v23  }
0x7fe: {  	v38 =	vmul.f32 v33, v47;
	v10 =	vbroadcast v10, $0x0;
	[tilespmem:s10+$0xFFFFFF00] =	vst v6  }
0x7ff: {  	v40 =	vmul.f32 v33, v48;
	[tilespmem:s10+$0xFFFFFF10] =	vst v35  }
0x800: {  	v42 =	vmul.f32 v33, v49;
	[tilespmem:s10+$0xFFFFFF20] =	vst v38  }
0x801: {  	[tilespmem:s10+$0xFFFFFF30] =	vst v40;
	v12 =	vmul.f32 v63, v12  }
0x802: {  	[tilespmem:s10+$0xFFFFFF40] =	vst v42  }
0x803: {  	v43 =	vmul.f32 v33, v50;
	[tilespmem:s25+$0x70] =	vst v12  }
0x804: {  	v39, _, _ =	vpop (xrf2);
	[tilespmem:v10+s21+$0x0] =	vst.idx.msk $0x1, v63  }
0x805: {  	v41 =	vperm.xlane v39, v27;
	v10 =	vld [tilespmem:$0x1F610];
	[tilespmem:s10+$0xFFFFFF50] =	vst v43  }
0x806: {  	v34 =	vmov s23;
	v12 =	vld [tilespmem:$0x1F620]  }
0x807: {  	v37 =	vand.u32 $0xFFFFFFFC, v34;
	v9 =	vmul.f32 $1.442695020e+00, v41  }
0x808: {  	v6 =	vbroadcast v37, $0x0  }
0x809: {  	(erf) = vpow2.f32 v9  }
0x80a: {  	v10 =	vmul.f32 v33, v10  }
0x80b: {  	v12 =	vmul.f32 v33, v12  }
0x80c: {  	[tilespmem:s10+$0xFFFFFF60] =	vst v10  }
0x80d: {  	[tilespmem:s10+$0xFFFFFF70] =	vst v12  }
0x80e: {  	v46 =	vmul.f32 v32, v25;
	v44 =	vld [tilespmem:$0x1F630];
	[tilespmem:v6+s21+$0x0] =	vst.idx.msk $0x1, v33  }
0x80f: {  	v47 =	vmul.f32 v32, v26;
	v6 =	vld [tilespmem:$0x1F640]  }
0x810: {  	v48 =	vmul.f32 v32, v55;
	v8 =	vld [tilespmem:$0x1F650];
	[tilespmem:s10+$0xFFFFFFB0] =	vst v46  }
0x811: {  	v49 =	vmul.f32 v32, v53;
	[tilespmem:s10+$0xFFFFFFC0] =	vst v47  }
0x812: {  	v50 =	vmul.f32 v32, v52;
	v52 =	vpop (erf);
	[tilespmem:s10+$0xFFFFFFD0] =	vst v48  }
0x813: {  	v0 =	vmul.f32 v52, v0;
	[tilespmem:s10+$0xFFFFFFE0] =	vst v49  }
0x814: {  	v1 =	vmul.f32 v52, v1;
	[tilespmem:s10+$0xFFFFFFF0] =	vst v50  }
0x815: {  	v2 =	vmul.f32 v52, v2;
	[tilespmem:s10+$0x0] =	vst v0  }
0x816: {  	v54 =	vmul.f32 v52, v3;
	[tilespmem:s10+$0x10] =	vst v1  }
0x817: {  	s28 =	sadd.s32 $0x2, s23;
	v55 =	vmul.f32 v52, v4;
	[tilespmem:s10+$0x20] =	vst v2  }
0x818: {  	s26 =	sadd.s32 $0x1, s23;
	v53 =	vmov s28;
	[tilespmem:s10+$0x30] =	vst v54;
	v9 =	vmul.f32 v32, v44  }
0x819: {  	v45 =	vmov s26;
	v56 =	vmul.f32 v52, v5;
	v0 =	vand.u32 $0xFFFFFFFE, v53;
	[tilespmem:s10+$0x40] =	vst v55  }
0x81a: {  	v59 =	vmul.f32 v52, v36;
	v0 =	vbroadcast v0, $0x0;
	[tilespmem:s10+$0xFFFFFF80] =	vst v9;
	v9 =	vand.u32 $0xFFFFFFFD, v45  }
0x81b: {  	v63 =	vmul.f32 v52, v7;
	[tilespmem:s10+$0x50] =	vst v56;
	v9 =	vbroadcast v9, $0x0  }
0x81c: {  	[tilespmem:s10+$0x60] =	vst v59;
	v6 =	vmul.f32 v32, v6  }
0x81d: {  	[tilespmem:s10+$0x70] =	vst v63;
	v8 =	vmul.f32 v32, v8  }
0x81e: {  	[tilespmem:s10+$0xFFFFFF90] =	vst v6  }
0x81f: {  	[tilespmem:s10+$0xFFFFFFA0] =	vst v8  }
0x820: {  	[tilespmem:v0+s21+$0x0] =	vst.idx.msk $0x1, v52  }
0x821: {  	[tilespmem:v9+s21+$0x0] =	vst.idx.msk $0x1, v32  }
0x822: {  	[spmem:s4] =	stream.indirect.scatter.add.f32 [tilespmem:s12], [sflag:$0x9], $0x80, s9, s3, $0xb8;
	[tilespmem:$0x1DE48] =	vst v63  }
0x823: {  	_ =	swait.ge [sflag:s19], $0x2800  }
0x824: {  	[sflag:s19] =	ssyncset.done $0x0  }
0x825: {  	[sflag:s19] =	ssyncadd.s32 $0xFFFFD800  }
0x826: {  	[spmem:s5] =	stream.indirect.scatter.add.f32 [tilespmem:s21], [sflag:$0x9], $0x1, s9, s3, $0xb8;
	[tilespmem:$0x1DE48] =	vst v63  }
0x827: {  	_ =	swait.ge [sflag:s19], $0x50  }
0x828: {  	[sflag:s19] =	ssyncset.done $0x0  }
0x829: {  	s10 =	simm.s32 @!p0 $0x6;
	[sflag:s19] =	ssyncadd.s32 $0xFFFFFFB0  }
0x82a: {  	_ =	swait.ge @!p0 [sflag:s10], $0xA0  }
0x82b: {  	s22 =	simm.s32 @!p0 $0x2B00;
	[sflag:s10] =	ssyncset.done @!p0 $0x0  }
0x82c: {  	s20 =	simm.s32 @!p0 $0x120;
	[sflag:s10] =	ssyncadd.s32 @!p0 $0xFFFFFF60;
	s10 =	simm.s32 @!p0 $0x50  }
0x82d: {  	[tilespmem:s22], [sflag:$0x2] =	stream.indirect.gather @!p0 [hbm4b:s0+s10], $0x80, s20, s10, $0xb8;
	[tilespmem:$0x1DE48] =	vst v63  }
0x82e: {  	s20 =	rddreg [dreg:$0x1a]  }
.Ltmp10:
0x82f: {  	s20 =	sadd.s32 @!p0 s31, s20;
	(pc) =	sbr.rel .LBB2_15-.Ltmp10, $4  }
0x830: {  	s23 =	simm.s32 @!p0 $0x7B00;
	s22 =	simm.s32 @!p0 $0x170;
	s20 =	smul.u32 @!p0 $0x14, s20  }
0x831: {  	[tilespmem:s23], [sflag:$0x4] =	stream.indirect.gather @!p0 [hbm4b:s7+s10], $0x80, s22, s10, $0xb8;
	[tilespmem:$0x1DE48] =	vst v63  }
0x832: {  	v28 =	vmovc v57;
	v27 =	vmov v21;
	v34 =	vmov v60;
	v29 =	vmov v62;
	s22 =	simm.s32 @!p0 $0x260;
	s10 =	sadd.s32 @!p0 s8, s20;
	s20 =	simm.s32 @!p0 $0x0  }
0x833: {  	v26 =	vmovc v51;
	v36 =	vmovc v58;
	v35 =	vmov v61;
	v37 =	vmov v24;
	v52 =	vimm.s32 $0xF;
	[tilespmem:s22], [sflag:$0x8] =	stream.linear.gather @!p0 [hbm4b:s10+s20], $0xA0, $0x38;
	[tilespmem:$0x1DE48] =	vst v63  }
.LBB2_17:
0x834: {  	_ =	sfence.sel $0x180000  }
0x835: {  	[bflag:$0x0] =	sbarrier.arrive $0xFFFF  }
0x836: {  	_ =	strace $0x90000047  }
0x837: {  	s0 =	stileid.u32;
	[bflag:$0x2] =	sbarrier.arrive $0xFFFF  }
0x838: {  	p0 =	sne.s32 s0, $0x0;
	s0 =	rddreg [dreg:$0x5]  }
0x839: {  	s0 =	sadd.s32 @!p0 $0x100000, s0  }
0x83a: {  	[sflag:s0] =	ssyncadd.tile.s32 @!p0 $0x1;
	_ =	shalt  }
.Lfunc_end2:
_tile_overlayer_lowered:
.L_overlay_start_2:
0x83b: {  	(tag) =	ssettag $0x2  }
0x83c: {  	s0 =	rddreg [dreg:$0x0];
	s2 =	stileid.u32  }
0x83d: {  	s1 =	rddreg [dreg:$0x1];
	p0 =	sne.s32 s2, $0x0  }
0x83e: {  	s3 =	rddreg [dreg:$0x2];
	[bflag:$0x3] =	sbarrier.arrive $0xFFFF;
	s2 =	simm.s32 @!p0 $0x1C09  }
0x83f: {  	[timem:s3], [sflag:s2] =	dma.local @!p0 [hbm:s0], s1  }
0x840: {  	s0 =	simm.s32 @!p0 $0x9  }
0x841: {  	_ =	swait.ge @!p0 [sflag:s0], s1  }
0x842: {  	s1 =	ssub.s32 @!p0 $0x0, s1;
	[sflag:s0] =	ssyncset.done @!p0 $0x0  }
0x843: {  	[sflag:s0] =	ssyncadd.s32 @!p0 s1  }
0x844: {  	[bflag:$0x3] =	sbarrier.arrive $0xFFFF  }
0x845: {  	_ =	shalt  }

</sc_bundles>
